<compile_context>
chip_gen: v7x
topology: tpu7x:2x2x1
jax: 0.10.2.dev20260603
libtpu: 0.0.44.dev20260713+nightly
codegen_flags: <defaults>
</compile_context>

<pallas_src>
import functools

import jax
import jax.numpy as jnp
from jax import lax
from jax.experimental import pallas as pl
from jax.experimental.pallas import tpu as pltpu
from jax.experimental.pallas import tpu_sc as plsc

N_CORES = 2
N_SUB = 16
NW = N_CORES * N_SUB
CH = 128


def _sc_mesh():
    return plsc.VectorSubcoreMesh(
        core_axis_name="c", subcore_axis_name="s",
        num_cores=N_CORES, num_subcores=N_SUB)


def _chunks_for(wid, e, chunk=CH):
    n_chunks = e // chunk
    base = n_chunks // NW
    extra = n_chunks % NW
    return jnp.where(wid < extra, base + 1, base)


def _row_share(n):
    rows_sub = ((n + N_SUB - 1) // N_SUB + 7) // 8 * 8
    last = n - rows_sub * (N_SUB - 1)
    assert last > 0 and last % 8 == 0
    return rows_sub, last


@functools.lru_cache(maxsize=None)
def _scatter_add_kernel(n, e, d):
    rows_sub, rows_last = _row_share(n)
    acc_n = rows_sub * N_SUB
    assert e // CH >= 2 * NW

    @functools.partial(
        pl.kernel,
        out_type=jax.ShapeDtypeStruct((N_CORES, n, d), jnp.float32),
        mesh=_sc_mesh(),
        scratch_types=[
            pltpu.VMEM((2, CH), jnp.int32),
            pltpu.VMEM((2, CH), jnp.int32),
            pltpu.VMEM((2, CH, d), jnp.float32),
            pltpu.VMEM_SHARED((acc_n, d), jnp.float32),
            pltpu.SemaphoreType.DMA((2,)),
            pltpu.SemaphoreType.DMA((2,)),
        ],
    )
    def k(src_hbm, dst_hbm, tab_hbm, zeros_hbm, out_hbm,
          idx_s, idx_d, rows_v, acc_sh, sem_i, sem_g):
        c = lax.axis_index("c")
        s = lax.axis_index("s")
        wid = s * N_CORES + c
        r0 = s * rows_sub
        nch = _chunks_for(wid, e)

        def issue_idx(ci, b):
            off = (wid + ci * NW) * CH
            pltpu.async_copy(src_hbm.at[pl.ds(off, CH)], idx_s.at[b], sem_i.at[b])
            pltpu.async_copy(dst_hbm.at[pl.ds(off, CH)], idx_d.at[b], sem_i.at[b])

        def wait_idx(b):
            pltpu.make_async_copy(src_hbm.at[pl.ds(0, CH)], idx_s.at[b],
                                  sem_i.at[b]).wait()
            pltpu.make_async_copy(dst_hbm.at[pl.ds(0, CH)], idx_d.at[b],
                                  sem_i.at[b]).wait()

        def issue_gather(ci, b):
            del ci
            pltpu.async_copy(tab_hbm.at[idx_s.at[b]], rows_v.at[b], sem_g.at[b])

        def wait_gather(b):
            pltpu.make_async_copy(tab_hbm.at[pl.ds(0, CH), :], rows_v.at[b],
                                  sem_g.at[b]).wait()

        issue_idx(0, 0)
        issue_idx(1, 1)
        pltpu.sync_copy(zeros_hbm, acc_sh.at[pl.ds(r0, rows_sub), :])
        plsc.subcore_barrier()
        wait_idx(0)
        issue_gather(0, 0)

        def body(i, _):
            b = lax.rem(i, 2)
            o = 1 - b
            wait_gather(b)

            @pl.when(i + 1 < nch)
            def _():
                wait_idx(o)
                issue_gather(i + 1, o)

            pltpu.sync_copy(rows_v.at[b], acc_sh.at[idx_d.at[b]], add=True)

            @pl.when(i + 2 < nch)
            def _():
                issue_idx(i + 2, b)

            return 0

        lax.fori_loop(0, nch, body, 0)
        plsc.subcore_barrier()

        @pl.when(s < N_SUB - 1)
        def _():
            pltpu.sync_copy(acc_sh.at[pl.ds(r0, rows_sub), :],
                            out_hbm.at[c, pl.ds(r0, rows_sub), :])

        @pl.when(s == N_SUB - 1)
        def _():
            pltpu.sync_copy(acc_sh.at[pl.ds(r0, rows_last), :],
                            out_hbm.at[c, pl.ds(r0, rows_last), :])

    return k


@functools.lru_cache(maxsize=None)
def _deg_kernel(n, e):
    rows_sub, rows_last = _row_share(n)
    acc_n = rows_sub * N_SUB

    @functools.partial(
        pl.kernel,
        out_type=jax.ShapeDtypeStruct((N_CORES, n, 128), jnp.float32),
        mesh=_sc_mesh(),
        scratch_types=[
            pltpu.VMEM((2, CH), jnp.int32),
            pltpu.VMEM((CH, 128), jnp.float32),
            pltpu.VMEM_SHARED((acc_n, 128), jnp.float32),
            pltpu.SemaphoreType.DMA((2,)),
        ],
    )
    def k(dst_hbm, ones_hbm, zeros_hbm, out_hbm, idx_d, ones_v, acc_sh, sem_i):
        c = lax.axis_index("c")
        s = lax.axis_index("s")
        wid = s * N_CORES + c
        r0 = s * rows_sub
        nch = _chunks_for(wid, e)

        def issue_idx(ci, b):
            off = (wid + ci * NW) * CH
            pltpu.async_copy(dst_hbm.at[pl.ds(off, CH)], idx_d.at[b], sem_i.at[b])

        issue_idx(0, 0)
        issue_idx(1, 1)
        pltpu.sync_copy(zeros_hbm, acc_sh.at[pl.ds(r0, rows_sub), :])
        pltpu.sync_copy(ones_hbm, ones_v)
        plsc.subcore_barrier()

        def body(i, _):
            b = lax.rem(i, 2)
            pltpu.make_async_copy(dst_hbm.at[pl.ds(0, CH)], idx_d.at[b],
                                  sem_i.at[b]).wait()
            pltpu.sync_copy(ones_v, acc_sh.at[idx_d.at[b]], add=True)

            @pl.when(i + 2 < nch)
            def _():
                issue_idx(i + 2, b)

            return 0

        lax.fori_loop(0, nch, body, 0)
        plsc.subcore_barrier()

        @pl.when(s < N_SUB - 1)
        def _():
            pltpu.sync_copy(acc_sh.at[pl.ds(r0, rows_sub), :],
                            out_hbm.at[c, pl.ds(r0, rows_sub), :])

        @pl.when(s == N_SUB - 1)
        def _():
            pltpu.sync_copy(acc_sh.at[pl.ds(r0, rows_last), :],
                            out_hbm.at[c, pl.ds(r0, rows_last), :])

    return k


@functools.lru_cache(maxsize=None)
def _pair_sum_kernel(n, e, d):
    assert e // CH >= 2 * NW

    @functools.partial(
        pl.kernel,
        out_type=jax.ShapeDtypeStruct((e, d), jnp.float32),
        mesh=_sc_mesh(),
        scratch_types=[
            pltpu.VMEM((2, CH), jnp.int32),
            pltpu.VMEM((2, CH), jnp.int32),
            pltpu.VMEM((2, CH), jnp.int32),
            pltpu.VMEM((2, CH, d), jnp.float32),
            pltpu.VMEM((2, CH, d), jnp.float32),
            pltpu.VMEM_SHARED((N_SUB * 2 * CH, d), jnp.float32),
            pltpu.SemaphoreType.DMA((2,)),
            pltpu.SemaphoreType.DMA((2,)),
            pltpu.SemaphoreType.DMA((2,)),
            pltpu.SemaphoreType.DMA((2,)),
        ],
    )
    def k(p0_hbm, p1_hbm, ident_hbm, u_hbm, v_hbm, s_hbm,
          idx0, idx1, ident, gu, gv, s_sh, sem_i, sem_gu, sem_gv, sem_st):
        c = lax.axis_index("c")
        s = lax.axis_index("s")
        wid = s * N_CORES + c
        nch = _chunks_for(wid, e)

        def region(b):
            return pl.ds((s * 2 + b) * CH, CH)

        def issue_idx(ci, b):
            off = (wid + ci * NW) * CH
            pltpu.async_copy(p0_hbm.at[pl.ds(off, CH)], idx0.at[b], sem_i.at[b])
            pltpu.async_copy(p1_hbm.at[pl.ds(off, CH)], idx1.at[b], sem_i.at[b])

        def wait_idx(b):
            pltpu.make_async_copy(p0_hbm.at[pl.ds(0, CH)], idx0.at[b],
                                  sem_i.at[b]).wait()
            pltpu.make_async_copy(p1_hbm.at[pl.ds(0, CH)], idx1.at[b],
                                  sem_i.at[b]).wait()

        def issue_gathers(b):
            pltpu.async_copy(u_hbm.at[idx0.at[b]], gu.at[b], sem_gu.at[b])
            pltpu.async_copy(v_hbm.at[idx1.at[b]], gv.at[b], sem_gv.at[b])

        def wait_gathers(b):
            pltpu.make_async_copy(u_hbm.at[pl.ds(0, CH), :], gu.at[b],
                                  sem_gu.at[b]).wait()
            pltpu.make_async_copy(v_hbm.at[pl.ds(0, CH), :], gv.at[b],
                                  sem_gv.at[b]).wait()

        def wait_store(b):
            pltpu.make_async_copy(s_sh.at[region(0), :],
                                  s_hbm.at[pl.ds(0, CH), :], sem_st.at[b]).wait()

        pltpu.sync_copy(ident_hbm.at[pl.ds(s * 2, 2)], ident)
        issue_idx(0, 0)
        issue_idx(1, 1)
        wait_idx(0)
        issue_gathers(0)

        def body(i, _):
            b = lax.rem(i, 2)
            o = 1 - b
            off = (wid + i * NW) * CH
            wait_gathers(b)

            @pl.when(i + 1 < nch)
            def _():
                wait_idx(o)

                @pl.when(i >= 1)
                def _():
                    wait_store(o)

                issue_gathers(o)

            pltpu.sync_copy(gu.at[b], s_sh.at[region(b), :])
            pltpu.sync_copy(gv.at[b], s_sh.at[ident.at[b]], add=True)
            pltpu.async_copy(s_sh.at[region(b), :],
                             s_hbm.at[pl.ds(off, CH), :], sem_st.at[b])

            @pl.when(i + 2 < nch)
            def _():
                issue_idx(i + 2, b)

            return 0

        lax.fori_loop(0, nch, body, 0)
        b_last = lax.rem(nch - 1, 2)
        wait_store(b_last)
        wait_store(1 - b_last)

    return k


def _dinv_of(deg_ref):
    deg = deg_ref[0, :, 0:1] + deg_ref[1, :, 0:1] + 1.0
    return lax.rsqrt(deg)


def _tc_first(degp, x, w, blk=1000):
    n, dfeat = x.shape
    dout = w.shape[1]

    def body(deg_ref, x_ref, w_ref, y_ref):
        y_ref[...] = jnp.dot(x_ref[...], w_ref[...],
                             preferred_element_type=jnp.float32) * _dinv_of(deg_ref)

    return pl.pallas_call(
        body,
        grid=(n // blk,),
        in_specs=[
            pl.BlockSpec((2, blk, 128), lambda i: (0, i, 0)),
            pl.BlockSpec((blk, dfeat), lambda i: (i, 0)),
            pl.BlockSpec((dfeat, dout), lambda i: (0, 0)),
        ],
        out_specs=pl.BlockSpec((blk, dout), lambda i: (i, 0)),
        out_shape=jax.ShapeDtypeStruct((n, dout), jnp.float32),
    )(degp, x, w)


def _tc_mid(degp, acc, y, b, w, blk=1000):
    n, din = y.shape
    dout = w.shape[1]

    def body(deg_ref, acc_ref, y_ref, b_ref, w_ref, o_ref):
        dinv = _dinv_of(deg_ref)
        h = jnp.maximum(dinv * (acc_ref[0] + acc_ref[1] + y_ref[...]) + b_ref[...], 0.0)
        o_ref[...] = jnp.dot(h, w_ref[...],
                             preferred_element_type=jnp.float32) * dinv

    return pl.pallas_call(
        body,
        grid=(n // blk,),
        in_specs=[
            pl.BlockSpec((2, blk, 128), lambda i: (0, i, 0)),
            pl.BlockSpec((2, blk, din), lambda i: (0, i, 0)),
            pl.BlockSpec((blk, din), lambda i: (i, 0)),
            pl.BlockSpec((1, din), lambda i: (0, 0)),
            pl.BlockSpec((din, dout), lambda i: (0, 0)),
        ],
        out_specs=pl.BlockSpec((blk, dout), lambda i: (i, 0)),
        out_shape=jax.ShapeDtypeStruct((n, dout), jnp.float32),
    )(degp, acc, y, b, w)


def _tc_last_node(degp, acc, y, b, w3a, w3b, blk=1000):
    n, din = y.shape
    dout = w3a.shape[1]

    def body(deg_ref, acc_ref, y_ref, b_ref, wa_ref, wb_ref, u_ref, v_ref):
        dinv = _dinv_of(deg_ref)
        h = jnp.maximum(dinv * (acc_ref[0] + acc_ref[1] + y_ref[...]) + b_ref[...], 0.0)
        u_ref[...] = jnp.dot(h, wa_ref[...], preferred_element_type=jnp.float32)
        v_ref[...] = jnp.dot(h, wb_ref[...], preferred_element_type=jnp.float32)

    return pl.pallas_call(
        body,
        grid=(n // blk,),
        in_specs=[
            pl.BlockSpec((2, blk, 128), lambda i: (0, i, 0)),
            pl.BlockSpec((2, blk, din), lambda i: (0, i, 0)),
            pl.BlockSpec((blk, din), lambda i: (i, 0)),
            pl.BlockSpec((1, din), lambda i: (0, 0)),
            pl.BlockSpec((din, dout), lambda i: (0, 0)),
            pl.BlockSpec((din, dout), lambda i: (0, 0)),
        ],
        out_specs=[
            pl.BlockSpec((blk, dout), lambda i: (i, 0)),
            pl.BlockSpec((blk, dout), lambda i: (i, 0)),
        ],
        out_shape=[jax.ShapeDtypeStruct((n, dout), jnp.float32),
                   jax.ShapeDtypeStruct((n, dout), jnp.float32)],
    )(degp, acc, y, b, w3a, w3b)


def _tc_head(s, b3, w4, b4, blk=2000):
    e, d = s.shape

    def body(s_ref, b3_ref, w4_ref, b4_ref, o_ref):
        hid = jnp.maximum(s_ref[...] + b3_ref[...], 0.0)
        logit = jnp.dot(hid, w4_ref[...], preferred_element_type=jnp.float32)
        o_ref[...] = jax.nn.sigmoid(logit + b4_ref[...])

    return pl.pallas_call(
        body,
        grid=(e // blk,),
        in_specs=[
            pl.BlockSpec((blk, d), lambda i: (i, 0)),
            pl.BlockSpec((1, d), lambda i: (0, 0)),
            pl.BlockSpec((d, 1), lambda i: (0, 0)),
            pl.BlockSpec((1, 1), lambda i: (0, 0)),
        ],
        out_specs=pl.BlockSpec((blk, 1), lambda i: (i, 0)),
        out_shape=jax.ShapeDtypeStruct((e, 1), jnp.float32),
    )(s, b3, w4, b4)


def kernel(x, edge_index, edge_pairs, W1, b1, W2, b2, W3, b3, W4, b4):
    x = x.astype(jnp.float32)
    ei = edge_index.astype(jnp.int32)
    ep = edge_pairs.astype(jnp.int32)
    src, dst = ei[0], ei[1]
    p0, p1 = ep[0], ep[1]
    n = x.shape[0]
    e = src.shape[0]
    rows_sub, _ = _row_share(n)
    d1 = W1.shape[1]
    d2 = W2.shape[1]
    dh = W3.shape[1]

    dp = 128
    W1p = jnp.pad(W1, ((0, 0), (0, dp - d1)))
    b1p = jnp.pad(b1, (0, dp - d1))
    W2p = jnp.pad(W2, ((0, dp - d1), (0, 0)))

    ones16 = jnp.ones((CH, 128), jnp.float32)
    z16 = jnp.zeros((rows_sub, 128), jnp.float32)
    z1 = jnp.zeros((rows_sub, dp), jnp.float32)
    z2 = jnp.zeros((rows_sub, d2), jnp.float32)

    ident = jnp.arange(N_SUB * 2 * CH, dtype=jnp.int32).reshape(N_SUB * 2, CH)

    degp = _deg_kernel(n, e)(dst, ones16, z16)
    y1 = _tc_first(degp, x, W1p)
    acc1 = _scatter_add_kernel(n, e, dp)(src, dst, y1, z1)
    y2 = _tc_mid(degp, acc1, y1, b1p.reshape(1, -1), W2p)
    acc2 = _scatter_add_kernel(n, e, d2)(src, dst, y2, z2)
    u, v = _tc_last_node(degp, acc2, y2, b2.reshape(1, -1),
                         W3[:d2], W3[d2:])
    eh = e // 2
    outs = []
    for h in range(2):
        ph0 = lax.dynamic_slice_in_dim(p0, h * eh, eh)
        ph1 = lax.dynamic_slice_in_dim(p1, h * eh, eh)
        s = _pair_sum_kernel(n, eh, dh)(ph0, ph1, ident, u, v)
        outs.append(_tc_head(s, b3.reshape(1, -1), W4, b4.reshape(1, 1)))
    return jnp.concatenate(outs, axis=0)

# --- scband reference (transcript-rebuilt; emitter-appended) ---
"""Pipeline reference for scband-edge-prediction-gnn-19387482374559 (READ-ONLY COPY).

The authoritative reference and input builder live on the scoring server;
editing this copy changes nothing except your own understanding.
"""

import jax, jax.numpy as jnp
import numpy as np

N_NODES = 10000
N_EDGES = 160000
D_FEAT = 256


def setup_inputs(seed: int = 0) -> dict:
    key = jax.random.key(seed)
    ks = jax.random.split(key, 12)
    x = jax.random.normal(ks[0], (N_NODES, D_FEAT), dtype=jnp.float32)
    edge_index = jax.random.randint(ks[1], (2, N_EDGES), 0, N_NODES, dtype=jnp.int64 if jax.config.jax_enable_x64 else jnp.int32)
    edge_pairs = jax.random.randint(ks[2], (2, N_EDGES), 0, N_NODES, dtype=jnp.int64 if jax.config.jax_enable_x64 else jnp.int32)
    # GCNConv1: 256 -> 64, GCNConv2: 64 -> 128
    W1 = jax.random.normal(ks[3], (D_FEAT, 64), dtype=jnp.float32) * (1.0 / np.sqrt(D_FEAT))
    b1 = jnp.zeros((64,), dtype=jnp.float32)
    W2 = jax.random.normal(ks[4], (64, 128), dtype=jnp.float32) * (1.0 / np.sqrt(64))
    b2 = jnp.zeros((128,), dtype=jnp.float32)
    # MLP: Linear(256,128) -> ReLU -> Linear(128,1)
    W3 = jax.random.normal(ks[5], (256, 128), dtype=jnp.float32) * (1.0 / np.sqrt(256))
    b3 = jnp.zeros((128,), dtype=jnp.float32)
    W4 = jax.random.normal(ks[6], (128, 1), dtype=jnp.float32) * (1.0 / np.sqrt(128))
    b4 = jnp.zeros((1,), dtype=jnp.float32)
    return {"x": x, "edge_index": edge_index, "edge_pairs": edge_pairs,
            "W1": W1, "b1": b1, "W2": W2, "b2": b2,
            "W3": W3, "b3": b3, "W4": W4, "b4": b4}


def gcn_conv(x, edge_index, W, b, num_nodes):
    # PyG GCNConv: add self-loops, symmetric normalization D^-1/2 (A+I) D^-1/2 X W + b
    loop = jnp.arange(num_nodes, dtype=edge_index.dtype)
    src = jnp.concatenate([edge_index[0], loop])
    dst = jnp.concatenate([edge_index[1], loop])
    deg = jnp.zeros((num_nodes,), dtype=x.dtype).at[dst].add(1.0)
    deg_inv_sqrt = jnp.where(deg > 0, 1.0 / jnp.sqrt(deg), 0.0)
    norm = deg_inv_sqrt[src] * deg_inv_sqrt[dst]
    xw = x @ W
    msg = xw[src] * norm[:, None]
    out = jnp.zeros((num_nodes, W.shape[1]), dtype=x.dtype).at[dst].add(msg)
    return out + b


def reference(x, edge_index, edge_pairs, W1, b1, W2, b2, W3, b3, W4, b4):
    num_nodes = x.shape[0]
    h = jax.nn.relu(gcn_conv(x, edge_index, W1, b1, num_nodes))
    h = jax.nn.relu(gcn_conv(h, edge_index, W2, b2, num_nodes))
    h_src = h[edge_pairs[0]]
    h_dst = h[edge_pairs[1]]
    edge_features = jnp.concatenate([h_src, h_dst], axis=1)
    hidden = jax.nn.relu(edge_features @ W3 + b3)
    logits = hidden @ W4 + b4
    return jax.nn.sigmoid(logits)

if __name__ == "__main__":
    import jax
    _d = setup_inputs()
    print(jax.jit(kernel)(*tuple(_d.values())))

</pallas_src>

<mosaic_0001>
#map = affine_map<(d0, d1) -> (0)>
#map1 = affine_map<(d0, d1) -> (0, 0)>
#map2 = affine_map<(d0, d1) -> (0, 0, 0)>
module attributes {stable_mosaic.version = 14 : i64} {
  func.func @k(%arg0: i32, %arg1: i32, %arg2: memref<160000xi32, #tpu.memory_space<hbm>>, %arg3: memref<128x128xf32, #tpu.memory_space<hbm>>, %arg4: memref<632x128xf32, #tpu.memory_space<hbm>>, %arg5: memref<2x10000x128xf32, #tpu.memory_space<hbm>>, %arg6: memref<2x128xi32, #tpu.memory_space<vmem>>, %arg7: memref<128x128xf32, #tpu.memory_space<vmem>>, %arg8: memref<10112x128xf32, #tpu.memory_space<vmem_shared>>, %arg9: memref<2x!tpu.dma_semaphore, #tpu.memory_space<semaphore_mem>>) attributes {dimension_semantics = [#tpu.dimension_semantics<core_parallel>, #tpu.dimension_semantics<subcore_parallel>], iteration_bounds = array<i64: 2, 16>, scalar_prefetch = 0 : i64, scratch_operands = 4 : i64, tpu.core_type = #tpu.core_type<sc_vector_subcore>, window_params = [{transform_indices = #map}, {transform_indices = #map1}, {transform_indices = #map1}, {transform_indices = #map2}]} {
    %mul3A = arith.constant 2 : i32
    %mul3A_0 = arith.muli %arg1, %mul3A : i32
    %add3A = arith.addi %mul3A_0, %arg0 : i32
    %mul3A_1 = arith.constant 632 : i32
    %mul3A_2 = arith.muli %arg1, %mul3A_1 : i32
    %lt3A = arith.constant 2 : i32
    %lt3A_3 = arith.cmpi slt, %add3A, %lt3A : i32
    %jit3A = arith.constant 40 : i32
    %jit3A_4 = arith.constant 39 : i32
    %select_n3A = arith.select %lt3A_3, %jit3A, %jit3A_4 : i32
    %add3A_5 = arith.constant 0 : i32
    %add3A_6 = arith.addi %add3A, %add3A_5 : i32
    %mul3A_7 = arith.constant 128 : i32
    %mul3A_8 = arith.muli %add3A_6, %mul3A_7 : i32
    %dma_start3A = arith.constant 0 : i32
    %dma_start3A_9 = arith.constant 0 : i32
    %dma_start3A_10 = arith.constant 0 : i32
    %dma_start3A_11 = tpu.memref_slice %arg6[%dma_start3A, %dma_start3A_10] : memref<2x128xi32, #tpu.memory_space<vmem>> -> memref<1x128xi32, #tpu.memory_space<vmem>>
    %dma_start3A_12 = tpu.memref_squeeze %dma_start3A_11 : memref<1x128xi32, #tpu.memory_space<vmem>> -> memref<128xi32, #tpu.memory_space<vmem>>
    %dma_start3A_13 = tpu.memref_slice %arg2[%mul3A_8] : memref<160000xi32, #tpu.memory_space<hbm>> -> memref<128xi32, #tpu.memory_space<hbm>>
    %dma_start3A_14 = tpu.memref_slice %arg9[%dma_start3A_9] : memref<2x!tpu.dma_semaphore, #tpu.memory_space<semaphore_mem>> -> memref<1x!tpu.dma_semaphore, #tpu.memory_space<semaphore_mem>>
    %dma_start3A_15 = tpu.memref_squeeze %dma_start3A_14 : memref<1x!tpu.dma_semaphore, #tpu.memory_space<semaphore_mem>> -> memref<!tpu.dma_semaphore, #tpu.memory_space<semaphore_mem>>
    %dma_start3A_16 = arith.constant 0 : i32
    %dma_start3A_17 = tpu.memref_slice %arg6[%dma_start3A, %dma_start3A_16] : memref<2x128xi32, #tpu.memory_space<vmem>> -> memref<1x128xi32, #tpu.memory_space<vmem>>
    %dma_start3A_18 = tpu.memref_squeeze %dma_start3A_17 : memref<1x128xi32, #tpu.memory_space<vmem>> -> memref<128xi32, #tpu.memory_space<vmem>>
    %dma_start3A_19 = tpu.memref_slice %arg2[%mul3A_8] : memref<160000xi32, #tpu.memory_space<hbm>> -> memref<128xi32, #tpu.memory_space<hbm>>
    tpu.enqueue_dma source(%dma_start3A_19 : memref<128xi32, #tpu.memory_space<hbm>>) target(%dma_start3A_18 : memref<128xi32, #tpu.memory_space<vmem>>) target_semaphore(%dma_start3A_15 : memref<!tpu.dma_semaphore, #tpu.memory_space<semaphore_mem>>)
    %add3A_20 = arith.constant 32 : i32
    %add3A_21 = arith.addi %add3A, %add3A_20 : i32
    %mul3A_22 = arith.constant 128 : i32
    %mul3A_23 = arith.muli %add3A_21, %mul3A_22 : i32
    %dma_start3A_24 = arith.constant 1 : i32
    %dma_start3A_25 = arith.constant 1 : i32
    %dma_start3A_26 = arith.constant 0 : i32
    %dma_start3A_27 = tpu.memref_slice %arg6[%dma_start3A_24, %dma_start3A_26] : memref<2x128xi32, #tpu.memory_space<vmem>> -> memref<1x128xi32, #tpu.memory_space<vmem>>
    %dma_start3A_28 = tpu.memref_squeeze %dma_start3A_27 : memref<1x128xi32, #tpu.memory_space<vmem>> -> memref<128xi32, #tpu.memory_space<vmem>>
    %dma_start3A_29 = tpu.memref_slice %arg2[%mul3A_23] : memref<160000xi32, #tpu.memory_space<hbm>> -> memref<128xi32, #tpu.memory_space<hbm>>
    %dma_start3A_30 = tpu.memref_slice %arg9[%dma_start3A_25] : memref<2x!tpu.dma_semaphore, #tpu.memory_space<semaphore_mem>> -> memref<1x!tpu.dma_semaphore, #tpu.memory_space<semaphore_mem>>
    %dma_start3A_31 = tpu.memref_squeeze %dma_start3A_30 : memref<1x!tpu.dma_semaphore, #tpu.memory_space<semaphore_mem>> -> memref<!tpu.dma_semaphore, #tpu.memory_space<semaphore_mem>>
    %dma_start3A_32 = arith.constant 0 : i32
    %dma_start3A_33 = tpu.memref_slice %arg6[%dma_start3A_24, %dma_start3A_32] : memref<2x128xi32, #tpu.memory_space<vmem>> -> memref<1x128xi32, #tpu.memory_space<vmem>>
    %dma_start3A_34 = tpu.memref_squeeze %dma_start3A_33 : memref<1x128xi32, #tpu.memory_space<vmem>> -> memref<128xi32, #tpu.memory_space<vmem>>
    %dma_start3A_35 = tpu.memref_slice %arg2[%mul3A_23] : memref<160000xi32, #tpu.memory_space<hbm>> -> memref<128xi32, #tpu.memory_space<hbm>>
    tpu.enqueue_dma source(%dma_start3A_35 : memref<128xi32, #tpu.memory_space<hbm>>) target(%dma_start3A_34 : memref<128xi32, #tpu.memory_space<vmem>>) target_semaphore(%dma_start3A_31 : memref<!tpu.dma_semaphore, #tpu.memory_space<semaphore_mem>>)
    "tpu.region"() ({
      %run_scoped3A = tpu.sem_alloc : memref<!tpu.dma_semaphore, #tpu.memory_space<semaphore_mem>>
      %dma_start3A_55 = arith.constant 0 : i32
      %dma_start3A_56 = tpu.memref_slice %arg8[%mul3A_2, %dma_start3A_55] : memref<10112x128xf32, #tpu.memory_space<vmem_shared>> -> memref<632x128xf32, #tpu.memory_space<vmem_shared>>
      tpu.enqueue_dma source(%arg4 : memref<632x128xf32, #tpu.memory_space<hbm>>) target(%dma_start3A_56 : memref<632x128xf32, #tpu.memory_space<vmem_shared>>) target_semaphore(%run_scoped3A : memref<!tpu.dma_semaphore, #tpu.memory_space<semaphore_mem>>)
      %dma_wait3A = arith.constant 0 : i32
      %dma_wait3A_57 = tpu.memref_slice %arg8[%mul3A_2, %dma_wait3A] : memref<10112x128xf32, #tpu.memory_space<vmem_shared>> -> memref<632x128xf32, #tpu.memory_space<vmem_shared>>
      tpu.wait_dma2 semaphore(%run_scoped3A : memref<!tpu.dma_semaphore, #tpu.memory_space<semaphore_mem>>) src(%arg4 : memref<632x128xf32, #tpu.memory_space<hbm>>) dst(%dma_wait3A_57 : memref<632x128xf32, #tpu.memory_space<vmem_shared>>)
      tpu.yield
    }) : () -> ()
    "tpu.region"() ({
      %run_scoped3A = tpu.sem_alloc : memref<!tpu.dma_semaphore, #tpu.memory_space<semaphore_mem>>
      tpu.enqueue_dma source(%arg3 : memref<128x128xf32, #tpu.memory_space<hbm>>) target(%arg7 : memref<128x128xf32, #tpu.memory_space<vmem>>) target_semaphore(%run_scoped3A : memref<!tpu.dma_semaphore, #tpu.memory_space<semaphore_mem>>)
      tpu.wait_dma2 semaphore(%run_scoped3A : memref<!tpu.dma_semaphore, #tpu.memory_space<semaphore_mem>>) src(%arg3 : memref<128x128xf32, #tpu.memory_space<hbm>>) dst(%arg7 : memref<128x128xf32, #tpu.memory_space<vmem>>)
      tpu.yield
    }) : () -> ()
    %barrier3A = arith.constant 0 : index
    tpu.barrier barrier_id(%barrier3A)
    %while3A = arith.constant 0 : i32
    %while3A_36 = arith.constant 0 : i32
    %while3A_37 = arith.subi %select_n3A, %while3A : i32
    %while3A_38 = arith.addi %while3A, %while3A_37 : i32
    %while3A_39 = arith.constant 1 : i32
    %while3A_40 = arith.divsi %while3A_37, %while3A_39 : i32
    %while3A_41 = arith.muli %while3A_40, %while3A_39 : i32
    %while3A_42 = arith.addi %while3A, %while3A_41 : i32
    %while3A_43 = arith.constant 1 : i32
    %while3A_44 = scf.for %while3A_55 = %while3A to %while3A_42 step %while3A_43 iter_args(%while3A_56 = %while3A_36) -> (i32)  : i32 {
      %rem3A = arith.constant 2 : i32
      %rem3A_57 = arith.remsi %while3A_55, %rem3A : i32
      %dma_wait3A = arith.constant 0 : i32
      %dma_wait3A_58 = tpu.memref_slice %arg6[%rem3A_57, %dma_wait3A] : memref<2x128xi32, #tpu.memory_space<vmem>> -> memref<1x128xi32, #tpu.memory_space<vmem>>
      %dma_wait3A_59 = tpu.memref_squeeze %dma_wait3A_58 : memref<1x128xi32, #tpu.memory_space<vmem>> -> memref<128xi32, #tpu.memory_space<vmem>>
      %dma_wait3A_60 = arith.constant 0 : i32
      %dma_wait3A_61 = tpu.memref_slice %arg2[%dma_wait3A_60] : memref<160000xi32, #tpu.memory_space<hbm>> -> memref<128xi32, #tpu.memory_space<hbm>>
      %dma_wait3A_62 = tpu.memref_slice %arg9[%rem3A_57] : memref<2x!tpu.dma_semaphore, #tpu.memory_space<semaphore_mem>> -> memref<1x!tpu.dma_semaphore, #tpu.memory_space<semaphore_mem>>
      %dma_wait3A_63 = tpu.memref_squeeze %dma_wait3A_62 : memref<1x!tpu.dma_semaphore, #tpu.memory_space<semaphore_mem>> -> memref<!tpu.dma_semaphore, #tpu.memory_space<semaphore_mem>>
      %dma_wait3A_64 = arith.constant 0 : i32
      %dma_wait3A_65 = tpu.memref_slice %arg6[%rem3A_57, %dma_wait3A_64] : memref<2x128xi32, #tpu.memory_space<vmem>> -> memref<1x128xi32, #tpu.memory_space<vmem>>
      %dma_wait3A_66 = tpu.memref_squeeze %dma_wait3A_65 : memref<1x128xi32, #tpu.memory_space<vmem>> -> memref<128xi32, #tpu.memory_space<vmem>>
      %dma_wait3A_67 = arith.constant 0 : i32
      %dma_wait3A_68 = tpu.memref_slice %arg2[%dma_wait3A_67] : memref<160000xi32, #tpu.memory_space<hbm>> -> memref<128xi32, #tpu.memory_space<hbm>>
      tpu.wait_dma2 semaphore(%dma_wait3A_63 : memref<!tpu.dma_semaphore, #tpu.memory_space<semaphore_mem>>) src(%dma_wait3A_68 : memref<128xi32, #tpu.memory_space<hbm>>) dst(%dma_wait3A_66 : memref<128xi32, #tpu.memory_space<vmem>>)
      "tpu.region"() ({
        %run_scoped3A = tpu.sem_alloc : memref<!tpu.dma_semaphore, #tpu.memory_space<semaphore_mem>>
        %dma_start3A_76 = arith.constant 0 : i32
        %dma_start3A_77 = tpu.memref_slice %arg6[%rem3A_57, %dma_start3A_76] : memref<2x128xi32, #tpu.memory_space<vmem>> -> memref<1x128xi32, #tpu.memory_space<vmem>>
        %dma_start3A_78 = tpu.memref_squeeze %dma_start3A_77 : memref<1x128xi32, #tpu.memory_space<vmem>> -> memref<128xi32, #tpu.memory_space<vmem>>
        %dma_start3A_79 = arith.constant 0 : i32
        %dma_start3A_80 = arith.constant 0 : i32
        %dma_start3A_81 = tpu.memref_slice %arg8[%dma_start3A_79, %dma_start3A_80] : memref<10112x128xf32, #tpu.memory_space<vmem_shared>> -> memref<10112x128xf32, #tpu.memory_space<vmem_shared>>
        tpu.enqueue_indirect_dma source(%arg7 : memref<128x128xf32, #tpu.memory_space<vmem>>) target(%dma_start3A_81 : memref<10112x128xf32, #tpu.memory_space<vmem_shared>>) offsets(%dma_start3A_78 : memref<128xi32, #tpu.memory_space<vmem>>) semaphore(%run_scoped3A : memref<!tpu.dma_semaphore, #tpu.memory_space<semaphore_mem>>) {add = true}
        %dma_wait3A_82 = arith.constant 0 : i32
        %dma_wait3A_83 = tpu.memref_slice %arg6[%rem3A_57, %dma_wait3A_82] : memref<2x128xi32, #tpu.memory_space<vmem>> -> memref<1x128xi32, #tpu.memory_space<vmem>>
        %dma_wait3A_84 = tpu.memref_squeeze %dma_wait3A_83 : memref<1x128xi32, #tpu.memory_space<vmem>> -> memref<128xi32, #tpu.memory_space<vmem>>
        %dma_wait3A_85 = arith.constant 0 : i32
        %dma_wait3A_86 = arith.constant 0 : i32
        %dma_wait3A_87 = tpu.memref_slice %arg8[%dma_wait3A_85, %dma_wait3A_86] : memref<10112x128xf32, #tpu.memory_space<vmem_shared>> -> memref<10112x128xf32, #tpu.memory_space<vmem_shared>>
        tpu.wait_indirect_dma semaphore(%run_scoped3A : memref<!tpu.dma_semaphore, #tpu.memory_space<semaphore_mem>>) src(%arg7 : memref<128x128xf32, #tpu.memory_space<vmem>>) dst(%dma_wait3A_87 : memref<10112x128xf32, #tpu.memory_space<vmem_shared>>)
        tpu.yield
      }) : () -> ()
      %add3A_69 = arith.constant 2 : i32
      %add3A_70 = arith.addi %while3A_55, %add3A_69 : i32
      %lt3A_71 = arith.cmpi slt, %add3A_70, %select_n3A : i32
      %convert_element_type3A_72 = arith.extui %lt3A_71 : i1 to i32
      %cond3A_73 = arith.constant 0 : i32
      %cond3A_74 = arith.cmpi ne, %convert_element_type3A_72, %cond3A_73 : i32
      scf.if %cond3A_74 {
        %add3A_76 = arith.constant 2 : i32
        %add3A_77 = arith.addi %while3A_55, %add3A_76 : i32
        %mul3A_78 = arith.constant 32 : i32
        %mul3A_79 = arith.muli %add3A_77, %mul3A_78 : i32
        %add3A_80 = arith.addi %add3A, %mul3A_79 : i32
        %mul3A_81 = arith.constant 128 : i32
        %mul3A_82 = arith.muli %add3A_80, %mul3A_81 : i32
        %dma_start3A_83 = arith.constant 0 : i32
        %dma_start3A_84 = tpu.memref_slice %arg6[%rem3A_57, %dma_start3A_83] : memref<2x128xi32, #tpu.memory_space<vmem>> -> memref<1x128xi32, #tpu.memory_space<vmem>>
        %dma_start3A_85 = tpu.memref_squeeze %dma_start3A_84 : memref<1x128xi32, #tpu.memory_space<vmem>> -> memref<128xi32, #tpu.memory_space<vmem>>
        %dma_start3A_86 = tpu.memref_slice %arg2[%mul3A_82] : memref<160000xi32, #tpu.memory_space<hbm>> -> memref<128xi32, #tpu.memory_space<hbm>>
        %dma_start3A_87 = tpu.memref_slice %arg9[%rem3A_57] : memref<2x!tpu.dma_semaphore, #tpu.memory_space<semaphore_mem>> -> memref<1x!tpu.dma_semaphore, #tpu.memory_space<semaphore_mem>>
        %dma_start3A_88 = tpu.memref_squeeze %dma_start3A_87 : memref<1x!tpu.dma_semaphore, #tpu.memory_space<semaphore_mem>> -> memref<!tpu.dma_semaphore, #tpu.memory_space<semaphore_mem>>
        %dma_start3A_89 = arith.constant 0 : i32
        %dma_start3A_90 = tpu.memref_slice %arg6[%rem3A_57, %dma_start3A_89] : memref<2x128xi32, #tpu.memory_space<vmem>> -> memref<1x128xi32, #tpu.memory_space<vmem>>
        %dma_start3A_91 = tpu.memref_squeeze %dma_start3A_90 : memref<1x128xi32, #tpu.memory_space<vmem>> -> memref<128xi32, #tpu.memory_space<vmem>>
        %dma_start3A_92 = tpu.memref_slice %arg2[%mul3A_82] : memref<160000xi32, #tpu.memory_space<hbm>> -> memref<128xi32, #tpu.memory_space<hbm>>
        tpu.enqueue_dma source(%dma_start3A_92 : memref<128xi32, #tpu.memory_space<hbm>>) target(%dma_start3A_91 : memref<128xi32, #tpu.memory_space<vmem>>) target_semaphore(%dma_start3A_88 : memref<!tpu.dma_semaphore, #tpu.memory_space<semaphore_mem>>)
      } else {
      }
      %while3A_75 = arith.constant 0 : i32
      scf.yield %while3A_75 : i32
    }
    %while3A_45 = arith.constant 1 : i32
    %while3A_46 = scf.for %while3A_55 = %while3A_42 to %while3A_38 step %while3A_45 iter_args(%while3A_56 = %while3A_44) -> (i32)  : i32 {
      %rem3A = arith.constant 2 : i32
      %rem3A_57 = arith.remsi %while3A_55, %rem3A : i32
      %dma_wait3A = arith.constant 0 : i32
      %dma_wait3A_58 = tpu.memref_slice %arg6[%rem3A_57, %dma_wait3A] : memref<2x128xi32, #tpu.memory_space<vmem>> -> memref<1x128xi32, #tpu.memory_space<vmem>>
      %dma_wait3A_59 = tpu.memref_squeeze %dma_wait3A_58 : memref<1x128xi32, #tpu.memory_space<vmem>> -> memref<128xi32, #tpu.memory_space<vmem>>
      %dma_wait3A_60 = arith.constant 0 : i32
      %dma_wait3A_61 = tpu.memref_slice %arg2[%dma_wait3A_60] : memref<160000xi32, #tpu.memory_space<hbm>> -> memref<128xi32, #tpu.memory_space<hbm>>
      %dma_wait3A_62 = tpu.memref_slice %arg9[%rem3A_57] : memref<2x!tpu.dma_semaphore, #tpu.memory_space<semaphore_mem>> -> memref<1x!tpu.dma_semaphore, #tpu.memory_space<semaphore_mem>>
      %dma_wait3A_63 = tpu.memref_squeeze %dma_wait3A_62 : memref<1x!tpu.dma_semaphore, #tpu.memory_space<semaphore_mem>> -> memref<!tpu.dma_semaphore, #tpu.memory_space<semaphore_mem>>
      %dma_wait3A_64 = arith.constant 0 : i32
      %dma_wait3A_65 = tpu.memref_slice %arg6[%rem3A_57, %dma_wait3A_64] : memref<2x128xi32, #tpu.memory_space<vmem>> -> memref<1x128xi32, #tpu.memory_space<vmem>>
      %dma_wait3A_66 = tpu.memref_squeeze %dma_wait3A_65 : memref<1x128xi32, #tpu.memory_space<vmem>> -> memref<128xi32, #tpu.memory_space<vmem>>
      %dma_wait3A_67 = arith.constant 0 : i32
      %dma_wait3A_68 = tpu.memref_slice %arg2[%dma_wait3A_67] : memref<160000xi32, #tpu.memory_space<hbm>> -> memref<128xi32, #tpu.memory_space<hbm>>
      tpu.wait_dma2 semaphore(%dma_wait3A_63 : memref<!tpu.dma_semaphore, #tpu.memory_space<semaphore_mem>>) src(%dma_wait3A_68 : memref<128xi32, #tpu.memory_space<hbm>>) dst(%dma_wait3A_66 : memref<128xi32, #tpu.memory_space<vmem>>)
      "tpu.region"() ({
        %run_scoped3A = tpu.sem_alloc : memref<!tpu.dma_semaphore, #tpu.memory_space<semaphore_mem>>
        %dma_start3A_76 = arith.constant 0 : i32
        %dma_start3A_77 = tpu.memref_slice %arg6[%rem3A_57, %dma_start3A_76] : memref<2x128xi32, #tpu.memory_space<vmem>> -> memref<1x128xi32, #tpu.memory_space<vmem>>
        %dma_start3A_78 = tpu.memref_squeeze %dma_start3A_77 : memref<1x128xi32, #tpu.memory_space<vmem>> -> memref<128xi32, #tpu.memory_space<vmem>>
        %dma_start3A_79 = arith.constant 0 : i32
        %dma_start3A_80 = arith.constant 0 : i32
        %dma_start3A_81 = tpu.memref_slice %arg8[%dma_start3A_79, %dma_start3A_80] : memref<10112x128xf32, #tpu.memory_space<vmem_shared>> -> memref<10112x128xf32, #tpu.memory_space<vmem_shared>>
        tpu.enqueue_indirect_dma source(%arg7 : memref<128x128xf32, #tpu.memory_space<vmem>>) target(%dma_start3A_81 : memref<10112x128xf32, #tpu.memory_space<vmem_shared>>) offsets(%dma_start3A_78 : memref<128xi32, #tpu.memory_space<vmem>>) semaphore(%run_scoped3A : memref<!tpu.dma_semaphore, #tpu.memory_space<semaphore_mem>>) {add = true}
        %dma_wait3A_82 = arith.constant 0 : i32
        %dma_wait3A_83 = tpu.memref_slice %arg6[%rem3A_57, %dma_wait3A_82] : memref<2x128xi32, #tpu.memory_space<vmem>> -> memref<1x128xi32, #tpu.memory_space<vmem>>
        %dma_wait3A_84 = tpu.memref_squeeze %dma_wait3A_83 : memref<1x128xi32, #tpu.memory_space<vmem>> -> memref<128xi32, #tpu.memory_space<vmem>>
        %dma_wait3A_85 = arith.constant 0 : i32
        %dma_wait3A_86 = arith.constant 0 : i32
        %dma_wait3A_87 = tpu.memref_slice %arg8[%dma_wait3A_85, %dma_wait3A_86] : memref<10112x128xf32, #tpu.memory_space<vmem_shared>> -> memref<10112x128xf32, #tpu.memory_space<vmem_shared>>
        tpu.wait_indirect_dma semaphore(%run_scoped3A : memref<!tpu.dma_semaphore, #tpu.memory_space<semaphore_mem>>) src(%arg7 : memref<128x128xf32, #tpu.memory_space<vmem>>) dst(%dma_wait3A_87 : memref<10112x128xf32, #tpu.memory_space<vmem_shared>>)
        tpu.yield
      }) : () -> ()
      %add3A_69 = arith.constant 2 : i32
      %add3A_70 = arith.addi %while3A_55, %add3A_69 : i32
      %lt3A_71 = arith.cmpi slt, %add3A_70, %select_n3A : i32
      %convert_element_type3A_72 = arith.extui %lt3A_71 : i1 to i32
      %cond3A_73 = arith.constant 0 : i32
      %cond3A_74 = arith.cmpi ne, %convert_element_type3A_72, %cond3A_73 : i32
      scf.if %cond3A_74 {
        %add3A_76 = arith.constant 2 : i32
        %add3A_77 = arith.addi %while3A_55, %add3A_76 : i32
        %mul3A_78 = arith.constant 32 : i32
        %mul3A_79 = arith.muli %add3A_77, %mul3A_78 : i32
        %add3A_80 = arith.addi %add3A, %mul3A_79 : i32
        %mul3A_81 = arith.constant 128 : i32
        %mul3A_82 = arith.muli %add3A_80, %mul3A_81 : i32
        %dma_start3A_83 = arith.constant 0 : i32
        %dma_start3A_84 = tpu.memref_slice %arg6[%rem3A_57, %dma_start3A_83] : memref<2x128xi32, #tpu.memory_space<vmem>> -> memref<1x128xi32, #tpu.memory_space<vmem>>
        %dma_start3A_85 = tpu.memref_squeeze %dma_start3A_84 : memref<1x128xi32, #tpu.memory_space<vmem>> -> memref<128xi32, #tpu.memory_space<vmem>>
        %dma_start3A_86 = tpu.memref_slice %arg2[%mul3A_82] : memref<160000xi32, #tpu.memory_space<hbm>> -> memref<128xi32, #tpu.memory_space<hbm>>
        %dma_start3A_87 = tpu.memref_slice %arg9[%rem3A_57] : memref<2x!tpu.dma_semaphore, #tpu.memory_space<semaphore_mem>> -> memref<1x!tpu.dma_semaphore, #tpu.memory_space<semaphore_mem>>
        %dma_start3A_88 = tpu.memref_squeeze %dma_start3A_87 : memref<1x!tpu.dma_semaphore, #tpu.memory_space<semaphore_mem>> -> memref<!tpu.dma_semaphore, #tpu.memory_space<semaphore_mem>>
        %dma_start3A_89 = arith.constant 0 : i32
        %dma_start3A_90 = tpu.memref_slice %arg6[%rem3A_57, %dma_start3A_89] : memref<2x128xi32, #tpu.memory_space<vmem>> -> memref<1x128xi32, #tpu.memory_space<vmem>>
        %dma_start3A_91 = tpu.memref_squeeze %dma_start3A_90 : memref<1x128xi32, #tpu.memory_space<vmem>> -> memref<128xi32, #tpu.memory_space<vmem>>
        %dma_start3A_92 = tpu.memref_slice %arg2[%mul3A_82] : memref<160000xi32, #tpu.memory_space<hbm>> -> memref<128xi32, #tpu.memory_space<hbm>>
        tpu.enqueue_dma source(%dma_start3A_92 : memref<128xi32, #tpu.memory_space<hbm>>) target(%dma_start3A_91 : memref<128xi32, #tpu.memory_space<vmem>>) target_semaphore(%dma_start3A_88 : memref<!tpu.dma_semaphore, #tpu.memory_space<semaphore_mem>>)
      } else {
      }
      %while3A_75 = arith.constant 0 : i32
      scf.yield %while3A_75 : i32
    }
    %barrier3A_47 = arith.constant 0 : index
    tpu.barrier barrier_id(%barrier3A_47)
    %lt3A_48 = arith.constant 15 : i32
    %lt3A_49 = arith.cmpi slt, %arg1, %lt3A_48 : i32
    %convert_element_type3A = arith.extui %lt3A_49 : i1 to i32
    %cond3A = arith.constant 0 : i32
    %cond3A_50 = arith.cmpi ne, %convert_element_type3A, %cond3A : i32
    scf.if %cond3A_50 {
      "tpu.region"() ({
        %run_scoped3A = tpu.sem_alloc : memref<!tpu.dma_semaphore, #tpu.memory_space<semaphore_mem>>
        %dma_start3A_55 = arith.constant 0 : i32
        %dma_start3A_56 = tpu.memref_slice %arg5[%arg0, %mul3A_2, %dma_start3A_55] : memref<2x10000x128xf32, #tpu.memory_space<hbm>> -> memref<1x632x128xf32, #tpu.memory_space<hbm>>
        %dma_start3A_57 = tpu.memref_squeeze %dma_start3A_56 : memref<1x632x128xf32, #tpu.memory_space<hbm>> -> memref<632x128xf32, #tpu.memory_space<hbm>>
        %dma_start3A_58 = arith.constant 0 : i32
        %dma_start3A_59 = tpu.memref_slice %arg8[%mul3A_2, %dma_start3A_58] : memref<10112x128xf32, #tpu.memory_space<vmem_shared>> -> memref<632x128xf32, #tpu.memory_space<vmem_shared>>
        tpu.enqueue_dma source(%dma_start3A_59 : memref<632x128xf32, #tpu.memory_space<vmem_shared>>) target(%dma_start3A_57 : memref<632x128xf32, #tpu.memory_space<hbm>>) target_semaphore(%run_scoped3A : memref<!tpu.dma_semaphore, #tpu.memory_space<semaphore_mem>>)
        %dma_wait3A = arith.constant 0 : i32
        %dma_wait3A_60 = tpu.memref_slice %arg5[%arg0, %mul3A_2, %dma_wait3A] : memref<2x10000x128xf32, #tpu.memory_space<hbm>> -> memref<1x632x128xf32, #tpu.memory_space<hbm>>
        %dma_wait3A_61 = tpu.memref_squeeze %dma_wait3A_60 : memref<1x632x128xf32, #tpu.memory_space<hbm>> -> memref<632x128xf32, #tpu.memory_space<hbm>>
        %dma_wait3A_62 = arith.constant 0 : i32
        %dma_wait3A_63 = tpu.memref_slice %arg8[%mul3A_2, %dma_wait3A_62] : memref<10112x128xf32, #tpu.memory_space<vmem_shared>> -> memref<632x128xf32, #tpu.memory_space<vmem_shared>>
        tpu.wait_dma2 semaphore(%run_scoped3A : memref<!tpu.dma_semaphore, #tpu.memory_space<semaphore_mem>>) src(%dma_wait3A_63 : memref<632x128xf32, #tpu.memory_space<vmem_shared>>) dst(%dma_wait3A_61 : memref<632x128xf32, #tpu.memory_space<hbm>>)
        tpu.yield
      }) : () -> ()
    } else {
    }
    %eq3A = arith.constant 15 : i32
    %eq3A_51 = arith.cmpi eq, %arg1, %eq3A : i32
    %convert_element_type3A_52 = arith.extui %eq3A_51 : i1 to i32
    %cond3A_53 = arith.constant 0 : i32
    %cond3A_54 = arith.cmpi ne, %convert_element_type3A_52, %cond3A_53 : i32
    scf.if %cond3A_54 {
      "tpu.region"() ({
        %run_scoped3A = tpu.sem_alloc : memref<!tpu.dma_semaphore, #tpu.memory_space<semaphore_mem>>
        %dma_start3A_55 = arith.constant 0 : i32
        %dma_start3A_56 = tpu.memref_slice %arg5[%arg0, %mul3A_2, %dma_start3A_55] : memref<2x10000x128xf32, #tpu.memory_space<hbm>> -> memref<1x520x128xf32, #tpu.memory_space<hbm>>
        %dma_start3A_57 = tpu.memref_squeeze %dma_start3A_56 : memref<1x520x128xf32, #tpu.memory_space<hbm>> -> memref<520x128xf32, #tpu.memory_space<hbm>>
        %dma_start3A_58 = arith.constant 0 : i32
        %dma_start3A_59 = tpu.memref_slice %arg8[%mul3A_2, %dma_start3A_58] : memref<10112x128xf32, #tpu.memory_space<vmem_shared>> -> memref<520x128xf32, #tpu.memory_space<vmem_shared>>
        tpu.enqueue_dma source(%dma_start3A_59 : memref<520x128xf32, #tpu.memory_space<vmem_shared>>) target(%dma_start3A_57 : memref<520x128xf32, #tpu.memory_space<hbm>>) target_semaphore(%run_scoped3A : memref<!tpu.dma_semaphore, #tpu.memory_space<semaphore_mem>>)
        %dma_wait3A = arith.constant 0 : i32
        %dma_wait3A_60 = tpu.memref_slice %arg5[%arg0, %mul3A_2, %dma_wait3A] : memref<2x10000x128xf32, #tpu.memory_space<hbm>> -> memref<1x520x128xf32, #tpu.memory_space<hbm>>
        %dma_wait3A_61 = tpu.memref_squeeze %dma_wait3A_60 : memref<1x520x128xf32, #tpu.memory_space<hbm>> -> memref<520x128xf32, #tpu.memory_space<hbm>>
        %dma_wait3A_62 = arith.constant 0 : i32
        %dma_wait3A_63 = tpu.memref_slice %arg8[%mul3A_2, %dma_wait3A_62] : memref<10112x128xf32, #tpu.memory_space<vmem_shared>> -> memref<520x128xf32, #tpu.memory_space<vmem_shared>>
        tpu.wait_dma2 semaphore(%run_scoped3A : memref<!tpu.dma_semaphore, #tpu.memory_space<semaphore_mem>>) src(%dma_wait3A_63 : memref<520x128xf32, #tpu.memory_space<vmem_shared>>) dst(%dma_wait3A_61 : memref<520x128xf32, #tpu.memory_space<hbm>>)
        tpu.yield
      }) : () -> ()
    } else {
    }
    return
  }
}

#map = affine_map<(d0, d1) -> (0)>
#map1 = affine_map<(d0, d1) -> (0, 0)>
module attributes {stable_mosaic.version = 14 : i64} {
  func.func @k(%arg0: i32, %arg1: i32, %arg2: memref<80000xi32, #tpu.memory_space<hbm>>, %arg3: memref<80000xi32, #tpu.memory_space<hbm>>, %arg4: memref<32x128xi32, #tpu.memory_space<hbm>>, %arg5: memref<10000x128xf32, #tpu.memory_space<hbm>>, %arg6: memref<10000x128xf32, #tpu.memory_space<hbm>>, %arg7: memref<80000x128xf32, #tpu.memory_space<hbm>>, %arg8: memref<2x128xi32, #tpu.memory_space<vmem>>, %arg9: memref<2x128xi32, #tpu.memory_space<vmem>>, %arg10: memref<2x128xi32, #tpu.memory_space<vmem>>, %arg11: memref<2x128x128xf32, #tpu.memory_space<vmem>>, %arg12: memref<2x128x128xf32, #tpu.memory_space<vmem>>, %arg13: memref<4096x128xf32, #tpu.memory_space<vmem_shared>>, %arg14: memref<2x!tpu.dma_semaphore, #tpu.memory_space<semaphore_mem>>, %arg15: memref<2x!tpu.dma_semaphore, #tpu.memory_space<semaphore_mem>>, %arg16: memref<2x!tpu.dma_semaphore, #tpu.memory_space<semaphore_mem>>, %arg17: memref<2x!tpu.dma_semaphore, #tpu.memory_space<semaphore_mem>>) attributes {dimension_semantics = [#tpu.dimension_semantics<core_parallel>, #tpu.dimension_semantics<subcore_parallel>], iteration_bounds = array<i64: 2, 16>, scalar_prefetch = 0 : i64, scratch_operands = 10 : i64, tpu.core_type = #tpu.core_type<sc_vector_subcore>, window_params = [{transform_indices = #map}, {transform_indices = #map}, {transform_indices = #map1}, {transform_indices = #map1}, {transform_indices = #map1}, {transform_indices = #map1}]} {
    %mul3A = arith.constant 2 : i32
    %mul3A_0 = arith.muli %arg1, %mul3A : i32
    %add3A = arith.addi %mul3A_0, %arg0 : i32
    %lt3A = arith.constant 17 : i32
    %lt3A_1 = arith.cmpi slt, %add3A, %lt3A : i32
    %jit3A = arith.constant 20 : i32
    %jit3A_2 = arith.constant 19 : i32
    %select_n3A = arith.select %lt3A_1, %jit3A, %jit3A_2 : i32
    %mul3A_3 = arith.constant 2 : i32
    %mul3A_4 = arith.muli %arg1, %mul3A_3 : i32
    "tpu.region"() ({
      %run_scoped3A = tpu.sem_alloc : memref<!tpu.dma_semaphore, #tpu.memory_space<semaphore_mem>>
      %dma_start3A_158 = arith.constant 0 : i32
      %dma_start3A_159 = tpu.memref_slice %arg4[%mul3A_4, %dma_start3A_158] : memref<32x128xi32, #tpu.memory_space<hbm>> -> memref<2x128xi32, #tpu.memory_space<hbm>>
      %dma_start3A_160 = arith.constant 0 : i32
      %dma_start3A_161 = tpu.memref_slice %arg4[%mul3A_4, %dma_start3A_160] : memref<32x128xi32, #tpu.memory_space<hbm>> -> memref<2x128xi32, #tpu.memory_space<hbm>>
      tpu.enqueue_dma source(%dma_start3A_161 : memref<2x128xi32, #tpu.memory_space<hbm>>) target(%arg10 : memref<2x128xi32, #tpu.memory_space<vmem>>) target_semaphore(%run_scoped3A : memref<!tpu.dma_semaphore, #tpu.memory_space<semaphore_mem>>)
      %dma_wait3A_162 = arith.constant 0 : i32
      %dma_wait3A_163 = tpu.memref_slice %arg4[%mul3A_4, %dma_wait3A_162] : memref<32x128xi32, #tpu.memory_space<hbm>> -> memref<2x128xi32, #tpu.memory_space<hbm>>
      %dma_wait3A_164 = arith.constant 0 : i32
      %dma_wait3A_165 = tpu.memref_slice %arg4[%mul3A_4, %dma_wait3A_164] : memref<32x128xi32, #tpu.memory_space<hbm>> -> memref<2x128xi32, #tpu.memory_space<hbm>>
      tpu.wait_dma2 semaphore(%run_scoped3A : memref<!tpu.dma_semaphore, #tpu.memory_space<semaphore_mem>>) src(%dma_wait3A_165 : memref<2x128xi32, #tpu.memory_space<hbm>>) dst(%arg10 : memref<2x128xi32, #tpu.memory_space<vmem>>)
      tpu.yield
    }) : () -> ()
    %add3A_5 = arith.constant 0 : i32
    %add3A_6 = arith.addi %add3A, %add3A_5 : i32
    %mul3A_7 = arith.constant 128 : i32
    %mul3A_8 = arith.muli %add3A_6, %mul3A_7 : i32
    %dma_start3A = arith.constant 0 : i32
    %dma_start3A_9 = arith.constant 0 : i32
    %dma_start3A_10 = arith.constant 0 : i32
    %dma_start3A_11 = tpu.memref_slice %arg8[%dma_start3A, %dma_start3A_10] : memref<2x128xi32, #tpu.memory_space<vmem>> -> memref<1x128xi32, #tpu.memory_space<vmem>>
    %dma_start3A_12 = tpu.memref_squeeze %dma_start3A_11 : memref<1x128xi32, #tpu.memory_space<vmem>> -> memref<128xi32, #tpu.memory_space<vmem>>
    %dma_start3A_13 = tpu.memref_slice %arg2[%mul3A_8] : memref<80000xi32, #tpu.memory_space<hbm>> -> memref<128xi32, #tpu.memory_space<hbm>>
    %dma_start3A_14 = tpu.memref_slice %arg14[%dma_start3A_9] : memref<2x!tpu.dma_semaphore, #tpu.memory_space<semaphore_mem>> -> memref<1x!tpu.dma_semaphore, #tpu.memory_space<semaphore_mem>>
    %dma_start3A_15 = tpu.memref_squeeze %dma_start3A_14 : memref<1x!tpu.dma_semaphore, #tpu.memory_space<semaphore_mem>> -> memref<!tpu.dma_semaphore, #tpu.memory_space<semaphore_mem>>
    %dma_start3A_16 = arith.constant 0 : i32
    %dma_start3A_17 = tpu.memref_slice %arg8[%dma_start3A, %dma_start3A_16] : memref<2x128xi32, #tpu.memory_space<vmem>> -> memref<1x128xi32, #tpu.memory_space<vmem>>
    %dma_start3A_18 = tpu.memref_squeeze %dma_start3A_17 : memref<1x128xi32, #tpu.memory_space<vmem>> -> memref<128xi32, #tpu.memory_space<vmem>>
    %dma_start3A_19 = tpu.memref_slice %arg2[%mul3A_8] : memref<80000xi32, #tpu.memory_space<hbm>> -> memref<128xi32, #tpu.memory_space<hbm>>
    tpu.enqueue_dma source(%dma_start3A_19 : memref<128xi32, #tpu.memory_space<hbm>>) target(%dma_start3A_18 : memref<128xi32, #tpu.memory_space<vmem>>) target_semaphore(%dma_start3A_15 : memref<!tpu.dma_semaphore, #tpu.memory_space<semaphore_mem>>)
    %dma_start3A_20 = arith.constant 0 : i32
    %dma_start3A_21 = arith.constant 0 : i32
    %dma_start3A_22 = arith.constant 0 : i32
    %dma_start3A_23 = tpu.memref_slice %arg9[%dma_start3A_20, %dma_start3A_22] : memref<2x128xi32, #tpu.memory_space<vmem>> -> memref<1x128xi32, #tpu.memory_space<vmem>>
    %dma_start3A_24 = tpu.memref_squeeze %dma_start3A_23 : memref<1x128xi32, #tpu.memory_space<vmem>> -> memref<128xi32, #tpu.memory_space<vmem>>
    %dma_start3A_25 = tpu.memref_slice %arg3[%mul3A_8] : memref<80000xi32, #tpu.memory_space<hbm>> -> memref<128xi32, #tpu.memory_space<hbm>>
    %dma_start3A_26 = tpu.memref_slice %arg14[%dma_start3A_21] : memref<2x!tpu.dma_semaphore, #tpu.memory_space<semaphore_mem>> -> memref<1x!tpu.dma_semaphore, #tpu.memory_space<semaphore_mem>>
    %dma_start3A_27 = tpu.memref_squeeze %dma_start3A_26 : memref<1x!tpu.dma_semaphore, #tpu.memory_space<semaphore_mem>> -> memref<!tpu.dma_semaphore, #tpu.memory_space<semaphore_mem>>
    %dma_start3A_28 = arith.constant 0 : i32
    %dma_start3A_29 = tpu.memref_slice %arg9[%dma_start3A_20, %dma_start3A_28] : memref<2x128xi32, #tpu.memory_space<vmem>> -> memref<1x128xi32, #tpu.memory_space<vmem>>
    %dma_start3A_30 = tpu.memref_squeeze %dma_start3A_29 : memref<1x128xi32, #tpu.memory_space<vmem>> -> memref<128xi32, #tpu.memory_space<vmem>>
    %dma_start3A_31 = tpu.memref_slice %arg3[%mul3A_8] : memref<80000xi32, #tpu.memory_space<hbm>> -> memref<128xi32, #tpu.memory_space<hbm>>
    tpu.enqueue_dma source(%dma_start3A_31 : memref<128xi32, #tpu.memory_space<hbm>>) target(%dma_start3A_30 : memref<128xi32, #tpu.memory_space<vmem>>) target_semaphore(%dma_start3A_27 : memref<!tpu.dma_semaphore, #tpu.memory_space<semaphore_mem>>)
    %add3A_32 = arith.constant 32 : i32
    %add3A_33 = arith.addi %add3A, %add3A_32 : i32
    %mul3A_34 = arith.constant 128 : i32
    %mul3A_35 = arith.muli %add3A_33, %mul3A_34 : i32
    %dma_start3A_36 = arith.constant 1 : i32
    %dma_start3A_37 = arith.constant 1 : i32
    %dma_start3A_38 = arith.constant 0 : i32
    %dma_start3A_39 = tpu.memref_slice %arg8[%dma_start3A_36, %dma_start3A_38] : memref<2x128xi32, #tpu.memory_space<vmem>> -> memref<1x128xi32, #tpu.memory_space<vmem>>
    %dma_start3A_40 = tpu.memref_squeeze %dma_start3A_39 : memref<1x128xi32, #tpu.memory_space<vmem>> -> memref<128xi32, #tpu.memory_space<vmem>>
    %dma_start3A_41 = tpu.memref_slice %arg2[%mul3A_35] : memref<80000xi32, #tpu.memory_space<hbm>> -> memref<128xi32, #tpu.memory_space<hbm>>
    %dma_start3A_42 = tpu.memref_slice %arg14[%dma_start3A_37] : memref<2x!tpu.dma_semaphore, #tpu.memory_space<semaphore_mem>> -> memref<1x!tpu.dma_semaphore, #tpu.memory_space<semaphore_mem>>
    %dma_start3A_43 = tpu.memref_squeeze %dma_start3A_42 : memref<1x!tpu.dma_semaphore, #tpu.memory_space<semaphore_mem>> -> memref<!tpu.dma_semaphore, #tpu.memory_space<semaphore_mem>>
    %dma_start3A_44 = arith.constant 0 : i32
    %dma_start3A_45 = tpu.memref_slice %arg8[%dma_start3A_36, %dma_start3A_44] : memref<2x128xi32, #tpu.memory_space<vmem>> -> memref<1x128xi32, #tpu.memory_space<vmem>>
    %dma_start3A_46 = tpu.memref_squeeze %dma_start3A_45 : memref<1x128xi32, #tpu.memory_space<vmem>> -> memref<128xi32, #tpu.memory_space<vmem>>
    %dma_start3A_47 = tpu.memref_slice %arg2[%mul3A_35] : memref<80000xi32, #tpu.memory_space<hbm>> -> memref<128xi32, #tpu.memory_space<hbm>>
    tpu.enqueue_dma source(%dma_start3A_47 : memref<128xi32, #tpu.memory_space<hbm>>) target(%dma_start3A_46 : memref<128xi32, #tpu.memory_space<vmem>>) target_semaphore(%dma_start3A_43 : memref<!tpu.dma_semaphore, #tpu.memory_space<semaphore_mem>>)
    %dma_start3A_48 = arith.constant 1 : i32
    %dma_start3A_49 = arith.constant 1 : i32
    %dma_start3A_50 = arith.constant 0 : i32
    %dma_start3A_51 = tpu.memref_slice %arg9[%dma_start3A_48, %dma_start3A_50] : memref<2x128xi32, #tpu.memory_space<vmem>> -> memref<1x128xi32, #tpu.memory_space<vmem>>
    %dma_start3A_52 = tpu.memref_squeeze %dma_start3A_51 : memref<1x128xi32, #tpu.memory_space<vmem>> -> memref<128xi32, #tpu.memory_space<vmem>>
    %dma_start3A_53 = tpu.memref_slice %arg3[%mul3A_35] : memref<80000xi32, #tpu.memory_space<hbm>> -> memref<128xi32, #tpu.memory_space<hbm>>
    %dma_start3A_54 = tpu.memref_slice %arg14[%dma_start3A_49] : memref<2x!tpu.dma_semaphore, #tpu.memory_space<semaphore_mem>> -> memref<1x!tpu.dma_semaphore, #tpu.memory_space<semaphore_mem>>
    %dma_start3A_55 = tpu.memref_squeeze %dma_start3A_54 : memref<1x!tpu.dma_semaphore, #tpu.memory_space<semaphore_mem>> -> memref<!tpu.dma_semaphore, #tpu.memory_space<semaphore_mem>>
    %dma_start3A_56 = arith.constant 0 : i32
    %dma_start3A_57 = tpu.memref_slice %arg9[%dma_start3A_48, %dma_start3A_56] : memref<2x128xi32, #tpu.memory_space<vmem>> -> memref<1x128xi32, #tpu.memory_space<vmem>>
    %dma_start3A_58 = tpu.memref_squeeze %dma_start3A_57 : memref<1x128xi32, #tpu.memory_space<vmem>> -> memref<128xi32, #tpu.memory_space<vmem>>
    %dma_start3A_59 = tpu.memref_slice %arg3[%mul3A_35] : memref<80000xi32, #tpu.memory_space<hbm>> -> memref<128xi32, #tpu.memory_space<hbm>>
    tpu.enqueue_dma source(%dma_start3A_59 : memref<128xi32, #tpu.memory_space<hbm>>) target(%dma_start3A_58 : memref<128xi32, #tpu.memory_space<vmem>>) target_semaphore(%dma_start3A_55 : memref<!tpu.dma_semaphore, #tpu.memory_space<semaphore_mem>>)
    %dma_wait3A = arith.constant 0 : i32
    %dma_wait3A_60 = arith.constant 0 : i32
    %dma_wait3A_61 = arith.constant 0 : i32
    %dma_wait3A_62 = tpu.memref_slice %arg8[%dma_wait3A, %dma_wait3A_61] : memref<2x128xi32, #tpu.memory_space<vmem>> -> memref<1x128xi32, #tpu.memory_space<vmem>>
    %dma_wait3A_63 = tpu.memref_squeeze %dma_wait3A_62 : memref<1x128xi32, #tpu.memory_space<vmem>> -> memref<128xi32, #tpu.memory_space<vmem>>
    %dma_wait3A_64 = arith.constant 0 : i32
    %dma_wait3A_65 = tpu.memref_slice %arg2[%dma_wait3A_64] : memref<80000xi32, #tpu.memory_space<hbm>> -> memref<128xi32, #tpu.memory_space<hbm>>
    %dma_wait3A_66 = tpu.memref_slice %arg14[%dma_wait3A_60] : memref<2x!tpu.dma_semaphore, #tpu.memory_space<semaphore_mem>> -> memref<1x!tpu.dma_semaphore, #tpu.memory_space<semaphore_mem>>
    %dma_wait3A_67 = tpu.memref_squeeze %dma_wait3A_66 : memref<1x!tpu.dma_semaphore, #tpu.memory_space<semaphore_mem>> -> memref<!tpu.dma_semaphore, #tpu.memory_space<semaphore_mem>>
    %dma_wait3A_68 = arith.constant 0 : i32
    %dma_wait3A_69 = tpu.memref_slice %arg8[%dma_wait3A, %dma_wait3A_68] : memref<2x128xi32, #tpu.memory_space<vmem>> -> memref<1x128xi32, #tpu.memory_space<vmem>>
    %dma_wait3A_70 = tpu.memref_squeeze %dma_wait3A_69 : memref<1x128xi32, #tpu.memory_space<vmem>> -> memref<128xi32, #tpu.memory_space<vmem>>
    %dma_wait3A_71 = arith.constant 0 : i32
    %dma_wait3A_72 = tpu.memref_slice %arg2[%dma_wait3A_71] : memref<80000xi32, #tpu.memory_space<hbm>> -> memref<128xi32, #tpu.memory_space<hbm>>
    tpu.wait_dma2 semaphore(%dma_wait3A_67 : memref<!tpu.dma_semaphore, #tpu.memory_space<semaphore_mem>>) src(%dma_wait3A_72 : memref<128xi32, #tpu.memory_space<hbm>>) dst(%dma_wait3A_70 : memref<128xi32, #tpu.memory_space<vmem>>)
    %dma_wait3A_73 = arith.constant 0 : i32
    %dma_wait3A_74 = arith.constant 0 : i32
    %dma_wait3A_75 = arith.constant 0 : i32
    %dma_wait3A_76 = tpu.memref_slice %arg9[%dma_wait3A_73, %dma_wait3A_75] : memref<2x128xi32, #tpu.memory_space<vmem>> -> memref<1x128xi32, #tpu.memory_space<vmem>>
    %dma_wait3A_77 = tpu.memref_squeeze %dma_wait3A_76 : memref<1x128xi32, #tpu.memory_space<vmem>> -> memref<128xi32, #tpu.memory_space<vmem>>
    %dma_wait3A_78 = arith.constant 0 : i32
    %dma_wait3A_79 = tpu.memref_slice %arg3[%dma_wait3A_78] : memref<80000xi32, #tpu.memory_space<hbm>> -> memref<128xi32, #tpu.memory_space<hbm>>
    %dma_wait3A_80 = tpu.memref_slice %arg14[%dma_wait3A_74] : memref<2x!tpu.dma_semaphore, #tpu.memory_space<semaphore_mem>> -> memref<1x!tpu.dma_semaphore, #tpu.memory_space<semaphore_mem>>
    %dma_wait3A_81 = tpu.memref_squeeze %dma_wait3A_80 : memref<1x!tpu.dma_semaphore, #tpu.memory_space<semaphore_mem>> -> memref<!tpu.dma_semaphore, #tpu.memory_space<semaphore_mem>>
    %dma_wait3A_82 = arith.constant 0 : i32
    %dma_wait3A_83 = tpu.memref_slice %arg9[%dma_wait3A_73, %dma_wait3A_82] : memref<2x128xi32, #tpu.memory_space<vmem>> -> memref<1x128xi32, #tpu.memory_space<vmem>>
    %dma_wait3A_84 = tpu.memref_squeeze %dma_wait3A_83 : memref<1x128xi32, #tpu.memory_space<vmem>> -> memref<128xi32, #tpu.memory_space<vmem>>
    %dma_wait3A_85 = arith.constant 0 : i32
    %dma_wait3A_86 = tpu.memref_slice %arg3[%dma_wait3A_85] : memref<80000xi32, #tpu.memory_space<hbm>> -> memref<128xi32, #tpu.memory_space<hbm>>
    tpu.wait_dma2 semaphore(%dma_wait3A_81 : memref<!tpu.dma_semaphore, #tpu.memory_space<semaphore_mem>>) src(%dma_wait3A_86 : memref<128xi32, #tpu.memory_space<hbm>>) dst(%dma_wait3A_84 : memref<128xi32, #tpu.memory_space<vmem>>)
    %dma_start3A_87 = arith.constant 0 : i32
    %dma_start3A_88 = arith.constant 0 : i32
    %dma_start3A_89 = arith.constant 0 : i32
    %dma_start3A_90 = arith.constant 0 : i32
    %dma_start3A_91 = arith.constant 0 : i32
    %dma_start3A_92 = tpu.memref_slice %arg11[%dma_start3A_88, %dma_start3A_90, %dma_start3A_91] : memref<2x128x128xf32, #tpu.memory_space<vmem>> -> memref<1x128x128xf32, #tpu.memory_space<vmem>>
    %dma_start3A_93 = tpu.memref_squeeze %dma_start3A_92 : memref<1x128x128xf32, #tpu.memory_space<vmem>> -> memref<128x128xf32, #tpu.memory_space<vmem>>
    %dma_start3A_94 = arith.constant 0 : i32
    %dma_start3A_95 = tpu.memref_slice %arg8[%dma_start3A_87, %dma_start3A_94] : memref<2x128xi32, #tpu.memory_space<vmem>> -> memref<1x128xi32, #tpu.memory_space<vmem>>
    %dma_start3A_96 = tpu.memref_squeeze %dma_start3A_95 : memref<1x128xi32, #tpu.memory_space<vmem>> -> memref<128xi32, #tpu.memory_space<vmem>>
    %dma_start3A_97 = arith.constant 0 : i32
    %dma_start3A_98 = arith.constant 0 : i32
    %dma_start3A_99 = tpu.memref_slice %arg5[%dma_start3A_97, %dma_start3A_98] : memref<10000x128xf32, #tpu.memory_space<hbm>> -> memref<10000x128xf32, #tpu.memory_space<hbm>>
    %dma_start3A_100 = tpu.memref_slice %arg15[%dma_start3A_89] : memref<2x!tpu.dma_semaphore, #tpu.memory_space<semaphore_mem>> -> memref<1x!tpu.dma_semaphore, #tpu.memory_space<semaphore_mem>>
    %dma_start3A_101 = tpu.memref_squeeze %dma_start3A_100 : memref<1x!tpu.dma_semaphore, #tpu.memory_space<semaphore_mem>> -> memref<!tpu.dma_semaphore, #tpu.memory_space<semaphore_mem>>
    tpu.enqueue_indirect_dma source(%dma_start3A_99 : memref<10000x128xf32, #tpu.memory_space<hbm>>) target(%dma_start3A_93 : memref<128x128xf32, #tpu.memory_space<vmem>>) offsets(%dma_start3A_96 : memref<128xi32, #tpu.memory_space<vmem>>) semaphore(%dma_start3A_101 : memref<!tpu.dma_semaphore, #tpu.memory_space<semaphore_mem>>)
    %dma_start3A_102 = arith.constant 0 : i32
    %dma_start3A_103 = arith.constant 0 : i32
    %dma_start3A_104 = arith.constant 0 : i32
    %dma_start3A_105 = arith.constant 0 : i32
    %dma_start3A_106 = arith.constant 0 : i32
    %dma_start3A_107 = tpu.memref_slice %arg12[%dma_start3A_103, %dma_start3A_105, %dma_start3A_106] : memref<2x128x128xf32, #tpu.memory_space<vmem>> -> memref<1x128x128xf32, #tpu.memory_space<vmem>>
    %dma_start3A_108 = tpu.memref_squeeze %dma_start3A_107 : memref<1x128x128xf32, #tpu.memory_space<vmem>> -> memref<128x128xf32, #tpu.memory_space<vmem>>
    %dma_start3A_109 = arith.constant 0 : i32
    %dma_start3A_110 = tpu.memref_slice %arg9[%dma_start3A_102, %dma_start3A_109] : memref<2x128xi32, #tpu.memory_space<vmem>> -> memref<1x128xi32, #tpu.memory_space<vmem>>
    %dma_start3A_111 = tpu.memref_squeeze %dma_start3A_110 : memref<1x128xi32, #tpu.memory_space<vmem>> -> memref<128xi32, #tpu.memory_space<vmem>>
    %dma_start3A_112 = arith.constant 0 : i32
    %dma_start3A_113 = arith.constant 0 : i32
    %dma_start3A_114 = tpu.memref_slice %arg6[%dma_start3A_112, %dma_start3A_113] : memref<10000x128xf32, #tpu.memory_space<hbm>> -> memref<10000x128xf32, #tpu.memory_space<hbm>>
    %dma_start3A_115 = tpu.memref_slice %arg16[%dma_start3A_104] : memref<2x!tpu.dma_semaphore, #tpu.memory_space<semaphore_mem>> -> memref<1x!tpu.dma_semaphore, #tpu.memory_space<semaphore_mem>>
    %dma_start3A_116 = tpu.memref_squeeze %dma_start3A_115 : memref<1x!tpu.dma_semaphore, #tpu.memory_space<semaphore_mem>> -> memref<!tpu.dma_semaphore, #tpu.memory_space<semaphore_mem>>
    tpu.enqueue_indirect_dma source(%dma_start3A_114 : memref<10000x128xf32, #tpu.memory_space<hbm>>) target(%dma_start3A_108 : memref<128x128xf32, #tpu.memory_space<vmem>>) offsets(%dma_start3A_111 : memref<128xi32, #tpu.memory_space<vmem>>) semaphore(%dma_start3A_116 : memref<!tpu.dma_semaphore, #tpu.memory_space<semaphore_mem>>)
    %while3A = arith.constant 0 : i32
    %while3A_117 = arith.constant 0 : i32
    %while3A_118 = arith.subi %select_n3A, %while3A : i32
    %while3A_119 = arith.addi %while3A, %while3A_118 : i32
    %while3A_120 = arith.constant 1 : i32
    %while3A_121 = arith.divsi %while3A_118, %while3A_120 : i32
    %while3A_122 = arith.muli %while3A_121, %while3A_120 : i32
    %while3A_123 = arith.addi %while3A, %while3A_122 : i32
    %while3A_124 = arith.constant 1 : i32
    %while3A_125 = scf.for %while3A_158 = %while3A to %while3A_123 step %while3A_124 iter_args(%while3A_159 = %while3A_117) -> (i32)  : i32 {
      %rem3A_160 = arith.constant 2 : i32
      %rem3A_161 = arith.remsi %while3A_158, %rem3A_160 : i32
      %sub3A_162 = arith.constant 1 : i32
      %sub3A_163 = arith.subi %sub3A_162, %rem3A_161 : i32
      %mul3A_164 = arith.constant 32 : i32
      %mul3A_165 = arith.muli %while3A_158, %mul3A_164 : i32
      %add3A_166 = arith.addi %add3A, %mul3A_165 : i32
      %mul3A_167 = arith.constant 128 : i32
      %mul3A_168 = arith.muli %add3A_166, %mul3A_167 : i32
      %dma_wait3A_169 = arith.constant 0 : i32
      %dma_wait3A_170 = arith.constant 0 : i32
      %dma_wait3A_171 = tpu.memref_slice %arg11[%rem3A_161, %dma_wait3A_169, %dma_wait3A_170] : memref<2x128x128xf32, #tpu.memory_space<vmem>> -> memref<1x128x128xf32, #tpu.memory_space<vmem>>
      %dma_wait3A_172 = tpu.memref_squeeze %dma_wait3A_171 : memref<1x128x128xf32, #tpu.memory_space<vmem>> -> memref<128x128xf32, #tpu.memory_space<vmem>>
      %dma_wait3A_173 = arith.constant 0 : i32
      %dma_wait3A_174 = arith.constant 0 : i32
      %dma_wait3A_175 = tpu.memref_slice %arg5[%dma_wait3A_173, %dma_wait3A_174] : memref<10000x128xf32, #tpu.memory_space<hbm>> -> memref<128x128xf32, #tpu.memory_space<hbm>>
      %dma_wait3A_176 = tpu.memref_slice %arg15[%rem3A_161] : memref<2x!tpu.dma_semaphore, #tpu.memory_space<semaphore_mem>> -> memref<1x!tpu.dma_semaphore, #tpu.memory_space<semaphore_mem>>
      %dma_wait3A_177 = tpu.memref_squeeze %dma_wait3A_176 : memref<1x!tpu.dma_semaphore, #tpu.memory_space<semaphore_mem>> -> memref<!tpu.dma_semaphore, #tpu.memory_space<semaphore_mem>>
      %dma_wait3A_178 = arith.constant 0 : i32
      %dma_wait3A_179 = arith.constant 0 : i32
      %dma_wait3A_180 = tpu.memref_slice %arg11[%rem3A_161, %dma_wait3A_178, %dma_wait3A_179] : memref<2x128x128xf32, #tpu.memory_space<vmem>> -> memref<1x128x128xf32, #tpu.memory_space<vmem>>
      %dma_wait3A_181 = tpu.memref_squeeze %dma_wait3A_180 : memref<1x128x128xf32, #tpu.memory_space<vmem>> -> memref<128x128xf32, #tpu.memory_space<vmem>>
      %dma_wait3A_182 = arith.constant 0 : i32
      %dma_wait3A_183 = arith.constant 0 : i32
      %dma_wait3A_184 = tpu.memref_slice %arg5[%dma_wait3A_182, %dma_wait3A_183] : memref<10000x128xf32, #tpu.memory_space<hbm>> -> memref<128x128xf32, #tpu.memory_space<hbm>>
      tpu.wait_dma2 semaphore(%dma_wait3A_177 : memref<!tpu.dma_semaphore, #tpu.memory_space<semaphore_mem>>) src(%dma_wait3A_184 : memref<128x128xf32, #tpu.memory_space<hbm>>) dst(%dma_wait3A_181 : memref<128x128xf32, #tpu.memory_space<vmem>>)
      %dma_wait3A_185 = arith.constant 0 : i32
      %dma_wait3A_186 = arith.constant 0 : i32
      %dma_wait3A_187 = tpu.memref_slice %arg12[%rem3A_161, %dma_wait3A_185, %dma_wait3A_186] : memref<2x128x128xf32, #tpu.memory_space<vmem>> -> memref<1x128x128xf32, #tpu.memory_space<vmem>>
      %dma_wait3A_188 = tpu.memref_squeeze %dma_wait3A_187 : memref<1x128x128xf32, #tpu.memory_space<vmem>> -> memref<128x128xf32, #tpu.memory_space<vmem>>
      %dma_wait3A_189 = arith.constant 0 : i32
      %dma_wait3A_190 = arith.constant 0 : i32
      %dma_wait3A_191 = tpu.memref_slice %arg6[%dma_wait3A_189, %dma_wait3A_190] : memref<10000x128xf32, #tpu.memory_space<hbm>> -> memref<128x128xf32, #tpu.memory_space<hbm>>
      %dma_wait3A_192 = tpu.memref_slice %arg16[%rem3A_161] : memref<2x!tpu.dma_semaphore, #tpu.memory_space<semaphore_mem>> -> memref<1x!tpu.dma_semaphore, #tpu.memory_space<semaphore_mem>>
      %dma_wait3A_193 = tpu.memref_squeeze %dma_wait3A_192 : memref<1x!tpu.dma_semaphore, #tpu.memory_space<semaphore_mem>> -> memref<!tpu.dma_semaphore, #tpu.memory_space<semaphore_mem>>
      %dma_wait3A_194 = arith.constant 0 : i32
      %dma_wait3A_195 = arith.constant 0 : i32
      %dma_wait3A_196 = tpu.memref_slice %arg12[%rem3A_161, %dma_wait3A_194, %dma_wait3A_195] : memref<2x128x128xf32, #tpu.memory_space<vmem>> -> memref<1x128x128xf32, #tpu.memory_space<vmem>>
      %dma_wait3A_197 = tpu.memref_squeeze %dma_wait3A_196 : memref<1x128x128xf32, #tpu.memory_space<vmem>> -> memref<128x128xf32, #tpu.memory_space<vmem>>
      %dma_wait3A_198 = arith.constant 0 : i32
      %dma_wait3A_199 = arith.constant 0 : i32
      %dma_wait3A_200 = tpu.memref_slice %arg6[%dma_wait3A_198, %dma_wait3A_199] : memref<10000x128xf32, #tpu.memory_space<hbm>> -> memref<128x128xf32, #tpu.memory_space<hbm>>
      tpu.wait_dma2 semaphore(%dma_wait3A_193 : memref<!tpu.dma_semaphore, #tpu.memory_space<semaphore_mem>>) src(%dma_wait3A_200 : memref<128x128xf32, #tpu.memory_space<hbm>>) dst(%dma_wait3A_197 : memref<128x128xf32, #tpu.memory_space<vmem>>)
      %add3A_201 = arith.constant 1 : i32
      %add3A_202 = arith.addi %while3A_158, %add3A_201 : i32
      %lt3A_203 = arith.cmpi slt, %add3A_202, %select_n3A : i32
      %convert_element_type3A = arith.extui %lt3A_203 : i1 to i32
      %cond3A = arith.constant 0 : i32
      %cond3A_204 = arith.cmpi ne, %convert_element_type3A, %cond3A : i32
      scf.if %cond3A_204 {
        %dma_wait3A_228 = arith.constant 0 : i32
        %dma_wait3A_229 = tpu.memref_slice %arg8[%sub3A_163, %dma_wait3A_228] : memref<2x128xi32, #tpu.memory_space<vmem>> -> memref<1x128xi32, #tpu.memory_space<vmem>>
        %dma_wait3A_230 = tpu.memref_squeeze %dma_wait3A_229 : memref<1x128xi32, #tpu.memory_space<vmem>> -> memref<128xi32, #tpu.memory_space<vmem>>
        %dma_wait3A_231 = arith.constant 0 : i32
        %dma_wait3A_232 = tpu.memref_slice %arg2[%dma_wait3A_231] : memref<80000xi32, #tpu.memory_space<hbm>> -> memref<128xi32, #tpu.memory_space<hbm>>
        %dma_wait3A_233 = tpu.memref_slice %arg14[%sub3A_163] : memref<2x!tpu.dma_semaphore, #tpu.memory_space<semaphore_mem>> -> memref<1x!tpu.dma_semaphore, #tpu.memory_space<semaphore_mem>>
        %dma_wait3A_234 = tpu.memref_squeeze %dma_wait3A_233 : memref<1x!tpu.dma_semaphore, #tpu.memory_space<semaphore_mem>> -> memref<!tpu.dma_semaphore, #tpu.memory_space<semaphore_mem>>
        %dma_wait3A_235 = arith.constant 0 : i32
        %dma_wait3A_236 = tpu.memref_slice %arg8[%sub3A_163, %dma_wait3A_235] : memref<2x128xi32, #tpu.memory_space<vmem>> -> memref<1x128xi32, #tpu.memory_space<vmem>>
        %dma_wait3A_237 = tpu.memref_squeeze %dma_wait3A_236 : memref<1x128xi32, #tpu.memory_space<vmem>> -> memref<128xi32, #tpu.memory_space<vmem>>
        %dma_wait3A_238 = arith.constant 0 : i32
        %dma_wait3A_239 = tpu.memref_slice %arg2[%dma_wait3A_238] : memref<80000xi32, #tpu.memory_space<hbm>> -> memref<128xi32, #tpu.memory_space<hbm>>
        tpu.wait_dma2 semaphore(%dma_wait3A_234 : memref<!tpu.dma_semaphore, #tpu.memory_space<semaphore_mem>>) src(%dma_wait3A_239 : memref<128xi32, #tpu.memory_space<hbm>>) dst(%dma_wait3A_237 : memref<128xi32, #tpu.memory_space<vmem>>)
        %dma_wait3A_240 = arith.constant 0 : i32
        %dma_wait3A_241 = tpu.memref_slice %arg9[%sub3A_163, %dma_wait3A_240] : memref<2x128xi32, #tpu.memory_space<vmem>> -> memref<1x128xi32, #tpu.memory_space<vmem>>
        %dma_wait3A_242 = tpu.memref_squeeze %dma_wait3A_241 : memref<1x128xi32, #tpu.memory_space<vmem>> -> memref<128xi32, #tpu.memory_space<vmem>>
        %dma_wait3A_243 = arith.constant 0 : i32
        %dma_wait3A_244 = tpu.memref_slice %arg3[%dma_wait3A_243] : memref<80000xi32, #tpu.memory_space<hbm>> -> memref<128xi32, #tpu.memory_space<hbm>>
        %dma_wait3A_245 = tpu.memref_slice %arg14[%sub3A_163] : memref<2x!tpu.dma_semaphore, #tpu.memory_space<semaphore_mem>> -> memref<1x!tpu.dma_semaphore, #tpu.memory_space<semaphore_mem>>
        %dma_wait3A_246 = tpu.memref_squeeze %dma_wait3A_245 : memref<1x!tpu.dma_semaphore, #tpu.memory_space<semaphore_mem>> -> memref<!tpu.dma_semaphore, #tpu.memory_space<semaphore_mem>>
        %dma_wait3A_247 = arith.constant 0 : i32
        %dma_wait3A_248 = tpu.memref_slice %arg9[%sub3A_163, %dma_wait3A_247] : memref<2x128xi32, #tpu.memory_space<vmem>> -> memref<1x128xi32, #tpu.memory_space<vmem>>
        %dma_wait3A_249 = tpu.memref_squeeze %dma_wait3A_248 : memref<1x128xi32, #tpu.memory_space<vmem>> -> memref<128xi32, #tpu.memory_space<vmem>>
        %dma_wait3A_250 = arith.constant 0 : i32
        %dma_wait3A_251 = tpu.memref_slice %arg3[%dma_wait3A_250] : memref<80000xi32, #tpu.memory_space<hbm>> -> memref<128xi32, #tpu.memory_space<hbm>>
        tpu.wait_dma2 semaphore(%dma_wait3A_246 : memref<!tpu.dma_semaphore, #tpu.memory_space<semaphore_mem>>) src(%dma_wait3A_251 : memref<128xi32, #tpu.memory_space<hbm>>) dst(%dma_wait3A_249 : memref<128xi32, #tpu.memory_space<vmem>>)
        %ge3A = arith.constant 1 : i32
        %ge3A_252 = arith.cmpi sge, %while3A_158, %ge3A : i32
        %convert_element_type3A_253 = arith.extui %ge3A_252 : i1 to i32
        %cond3A_254 = arith.constant 0 : i32
        %cond3A_255 = arith.cmpi ne, %convert_element_type3A_253, %cond3A_254 : i32
        scf.if %cond3A_255 {
          %mul3A_280 = arith.constant 2 : i32
          %mul3A_281 = arith.muli %arg1, %mul3A_280 : i32
          %add3A_282 = arith.constant 0 : i32
          %add3A_283 = arith.addi %mul3A_281, %add3A_282 : i32
          %mul3A_284 = arith.constant 128 : i32
          %mul3A_285 = arith.muli %add3A_283, %mul3A_284 : i32
          %dma_wait3A_286 = tpu.memref_slice %arg17[%sub3A_163] : memref<2x!tpu.dma_semaphore, #tpu.memory_space<semaphore_mem>> -> memref<1x!tpu.dma_semaphore, #tpu.memory_space<semaphore_mem>>
          %dma_wait3A_287 = tpu.memref_squeeze %dma_wait3A_286 : memref<1x!tpu.dma_semaphore, #tpu.memory_space<semaphore_mem>> -> memref<!tpu.dma_semaphore, #tpu.memory_space<semaphore_mem>>
          %dma_wait3A_288 = arith.constant 0 : i32
          %dma_wait3A_289 = arith.constant 0 : i32
          %dma_wait3A_290 = tpu.memref_slice %arg7[%dma_wait3A_288, %dma_wait3A_289] : memref<80000x128xf32, #tpu.memory_space<hbm>> -> memref<128x128xf32, #tpu.memory_space<hbm>>
          %dma_wait3A_291 = arith.constant 0 : i32
          %dma_wait3A_292 = tpu.memref_slice %arg13[%mul3A_285, %dma_wait3A_291] : memref<4096x128xf32, #tpu.memory_space<vmem_shared>> -> memref<128x128xf32, #tpu.memory_space<vmem_shared>>
          tpu.wait_dma2 semaphore(%dma_wait3A_287 : memref<!tpu.dma_semaphore, #tpu.memory_space<semaphore_mem>>) src(%dma_wait3A_292 : memref<128x128xf32, #tpu.memory_space<vmem_shared>>) dst(%dma_wait3A_290 : memref<128x128xf32, #tpu.memory_space<hbm>>)
        } else {
        }
        %dma_start3A_256 = arith.constant 0 : i32
        %dma_start3A_257 = arith.constant 0 : i32
        %dma_start3A_258 = tpu.memref_slice %arg11[%sub3A_163, %dma_start3A_256, %dma_start3A_257] : memref<2x128x128xf32, #tpu.memory_space<vmem>> -> memref<1x128x128xf32, #tpu.memory_space<vmem>>
        %dma_start3A_259 = tpu.memref_squeeze %dma_start3A_258 : memref<1x128x128xf32, #tpu.memory_space<vmem>> -> memref<128x128xf32, #tpu.memory_space<vmem>>
        %dma_start3A_260 = arith.constant 0 : i32
        %dma_start3A_261 = tpu.memref_slice %arg8[%sub3A_163, %dma_start3A_260] : memref<2x128xi32, #tpu.memory_space<vmem>> -> memref<1x128xi32, #tpu.memory_space<vmem>>
        %dma_start3A_262 = tpu.memref_squeeze %dma_start3A_261 : memref<1x128xi32, #tpu.memory_space<vmem>> -> memref<128xi32, #tpu.memory_space<vmem>>
        %dma_start3A_263 = arith.constant 0 : i32
        %dma_start3A_264 = arith.constant 0 : i32
        %dma_start3A_265 = tpu.memref_slice %arg5[%dma_start3A_263, %dma_start3A_264] : memref<10000x128xf32, #tpu.memory_space<hbm>> -> memref<10000x128xf32, #tpu.memory_space<hbm>>
        %dma_start3A_266 = tpu.memref_slice %arg15[%sub3A_163] : memref<2x!tpu.dma_semaphore, #tpu.memory_space<semaphore_mem>> -> memref<1x!tpu.dma_semaphore, #tpu.memory_space<semaphore_mem>>
        %dma_start3A_267 = tpu.memref_squeeze %dma_start3A_266 : memref<1x!tpu.dma_semaphore, #tpu.memory_space<semaphore_mem>> -> memref<!tpu.dma_semaphore, #tpu.memory_space<semaphore_mem>>
        tpu.enqueue_indirect_dma source(%dma_start3A_265 : memref<10000x128xf32, #tpu.memory_space<hbm>>) target(%dma_start3A_259 : memref<128x128xf32, #tpu.memory_space<vmem>>) offsets(%dma_start3A_262 : memref<128xi32, #tpu.memory_space<vmem>>) semaphore(%dma_start3A_267 : memref<!tpu.dma_semaphore, #tpu.memory_space<semaphore_mem>>)
        %dma_start3A_268 = arith.constant 0 : i32
        %dma_start3A_269 = arith.constant 0 : i32
        %dma_start3A_270 = tpu.memref_slice %arg12[%sub3A_163, %dma_start3A_268, %dma_start3A_269] : memref<2x128x128xf32, #tpu.memory_space<vmem>> -> memref<1x128x128xf32, #tpu.memory_space<vmem>>
        %dma_start3A_271 = tpu.memref_squeeze %dma_start3A_270 : memref<1x128x128xf32, #tpu.memory_space<vmem>> -> memref<128x128xf32, #tpu.memory_space<vmem>>
        %dma_start3A_272 = arith.constant 0 : i32
        %dma_start3A_273 = tpu.memref_slice %arg9[%sub3A_163, %dma_start3A_272] : memref<2x128xi32, #tpu.memory_space<vmem>> -> memref<1x128xi32, #tpu.memory_space<vmem>>
        %dma_start3A_274 = tpu.memref_squeeze %dma_start3A_273 : memref<1x128xi32, #tpu.memory_space<vmem>> -> memref<128xi32, #tpu.memory_space<vmem>>
        %dma_start3A_275 = arith.constant 0 : i32
        %dma_start3A_276 = arith.constant 0 : i32
        %dma_start3A_277 = tpu.memref_slice %arg6[%dma_start3A_275, %dma_start3A_276] : memref<10000x128xf32, #tpu.memory_space<hbm>> -> memref<10000x128xf32, #tpu.memory_space<hbm>>
        %dma_start3A_278 = tpu.memref_slice %arg16[%sub3A_163] : memref<2x!tpu.dma_semaphore, #tpu.memory_space<semaphore_mem>> -> memref<1x!tpu.dma_semaphore, #tpu.memory_space<semaphore_mem>>
        %dma_start3A_279 = tpu.memref_squeeze %dma_start3A_278 : memref<1x!tpu.dma_semaphore, #tpu.memory_space<semaphore_mem>> -> memref<!tpu.dma_semaphore, #tpu.memory_space<semaphore_mem>>
        tpu.enqueue_indirect_dma source(%dma_start3A_277 : memref<10000x128xf32, #tpu.memory_space<hbm>>) target(%dma_start3A_271 : memref<128x128xf32, #tpu.memory_space<vmem>>) offsets(%dma_start3A_274 : memref<128xi32, #tpu.memory_space<vmem>>) semaphore(%dma_start3A_279 : memref<!tpu.dma_semaphore, #tpu.memory_space<semaphore_mem>>)
      } else {
      }
      %mul3A_205 = arith.constant 2 : i32
      %mul3A_206 = arith.muli %arg1, %mul3A_205 : i32
      %add3A_207 = arith.addi %mul3A_206, %rem3A_161 : i32
      %mul3A_208 = arith.constant 128 : i32
      %mul3A_209 = arith.muli %add3A_207, %mul3A_208 : i32
      "tpu.region"() ({
        %run_scoped3A = tpu.sem_alloc : memref<!tpu.dma_semaphore, #tpu.memory_space<semaphore_mem>>
        %dma_start3A_228 = arith.constant 0 : i32
        %dma_start3A_229 = arith.constant 0 : i32
        %dma_start3A_230 = tpu.memref_slice %arg11[%rem3A_161, %dma_start3A_228, %dma_start3A_229] : memref<2x128x128xf32, #tpu.memory_space<vmem>> -> memref<1x128x128xf32, #tpu.memory_space<vmem>>
        %dma_start3A_231 = tpu.memref_squeeze %dma_start3A_230 : memref<1x128x128xf32, #tpu.memory_space<vmem>> -> memref<128x128xf32, #tpu.memory_space<vmem>>
        %dma_start3A_232 = arith.constant 0 : i32
        %dma_start3A_233 = tpu.memref_slice %arg13[%mul3A_209, %dma_start3A_232] : memref<4096x128xf32, #tpu.memory_space<vmem_shared>> -> memref<128x128xf32, #tpu.memory_space<vmem_shared>>
        %dma_start3A_234 = arith.constant 0 : i32
        %dma_start3A_235 = tpu.memref_slice %arg13[%mul3A_209, %dma_start3A_234] : memref<4096x128xf32, #tpu.memory_space<vmem_shared>> -> memref<128x128xf32, #tpu.memory_space<vmem_shared>>
        %dma_start3A_236 = arith.constant 0 : i32
        %dma_start3A_237 = arith.constant 0 : i32
        %dma_start3A_238 = tpu.memref_slice %arg11[%rem3A_161, %dma_start3A_236, %dma_start3A_237] : memref<2x128x128xf32, #tpu.memory_space<vmem>> -> memref<1x128x128xf32, #tpu.memory_space<vmem>>
        %dma_start3A_239 = tpu.memref_squeeze %dma_start3A_238 : memref<1x128x128xf32, #tpu.memory_space<vmem>> -> memref<128x128xf32, #tpu.memory_space<vmem>>
        tpu.enqueue_dma source(%dma_start3A_239 : memref<128x128xf32, #tpu.memory_space<vmem>>) target(%dma_start3A_235 : memref<128x128xf32, #tpu.memory_space<vmem_shared>>) target_semaphore(%run_scoped3A : memref<!tpu.dma_semaphore, #tpu.memory_space<semaphore_mem>>)
        %dma_wait3A_240 = arith.constant 0 : i32
        %dma_wait3A_241 = arith.constant 0 : i32
        %dma_wait3A_242 = tpu.memref_slice %arg11[%rem3A_161, %dma_wait3A_240, %dma_wait3A_241] : memref<2x128x128xf32, #tpu.memory_space<vmem>> -> memref<1x128x128xf32, #tpu.memory_space<vmem>>
        %dma_wait3A_243 = tpu.memref_squeeze %dma_wait3A_242 : memref<1x128x128xf32, #tpu.memory_space<vmem>> -> memref<128x128xf32, #tpu.memory_space<vmem>>
        %dma_wait3A_244 = arith.constant 0 : i32
        %dma_wait3A_245 = tpu.memref_slice %arg13[%mul3A_209, %dma_wait3A_244] : memref<4096x128xf32, #tpu.memory_space<vmem_shared>> -> memref<128x128xf32, #tpu.memory_space<vmem_shared>>
        %dma_wait3A_246 = arith.constant 0 : i32
        %dma_wait3A_247 = tpu.memref_slice %arg13[%mul3A_209, %dma_wait3A_246] : memref<4096x128xf32, #tpu.memory_space<vmem_shared>> -> memref<128x128xf32, #tpu.memory_space<vmem_shared>>
        %dma_wait3A_248 = arith.constant 0 : i32
        %dma_wait3A_249 = arith.constant 0 : i32
        %dma_wait3A_250 = tpu.memref_slice %arg11[%rem3A_161, %dma_wait3A_248, %dma_wait3A_249] : memref<2x128x128xf32, #tpu.memory_space<vmem>> -> memref<1x128x128xf32, #tpu.memory_space<vmem>>
        %dma_wait3A_251 = tpu.memref_squeeze %dma_wait3A_250 : memref<1x128x128xf32, #tpu.memory_space<vmem>> -> memref<128x128xf32, #tpu.memory_space<vmem>>
        tpu.wait_dma2 semaphore(%run_scoped3A : memref<!tpu.dma_semaphore, #tpu.memory_space<semaphore_mem>>) src(%dma_wait3A_251 : memref<128x128xf32, #tpu.memory_space<vmem>>) dst(%dma_wait3A_247 : memref<128x128xf32, #tpu.memory_space<vmem_shared>>)
        tpu.yield
      }) : () -> ()
      "tpu.region"() ({
        %run_scoped3A = tpu.sem_alloc : memref<!tpu.dma_semaphore, #tpu.memory_space<semaphore_mem>>
        %dma_start3A_228 = arith.constant 0 : i32
        %dma_start3A_229 = arith.constant 0 : i32
        %dma_start3A_230 = tpu.memref_slice %arg12[%rem3A_161, %dma_start3A_228, %dma_start3A_229] : memref<2x128x128xf32, #tpu.memory_space<vmem>> -> memref<1x128x128xf32, #tpu.memory_space<vmem>>
        %dma_start3A_231 = tpu.memref_squeeze %dma_start3A_230 : memref<1x128x128xf32, #tpu.memory_space<vmem>> -> memref<128x128xf32, #tpu.memory_space<vmem>>
        %dma_start3A_232 = arith.constant 0 : i32
        %dma_start3A_233 = tpu.memref_slice %arg10[%rem3A_161, %dma_start3A_232] : memref<2x128xi32, #tpu.memory_space<vmem>> -> memref<1x128xi32, #tpu.memory_space<vmem>>
        %dma_start3A_234 = tpu.memref_squeeze %dma_start3A_233 : memref<1x128xi32, #tpu.memory_space<vmem>> -> memref<128xi32, #tpu.memory_space<vmem>>
        %dma_start3A_235 = arith.constant 0 : i32
        %dma_start3A_236 = arith.constant 0 : i32
        %dma_start3A_237 = tpu.memref_slice %arg13[%dma_start3A_235, %dma_start3A_236] : memref<4096x128xf32, #tpu.memory_space<vmem_shared>> -> memref<4096x128xf32, #tpu.memory_space<vmem_shared>>
        tpu.enqueue_indirect_dma source(%dma_start3A_231 : memref<128x128xf32, #tpu.memory_space<vmem>>) target(%dma_start3A_237 : memref<4096x128xf32, #tpu.memory_space<vmem_shared>>) offsets(%dma_start3A_234 : memref<128xi32, #tpu.memory_space<vmem>>) semaphore(%run_scoped3A : memref<!tpu.dma_semaphore, #tpu.memory_space<semaphore_mem>>) {add = true}
        %dma_wait3A_238 = arith.constant 0 : i32
        %dma_wait3A_239 = arith.constant 0 : i32
        %dma_wait3A_240 = tpu.memref_slice %arg12[%rem3A_161, %dma_wait3A_238, %dma_wait3A_239] : memref<2x128x128xf32, #tpu.memory_space<vmem>> -> memref<1x128x128xf32, #tpu.memory_space<vmem>>
        %dma_wait3A_241 = tpu.memref_squeeze %dma_wait3A_240 : memref<1x128x128xf32, #tpu.memory_space<vmem>> -> memref<128x128xf32, #tpu.memory_space<vmem>>
        %dma_wait3A_242 = arith.constant 0 : i32
        %dma_wait3A_243 = tpu.memref_slice %arg10[%rem3A_161, %dma_wait3A_242] : memref<2x128xi32, #tpu.memory_space<vmem>> -> memref<1x128xi32, #tpu.memory_space<vmem>>
        %dma_wait3A_244 = tpu.memref_squeeze %dma_wait3A_243 : memref<1x128xi32, #tpu.memory_space<vmem>> -> memref<128xi32, #tpu.memory_space<vmem>>
        %dma_wait3A_245 = arith.constant 0 : i32
        %dma_wait3A_246 = arith.constant 0 : i32
        %dma_wait3A_247 = tpu.memref_slice %arg13[%dma_wait3A_245, %dma_wait3A_246] : memref<4096x128xf32, #tpu.memory_space<vmem_shared>> -> memref<4096x128xf32, #tpu.memory_space<vmem_shared>>
        tpu.wait_indirect_dma semaphore(%run_scoped3A : memref<!tpu.dma_semaphore, #tpu.memory_space<semaphore_mem>>) src(%dma_wait3A_241 : memref<128x128xf32, #tpu.memory_space<vmem>>) dst(%dma_wait3A_247 : memref<4096x128xf32, #tpu.memory_space<vmem_shared>>)
        tpu.yield
      }) : () -> ()
      %mul3A_210 = arith.constant 2 : i32
      %mul3A_211 = arith.muli %arg1, %mul3A_210 : i32
      %add3A_212 = arith.addi %mul3A_211, %rem3A_161 : i32
      %mul3A_213 = arith.constant 128 : i32
      %mul3A_214 = arith.muli %add3A_212, %mul3A_213 : i32
      %dma_start3A_215 = tpu.memref_slice %arg17[%rem3A_161] : memref<2x!tpu.dma_semaphore, #tpu.memory_space<semaphore_mem>> -> memref<1x!tpu.dma_semaphore, #tpu.memory_space<semaphore_mem>>
      %dma_start3A_216 = tpu.memref_squeeze %dma_start3A_215 : memref<1x!tpu.dma_semaphore, #tpu.memory_space<semaphore_mem>> -> memref<!tpu.dma_semaphore, #tpu.memory_space<semaphore_mem>>
      %dma_start3A_217 = arith.constant 0 : i32
      %dma_start3A_218 = tpu.memref_slice %arg7[%mul3A_168, %dma_start3A_217] : memref<80000x128xf32, #tpu.memory_space<hbm>> -> memref<128x128xf32, #tpu.memory_space<hbm>>
      %dma_start3A_219 = arith.constant 0 : i32
      %dma_start3A_220 = tpu.memref_slice %arg13[%mul3A_214, %dma_start3A_219] : memref<4096x128xf32, #tpu.memory_space<vmem_shared>> -> memref<128x128xf32, #tpu.memory_space<vmem_shared>>
      tpu.enqueue_dma source(%dma_start3A_220 : memref<128x128xf32, #tpu.memory_space<vmem_shared>>) target(%dma_start3A_218 : memref<128x128xf32, #tpu.memory_space<hbm>>) target_semaphore(%dma_start3A_216 : memref<!tpu.dma_semaphore, #tpu.memory_space<semaphore_mem>>)
      %add3A_221 = arith.constant 2 : i32
      %add3A_222 = arith.addi %while3A_158, %add3A_221 : i32
      %lt3A_223 = arith.cmpi slt, %add3A_222, %select_n3A : i32
      %convert_element_type3A_224 = arith.extui %lt3A_223 : i1 to i32
      %cond3A_225 = arith.constant 0 : i32
      %cond3A_226 = arith.cmpi ne, %convert_element_type3A_224, %cond3A_225 : i32
      scf.if %cond3A_226 {
        %add3A_228 = arith.constant 2 : i32
        %add3A_229 = arith.addi %while3A_158, %add3A_228 : i32
        %mul3A_230 = arith.constant 32 : i32
        %mul3A_231 = arith.muli %add3A_229, %mul3A_230 : i32
        %add3A_232 = arith.addi %add3A, %mul3A_231 : i32
        %mul3A_233 = arith.constant 128 : i32
        %mul3A_234 = arith.muli %add3A_232, %mul3A_233 : i32
        %dma_start3A_235 = arith.constant 0 : i32
        %dma_start3A_236 = tpu.memref_slice %arg8[%rem3A_161, %dma_start3A_235] : memref<2x128xi32, #tpu.memory_space<vmem>> -> memref<1x128xi32, #tpu.memory_space<vmem>>
        %dma_start3A_237 = tpu.memref_squeeze %dma_start3A_236 : memref<1x128xi32, #tpu.memory_space<vmem>> -> memref<128xi32, #tpu.memory_space<vmem>>
        %dma_start3A_238 = tpu.memref_slice %arg2[%mul3A_234] : memref<80000xi32, #tpu.memory_space<hbm>> -> memref<128xi32, #tpu.memory_space<hbm>>
        %dma_start3A_239 = tpu.memref_slice %arg14[%rem3A_161] : memref<2x!tpu.dma_semaphore, #tpu.memory_space<semaphore_mem>> -> memref<1x!tpu.dma_semaphore, #tpu.memory_space<semaphore_mem>>
        %dma_start3A_240 = tpu.memref_squeeze %dma_start3A_239 : memref<1x!tpu.dma_semaphore, #tpu.memory_space<semaphore_mem>> -> memref<!tpu.dma_semaphore, #tpu.memory_space<semaphore_mem>>
        %dma_start3A_241 = arith.constant 0 : i32
        %dma_start3A_242 = tpu.memref_slice %arg8[%rem3A_161, %dma_start3A_241] : memref<2x128xi32, #tpu.memory_space<vmem>> -> memref<1x128xi32, #tpu.memory_space<vmem>>
        %dma_start3A_243 = tpu.memref_squeeze %dma_start3A_242 : memref<1x128xi32, #tpu.memory_space<vmem>> -> memref<128xi32, #tpu.memory_space<vmem>>
        %dma_start3A_244 = tpu.memref_slice %arg2[%mul3A_234] : memref<80000xi32, #tpu.memory_space<hbm>> -> memref<128xi32, #tpu.memory_space<hbm>>
        tpu.enqueue_dma source(%dma_start3A_244 : memref<128xi32, #tpu.memory_space<hbm>>) target(%dma_start3A_243 : memref<128xi32, #tpu.memory_space<vmem>>) target_semaphore(%dma_start3A_240 : memref<!tpu.dma_semaphore, #tpu.memory_space<semaphore_mem>>)
        %dma_start3A_245 = arith.constant 0 : i32
        %dma_start3A_246 = tpu.memref_slice %arg9[%rem3A_161, %dma_start3A_245] : memref<2x128xi32, #tpu.memory_space<vmem>> -> memref<1x128xi32, #tpu.memory_space<vmem>>
        %dma_start3A_247 = tpu.memref_squeeze %dma_start3A_246 : memref<1x128xi32, #tpu.memory_space<vmem>> -> memref<128xi32, #tpu.memory_space<vmem>>
        %dma_start3A_248 = tpu.memref_slice %arg3[%mul3A_234] : memref<80000xi32, #tpu.memory_space<hbm>> -> memref<128xi32, #tpu.memory_space<hbm>>
        %dma_start3A_249 = tpu.memref_slice %arg14[%rem3A_161] : memref<2x!tpu.dma_semaphore, #tpu.memory_space<semaphore_mem>> -> memref<1x!tpu.dma_semaphore, #tpu.memory_space<semaphore_mem>>
        %dma_start3A_250 = tpu.memref_squeeze %dma_start3A_249 : memref<1x!tpu.dma_semaphore, #tpu.memory_space<semaphore_mem>> -> memref<!tpu.dma_semaphore, #tpu.memory_space<semaphore_mem>>
        %dma_start3A_251 = arith.constant 0 : i32
        %dma_start3A_252 = tpu.memref_slice %arg9[%rem3A_161, %dma_start3A_251] : memref<2x128xi32, #tpu.memory_space<vmem>> -> memref<1x128xi32, #tpu.memory_space<vmem>>
        %dma_start3A_253 = tpu.memref_squeeze %dma_start3A_252 : memref<1x128xi32, #tpu.memory_space<vmem>> -> memref<128xi32, #tpu.memory_space<vmem>>
        %dma_start3A_254 = tpu.memref_slice %arg3[%mul3A_234] : memref<80000xi32, #tpu.memory_space<hbm>> -> memref<128xi32, #tpu.memory_space<hbm>>
        tpu.enqueue_dma source(%dma_start3A_254 : memref<128xi32, #tpu.memory_space<hbm>>) target(%dma_start3A_253 : memref<128xi32, #tpu.memory_space<vmem>>) target_semaphore(%dma_start3A_250 : memref<!tpu.dma_semaphore, #tpu.memory_space<semaphore_mem>>)
      } else {
      }
      %while3A_227 = arith.constant 0 : i32
      scf.yield %while3A_227 : i32
    }
    %while3A_126 = arith.constant 1 : i32
    %while3A_127 = scf.for %while3A_158 = %while3A_123 to %while3A_119 step %while3A_126 iter_args(%while3A_159 = %while3A_125) -> (i32)  : i32 {
      %rem3A_160 = arith.constant 2 : i32
      %rem3A_161 = arith.remsi %while3A_158, %rem3A_160 : i32
      %sub3A_162 = arith.constant 1 : i32
      %sub3A_163 = arith.subi %sub3A_162, %rem3A_161 : i32
      %mul3A_164 = arith.constant 32 : i32
      %mul3A_165 = arith.muli %while3A_158, %mul3A_164 : i32
      %add3A_166 = arith.addi %add3A, %mul3A_165 : i32
      %mul3A_167 = arith.constant 128 : i32
      %mul3A_168 = arith.muli %add3A_166, %mul3A_167 : i32
      %dma_wait3A_169 = arith.constant 0 : i32
      %dma_wait3A_170 = arith.constant 0 : i32
      %dma_wait3A_171 = tpu.memref_slice %arg11[%rem3A_161, %dma_wait3A_169, %dma_wait3A_170] : memref<2x128x128xf32, #tpu.memory_space<vmem>> -> memref<1x128x128xf32, #tpu.memory_space<vmem>>
      %dma_wait3A_172 = tpu.memref_squeeze %dma_wait3A_171 : memref<1x128x128xf32, #tpu.memory_space<vmem>> -> memref<128x128xf32, #tpu.memory_space<vmem>>
      %dma_wait3A_173 = arith.constant 0 : i32
      %dma_wait3A_174 = arith.constant 0 : i32
      %dma_wait3A_175 = tpu.memref_slice %arg5[%dma_wait3A_173, %dma_wait3A_174] : memref<10000x128xf32, #tpu.memory_space<hbm>> -> memref<128x128xf32, #tpu.memory_space<hbm>>
      %dma_wait3A_176 = tpu.memref_slice %arg15[%rem3A_161] : memref<2x!tpu.dma_semaphore, #tpu.memory_space<semaphore_mem>> -> memref<1x!tpu.dma_semaphore, #tpu.memory_space<semaphore_mem>>
      %dma_wait3A_177 = tpu.memref_squeeze %dma_wait3A_176 : memref<1x!tpu.dma_semaphore, #tpu.memory_space<semaphore_mem>> -> memref<!tpu.dma_semaphore, #tpu.memory_space<semaphore_mem>>
      %dma_wait3A_178 = arith.constant 0 : i32
      %dma_wait3A_179 = arith.constant 0 : i32
      %dma_wait3A_180 = tpu.memref_slice %arg11[%rem3A_161, %dma_wait3A_178, %dma_wait3A_179] : memref<2x128x128xf32, #tpu.memory_space<vmem>> -> memref<1x128x128xf32, #tpu.memory_space<vmem>>
      %dma_wait3A_181 = tpu.memref_squeeze %dma_wait3A_180 : memref<1x128x128xf32, #tpu.memory_space<vmem>> -> memref<128x128xf32, #tpu.memory_space<vmem>>
      %dma_wait3A_182 = arith.constant 0 : i32
      %dma_wait3A_183 = arith.constant 0 : i32
      %dma_wait3A_184 = tpu.memref_slice %arg5[%dma_wait3A_182, %dma_wait3A_183] : memref<10000x128xf32, #tpu.memory_space<hbm>> -> memref<128x128xf32, #tpu.memory_space<hbm>>
      tpu.wait_dma2 semaphore(%dma_wait3A_177 : memref<!tpu.dma_semaphore, #tpu.memory_space<semaphore_mem>>) src(%dma_wait3A_184 : memref<128x128xf32, #tpu.memory_space<hbm>>) dst(%dma_wait3A_181 : memref<128x128xf32, #tpu.memory_space<vmem>>)
      %dma_wait3A_185 = arith.constant 0 : i32
      %dma_wait3A_186 = arith.constant 0 : i32
      %dma_wait3A_187 = tpu.memref_slice %arg12[%rem3A_161, %dma_wait3A_185, %dma_wait3A_186] : memref<2x128x128xf32, #tpu.memory_space<vmem>> -> memref<1x128x128xf32, #tpu.memory_space<vmem>>
      %dma_wait3A_188 = tpu.memref_squeeze %dma_wait3A_187 : memref<1x128x128xf32, #tpu.memory_space<vmem>> -> memref<128x128xf32, #tpu.memory_space<vmem>>
      %dma_wait3A_189 = arith.constant 0 : i32
      %dma_wait3A_190 = arith.constant 0 : i32
      %dma_wait3A_191 = tpu.memref_slice %arg6[%dma_wait3A_189, %dma_wait3A_190] : memref<10000x128xf32, #tpu.memory_space<hbm>> -> memref<128x128xf32, #tpu.memory_space<hbm>>
      %dma_wait3A_192 = tpu.memref_slice %arg16[%rem3A_161] : memref<2x!tpu.dma_semaphore, #tpu.memory_space<semaphore_mem>> -> memref<1x!tpu.dma_semaphore, #tpu.memory_space<semaphore_mem>>
      %dma_wait3A_193 = tpu.memref_squeeze %dma_wait3A_192 : memref<1x!tpu.dma_semaphore, #tpu.memory_space<semaphore_mem>> -> memref<!tpu.dma_semaphore, #tpu.memory_space<semaphore_mem>>
      %dma_wait3A_194 = arith.constant 0 : i32
      %dma_wait3A_195 = arith.constant 0 : i32
      %dma_wait3A_196 = tpu.memref_slice %arg12[%rem3A_161, %dma_wait3A_194, %dma_wait3A_195] : memref<2x128x128xf32, #tpu.memory_space<vmem>> -> memref<1x128x128xf32, #tpu.memory_space<vmem>>
      %dma_wait3A_197 = tpu.memref_squeeze %dma_wait3A_196 : memref<1x128x128xf32, #tpu.memory_space<vmem>> -> memref<128x128xf32, #tpu.memory_space<vmem>>
      %dma_wait3A_198 = arith.constant 0 : i32
      %dma_wait3A_199 = arith.constant 0 : i32
      %dma_wait3A_200 = tpu.memref_slice %arg6[%dma_wait3A_198, %dma_wait3A_199] : memref<10000x128xf32, #tpu.memory_space<hbm>> -> memref<128x128xf32, #tpu.memory_space<hbm>>
      tpu.wait_dma2 semaphore(%dma_wait3A_193 : memref<!tpu.dma_semaphore, #tpu.memory_space<semaphore_mem>>) src(%dma_wait3A_200 : memref<128x128xf32, #tpu.memory_space<hbm>>) dst(%dma_wait3A_197 : memref<128x128xf32, #tpu.memory_space<vmem>>)
      %add3A_201 = arith.constant 1 : i32
      %add3A_202 = arith.addi %while3A_158, %add3A_201 : i32
      %lt3A_203 = arith.cmpi slt, %add3A_202, %select_n3A : i32
      %convert_element_type3A = arith.extui %lt3A_203 : i1 to i32
      %cond3A = arith.constant 0 : i32
      %cond3A_204 = arith.cmpi ne, %convert_element_type3A, %cond3A : i32
      scf.if %cond3A_204 {
        %dma_wait3A_228 = arith.constant 0 : i32
        %dma_wait3A_229 = tpu.memref_slice %arg8[%sub3A_163, %dma_wait3A_228] : memref<2x128xi32, #tpu.memory_space<vmem>> -> memref<1x128xi32, #tpu.memory_space<vmem>>
        %dma_wait3A_230 = tpu.memref_squeeze %dma_wait3A_229 : memref<1x128xi32, #tpu.memory_space<vmem>> -> memref<128xi32, #tpu.memory_space<vmem>>
        %dma_wait3A_231 = arith.constant 0 : i32
        %dma_wait3A_232 = tpu.memref_slice %arg2[%dma_wait3A_231] : memref<80000xi32, #tpu.memory_space<hbm>> -> memref<128xi32, #tpu.memory_space<hbm>>
        %dma_wait3A_233 = tpu.memref_slice %arg14[%sub3A_163] : memref<2x!tpu.dma_semaphore, #tpu.memory_space<semaphore_mem>> -> memref<1x!tpu.dma_semaphore, #tpu.memory_space<semaphore_mem>>
        %dma_wait3A_234 = tpu.memref_squeeze %dma_wait3A_233 : memref<1x!tpu.dma_semaphore, #tpu.memory_space<semaphore_mem>> -> memref<!tpu.dma_semaphore, #tpu.memory_space<semaphore_mem>>
        %dma_wait3A_235 = arith.constant 0 : i32
        %dma_wait3A_236 = tpu.memref_slice %arg8[%sub3A_163, %dma_wait3A_235] : memref<2x128xi32, #tpu.memory_space<vmem>> -> memref<1x128xi32, #tpu.memory_space<vmem>>
        %dma_wait3A_237 = tpu.memref_squeeze %dma_wait3A_236 : memref<1x128xi32, #tpu.memory_space<vmem>> -> memref<128xi32, #tpu.memory_space<vmem>>
        %dma_wait3A_238 = arith.constant 0 : i32
        %dma_wait3A_239 = tpu.memref_slice %arg2[%dma_wait3A_238] : memref<80000xi32, #tpu.memory_space<hbm>> -> memref<128xi32, #tpu.memory_space<hbm>>
        tpu.wait_dma2 semaphore(%dma_wait3A_234 : memref<!tpu.dma_semaphore, #tpu.memory_space<semaphore_mem>>) src(%dma_wait3A_239 : memref<128xi32, #tpu.memory_space<hbm>>) dst(%dma_wait3A_237 : memref<128xi32, #tpu.memory_space<vmem>>)
        %dma_wait3A_240 = arith.constant 0 : i32
        %dma_wait3A_241 = tpu.memref_slice %arg9[%sub3A_163, %dma_wait3A_240] : memref<2x128xi32, #tpu.memory_space<vmem>> -> memref<1x128xi32, #tpu.memory_space<vmem>>
        %dma_wait3A_242 = tpu.memref_squeeze %dma_wait3A_241 : memref<1x128xi32, #tpu.memory_space<vmem>> -> memref<128xi32, #tpu.memory_space<vmem>>
        %dma_wait3A_243 = arith.constant 0 : i32
        %dma_wait3A_244 = tpu.memref_slice %arg3[%dma_wait3A_243] : memref<80000xi32, #tpu.memory_space<hbm>> -> memref<128xi32, #tpu.memory_space<hbm>>
        %dma_wait3A_245 = tpu.memref_slice %arg14[%sub3A_163] : memref<2x!tpu.dma_semaphore, #tpu.memory_space<semaphore_mem>> -> memref<1x!tpu.dma_semaphore, #tpu.memory_space<semaphore_mem>>
        %dma_wait3A_246 = tpu.memref_squeeze %dma_wait3A_245 : memref<1x!tpu.dma_semaphore, #tpu.memory_space<semaphore_mem>> -> memref<!tpu.dma_semaphore, #tpu.memory_space<semaphore_mem>>
        %dma_wait3A_247 = arith.constant 0 : i32
        %dma_wait3A_248 = tpu.memref_slice %arg9[%sub3A_163, %dma_wait3A_247] : memref<2x128xi32, #tpu.memory_space<vmem>> -> memref<1x128xi32, #tpu.memory_space<vmem>>
        %dma_wait3A_249 = tpu.memref_squeeze %dma_wait3A_248 : memref<1x128xi32, #tpu.memory_space<vmem>> -> memref<128xi32, #tpu.memory_space<vmem>>
        %dma_wait3A_250 = arith.constant 0 : i32
        %dma_wait3A_251 = tpu.memref_slice %arg3[%dma_wait3A_250] : memref<80000xi32, #tpu.memory_space<hbm>> -> memref<128xi32, #tpu.memory_space<hbm>>
        tpu.wait_dma2 semaphore(%dma_wait3A_246 : memref<!tpu.dma_semaphore, #tpu.memory_space<semaphore_mem>>) src(%dma_wait3A_251 : memref<128xi32, #tpu.memory_space<hbm>>) dst(%dma_wait3A_249 : memref<128xi32, #tpu.memory_space<vmem>>)
        %ge3A = arith.constant 1 : i32
        %ge3A_252 = arith.cmpi sge, %while3A_158, %ge3A : i32
        %convert_element_type3A_253 = arith.extui %ge3A_252 : i1 to i32
        %cond3A_254 = arith.constant 0 : i32
        %cond3A_255 = arith.cmpi ne, %convert_element_type3A_253, %cond3A_254 : i32
        scf.if %cond3A_255 {
          %mul3A_280 = arith.constant 2 : i32
          %mul3A_281 = arith.muli %arg1, %mul3A_280 : i32
          %add3A_282 = arith.constant 0 : i32
          %add3A_283 = arith.addi %mul3A_281, %add3A_282 : i32
          %mul3A_284 = arith.constant 128 : i32
          %mul3A_285 = arith.muli %add3A_283, %mul3A_284 : i32
          %dma_wait3A_286 = tpu.memref_slice %arg17[%sub3A_163] : memref<2x!tpu.dma_semaphore, #tpu.memory_space<semaphore_mem>> -> memref<1x!tpu.dma_semaphore, #tpu.memory_space<semaphore_mem>>
          %dma_wait3A_287 = tpu.memref_squeeze %dma_wait3A_286 : memref<1x!tpu.dma_semaphore, #tpu.memory_space<semaphore_mem>> -> memref<!tpu.dma_semaphore, #tpu.memory_space<semaphore_mem>>
          %dma_wait3A_288 = arith.constant 0 : i32
          %dma_wait3A_289 = arith.constant 0 : i32
          %dma_wait3A_290 = tpu.memref_slice %arg7[%dma_wait3A_288, %dma_wait3A_289] : memref<80000x128xf32, #tpu.memory_space<hbm>> -> memref<128x128xf32, #tpu.memory_space<hbm>>
          %dma_wait3A_291 = arith.constant 0 : i32
          %dma_wait3A_292 = tpu.memref_slice %arg13[%mul3A_285, %dma_wait3A_291] : memref<4096x128xf32, #tpu.memory_space<vmem_shared>> -> memref<128x128xf32, #tpu.memory_space<vmem_shared>>
          tpu.wait_dma2 semaphore(%dma_wait3A_287 : memref<!tpu.dma_semaphore, #tpu.memory_space<semaphore_mem>>) src(%dma_wait3A_292 : memref<128x128xf32, #tpu.memory_space<vmem_shared>>) dst(%dma_wait3A_290 : memref<128x128xf32, #tpu.memory_space<hbm>>)
        } else {
        }
        %dma_start3A_256 = arith.constant 0 : i32
        %dma_start3A_257 = arith.constant 0 : i32
        %dma_start3A_258 = tpu.memref_slice %arg11[%sub3A_163, %dma_start3A_256, %dma_start3A_257] : memref<2x128x128xf32, #tpu.memory_space<vmem>> -> memref<1x128x128xf32, #tpu.memory_space<vmem>>
        %dma_start3A_259 = tpu.memref_squeeze %dma_start3A_258 : memref<1x128x128xf32, #tpu.memory_space<vmem>> -> memref<128x128xf32, #tpu.memory_space<vmem>>
        %dma_start3A_260 = arith.constant 0 : i32
        %dma_start3A_261 = tpu.memref_slice %arg8[%sub3A_163, %dma_start3A_260] : memref<2x128xi32, #tpu.memory_space<vmem>> -> memref<1x128xi32, #tpu.memory_space<vmem>>
        %dma_start3A_262 = tpu.memref_squeeze %dma_start3A_261 : memref<1x128xi32, #tpu.memory_space<vmem>> -> memref<128xi32, #tpu.memory_space<vmem>>
        %dma_start3A_263 = arith.constant 0 : i32
        %dma_start3A_264 = arith.constant 0 : i32
        %dma_start3A_265 = tpu.memref_slice %arg5[%dma_start3A_263, %dma_start3A_264] : memref<10000x128xf32, #tpu.memory_space<hbm>> -> memref<10000x128xf32, #tpu.memory_space<hbm>>
        %dma_start3A_266 = tpu.memref_slice %arg15[%sub3A_163] : memref<2x!tpu.dma_semaphore, #tpu.memory_space<semaphore_mem>> -> memref<1x!tpu.dma_semaphore, #tpu.memory_space<semaphore_mem>>
        %dma_start3A_267 = tpu.memref_squeeze %dma_start3A_266 : memref<1x!tpu.dma_semaphore, #tpu.memory_space<semaphore_mem>> -> memref<!tpu.dma_semaphore, #tpu.memory_space<semaphore_mem>>
        tpu.enqueue_indirect_dma source(%dma_start3A_265 : memref<10000x128xf32, #tpu.memory_space<hbm>>) target(%dma_start3A_259 : memref<128x128xf32, #tpu.memory_space<vmem>>) offsets(%dma_start3A_262 : memref<128xi32, #tpu.memory_space<vmem>>) semaphore(%dma_start3A_267 : memref<!tpu.dma_semaphore, #tpu.memory_space<semaphore_mem>>)
        %dma_start3A_268 = arith.constant 0 : i32
        %dma_start3A_269 = arith.constant 0 : i32
        %dma_start3A_270 = tpu.memref_slice %arg12[%sub3A_163, %dma_start3A_268, %dma_start3A_269] : memref<2x128x128xf32, #tpu.memory_space<vmem>> -> memref<1x128x128xf32, #tpu.memory_space<vmem>>
        %dma_start3A_271 = tpu.memref_squeeze %dma_start3A_270 : memref<1x128x128xf32, #tpu.memory_space<vmem>> -> memref<128x128xf32, #tpu.memory_space<vmem>>
        %dma_start3A_272 = arith.constant 0 : i32
        %dma_start3A_273 = tpu.memref_slice %arg9[%sub3A_163, %dma_start3A_272] : memref<2x128xi32, #tpu.memory_space<vmem>> -> memref<1x128xi32, #tpu.memory_space<vmem>>
        %dma_start3A_274 = tpu.memref_squeeze %dma_start3A_273 : memref<1x128xi32, #tpu.memory_space<vmem>> -> memref<128xi32, #tpu.memory_space<vmem>>
        %dma_start3A_275 = arith.constant 0 : i32
        %dma_start3A_276 = arith.constant 0 : i32
        %dma_start3A_277 = tpu.memref_slice %arg6[%dma_start3A_275, %dma_start3A_276] : memref<10000x128xf32, #tpu.memory_space<hbm>> -> memref<10000x128xf32, #tpu.memory_space<hbm>>
        %dma_start3A_278 = tpu.memref_slice %arg16[%sub3A_163] : memref<2x!tpu.dma_semaphore, #tpu.memory_space<semaphore_mem>> -> memref<1x!tpu.dma_semaphore, #tpu.memory_space<semaphore_mem>>
        %dma_start3A_279 = tpu.memref_squeeze %dma_start3A_278 : memref<1x!tpu.dma_semaphore, #tpu.memory_space<semaphore_mem>> -> memref<!tpu.dma_semaphore, #tpu.memory_space<semaphore_mem>>
        tpu.enqueue_indirect_dma source(%dma_start3A_277 : memref<10000x128xf32, #tpu.memory_space<hbm>>) target(%dma_start3A_271 : memref<128x128xf32, #tpu.memory_space<vmem>>) offsets(%dma_start3A_274 : memref<128xi32, #tpu.memory_space<vmem>>) semaphore(%dma_start3A_279 : memref<!tpu.dma_semaphore, #tpu.memory_space<semaphore_mem>>)
      } else {
      }
      %mul3A_205 = arith.constant 2 : i32
      %mul3A_206 = arith.muli %arg1, %mul3A_205 : i32
      %add3A_207 = arith.addi %mul3A_206, %rem3A_161 : i32
      %mul3A_208 = arith.constant 128 : i32
      %mul3A_209 = arith.muli %add3A_207, %mul3A_208 : i32
      "tpu.region"() ({
        %run_scoped3A = tpu.sem_alloc : memref<!tpu.dma_semaphore, #tpu.memory_space<semaphore_mem>>
        %dma_start3A_228 = arith.constant 0 : i32
        %dma_start3A_229 = arith.constant 0 : i32
        %dma_start3A_230 = tpu.memref_slice %arg11[%rem3A_161, %dma_start3A_228, %dma_start3A_229] : memref<2x128x128xf32, #tpu.memory_space<vmem>> -> memref<1x128x128xf32, #tpu.memory_space<vmem>>
        %dma_start3A_231 = tpu.memref_squeeze %dma_start3A_230 : memref<1x128x128xf32, #tpu.memory_space<vmem>> -> memref<128x128xf32, #tpu.memory_space<vmem>>
        %dma_start3A_232 = arith.constant 0 : i32
        %dma_start3A_233 = tpu.memref_slice %arg13[%mul3A_209, %dma_start3A_232] : memref<4096x128xf32, #tpu.memory_space<vmem_shared>> -> memref<128x128xf32, #tpu.memory_space<vmem_shared>>
        %dma_start3A_234 = arith.constant 0 : i32
        %dma_start3A_235 = tpu.memref_slice %arg13[%mul3A_209, %dma_start3A_234] : memref<4096x128xf32, #tpu.memory_space<vmem_shared>> -> memref<128x128xf32, #tpu.memory_space<vmem_shared>>
        %dma_start3A_236 = arith.constant 0 : i32
        %dma_start3A_237 = arith.constant 0 : i32
        %dma_start3A_238 = tpu.memref_slice %arg11[%rem3A_161, %dma_start3A_236, %dma_start3A_237] : memref<2x128x128xf32, #tpu.memory_space<vmem>> -> memref<1x128x128xf32, #tpu.memory_space<vmem>>
        %dma_start3A_239 = tpu.memref_squeeze %dma_start3A_238 : memref<1x128x128xf32, #tpu.memory_space<vmem>> -> memref<128x128xf32, #tpu.memory_space<vmem>>
        tpu.enqueue_dma source(%dma_start3A_239 : memref<128x128xf32, #tpu.memory_space<vmem>>) target(%dma_start3A_235 : memref<128x128xf32, #tpu.memory_space<vmem_shared>>) target_semaphore(%run_scoped3A : memref<!tpu.dma_semaphore, #tpu.memory_space<semaphore_mem>>)
        %dma_wait3A_240 = arith.constant 0 : i32
        %dma_wait3A_241 = arith.constant 0 : i32
        %dma_wait3A_242 = tpu.memref_slice %arg11[%rem3A_161, %dma_wait3A_240, %dma_wait3A_241] : memref<2x128x128xf32, #tpu.memory_space<vmem>> -> memref<1x128x128xf32, #tpu.memory_space<vmem>>
        %dma_wait3A_243 = tpu.memref_squeeze %dma_wait3A_242 : memref<1x128x128xf32, #tpu.memory_space<vmem>> -> memref<128x128xf32, #tpu.memory_space<vmem>>
        %dma_wait3A_244 = arith.constant 0 : i32
        %dma_wait3A_245 = tpu.memref_slice %arg13[%mul3A_209, %dma_wait3A_244] : memref<4096x128xf32, #tpu.memory_space<vmem_shared>> -> memref<128x128xf32, #tpu.memory_space<vmem_shared>>
        %dma_wait3A_246 = arith.constant 0 : i32
        %dma_wait3A_247 = tpu.memref_slice %arg13[%mul3A_209, %dma_wait3A_246] : memref<4096x128xf32, #tpu.memory_space<vmem_shared>> -> memref<128x128xf32, #tpu.memory_space<vmem_shared>>
        %dma_wait3A_248 = arith.constant 0 : i32
        %dma_wait3A_249 = arith.constant 0 : i32
        %dma_wait3A_250 = tpu.memref_slice %arg11[%rem3A_161, %dma_wait3A_248, %dma_wait3A_249] : memref<2x128x128xf32, #tpu.memory_space<vmem>> -> memref<1x128x128xf32, #tpu.memory_space<vmem>>
        %dma_wait3A_251 = tpu.memref_squeeze %dma_wait3A_250 : memref<1x128x128xf32, #tpu.memory_space<vmem>> -> memref<128x128xf32, #tpu.memory_space<vmem>>
        tpu.wait_dma2 semaphore(%run_scoped3A : memref<!tpu.dma_semaphore, #tpu.memory_space<semaphore_mem>>) src(%dma_wait3A_251 : memref<128x128xf32, #tpu.memory_space<vmem>>) dst(%dma_wait3A_247 : memref<128x128xf32, #tpu.memory_space<vmem_shared>>)
        tpu.yield
      }) : () -> ()
      "tpu.region"() ({
        %run_scoped3A = tpu.sem_alloc : memref<!tpu.dma_semaphore, #tpu.memory_space<semaphore_mem>>
        %dma_start3A_228 = arith.constant 0 : i32
        %dma_start3A_229 = arith.constant 0 : i32
        %dma_start3A_230 = tpu.memref_slice %arg12[%rem3A_161, %dma_start3A_228, %dma_start3A_229] : memref<2x128x128xf32, #tpu.memory_space<vmem>> -> memref<1x128x128xf32, #tpu.memory_space<vmem>>
        %dma_start3A_231 = tpu.memref_squeeze %dma_start3A_230 : memref<1x128x128xf32, #tpu.memory_space<vmem>> -> memref<128x128xf32, #tpu.memory_space<vmem>>
        %dma_start3A_232 = arith.constant 0 : i32
        %dma_start3A_233 = tpu.memref_slice %arg10[%rem3A_161, %dma_start3A_232] : memref<2x128xi32, #tpu.memory_space<vmem>> -> memref<1x128xi32, #tpu.memory_space<vmem>>
        %dma_start3A_234 = tpu.memref_squeeze %dma_start3A_233 : memref<1x128xi32, #tpu.memory_space<vmem>> -> memref<128xi32, #tpu.memory_space<vmem>>
        %dma_start3A_235 = arith.constant 0 : i32
        %dma_start3A_236 = arith.constant 0 : i32
        %dma_start3A_237 = tpu.memref_slice %arg13[%dma_start3A_235, %dma_start3A_236] : memref<4096x128xf32, #tpu.memory_space<vmem_shared>> -> memref<4096x128xf32, #tpu.memory_space<vmem_shared>>
        tpu.enqueue_indirect_dma source(%dma_start3A_231 : memref<128x128xf32, #tpu.memory_space<vmem>>) target(%dma_start3A_237 : memref<4096x128xf32, #tpu.memory_space<vmem_shared>>) offsets(%dma_start3A_234 : memref<128xi32, #tpu.memory_space<vmem>>) semaphore(%run_scoped3A : memref<!tpu.dma_semaphore, #tpu.memory_space<semaphore_mem>>) {add = true}
        %dma_wait3A_238 = arith.constant 0 : i32
        %dma_wait3A_239 = arith.constant 0 : i32
        %dma_wait3A_240 = tpu.memref_slice %arg12[%rem3A_161, %dma_wait3A_238, %dma_wait3A_239] : memref<2x128x128xf32, #tpu.memory_space<vmem>> -> memref<1x128x128xf32, #tpu.memory_space<vmem>>
        %dma_wait3A_241 = tpu.memref_squeeze %dma_wait3A_240 : memref<1x128x128xf32, #tpu.memory_space<vmem>> -> memref<128x128xf32, #tpu.memory_space<vmem>>
        %dma_wait3A_242 = arith.constant 0 : i32
        %dma_wait3A_243 = tpu.memref_slice %arg10[%rem3A_161, %dma_wait3A_242] : memref<2x128xi32, #tpu.memory_space<vmem>> -> memref<1x128xi32, #tpu.memory_space<vmem>>
        %dma_wait3A_244 = tpu.memref_squeeze %dma_wait3A_243 : memref<1x128xi32, #tpu.memory_space<vmem>> -> memref<128xi32, #tpu.memory_space<vmem>>
        %dma_wait3A_245 = arith.constant 0 : i32
        %dma_wait3A_246 = arith.constant 0 : i32
        %dma_wait3A_247 = tpu.memref_slice %arg13[%dma_wait3A_245, %dma_wait3A_246] : memref<4096x128xf32, #tpu.memory_space<vmem_shared>> -> memref<4096x128xf32, #tpu.memory_space<vmem_shared>>
        tpu.wait_indirect_dma semaphore(%run_scoped3A : memref<!tpu.dma_semaphore, #tpu.memory_space<semaphore_mem>>) src(%dma_wait3A_241 : memref<128x128xf32, #tpu.memory_space<vmem>>) dst(%dma_wait3A_247 : memref<4096x128xf32, #tpu.memory_space<vmem_shared>>)
        tpu.yield
      }) : () -> ()
      %mul3A_210 = arith.constant 2 : i32
      %mul3A_211 = arith.muli %arg1, %mul3A_210 : i32
      %add3A_212 = arith.addi %mul3A_211, %rem3A_161 : i32
      %mul3A_213 = arith.constant 128 : i32
      %mul3A_214 = arith.muli %add3A_212, %mul3A_213 : i32
      %dma_start3A_215 = tpu.memref_slice %arg17[%rem3A_161] : memref<2x!tpu.dma_semaphore, #tpu.memory_space<semaphore_mem>> -> memref<1x!tpu.dma_semaphore, #tpu.memory_space<semaphore_mem>>
      %dma_start3A_216 = tpu.memref_squeeze %dma_start3A_215 : memref<1x!tpu.dma_semaphore, #tpu.memory_space<semaphore_mem>> -> memref<!tpu.dma_semaphore, #tpu.memory_space<semaphore_mem>>
      %dma_start3A_217 = arith.constant 0 : i32
      %dma_start3A_218 = tpu.memref_slice %arg7[%mul3A_168, %dma_start3A_217] : memref<80000x128xf32, #tpu.memory_space<hbm>> -> memref<128x128xf32, #tpu.memory_space<hbm>>
      %dma_start3A_219 = arith.constant 0 : i32
      %dma_start3A_220 = tpu.memref_slice %arg13[%mul3A_214, %dma_start3A_219] : memref<4096x128xf32, #tpu.memory_space<vmem_shared>> -> memref<128x128xf32, #tpu.memory_space<vmem_shared>>
      tpu.enqueue_dma source(%dma_start3A_220 : memref<128x128xf32, #tpu.memory_space<vmem_shared>>) target(%dma_start3A_218 : memref<128x128xf32, #tpu.memory_space<hbm>>) target_semaphore(%dma_start3A_216 : memref<!tpu.dma_semaphore, #tpu.memory_space<semaphore_mem>>)
      %add3A_221 = arith.constant 2 : i32
      %add3A_222 = arith.addi %while3A_158, %add3A_221 : i32
      %lt3A_223 = arith.cmpi slt, %add3A_222, %select_n3A : i32
      %convert_element_type3A_224 = arith.extui %lt3A_223 : i1 to i32
      %cond3A_225 = arith.constant 0 : i32
      %cond3A_226 = arith.cmpi ne, %convert_element_type3A_224, %cond3A_225 : i32
      scf.if %cond3A_226 {
        %add3A_228 = arith.constant 2 : i32
        %add3A_229 = arith.addi %while3A_158, %add3A_228 : i32
        %mul3A_230 = arith.constant 32 : i32
        %mul3A_231 = arith.muli %add3A_229, %mul3A_230 : i32
        %add3A_232 = arith.addi %add3A, %mul3A_231 : i32
        %mul3A_233 = arith.constant 128 : i32
        %mul3A_234 = arith.muli %add3A_232, %mul3A_233 : i32
        %dma_start3A_235 = arith.constant 0 : i32
        %dma_start3A_236 = tpu.memref_slice %arg8[%rem3A_161, %dma_start3A_235] : memref<2x128xi32, #tpu.memory_space<vmem>> -> memref<1x128xi32, #tpu.memory_space<vmem>>
        %dma_start3A_237 = tpu.memref_squeeze %dma_start3A_236 : memref<1x128xi32, #tpu.memory_space<vmem>> -> memref<128xi32, #tpu.memory_space<vmem>>
        %dma_start3A_238 = tpu.memref_slice %arg2[%mul3A_234] : memref<80000xi32, #tpu.memory_space<hbm>> -> memref<128xi32, #tpu.memory_space<hbm>>
        %dma_start3A_239 = tpu.memref_slice %arg14[%rem3A_161] : memref<2x!tpu.dma_semaphore, #tpu.memory_space<semaphore_mem>> -> memref<1x!tpu.dma_semaphore, #tpu.memory_space<semaphore_mem>>
        %dma_start3A_240 = tpu.memref_squeeze %dma_start3A_239 : memref<1x!tpu.dma_semaphore, #tpu.memory_space<semaphore_mem>> -> memref<!tpu.dma_semaphore, #tpu.memory_space<semaphore_mem>>
        %dma_start3A_241 = arith.constant 0 : i32
        %dma_start3A_242 = tpu.memref_slice %arg8[%rem3A_161, %dma_start3A_241] : memref<2x128xi32, #tpu.memory_space<vmem>> -> memref<1x128xi32, #tpu.memory_space<vmem>>
        %dma_start3A_243 = tpu.memref_squeeze %dma_start3A_242 : memref<1x128xi32, #tpu.memory_space<vmem>> -> memref<128xi32, #tpu.memory_space<vmem>>
        %dma_start3A_244 = tpu.memref_slice %arg2[%mul3A_234] : memref<80000xi32, #tpu.memory_space<hbm>> -> memref<128xi32, #tpu.memory_space<hbm>>
        tpu.enqueue_dma source(%dma_start3A_244 : memref<128xi32, #tpu.memory_space<hbm>>) target(%dma_start3A_243 : memref<128xi32, #tpu.memory_space<vmem>>) target_semaphore(%dma_start3A_240 : memref<!tpu.dma_semaphore, #tpu.memory_space<semaphore_mem>>)
        %dma_start3A_245 = arith.constant 0 : i32
        %dma_start3A_246 = tpu.memref_slice %arg9[%rem3A_161, %dma_start3A_245] : memref<2x128xi32, #tpu.memory_space<vmem>> -> memref<1x128xi32, #tpu.memory_space<vmem>>
        %dma_start3A_247 = tpu.memref_squeeze %dma_start3A_246 : memref<1x128xi32, #tpu.memory_space<vmem>> -> memref<128xi32, #tpu.memory_space<vmem>>
        %dma_start3A_248 = tpu.memref_slice %arg3[%mul3A_234] : memref<80000xi32, #tpu.memory_space<hbm>> -> memref<128xi32, #tpu.memory_space<hbm>>
        %dma_start3A_249 = tpu.memref_slice %arg14[%rem3A_161] : memref<2x!tpu.dma_semaphore, #tpu.memory_space<semaphore_mem>> -> memref<1x!tpu.dma_semaphore, #tpu.memory_space<semaphore_mem>>
        %dma_start3A_250 = tpu.memref_squeeze %dma_start3A_249 : memref<1x!tpu.dma_semaphore, #tpu.memory_space<semaphore_mem>> -> memref<!tpu.dma_semaphore, #tpu.memory_space<semaphore_mem>>
        %dma_start3A_251 = arith.constant 0 : i32
        %dma_start3A_252 = tpu.memref_slice %arg9[%rem3A_161, %dma_start3A_251] : memref<2x128xi32, #tpu.memory_space<vmem>> -> memref<1x128xi32, #tpu.memory_space<vmem>>
        %dma_start3A_253 = tpu.memref_squeeze %dma_start3A_252 : memref<1x128xi32, #tpu.memory_space<vmem>> -> memref<128xi32, #tpu.memory_space<vmem>>
        %dma_start3A_254 = tpu.memref_slice %arg3[%mul3A_234] : memref<80000xi32, #tpu.memory_space<hbm>> -> memref<128xi32, #tpu.memory_space<hbm>>
        tpu.enqueue_dma source(%dma_start3A_254 : memref<128xi32, #tpu.memory_space<hbm>>) target(%dma_start3A_253 : memref<128xi32, #tpu.memory_space<vmem>>) target_semaphore(%dma_start3A_250 : memref<!tpu.dma_semaphore, #tpu.memory_space<semaphore_mem>>)
      } else {
      }
      %while3A_227 = arith.constant 0 : i32
      scf.yield %while3A_227 : i32
    }
    %sub3A = arith.constant 1 : i32
    %sub3A_128 = arith.subi %select_n3A, %sub3A : i32
    %rem3A = arith.constant 2 : i32
    %rem3A_129 = arith.remsi %sub3A_128, %rem3A : i32
    %mul3A_130 = arith.constant 2 : i32
    %mul3A_131 = arith.muli %arg1, %mul3A_130 : i32
    %add3A_132 = arith.constant 0 : i32
    %add3A_133 = arith.addi %mul3A_131, %add3A_132 : i32
    %mul3A_134 = arith.constant 128 : i32
    %mul3A_135 = arith.muli %add3A_133, %mul3A_134 : i32
    %dma_wait3A_136 = tpu.memref_slice %arg17[%rem3A_129] : memref<2x!tpu.dma_semaphore, #tpu.memory_space<semaphore_mem>> -> memref<1x!tpu.dma_semaphore, #tpu.memory_space<semaphore_mem>>
    %dma_wait3A_137 = tpu.memref_squeeze %dma_wait3A_136 : memref<1x!tpu.dma_semaphore, #tpu.memory_space<semaphore_mem>> -> memref<!tpu.dma_semaphore, #tpu.memory_space<semaphore_mem>>
    %dma_wait3A_138 = arith.constant 0 : i32
    %dma_wait3A_139 = arith.constant 0 : i32
    %dma_wait3A_140 = tpu.memref_slice %arg7[%dma_wait3A_138, %dma_wait3A_139] : memref<80000x128xf32, #tpu.memory_space<hbm>> -> memref<128x128xf32, #tpu.memory_space<hbm>>
    %dma_wait3A_141 = arith.constant 0 : i32
    %dma_wait3A_142 = tpu.memref_slice %arg13[%mul3A_135, %dma_wait3A_141] : memref<4096x128xf32, #tpu.memory_space<vmem_shared>> -> memref<128x128xf32, #tpu.memory_space<vmem_shared>>
    tpu.wait_dma2 semaphore(%dma_wait3A_137 : memref<!tpu.dma_semaphore, #tpu.memory_space<semaphore_mem>>) src(%dma_wait3A_142 : memref<128x128xf32, #tpu.memory_space<vmem_shared>>) dst(%dma_wait3A_140 : memref<128x128xf32, #tpu.memory_space<hbm>>)
    %sub3A_143 = arith.constant 1 : i32
    %sub3A_144 = arith.subi %sub3A_143, %rem3A_129 : i32
    %mul3A_145 = arith.constant 2 : i32
    %mul3A_146 = arith.muli %arg1, %mul3A_145 : i32
    %add3A_147 = arith.constant 0 : i32
    %add3A_148 = arith.addi %mul3A_146, %add3A_147 : i32
    %mul3A_149 = arith.constant 128 : i32
    %mul3A_150 = arith.muli %add3A_148, %mul3A_149 : i32
    %dma_wait3A_151 = tpu.memref_slice %arg17[%sub3A_144] : memref<2x!tpu.dma_semaphore, #tpu.memory_space<semaphore_mem>> -> memref<1x!tpu.dma_semaphore, #tpu.memory_space<semaphore_mem>>
    %dma_wait3A_152 = tpu.memref_squeeze %dma_wait3A_151 : memref<1x!tpu.dma_semaphore, #tpu.memory_space<semaphore_mem>> -> memref<!tpu.dma_semaphore, #tpu.memory_space<semaphore_mem>>
    %dma_wait3A_153 = arith.constant 0 : i32
    %dma_wait3A_154 = arith.constant 0 : i32
    %dma_wait3A_155 = tpu.memref_slice %arg7[%dma_wait3A_153, %dma_wait3A_154] : memref<80000x128xf32, #tpu.memory_space<hbm>> -> memref<128x128xf32, #tpu.memory_space<hbm>>
    %dma_wait3A_156 = arith.constant 0 : i32
    %dma_wait3A_157 = tpu.memref_slice %arg13[%mul3A_150, %dma_wait3A_156] : memref<4096x128xf32, #tpu.memory_space<vmem_shared>> -> memref<128x128xf32, #tpu.memory_space<vmem_shared>>
    tpu.wait_dma2 semaphore(%dma_wait3A_152 : memref<!tpu.dma_semaphore, #tpu.memory_space<semaphore_mem>>) src(%dma_wait3A_157 : memref<128x128xf32, #tpu.memory_space<vmem_shared>>) dst(%dma_wait3A_155 : memref<128x128xf32, #tpu.memory_space<hbm>>)
    return
  }
}

#map = affine_map<(d0, d1) -> (0)>
#map1 = affine_map<(d0, d1) -> (0, 0)>
#map2 = affine_map<(d0, d1) -> (0, 0, 0)>
module attributes {stable_mosaic.version = 14 : i64} {
  func.func @k(%arg0: i32, %arg1: i32, %arg2: memref<160000xi32, #tpu.memory_space<hbm>>, %arg3: memref<160000xi32, #tpu.memory_space<hbm>>, %arg4: memref<10000x128xf32, #tpu.memory_space<hbm>>, %arg5: memref<632x128xf32, #tpu.memory_space<hbm>>, %arg6: memref<2x10000x128xf32, #tpu.memory_space<hbm>>, %arg7: memref<2x128xi32, #tpu.memory_space<vmem>>, %arg8: memref<2x128xi32, #tpu.memory_space<vmem>>, %arg9: memref<2x128x128xf32, #tpu.memory_space<vmem>>, %arg10: memref<10112x128xf32, #tpu.memory_space<vmem_shared>>, %arg11: memref<2x!tpu.dma_semaphore, #tpu.memory_space<semaphore_mem>>, %arg12: memref<2x!tpu.dma_semaphore, #tpu.memory_space<semaphore_mem>>) attributes {dimension_semantics = [#tpu.dimension_semantics<core_parallel>, #tpu.dimension_semantics<subcore_parallel>], iteration_bounds = array<i64: 2, 16>, scalar_prefetch = 0 : i64, scratch_operands = 6 : i64, tpu.core_type = #tpu.core_type<sc_vector_subcore>, window_params = [{transform_indices = #map}, {transform_indices = #map}, {transform_indices = #map1}, {transform_indices = #map1}, {transform_indices = #map2}]} {
    %mul3A = arith.constant 2 : i32
    %mul3A_0 = arith.muli %arg1, %mul3A : i32
    %add3A = arith.addi %mul3A_0, %arg0 : i32
    %mul3A_1 = arith.constant 632 : i32
    %mul3A_2 = arith.muli %arg1, %mul3A_1 : i32
    %lt3A = arith.constant 2 : i32
    %lt3A_3 = arith.cmpi slt, %add3A, %lt3A : i32
    %jit3A = arith.constant 40 : i32
    %jit3A_4 = arith.constant 39 : i32
    %select_n3A = arith.select %lt3A_3, %jit3A, %jit3A_4 : i32
    %add3A_5 = arith.constant 0 : i32
    %add3A_6 = arith.addi %add3A, %add3A_5 : i32
    %mul3A_7 = arith.constant 128 : i32
    %mul3A_8 = arith.muli %add3A_6, %mul3A_7 : i32
    %dma_start3A = arith.constant 0 : i32
    %dma_start3A_9 = arith.constant 0 : i32
    %dma_start3A_10 = arith.constant 0 : i32
    %dma_start3A_11 = tpu.memref_slice %arg7[%dma_start3A, %dma_start3A_10] : memref<2x128xi32, #tpu.memory_space<vmem>> -> memref<1x128xi32, #tpu.memory_space<vmem>>
    %dma_start3A_12 = tpu.memref_squeeze %dma_start3A_11 : memref<1x128xi32, #tpu.memory_space<vmem>> -> memref<128xi32, #tpu.memory_space<vmem>>
    %dma_start3A_13 = tpu.memref_slice %arg2[%mul3A_8] : memref<160000xi32, #tpu.memory_space<hbm>> -> memref<128xi32, #tpu.memory_space<hbm>>
    %dma_start3A_14 = tpu.memref_slice %arg11[%dma_start3A_9] : memref<2x!tpu.dma_semaphore, #tpu.memory_space<semaphore_mem>> -> memref<1x!tpu.dma_semaphore, #tpu.memory_space<semaphore_mem>>
    %dma_start3A_15 = tpu.memref_squeeze %dma_start3A_14 : memref<1x!tpu.dma_semaphore, #tpu.memory_space<semaphore_mem>> -> memref<!tpu.dma_semaphore, #tpu.memory_space<semaphore_mem>>
    %dma_start3A_16 = arith.constant 0 : i32
    %dma_start3A_17 = tpu.memref_slice %arg7[%dma_start3A, %dma_start3A_16] : memref<2x128xi32, #tpu.memory_space<vmem>> -> memref<1x128xi32, #tpu.memory_space<vmem>>
    %dma_start3A_18 = tpu.memref_squeeze %dma_start3A_17 : memref<1x128xi32, #tpu.memory_space<vmem>> -> memref<128xi32, #tpu.memory_space<vmem>>
    %dma_start3A_19 = tpu.memref_slice %arg2[%mul3A_8] : memref<160000xi32, #tpu.memory_space<hbm>> -> memref<128xi32, #tpu.memory_space<hbm>>
    tpu.enqueue_dma source(%dma_start3A_19 : memref<128xi32, #tpu.memory_space<hbm>>) target(%dma_start3A_18 : memref<128xi32, #tpu.memory_space<vmem>>) target_semaphore(%dma_start3A_15 : memref<!tpu.dma_semaphore, #tpu.memory_space<semaphore_mem>>)
    %dma_start3A_20 = arith.constant 0 : i32
    %dma_start3A_21 = arith.constant 0 : i32
    %dma_start3A_22 = arith.constant 0 : i32
    %dma_start3A_23 = tpu.memref_slice %arg8[%dma_start3A_20, %dma_start3A_22] : memref<2x128xi32, #tpu.memory_space<vmem>> -> memref<1x128xi32, #tpu.memory_space<vmem>>
    %dma_start3A_24 = tpu.memref_squeeze %dma_start3A_23 : memref<1x128xi32, #tpu.memory_space<vmem>> -> memref<128xi32, #tpu.memory_space<vmem>>
    %dma_start3A_25 = tpu.memref_slice %arg3[%mul3A_8] : memref<160000xi32, #tpu.memory_space<hbm>> -> memref<128xi32, #tpu.memory_space<hbm>>
    %dma_start3A_26 = tpu.memref_slice %arg11[%dma_start3A_21] : memref<2x!tpu.dma_semaphore, #tpu.memory_space<semaphore_mem>> -> memref<1x!tpu.dma_semaphore, #tpu.memory_space<semaphore_mem>>
    %dma_start3A_27 = tpu.memref_squeeze %dma_start3A_26 : memref<1x!tpu.dma_semaphore, #tpu.memory_space<semaphore_mem>> -> memref<!tpu.dma_semaphore, #tpu.memory_space<semaphore_mem>>
    %dma_start3A_28 = arith.constant 0 : i32
    %dma_start3A_29 = tpu.memref_slice %arg8[%dma_start3A_20, %dma_start3A_28] : memref<2x128xi32, #tpu.memory_space<vmem>> -> memref<1x128xi32, #tpu.memory_space<vmem>>
    %dma_start3A_30 = tpu.memref_squeeze %dma_start3A_29 : memref<1x128xi32, #tpu.memory_space<vmem>> -> memref<128xi32, #tpu.memory_space<vmem>>
    %dma_start3A_31 = tpu.memref_slice %arg3[%mul3A_8] : memref<160000xi32, #tpu.memory_space<hbm>> -> memref<128xi32, #tpu.memory_space<hbm>>
    tpu.enqueue_dma source(%dma_start3A_31 : memref<128xi32, #tpu.memory_space<hbm>>) target(%dma_start3A_30 : memref<128xi32, #tpu.memory_space<vmem>>) target_semaphore(%dma_start3A_27 : memref<!tpu.dma_semaphore, #tpu.memory_space<semaphore_mem>>)
    %add3A_32 = arith.constant 32 : i32
    %add3A_33 = arith.addi %add3A, %add3A_32 : i32
    %mul3A_34 = arith.constant 128 : i32
    %mul3A_35 = arith.muli %add3A_33, %mul3A_34 : i32
    %dma_start3A_36 = arith.constant 1 : i32
    %dma_start3A_37 = arith.constant 1 : i32
    %dma_start3A_38 = arith.constant 0 : i32
    %dma_start3A_39 = tpu.memref_slice %arg7[%dma_start3A_36, %dma_start3A_38] : memref<2x128xi32, #tpu.memory_space<vmem>> -> memref<1x128xi32, #tpu.memory_space<vmem>>
    %dma_start3A_40 = tpu.memref_squeeze %dma_start3A_39 : memref<1x128xi32, #tpu.memory_space<vmem>> -> memref<128xi32, #tpu.memory_space<vmem>>
    %dma_start3A_41 = tpu.memref_slice %arg2[%mul3A_35] : memref<160000xi32, #tpu.memory_space<hbm>> -> memref<128xi32, #tpu.memory_space<hbm>>
    %dma_start3A_42 = tpu.memref_slice %arg11[%dma_start3A_37] : memref<2x!tpu.dma_semaphore, #tpu.memory_space<semaphore_mem>> -> memref<1x!tpu.dma_semaphore, #tpu.memory_space<semaphore_mem>>
    %dma_start3A_43 = tpu.memref_squeeze %dma_start3A_42 : memref<1x!tpu.dma_semaphore, #tpu.memory_space<semaphore_mem>> -> memref<!tpu.dma_semaphore, #tpu.memory_space<semaphore_mem>>
    %dma_start3A_44 = arith.constant 0 : i32
    %dma_start3A_45 = tpu.memref_slice %arg7[%dma_start3A_36, %dma_start3A_44] : memref<2x128xi32, #tpu.memory_space<vmem>> -> memref<1x128xi32, #tpu.memory_space<vmem>>
    %dma_start3A_46 = tpu.memref_squeeze %dma_start3A_45 : memref<1x128xi32, #tpu.memory_space<vmem>> -> memref<128xi32, #tpu.memory_space<vmem>>
    %dma_start3A_47 = tpu.memref_slice %arg2[%mul3A_35] : memref<160000xi32, #tpu.memory_space<hbm>> -> memref<128xi32, #tpu.memory_space<hbm>>
    tpu.enqueue_dma source(%dma_start3A_47 : memref<128xi32, #tpu.memory_space<hbm>>) target(%dma_start3A_46 : memref<128xi32, #tpu.memory_space<vmem>>) target_semaphore(%dma_start3A_43 : memref<!tpu.dma_semaphore, #tpu.memory_space<semaphore_mem>>)
    %dma_start3A_48 = arith.constant 1 : i32
    %dma_start3A_49 = arith.constant 1 : i32
    %dma_start3A_50 = arith.constant 0 : i32
    %dma_start3A_51 = tpu.memref_slice %arg8[%dma_start3A_48, %dma_start3A_50] : memref<2x128xi32, #tpu.memory_space<vmem>> -> memref<1x128xi32, #tpu.memory_space<vmem>>
    %dma_start3A_52 = tpu.memref_squeeze %dma_start3A_51 : memref<1x128xi32, #tpu.memory_space<vmem>> -> memref<128xi32, #tpu.memory_space<vmem>>
    %dma_start3A_53 = tpu.memref_slice %arg3[%mul3A_35] : memref<160000xi32, #tpu.memory_space<hbm>> -> memref<128xi32, #tpu.memory_space<hbm>>
    %dma_start3A_54 = tpu.memref_slice %arg11[%dma_start3A_49] : memref<2x!tpu.dma_semaphore, #tpu.memory_space<semaphore_mem>> -> memref<1x!tpu.dma_semaphore, #tpu.memory_space<semaphore_mem>>
    %dma_start3A_55 = tpu.memref_squeeze %dma_start3A_54 : memref<1x!tpu.dma_semaphore, #tpu.memory_space<semaphore_mem>> -> memref<!tpu.dma_semaphore, #tpu.memory_space<semaphore_mem>>
    %dma_start3A_56 = arith.constant 0 : i32
    %dma_start3A_57 = tpu.memref_slice %arg8[%dma_start3A_48, %dma_start3A_56] : memref<2x128xi32, #tpu.memory_space<vmem>> -> memref<1x128xi32, #tpu.memory_space<vmem>>
    %dma_start3A_58 = tpu.memref_squeeze %dma_start3A_57 : memref<1x128xi32, #tpu.memory_space<vmem>> -> memref<128xi32, #tpu.memory_space<vmem>>
    %dma_start3A_59 = tpu.memref_slice %arg3[%mul3A_35] : memref<160000xi32, #tpu.memory_space<hbm>> -> memref<128xi32, #tpu.memory_space<hbm>>
    tpu.enqueue_dma source(%dma_start3A_59 : memref<128xi32, #tpu.memory_space<hbm>>) target(%dma_start3A_58 : memref<128xi32, #tpu.memory_space<vmem>>) target_semaphore(%dma_start3A_55 : memref<!tpu.dma_semaphore, #tpu.memory_space<semaphore_mem>>)
    "tpu.region"() ({
      %run_scoped3A = tpu.sem_alloc : memref<!tpu.dma_semaphore, #tpu.memory_space<semaphore_mem>>
      %dma_start3A_121 = arith.constant 0 : i32
      %dma_start3A_122 = tpu.memref_slice %arg10[%mul3A_2, %dma_start3A_121] : memref<10112x128xf32, #tpu.memory_space<vmem_shared>> -> memref<632x128xf32, #tpu.memory_space<vmem_shared>>
      tpu.enqueue_dma source(%arg5 : memref<632x128xf32, #tpu.memory_space<hbm>>) target(%dma_start3A_122 : memref<632x128xf32, #tpu.memory_space<vmem_shared>>) target_semaphore(%run_scoped3A : memref<!tpu.dma_semaphore, #tpu.memory_space<semaphore_mem>>)
      %dma_wait3A_123 = arith.constant 0 : i32
      %dma_wait3A_124 = tpu.memref_slice %arg10[%mul3A_2, %dma_wait3A_123] : memref<10112x128xf32, #tpu.memory_space<vmem_shared>> -> memref<632x128xf32, #tpu.memory_space<vmem_shared>>
      tpu.wait_dma2 semaphore(%run_scoped3A : memref<!tpu.dma_semaphore, #tpu.memory_space<semaphore_mem>>) src(%arg5 : memref<632x128xf32, #tpu.memory_space<hbm>>) dst(%dma_wait3A_124 : memref<632x128xf32, #tpu.memory_space<vmem_shared>>)
      tpu.yield
    }) : () -> ()
    %barrier3A = arith.constant 0 : index
    tpu.barrier barrier_id(%barrier3A)
    %dma_wait3A = arith.constant 0 : i32
    %dma_wait3A_60 = arith.constant 0 : i32
    %dma_wait3A_61 = arith.constant 0 : i32
    %dma_wait3A_62 = tpu.memref_slice %arg7[%dma_wait3A, %dma_wait3A_61] : memref<2x128xi32, #tpu.memory_space<vmem>> -> memref<1x128xi32, #tpu.memory_space<vmem>>
    %dma_wait3A_63 = tpu.memref_squeeze %dma_wait3A_62 : memref<1x128xi32, #tpu.memory_space<vmem>> -> memref<128xi32, #tpu.memory_space<vmem>>
    %dma_wait3A_64 = arith.constant 0 : i32
    %dma_wait3A_65 = tpu.memref_slice %arg2[%dma_wait3A_64] : memref<160000xi32, #tpu.memory_space<hbm>> -> memref<128xi32, #tpu.memory_space<hbm>>
    %dma_wait3A_66 = tpu.memref_slice %arg11[%dma_wait3A_60] : memref<2x!tpu.dma_semaphore, #tpu.memory_space<semaphore_mem>> -> memref<1x!tpu.dma_semaphore, #tpu.memory_space<semaphore_mem>>
    %dma_wait3A_67 = tpu.memref_squeeze %dma_wait3A_66 : memref<1x!tpu.dma_semaphore, #tpu.memory_space<semaphore_mem>> -> memref<!tpu.dma_semaphore, #tpu.memory_space<semaphore_mem>>
    %dma_wait3A_68 = arith.constant 0 : i32
    %dma_wait3A_69 = tpu.memref_slice %arg7[%dma_wait3A, %dma_wait3A_68] : memref<2x128xi32, #tpu.memory_space<vmem>> -> memref<1x128xi32, #tpu.memory_space<vmem>>
    %dma_wait3A_70 = tpu.memref_squeeze %dma_wait3A_69 : memref<1x128xi32, #tpu.memory_space<vmem>> -> memref<128xi32, #tpu.memory_space<vmem>>
    %dma_wait3A_71 = arith.constant 0 : i32
    %dma_wait3A_72 = tpu.memref_slice %arg2[%dma_wait3A_71] : memref<160000xi32, #tpu.memory_space<hbm>> -> memref<128xi32, #tpu.memory_space<hbm>>
    tpu.wait_dma2 semaphore(%dma_wait3A_67 : memref<!tpu.dma_semaphore, #tpu.memory_space<semaphore_mem>>) src(%dma_wait3A_72 : memref<128xi32, #tpu.memory_space<hbm>>) dst(%dma_wait3A_70 : memref<128xi32, #tpu.memory_space<vmem>>)
    %dma_wait3A_73 = arith.constant 0 : i32
    %dma_wait3A_74 = arith.constant 0 : i32
    %dma_wait3A_75 = arith.constant 0 : i32
    %dma_wait3A_76 = tpu.memref_slice %arg8[%dma_wait3A_73, %dma_wait3A_75] : memref<2x128xi32, #tpu.memory_space<vmem>> -> memref<1x128xi32, #tpu.memory_space<vmem>>
    %dma_wait3A_77 = tpu.memref_squeeze %dma_wait3A_76 : memref<1x128xi32, #tpu.memory_space<vmem>> -> memref<128xi32, #tpu.memory_space<vmem>>
    %dma_wait3A_78 = arith.constant 0 : i32
    %dma_wait3A_79 = tpu.memref_slice %arg3[%dma_wait3A_78] : memref<160000xi32, #tpu.memory_space<hbm>> -> memref<128xi32, #tpu.memory_space<hbm>>
    %dma_wait3A_80 = tpu.memref_slice %arg11[%dma_wait3A_74] : memref<2x!tpu.dma_semaphore, #tpu.memory_space<semaphore_mem>> -> memref<1x!tpu.dma_semaphore, #tpu.memory_space<semaphore_mem>>
    %dma_wait3A_81 = tpu.memref_squeeze %dma_wait3A_80 : memref<1x!tpu.dma_semaphore, #tpu.memory_space<semaphore_mem>> -> memref<!tpu.dma_semaphore, #tpu.memory_space<semaphore_mem>>
    %dma_wait3A_82 = arith.constant 0 : i32
    %dma_wait3A_83 = tpu.memref_slice %arg8[%dma_wait3A_73, %dma_wait3A_82] : memref<2x128xi32, #tpu.memory_space<vmem>> -> memref<1x128xi32, #tpu.memory_space<vmem>>
    %dma_wait3A_84 = tpu.memref_squeeze %dma_wait3A_83 : memref<1x128xi32, #tpu.memory_space<vmem>> -> memref<128xi32, #tpu.memory_space<vmem>>
    %dma_wait3A_85 = arith.constant 0 : i32
    %dma_wait3A_86 = tpu.memref_slice %arg3[%dma_wait3A_85] : memref<160000xi32, #tpu.memory_space<hbm>> -> memref<128xi32, #tpu.memory_space<hbm>>
    tpu.wait_dma2 semaphore(%dma_wait3A_81 : memref<!tpu.dma_semaphore, #tpu.memory_space<semaphore_mem>>) src(%dma_wait3A_86 : memref<128xi32, #tpu.memory_space<hbm>>) dst(%dma_wait3A_84 : memref<128xi32, #tpu.memory_space<vmem>>)
    %dma_start3A_87 = arith.constant 0 : i32
    %dma_start3A_88 = arith.constant 0 : i32
    %dma_start3A_89 = arith.constant 0 : i32
    %dma_start3A_90 = arith.constant 0 : i32
    %dma_start3A_91 = arith.constant 0 : i32
    %dma_start3A_92 = tpu.memref_slice %arg9[%dma_start3A_88, %dma_start3A_90, %dma_start3A_91] : memref<2x128x128xf32, #tpu.memory_space<vmem>> -> memref<1x128x128xf32, #tpu.memory_space<vmem>>
    %dma_start3A_93 = tpu.memref_squeeze %dma_start3A_92 : memref<1x128x128xf32, #tpu.memory_space<vmem>> -> memref<128x128xf32, #tpu.memory_space<vmem>>
    %dma_start3A_94 = arith.constant 0 : i32
    %dma_start3A_95 = tpu.memref_slice %arg7[%dma_start3A_87, %dma_start3A_94] : memref<2x128xi32, #tpu.memory_space<vmem>> -> memref<1x128xi32, #tpu.memory_space<vmem>>
    %dma_start3A_96 = tpu.memref_squeeze %dma_start3A_95 : memref<1x128xi32, #tpu.memory_space<vmem>> -> memref<128xi32, #tpu.memory_space<vmem>>
    %dma_start3A_97 = arith.constant 0 : i32
    %dma_start3A_98 = arith.constant 0 : i32
    %dma_start3A_99 = tpu.memref_slice %arg4[%dma_start3A_97, %dma_start3A_98] : memref<10000x128xf32, #tpu.memory_space<hbm>> -> memref<10000x128xf32, #tpu.memory_space<hbm>>
    %dma_start3A_100 = tpu.memref_slice %arg12[%dma_start3A_89] : memref<2x!tpu.dma_semaphore, #tpu.memory_space<semaphore_mem>> -> memref<1x!tpu.dma_semaphore, #tpu.memory_space<semaphore_mem>>
    %dma_start3A_101 = tpu.memref_squeeze %dma_start3A_100 : memref<1x!tpu.dma_semaphore, #tpu.memory_space<semaphore_mem>> -> memref<!tpu.dma_semaphore, #tpu.memory_space<semaphore_mem>>
    tpu.enqueue_indirect_dma source(%dma_start3A_99 : memref<10000x128xf32, #tpu.memory_space<hbm>>) target(%dma_start3A_93 : memref<128x128xf32, #tpu.memory_space<vmem>>) offsets(%dma_start3A_96 : memref<128xi32, #tpu.memory_space<vmem>>) semaphore(%dma_start3A_101 : memref<!tpu.dma_semaphore, #tpu.memory_space<semaphore_mem>>)
    %while3A = arith.constant 0 : i32
    %while3A_102 = arith.constant 0 : i32
    %while3A_103 = arith.subi %select_n3A, %while3A : i32
    %while3A_104 = arith.addi %while3A, %while3A_103 : i32
    %while3A_105 = arith.constant 1 : i32
    %while3A_106 = arith.divsi %while3A_103, %while3A_105 : i32
    %while3A_107 = arith.muli %while3A_106, %while3A_105 : i32
    %while3A_108 = arith.addi %while3A, %while3A_107 : i32
    %while3A_109 = arith.constant 1 : i32
    %while3A_110 = scf.for %while3A_121 = %while3A to %while3A_108 step %while3A_109 iter_args(%while3A_122 = %while3A_102) -> (i32)  : i32 {
      %rem3A = arith.constant 2 : i32
      %rem3A_123 = arith.remsi %while3A_121, %rem3A : i32
      %sub3A = arith.constant 1 : i32
      %sub3A_124 = arith.subi %sub3A, %rem3A_123 : i32
      %dma_wait3A_125 = arith.constant 0 : i32
      %dma_wait3A_126 = arith.constant 0 : i32
      %dma_wait3A_127 = tpu.memref_slice %arg9[%rem3A_123, %dma_wait3A_125, %dma_wait3A_126] : memref<2x128x128xf32, #tpu.memory_space<vmem>> -> memref<1x128x128xf32, #tpu.memory_space<vmem>>
      %dma_wait3A_128 = tpu.memref_squeeze %dma_wait3A_127 : memref<1x128x128xf32, #tpu.memory_space<vmem>> -> memref<128x128xf32, #tpu.memory_space<vmem>>
      %dma_wait3A_129 = arith.constant 0 : i32
      %dma_wait3A_130 = arith.constant 0 : i32
      %dma_wait3A_131 = tpu.memref_slice %arg4[%dma_wait3A_129, %dma_wait3A_130] : memref<10000x128xf32, #tpu.memory_space<hbm>> -> memref<128x128xf32, #tpu.memory_space<hbm>>
      %dma_wait3A_132 = tpu.memref_slice %arg12[%rem3A_123] : memref<2x!tpu.dma_semaphore, #tpu.memory_space<semaphore_mem>> -> memref<1x!tpu.dma_semaphore, #tpu.memory_space<semaphore_mem>>
      %dma_wait3A_133 = tpu.memref_squeeze %dma_wait3A_132 : memref<1x!tpu.dma_semaphore, #tpu.memory_space<semaphore_mem>> -> memref<!tpu.dma_semaphore, #tpu.memory_space<semaphore_mem>>
      %dma_wait3A_134 = arith.constant 0 : i32
      %dma_wait3A_135 = arith.constant 0 : i32
      %dma_wait3A_136 = tpu.memref_slice %arg9[%rem3A_123, %dma_wait3A_134, %dma_wait3A_135] : memref<2x128x128xf32, #tpu.memory_space<vmem>> -> memref<1x128x128xf32, #tpu.memory_space<vmem>>
      %dma_wait3A_137 = tpu.memref_squeeze %dma_wait3A_136 : memref<1x128x128xf32, #tpu.memory_space<vmem>> -> memref<128x128xf32, #tpu.memory_space<vmem>>
      %dma_wait3A_138 = arith.constant 0 : i32
      %dma_wait3A_139 = arith.constant 0 : i32
      %dma_wait3A_140 = tpu.memref_slice %arg4[%dma_wait3A_138, %dma_wait3A_139] : memref<10000x128xf32, #tpu.memory_space<hbm>> -> memref<128x128xf32, #tpu.memory_space<hbm>>
      tpu.wait_dma2 semaphore(%dma_wait3A_133 : memref<!tpu.dma_semaphore, #tpu.memory_space<semaphore_mem>>) src(%dma_wait3A_140 : memref<128x128xf32, #tpu.memory_space<hbm>>) dst(%dma_wait3A_137 : memref<128x128xf32, #tpu.memory_space<vmem>>)
      %add3A_141 = arith.constant 1 : i32
      %add3A_142 = arith.addi %while3A_121, %add3A_141 : i32
      %lt3A_143 = arith.cmpi slt, %add3A_142, %select_n3A : i32
      %convert_element_type3A_144 = arith.extui %lt3A_143 : i1 to i32
      %cond3A_145 = arith.constant 0 : i32
      %cond3A_146 = arith.cmpi ne, %convert_element_type3A_144, %cond3A_145 : i32
      scf.if %cond3A_146 {
        %dma_wait3A_154 = arith.constant 0 : i32
        %dma_wait3A_155 = tpu.memref_slice %arg7[%sub3A_124, %dma_wait3A_154] : memref<2x128xi32, #tpu.memory_space<vmem>> -> memref<1x128xi32, #tpu.memory_space<vmem>>
        %dma_wait3A_156 = tpu.memref_squeeze %dma_wait3A_155 : memref<1x128xi32, #tpu.memory_space<vmem>> -> memref<128xi32, #tpu.memory_space<vmem>>
        %dma_wait3A_157 = arith.constant 0 : i32
        %dma_wait3A_158 = tpu.memref_slice %arg2[%dma_wait3A_157] : memref<160000xi32, #tpu.memory_space<hbm>> -> memref<128xi32, #tpu.memory_space<hbm>>
        %dma_wait3A_159 = tpu.memref_slice %arg11[%sub3A_124] : memref<2x!tpu.dma_semaphore, #tpu.memory_space<semaphore_mem>> -> memref<1x!tpu.dma_semaphore, #tpu.memory_space<semaphore_mem>>
        %dma_wait3A_160 = tpu.memref_squeeze %dma_wait3A_159 : memref<1x!tpu.dma_semaphore, #tpu.memory_space<semaphore_mem>> -> memref<!tpu.dma_semaphore, #tpu.memory_space<semaphore_mem>>
        %dma_wait3A_161 = arith.constant 0 : i32
        %dma_wait3A_162 = tpu.memref_slice %arg7[%sub3A_124, %dma_wait3A_161] : memref<2x128xi32, #tpu.memory_space<vmem>> -> memref<1x128xi32, #tpu.memory_space<vmem>>
        %dma_wait3A_163 = tpu.memref_squeeze %dma_wait3A_162 : memref<1x128xi32, #tpu.memory_space<vmem>> -> memref<128xi32, #tpu.memory_space<vmem>>
        %dma_wait3A_164 = arith.constant 0 : i32
        %dma_wait3A_165 = tpu.memref_slice %arg2[%dma_wait3A_164] : memref<160000xi32, #tpu.memory_space<hbm>> -> memref<128xi32, #tpu.memory_space<hbm>>
        tpu.wait_dma2 semaphore(%dma_wait3A_160 : memref<!tpu.dma_semaphore, #tpu.memory_space<semaphore_mem>>) src(%dma_wait3A_165 : memref<128xi32, #tpu.memory_space<hbm>>) dst(%dma_wait3A_163 : memref<128xi32, #tpu.memory_space<vmem>>)
        %dma_wait3A_166 = arith.constant 0 : i32
        %dma_wait3A_167 = tpu.memref_slice %arg8[%sub3A_124, %dma_wait3A_166] : memref<2x128xi32, #tpu.memory_space<vmem>> -> memref<1x128xi32, #tpu.memory_space<vmem>>
        %dma_wait3A_168 = tpu.memref_squeeze %dma_wait3A_167 : memref<1x128xi32, #tpu.memory_space<vmem>> -> memref<128xi32, #tpu.memory_space<vmem>>
        %dma_wait3A_169 = arith.constant 0 : i32
        %dma_wait3A_170 = tpu.memref_slice %arg3[%dma_wait3A_169] : memref<160000xi32, #tpu.memory_space<hbm>> -> memref<128xi32, #tpu.memory_space<hbm>>
        %dma_wait3A_171 = tpu.memref_slice %arg11[%sub3A_124] : memref<2x!tpu.dma_semaphore, #tpu.memory_space<semaphore_mem>> -> memref<1x!tpu.dma_semaphore, #tpu.memory_space<semaphore_mem>>
        %dma_wait3A_172 = tpu.memref_squeeze %dma_wait3A_171 : memref<1x!tpu.dma_semaphore, #tpu.memory_space<semaphore_mem>> -> memref<!tpu.dma_semaphore, #tpu.memory_space<semaphore_mem>>
        %dma_wait3A_173 = arith.constant 0 : i32
        %dma_wait3A_174 = tpu.memref_slice %arg8[%sub3A_124, %dma_wait3A_173] : memref<2x128xi32, #tpu.memory_space<vmem>> -> memref<1x128xi32, #tpu.memory_space<vmem>>
        %dma_wait3A_175 = tpu.memref_squeeze %dma_wait3A_174 : memref<1x128xi32, #tpu.memory_space<vmem>> -> memref<128xi32, #tpu.memory_space<vmem>>
        %dma_wait3A_176 = arith.constant 0 : i32
        %dma_wait3A_177 = tpu.memref_slice %arg3[%dma_wait3A_176] : memref<160000xi32, #tpu.memory_space<hbm>> -> memref<128xi32, #tpu.memory_space<hbm>>
        tpu.wait_dma2 semaphore(%dma_wait3A_172 : memref<!tpu.dma_semaphore, #tpu.memory_space<semaphore_mem>>) src(%dma_wait3A_177 : memref<128xi32, #tpu.memory_space<hbm>>) dst(%dma_wait3A_175 : memref<128xi32, #tpu.memory_space<vmem>>)
        %add3A_178 = arith.constant 1 : i32
        %add3A_179 = arith.addi %while3A_121, %add3A_178 : i32
        %dma_start3A_180 = arith.constant 0 : i32
        %dma_start3A_181 = arith.constant 0 : i32
        %dma_start3A_182 = tpu.memref_slice %arg9[%sub3A_124, %dma_start3A_180, %dma_start3A_181] : memref<2x128x128xf32, #tpu.memory_space<vmem>> -> memref<1x128x128xf32, #tpu.memory_space<vmem>>
        %dma_start3A_183 = tpu.memref_squeeze %dma_start3A_182 : memref<1x128x128xf32, #tpu.memory_space<vmem>> -> memref<128x128xf32, #tpu.memory_space<vmem>>
        %dma_start3A_184 = arith.constant 0 : i32
        %dma_start3A_185 = tpu.memref_slice %arg7[%sub3A_124, %dma_start3A_184] : memref<2x128xi32, #tpu.memory_space<vmem>> -> memref<1x128xi32, #tpu.memory_space<vmem>>
        %dma_start3A_186 = tpu.memref_squeeze %dma_start3A_185 : memref<1x128xi32, #tpu.memory_space<vmem>> -> memref<128xi32, #tpu.memory_space<vmem>>
        %dma_start3A_187 = arith.constant 0 : i32
        %dma_start3A_188 = arith.constant 0 : i32
        %dma_start3A_189 = tpu.memref_slice %arg4[%dma_start3A_187, %dma_start3A_188] : memref<10000x128xf32, #tpu.memory_space<hbm>> -> memref<10000x128xf32, #tpu.memory_space<hbm>>
        %dma_start3A_190 = tpu.memref_slice %arg12[%sub3A_124] : memref<2x!tpu.dma_semaphore, #tpu.memory_space<semaphore_mem>> -> memref<1x!tpu.dma_semaphore, #tpu.memory_space<semaphore_mem>>
        %dma_start3A_191 = tpu.memref_squeeze %dma_start3A_190 : memref<1x!tpu.dma_semaphore, #tpu.memory_space<semaphore_mem>> -> memref<!tpu.dma_semaphore, #tpu.memory_space<semaphore_mem>>
        tpu.enqueue_indirect_dma source(%dma_start3A_189 : memref<10000x128xf32, #tpu.memory_space<hbm>>) target(%dma_start3A_183 : memref<128x128xf32, #tpu.memory_space<vmem>>) offsets(%dma_start3A_186 : memref<128xi32, #tpu.memory_space<vmem>>) semaphore(%dma_start3A_191 : memref<!tpu.dma_semaphore, #tpu.memory_space<semaphore_mem>>)
      } else {
      }
      "tpu.region"() ({
        %run_scoped3A = tpu.sem_alloc : memref<!tpu.dma_semaphore, #tpu.memory_space<semaphore_mem>>
        %dma_start3A_154 = arith.constant 0 : i32
        %dma_start3A_155 = arith.constant 0 : i32
        %dma_start3A_156 = tpu.memref_slice %arg9[%rem3A_123, %dma_start3A_154, %dma_start3A_155] : memref<2x128x128xf32, #tpu.memory_space<vmem>> -> memref<1x128x128xf32, #tpu.memory_space<vmem>>
        %dma_start3A_157 = tpu.memref_squeeze %dma_start3A_156 : memref<1x128x128xf32, #tpu.memory_space<vmem>> -> memref<128x128xf32, #tpu.memory_space<vmem>>
        %dma_start3A_158 = arith.constant 0 : i32
        %dma_start3A_159 = tpu.memref_slice %arg8[%rem3A_123, %dma_start3A_158] : memref<2x128xi32, #tpu.memory_space<vmem>> -> memref<1x128xi32, #tpu.memory_space<vmem>>
        %dma_start3A_160 = tpu.memref_squeeze %dma_start3A_159 : memref<1x128xi32, #tpu.memory_space<vmem>> -> memref<128xi32, #tpu.memory_space<vmem>>
        %dma_start3A_161 = arith.constant 0 : i32
        %dma_start3A_162 = arith.constant 0 : i32
        %dma_start3A_163 = tpu.memref_slice %arg10[%dma_start3A_161, %dma_start3A_162] : memref<10112x128xf32, #tpu.memory_space<vmem_shared>> -> memref<10112x128xf32, #tpu.memory_space<vmem_shared>>
        tpu.enqueue_indirect_dma source(%dma_start3A_157 : memref<128x128xf32, #tpu.memory_space<vmem>>) target(%dma_start3A_163 : memref<10112x128xf32, #tpu.memory_space<vmem_shared>>) offsets(%dma_start3A_160 : memref<128xi32, #tpu.memory_space<vmem>>) semaphore(%run_scoped3A : memref<!tpu.dma_semaphore, #tpu.memory_space<semaphore_mem>>) {add = true}
        %dma_wait3A_164 = arith.constant 0 : i32
        %dma_wait3A_165 = arith.constant 0 : i32
        %dma_wait3A_166 = tpu.memref_slice %arg9[%rem3A_123, %dma_wait3A_164, %dma_wait3A_165] : memref<2x128x128xf32, #tpu.memory_space<vmem>> -> memref<1x128x128xf32, #tpu.memory_space<vmem>>
        %dma_wait3A_167 = tpu.memref_squeeze %dma_wait3A_166 : memref<1x128x128xf32, #tpu.memory_space<vmem>> -> memref<128x128xf32, #tpu.memory_space<vmem>>
        %dma_wait3A_168 = arith.constant 0 : i32
        %dma_wait3A_169 = tpu.memref_slice %arg8[%rem3A_123, %dma_wait3A_168] : memref<2x128xi32, #tpu.memory_space<vmem>> -> memref<1x128xi32, #tpu.memory_space<vmem>>
        %dma_wait3A_170 = tpu.memref_squeeze %dma_wait3A_169 : memref<1x128xi32, #tpu.memory_space<vmem>> -> memref<128xi32, #tpu.memory_space<vmem>>
        %dma_wait3A_171 = arith.constant 0 : i32
        %dma_wait3A_172 = arith.constant 0 : i32
        %dma_wait3A_173 = tpu.memref_slice %arg10[%dma_wait3A_171, %dma_wait3A_172] : memref<10112x128xf32, #tpu.memory_space<vmem_shared>> -> memref<10112x128xf32, #tpu.memory_space<vmem_shared>>
        tpu.wait_indirect_dma semaphore(%run_scoped3A : memref<!tpu.dma_semaphore, #tpu.memory_space<semaphore_mem>>) src(%dma_wait3A_167 : memref<128x128xf32, #tpu.memory_space<vmem>>) dst(%dma_wait3A_173 : memref<10112x128xf32, #tpu.memory_space<vmem_shared>>)
        tpu.yield
      }) : () -> ()
      %add3A_147 = arith.constant 2 : i32
      %add3A_148 = arith.addi %while3A_121, %add3A_147 : i32
      %lt3A_149 = arith.cmpi slt, %add3A_148, %select_n3A : i32
      %convert_element_type3A_150 = arith.extui %lt3A_149 : i1 to i32
      %cond3A_151 = arith.constant 0 : i32
      %cond3A_152 = arith.cmpi ne, %convert_element_type3A_150, %cond3A_151 : i32
      scf.if %cond3A_152 {
        %add3A_154 = arith.constant 2 : i32
        %add3A_155 = arith.addi %while3A_121, %add3A_154 : i32
        %mul3A_156 = arith.constant 32 : i32
        %mul3A_157 = arith.muli %add3A_155, %mul3A_156 : i32
        %add3A_158 = arith.addi %add3A, %mul3A_157 : i32
        %mul3A_159 = arith.constant 128 : i32
        %mul3A_160 = arith.muli %add3A_158, %mul3A_159 : i32
        %dma_start3A_161 = arith.constant 0 : i32
        %dma_start3A_162 = tpu.memref_slice %arg7[%rem3A_123, %dma_start3A_161] : memref<2x128xi32, #tpu.memory_space<vmem>> -> memref<1x128xi32, #tpu.memory_space<vmem>>
        %dma_start3A_163 = tpu.memref_squeeze %dma_start3A_162 : memref<1x128xi32, #tpu.memory_space<vmem>> -> memref<128xi32, #tpu.memory_space<vmem>>
        %dma_start3A_164 = tpu.memref_slice %arg2[%mul3A_160] : memref<160000xi32, #tpu.memory_space<hbm>> -> memref<128xi32, #tpu.memory_space<hbm>>
        %dma_start3A_165 = tpu.memref_slice %arg11[%rem3A_123] : memref<2x!tpu.dma_semaphore, #tpu.memory_space<semaphore_mem>> -> memref<1x!tpu.dma_semaphore, #tpu.memory_space<semaphore_mem>>
        %dma_start3A_166 = tpu.memref_squeeze %dma_start3A_165 : memref<1x!tpu.dma_semaphore, #tpu.memory_space<semaphore_mem>> -> memref<!tpu.dma_semaphore, #tpu.memory_space<semaphore_mem>>
        %dma_start3A_167 = arith.constant 0 : i32
        %dma_start3A_168 = tpu.memref_slice %arg7[%rem3A_123, %dma_start3A_167] : memref<2x128xi32, #tpu.memory_space<vmem>> -> memref<1x128xi32, #tpu.memory_space<vmem>>
        %dma_start3A_169 = tpu.memref_squeeze %dma_start3A_168 : memref<1x128xi32, #tpu.memory_space<vmem>> -> memref<128xi32, #tpu.memory_space<vmem>>
        %dma_start3A_170 = tpu.memref_slice %arg2[%mul3A_160] : memref<160000xi32, #tpu.memory_space<hbm>> -> memref<128xi32, #tpu.memory_space<hbm>>
        tpu.enqueue_dma source(%dma_start3A_170 : memref<128xi32, #tpu.memory_space<hbm>>) target(%dma_start3A_169 : memref<128xi32, #tpu.memory_space<vmem>>) target_semaphore(%dma_start3A_166 : memref<!tpu.dma_semaphore, #tpu.memory_space<semaphore_mem>>)
        %dma_start3A_171 = arith.constant 0 : i32
        %dma_start3A_172 = tpu.memref_slice %arg8[%rem3A_123, %dma_start3A_171] : memref<2x128xi32, #tpu.memory_space<vmem>> -> memref<1x128xi32, #tpu.memory_space<vmem>>
        %dma_start3A_173 = tpu.memref_squeeze %dma_start3A_172 : memref<1x128xi32, #tpu.memory_space<vmem>> -> memref<128xi32, #tpu.memory_space<vmem>>
        %dma_start3A_174 = tpu.memref_slice %arg3[%mul3A_160] : memref<160000xi32, #tpu.memory_space<hbm>> -> memref<128xi32, #tpu.memory_space<hbm>>
        %dma_start3A_175 = tpu.memref_slice %arg11[%rem3A_123] : memref<2x!tpu.dma_semaphore, #tpu.memory_space<semaphore_mem>> -> memref<1x!tpu.dma_semaphore, #tpu.memory_space<semaphore_mem>>
        %dma_start3A_176 = tpu.memref_squeeze %dma_start3A_175 : memref<1x!tpu.dma_semaphore, #tpu.memory_space<semaphore_mem>> -> memref<!tpu.dma_semaphore, #tpu.memory_space<semaphore_mem>>
        %dma_start3A_177 = arith.constant 0 : i32
        %dma_start3A_178 = tpu.memref_slice %arg8[%rem3A_123, %dma_start3A_177] : memref<2x128xi32, #tpu.memory_space<vmem>> -> memref<1x128xi32, #tpu.memory_space<vmem>>
        %dma_start3A_179 = tpu.memref_squeeze %dma_start3A_178 : memref<1x128xi32, #tpu.memory_space<vmem>> -> memref<128xi32, #tpu.memory_space<vmem>>
        %dma_start3A_180 = tpu.memref_slice %arg3[%mul3A_160] : memref<160000xi32, #tpu.memory_space<hbm>> -> memref<128xi32, #tpu.memory_space<hbm>>
        tpu.enqueue_dma source(%dma_start3A_180 : memref<128xi32, #tpu.memory_space<hbm>>) target(%dma_start3A_179 : memref<128xi32, #tpu.memory_space<vmem>>) target_semaphore(%dma_start3A_176 : memref<!tpu.dma_semaphore, #tpu.memory_space<semaphore_mem>>)
      } else {
      }
      %while3A_153 = arith.constant 0 : i32
      scf.yield %while3A_153 : i32
    }
    %while3A_111 = arith.constant 1 : i32
    %while3A_112 = scf.for %while3A_121 = %while3A_108 to %while3A_104 step %while3A_111 iter_args(%while3A_122 = %while3A_110) -> (i32)  : i32 {
      %rem3A = arith.constant 2 : i32
      %rem3A_123 = arith.remsi %while3A_121, %rem3A : i32
      %sub3A = arith.constant 1 : i32
      %sub3A_124 = arith.subi %sub3A, %rem3A_123 : i32
      %dma_wait3A_125 = arith.constant 0 : i32
      %dma_wait3A_126 = arith.constant 0 : i32
      %dma_wait3A_127 = tpu.memref_slice %arg9[%rem3A_123, %dma_wait3A_125, %dma_wait3A_126] : memref<2x128x128xf32, #tpu.memory_space<vmem>> -> memref<1x128x128xf32, #tpu.memory_space<vmem>>
      %dma_wait3A_128 = tpu.memref_squeeze %dma_wait3A_127 : memref<1x128x128xf32, #tpu.memory_space<vmem>> -> memref<128x128xf32, #tpu.memory_space<vmem>>
      %dma_wait3A_129 = arith.constant 0 : i32
      %dma_wait3A_130 = arith.constant 0 : i32
      %dma_wait3A_131 = tpu.memref_slice %arg4[%dma_wait3A_129, %dma_wait3A_130] : memref<10000x128xf32, #tpu.memory_space<hbm>> -> memref<128x128xf32, #tpu.memory_space<hbm>>
      %dma_wait3A_132 = tpu.memref_slice %arg12[%rem3A_123] : memref<2x!tpu.dma_semaphore, #tpu.memory_space<semaphore_mem>> -> memref<1x!tpu.dma_semaphore, #tpu.memory_space<semaphore_mem>>
      %dma_wait3A_133 = tpu.memref_squeeze %dma_wait3A_132 : memref<1x!tpu.dma_semaphore, #tpu.memory_space<semaphore_mem>> -> memref<!tpu.dma_semaphore, #tpu.memory_space<semaphore_mem>>
      %dma_wait3A_134 = arith.constant 0 : i32
      %dma_wait3A_135 = arith.constant 0 : i32
      %dma_wait3A_136 = tpu.memref_slice %arg9[%rem3A_123, %dma_wait3A_134, %dma_wait3A_135] : memref<2x128x128xf32, #tpu.memory_space<vmem>> -> memref<1x128x128xf32, #tpu.memory_space<vmem>>
      %dma_wait3A_137 = tpu.memref_squeeze %dma_wait3A_136 : memref<1x128x128xf32, #tpu.memory_space<vmem>> -> memref<128x128xf32, #tpu.memory_space<vmem>>
      %dma_wait3A_138 = arith.constant 0 : i32
      %dma_wait3A_139 = arith.constant 0 : i32
      %dma_wait3A_140 = tpu.memref_slice %arg4[%dma_wait3A_138, %dma_wait3A_139] : memref<10000x128xf32, #tpu.memory_space<hbm>> -> memref<128x128xf32, #tpu.memory_space<hbm>>
      tpu.wait_dma2 semaphore(%dma_wait3A_133 : memref<!tpu.dma_semaphore, #tpu.memory_space<semaphore_mem>>) src(%dma_wait3A_140 : memref<128x128xf32, #tpu.memory_space<hbm>>) dst(%dma_wait3A_137 : memref<128x128xf32, #tpu.memory_space<vmem>>)
      %add3A_141 = arith.constant 1 : i32
      %add3A_142 = arith.addi %while3A_121, %add3A_141 : i32
      %lt3A_143 = arith.cmpi slt, %add3A_142, %select_n3A : i32
      %convert_element_type3A_144 = arith.extui %lt3A_143 : i1 to i32
      %cond3A_145 = arith.constant 0 : i32
      %cond3A_146 = arith.cmpi ne, %convert_element_type3A_144, %cond3A_145 : i32
      scf.if %cond3A_146 {
        %dma_wait3A_154 = arith.constant 0 : i32
        %dma_wait3A_155 = tpu.memref_slice %arg7[%sub3A_124, %dma_wait3A_154] : memref<2x128xi32, #tpu.memory_space<vmem>> -> memref<1x128xi32, #tpu.memory_space<vmem>>
        %dma_wait3A_156 = tpu.memref_squeeze %dma_wait3A_155 : memref<1x128xi32, #tpu.memory_space<vmem>> -> memref<128xi32, #tpu.memory_space<vmem>>
        %dma_wait3A_157 = arith.constant 0 : i32
        %dma_wait3A_158 = tpu.memref_slice %arg2[%dma_wait3A_157] : memref<160000xi32, #tpu.memory_space<hbm>> -> memref<128xi32, #tpu.memory_space<hbm>>
        %dma_wait3A_159 = tpu.memref_slice %arg11[%sub3A_124] : memref<2x!tpu.dma_semaphore, #tpu.memory_space<semaphore_mem>> -> memref<1x!tpu.dma_semaphore, #tpu.memory_space<semaphore_mem>>
        %dma_wait3A_160 = tpu.memref_squeeze %dma_wait3A_159 : memref<1x!tpu.dma_semaphore, #tpu.memory_space<semaphore_mem>> -> memref<!tpu.dma_semaphore, #tpu.memory_space<semaphore_mem>>
        %dma_wait3A_161 = arith.constant 0 : i32
        %dma_wait3A_162 = tpu.memref_slice %arg7[%sub3A_124, %dma_wait3A_161] : memref<2x128xi32, #tpu.memory_space<vmem>> -> memref<1x128xi32, #tpu.memory_space<vmem>>
        %dma_wait3A_163 = tpu.memref_squeeze %dma_wait3A_162 : memref<1x128xi32, #tpu.memory_space<vmem>> -> memref<128xi32, #tpu.memory_space<vmem>>
        %dma_wait3A_164 = arith.constant 0 : i32
        %dma_wait3A_165 = tpu.memref_slice %arg2[%dma_wait3A_164] : memref<160000xi32, #tpu.memory_space<hbm>> -> memref<128xi32, #tpu.memory_space<hbm>>
        tpu.wait_dma2 semaphore(%dma_wait3A_160 : memref<!tpu.dma_semaphore, #tpu.memory_space<semaphore_mem>>) src(%dma_wait3A_165 : memref<128xi32, #tpu.memory_space<hbm>>) dst(%dma_wait3A_163 : memref<128xi32, #tpu.memory_space<vmem>>)
        %dma_wait3A_166 = arith.constant 0 : i32
        %dma_wait3A_167 = tpu.memref_slice %arg8[%sub3A_124, %dma_wait3A_166] : memref<2x128xi32, #tpu.memory_space<vmem>> -> memref<1x128xi32, #tpu.memory_space<vmem>>
        %dma_wait3A_168 = tpu.memref_squeeze %dma_wait3A_167 : memref<1x128xi32, #tpu.memory_space<vmem>> -> memref<128xi32, #tpu.memory_space<vmem>>
        %dma_wait3A_169 = arith.constant 0 : i32
        %dma_wait3A_170 = tpu.memref_slice %arg3[%dma_wait3A_169] : memref<160000xi32, #tpu.memory_space<hbm>> -> memref<128xi32, #tpu.memory_space<hbm>>
        %dma_wait3A_171 = tpu.memref_slice %arg11[%sub3A_124] : memref<2x!tpu.dma_semaphore, #tpu.memory_space<semaphore_mem>> -> memref<1x!tpu.dma_semaphore, #tpu.memory_space<semaphore_mem>>
        %dma_wait3A_172 = tpu.memref_squeeze %dma_wait3A_171 : memref<1x!tpu.dma_semaphore, #tpu.memory_space<semaphore_mem>> -> memref<!tpu.dma_semaphore, #tpu.memory_space<semaphore_mem>>
        %dma_wait3A_173 = arith.constant 0 : i32
        %dma_wait3A_174 = tpu.memref_slice %arg8[%sub3A_124, %dma_wait3A_173] : memref<2x128xi32, #tpu.memory_space<vmem>> -> memref<1x128xi32, #tpu.memory_space<vmem>>
        %dma_wait3A_175 = tpu.memref_squeeze %dma_wait3A_174 : memref<1x128xi32, #tpu.memory_space<vmem>> -> memref<128xi32, #tpu.memory_space<vmem>>
        %dma_wait3A_176 = arith.constant 0 : i32
        %dma_wait3A_177 = tpu.memref_slice %arg3[%dma_wait3A_176] : memref<160000xi32, #tpu.memory_space<hbm>> -> memref<128xi32, #tpu.memory_space<hbm>>
        tpu.wait_dma2 semaphore(%dma_wait3A_172 : memref<!tpu.dma_semaphore, #tpu.memory_space<semaphore_mem>>) src(%dma_wait3A_177 : memref<128xi32, #tpu.memory_space<hbm>>) dst(%dma_wait3A_175 : memref<128xi32, #tpu.memory_space<vmem>>)
        %add3A_178 = arith.constant 1 : i32
        %add3A_179 = arith.addi %while3A_121, %add3A_178 : i32
        %dma_start3A_180 = arith.constant 0 : i32
        %dma_start3A_181 = arith.constant 0 : i32
        %dma_start3A_182 = tpu.memref_slice %arg9[%sub3A_124, %dma_start3A_180, %dma_start3A_181] : memref<2x128x128xf32, #tpu.memory_space<vmem>> -> memref<1x128x128xf32, #tpu.memory_space<vmem>>
        %dma_start3A_183 = tpu.memref_squeeze %dma_start3A_182 : memref<1x128x128xf32, #tpu.memory_space<vmem>> -> memref<128x128xf32, #tpu.memory_space<vmem>>
        %dma_start3A_184 = arith.constant 0 : i32
        %dma_start3A_185 = tpu.memref_slice %arg7[%sub3A_124, %dma_start3A_184] : memref<2x128xi32, #tpu.memory_space<vmem>> -> memref<1x128xi32, #tpu.memory_space<vmem>>
        %dma_start3A_186 = tpu.memref_squeeze %dma_start3A_185 : memref<1x128xi32, #tpu.memory_space<vmem>> -> memref<128xi32, #tpu.memory_space<vmem>>
        %dma_start3A_187 = arith.constant 0 : i32
        %dma_start3A_188 = arith.constant 0 : i32
        %dma_start3A_189 = tpu.memref_slice %arg4[%dma_start3A_187, %dma_start3A_188] : memref<10000x128xf32, #tpu.memory_space<hbm>> -> memref<10000x128xf32, #tpu.memory_space<hbm>>
        %dma_start3A_190 = tpu.memref_slice %arg12[%sub3A_124] : memref<2x!tpu.dma_semaphore, #tpu.memory_space<semaphore_mem>> -> memref<1x!tpu.dma_semaphore, #tpu.memory_space<semaphore_mem>>
        %dma_start3A_191 = tpu.memref_squeeze %dma_start3A_190 : memref<1x!tpu.dma_semaphore, #tpu.memory_space<semaphore_mem>> -> memref<!tpu.dma_semaphore, #tpu.memory_space<semaphore_mem>>
        tpu.enqueue_indirect_dma source(%dma_start3A_189 : memref<10000x128xf32, #tpu.memory_space<hbm>>) target(%dma_start3A_183 : memref<128x128xf32, #tpu.memory_space<vmem>>) offsets(%dma_start3A_186 : memref<128xi32, #tpu.memory_space<vmem>>) semaphore(%dma_start3A_191 : memref<!tpu.dma_semaphore, #tpu.memory_space<semaphore_mem>>)
      } else {
      }
      "tpu.region"() ({
        %run_scoped3A = tpu.sem_alloc : memref<!tpu.dma_semaphore, #tpu.memory_space<semaphore_mem>>
        %dma_start3A_154 = arith.constant 0 : i32
        %dma_start3A_155 = arith.constant 0 : i32
        %dma_start3A_156 = tpu.memref_slice %arg9[%rem3A_123, %dma_start3A_154, %dma_start3A_155] : memref<2x128x128xf32, #tpu.memory_space<vmem>> -> memref<1x128x128xf32, #tpu.memory_space<vmem>>
        %dma_start3A_157 = tpu.memref_squeeze %dma_start3A_156 : memref<1x128x128xf32, #tpu.memory_space<vmem>> -> memref<128x128xf32, #tpu.memory_space<vmem>>
        %dma_start3A_158 = arith.constant 0 : i32
        %dma_start3A_159 = tpu.memref_slice %arg8[%rem3A_123, %dma_start3A_158] : memref<2x128xi32, #tpu.memory_space<vmem>> -> memref<1x128xi32, #tpu.memory_space<vmem>>
        %dma_start3A_160 = tpu.memref_squeeze %dma_start3A_159 : memref<1x128xi32, #tpu.memory_space<vmem>> -> memref<128xi32, #tpu.memory_space<vmem>>
        %dma_start3A_161 = arith.constant 0 : i32
        %dma_start3A_162 = arith.constant 0 : i32
        %dma_start3A_163 = tpu.memref_slice %arg10[%dma_start3A_161, %dma_start3A_162] : memref<10112x128xf32, #tpu.memory_space<vmem_shared>> -> memref<10112x128xf32, #tpu.memory_space<vmem_shared>>
        tpu.enqueue_indirect_dma source(%dma_start3A_157 : memref<128x128xf32, #tpu.memory_space<vmem>>) target(%dma_start3A_163 : memref<10112x128xf32, #tpu.memory_space<vmem_shared>>) offsets(%dma_start3A_160 : memref<128xi32, #tpu.memory_space<vmem>>) semaphore(%run_scoped3A : memref<!tpu.dma_semaphore, #tpu.memory_space<semaphore_mem>>) {add = true}
        %dma_wait3A_164 = arith.constant 0 : i32
        %dma_wait3A_165 = arith.constant 0 : i32
        %dma_wait3A_166 = tpu.memref_slice %arg9[%rem3A_123, %dma_wait3A_164, %dma_wait3A_165] : memref<2x128x128xf32, #tpu.memory_space<vmem>> -> memref<1x128x128xf32, #tpu.memory_space<vmem>>
        %dma_wait3A_167 = tpu.memref_squeeze %dma_wait3A_166 : memref<1x128x128xf32, #tpu.memory_space<vmem>> -> memref<128x128xf32, #tpu.memory_space<vmem>>
        %dma_wait3A_168 = arith.constant 0 : i32
        %dma_wait3A_169 = tpu.memref_slice %arg8[%rem3A_123, %dma_wait3A_168] : memref<2x128xi32, #tpu.memory_space<vmem>> -> memref<1x128xi32, #tpu.memory_space<vmem>>
        %dma_wait3A_170 = tpu.memref_squeeze %dma_wait3A_169 : memref<1x128xi32, #tpu.memory_space<vmem>> -> memref<128xi32, #tpu.memory_space<vmem>>
        %dma_wait3A_171 = arith.constant 0 : i32
        %dma_wait3A_172 = arith.constant 0 : i32
        %dma_wait3A_173 = tpu.memref_slice %arg10[%dma_wait3A_171, %dma_wait3A_172] : memref<10112x128xf32, #tpu.memory_space<vmem_shared>> -> memref<10112x128xf32, #tpu.memory_space<vmem_shared>>
        tpu.wait_indirect_dma semaphore(%run_scoped3A : memref<!tpu.dma_semaphore, #tpu.memory_space<semaphore_mem>>) src(%dma_wait3A_167 : memref<128x128xf32, #tpu.memory_space<vmem>>) dst(%dma_wait3A_173 : memref<10112x128xf32, #tpu.memory_space<vmem_shared>>)
        tpu.yield
      }) : () -> ()
      %add3A_147 = arith.constant 2 : i32
      %add3A_148 = arith.addi %while3A_121, %add3A_147 : i32
      %lt3A_149 = arith.cmpi slt, %add3A_148, %select_n3A : i32
      %convert_element_type3A_150 = arith.extui %lt3A_149 : i1 to i32
      %cond3A_151 = arith.constant 0 : i32
      %cond3A_152 = arith.cmpi ne, %convert_element_type3A_150, %cond3A_151 : i32
      scf.if %cond3A_152 {
        %add3A_154 = arith.constant 2 : i32
        %add3A_155 = arith.addi %while3A_121, %add3A_154 : i32
        %mul3A_156 = arith.constant 32 : i32
        %mul3A_157 = arith.muli %add3A_155, %mul3A_156 : i32
        %add3A_158 = arith.addi %add3A, %mul3A_157 : i32
        %mul3A_159 = arith.constant 128 : i32
        %mul3A_160 = arith.muli %add3A_158, %mul3A_159 : i32
        %dma_start3A_161 = arith.constant 0 : i32
        %dma_start3A_162 = tpu.memref_slice %arg7[%rem3A_123, %dma_start3A_161] : memref<2x128xi32, #tpu.memory_space<vmem>> -> memref<1x128xi32, #tpu.memory_space<vmem>>
        %dma_start3A_163 = tpu.memref_squeeze %dma_start3A_162 : memref<1x128xi32, #tpu.memory_space<vmem>> -> memref<128xi32, #tpu.memory_space<vmem>>
        %dma_start3A_164 = tpu.memref_slice %arg2[%mul3A_160] : memref<160000xi32, #tpu.memory_space<hbm>> -> memref<128xi32, #tpu.memory_space<hbm>>
        %dma_start3A_165 = tpu.memref_slice %arg11[%rem3A_123] : memref<2x!tpu.dma_semaphore, #tpu.memory_space<semaphore_mem>> -> memref<1x!tpu.dma_semaphore, #tpu.memory_space<semaphore_mem>>
        %dma_start3A_166 = tpu.memref_squeeze %dma_start3A_165 : memref<1x!tpu.dma_semaphore, #tpu.memory_space<semaphore_mem>> -> memref<!tpu.dma_semaphore, #tpu.memory_space<semaphore_mem>>
        %dma_start3A_167 = arith.constant 0 : i32
        %dma_start3A_168 = tpu.memref_slice %arg7[%rem3A_123, %dma_start3A_167] : memref<2x128xi32, #tpu.memory_space<vmem>> -> memref<1x128xi32, #tpu.memory_space<vmem>>
        %dma_start3A_169 = tpu.memref_squeeze %dma_start3A_168 : memref<1x128xi32, #tpu.memory_space<vmem>> -> memref<128xi32, #tpu.memory_space<vmem>>
        %dma_start3A_170 = tpu.memref_slice %arg2[%mul3A_160] : memref<160000xi32, #tpu.memory_space<hbm>> -> memref<128xi32, #tpu.memory_space<hbm>>
        tpu.enqueue_dma source(%dma_start3A_170 : memref<128xi32, #tpu.memory_space<hbm>>) target(%dma_start3A_169 : memref<128xi32, #tpu.memory_space<vmem>>) target_semaphore(%dma_start3A_166 : memref<!tpu.dma_semaphore, #tpu.memory_space<semaphore_mem>>)
        %dma_start3A_171 = arith.constant 0 : i32
        %dma_start3A_172 = tpu.memref_slice %arg8[%rem3A_123, %dma_start3A_171] : memref<2x128xi32, #tpu.memory_space<vmem>> -> memref<1x128xi32, #tpu.memory_space<vmem>>
        %dma_start3A_173 = tpu.memref_squeeze %dma_start3A_172 : memref<1x128xi32, #tpu.memory_space<vmem>> -> memref<128xi32, #tpu.memory_space<vmem>>
        %dma_start3A_174 = tpu.memref_slice %arg3[%mul3A_160] : memref<160000xi32, #tpu.memory_space<hbm>> -> memref<128xi32, #tpu.memory_space<hbm>>
        %dma_start3A_175 = tpu.memref_slice %arg11[%rem3A_123] : memref<2x!tpu.dma_semaphore, #tpu.memory_space<semaphore_mem>> -> memref<1x!tpu.dma_semaphore, #tpu.memory_space<semaphore_mem>>
        %dma_start3A_176 = tpu.memref_squeeze %dma_start3A_175 : memref<1x!tpu.dma_semaphore, #tpu.memory_space<semaphore_mem>> -> memref<!tpu.dma_semaphore, #tpu.memory_space<semaphore_mem>>
        %dma_start3A_177 = arith.constant 0 : i32
        %dma_start3A_178 = tpu.memref_slice %arg8[%rem3A_123, %dma_start3A_177] : memref<2x128xi32, #tpu.memory_space<vmem>> -> memref<1x128xi32, #tpu.memory_space<vmem>>
        %dma_start3A_179 = tpu.memref_squeeze %dma_start3A_178 : memref<1x128xi32, #tpu.memory_space<vmem>> -> memref<128xi32, #tpu.memory_space<vmem>>
        %dma_start3A_180 = tpu.memref_slice %arg3[%mul3A_160] : memref<160000xi32, #tpu.memory_space<hbm>> -> memref<128xi32, #tpu.memory_space<hbm>>
        tpu.enqueue_dma source(%dma_start3A_180 : memref<128xi32, #tpu.memory_space<hbm>>) target(%dma_start3A_179 : memref<128xi32, #tpu.memory_space<vmem>>) target_semaphore(%dma_start3A_176 : memref<!tpu.dma_semaphore, #tpu.memory_space<semaphore_mem>>)
      } else {
      }
      %while3A_153 = arith.constant 0 : i32
      scf.yield %while3A_153 : i32
    }
    %barrier3A_113 = arith.constant 0 : index
    tpu.barrier barrier_id(%barrier3A_113)
    %lt3A_114 = arith.constant 15 : i32
    %lt3A_115 = arith.cmpi slt, %arg1, %lt3A_114 : i32
    %convert_element_type3A = arith.extui %lt3A_115 : i1 to i32
    %cond3A = arith.constant 0 : i32
    %cond3A_116 = arith.cmpi ne, %convert_element_type3A, %cond3A : i32
    scf.if %cond3A_116 {
      "tpu.region"() ({
        %run_scoped3A = tpu.sem_alloc : memref<!tpu.dma_semaphore, #tpu.memory_space<semaphore_mem>>
        %dma_start3A_121 = arith.constant 0 : i32
        %dma_start3A_122 = tpu.memref_slice %arg6[%arg0, %mul3A_2, %dma_start3A_121] : memref<2x10000x128xf32, #tpu.memory_space<hbm>> -> memref<1x632x128xf32, #tpu.memory_space<hbm>>
        %dma_start3A_123 = tpu.memref_squeeze %dma_start3A_122 : memref<1x632x128xf32, #tpu.memory_space<hbm>> -> memref<632x128xf32, #tpu.memory_space<hbm>>
        %dma_start3A_124 = arith.constant 0 : i32
        %dma_start3A_125 = tpu.memref_slice %arg10[%mul3A_2, %dma_start3A_124] : memref<10112x128xf32, #tpu.memory_space<vmem_shared>> -> memref<632x128xf32, #tpu.memory_space<vmem_shared>>
        tpu.enqueue_dma source(%dma_start3A_125 : memref<632x128xf32, #tpu.memory_space<vmem_shared>>) target(%dma_start3A_123 : memref<632x128xf32, #tpu.memory_space<hbm>>) target_semaphore(%run_scoped3A : memref<!tpu.dma_semaphore, #tpu.memory_space<semaphore_mem>>)
        %dma_wait3A_126 = arith.constant 0 : i32
        %dma_wait3A_127 = tpu.memref_slice %arg6[%arg0, %mul3A_2, %dma_wait3A_126] : memref<2x10000x128xf32, #tpu.memory_space<hbm>> -> memref<1x632x128xf32, #tpu.memory_space<hbm>>
        %dma_wait3A_128 = tpu.memref_squeeze %dma_wait3A_127 : memref<1x632x128xf32, #tpu.memory_space<hbm>> -> memref<632x128xf32, #tpu.memory_space<hbm>>
        %dma_wait3A_129 = arith.constant 0 : i32
        %dma_wait3A_130 = tpu.memref_slice %arg10[%mul3A_2, %dma_wait3A_129] : memref<10112x128xf32, #tpu.memory_space<vmem_shared>> -> memref<632x128xf32, #tpu.memory_space<vmem_shared>>
        tpu.wait_dma2 semaphore(%run_scoped3A : memref<!tpu.dma_semaphore, #tpu.memory_space<semaphore_mem>>) src(%dma_wait3A_130 : memref<632x128xf32, #tpu.memory_space<vmem_shared>>) dst(%dma_wait3A_128 : memref<632x128xf32, #tpu.memory_space<hbm>>)
        tpu.yield
      }) : () -> ()
    } else {
    }
    %eq3A = arith.constant 15 : i32
    %eq3A_117 = arith.cmpi eq, %arg1, %eq3A : i32
    %convert_element_type3A_118 = arith.extui %eq3A_117 : i1 to i32
    %cond3A_119 = arith.constant 0 : i32
    %cond3A_120 = arith.cmpi ne, %convert_element_type3A_118, %cond3A_119 : i32
    scf.if %cond3A_120 {
      "tpu.region"() ({
        %run_scoped3A = tpu.sem_alloc : memref<!tpu.dma_semaphore, #tpu.memory_space<semaphore_mem>>
        %dma_start3A_121 = arith.constant 0 : i32
        %dma_start3A_122 = tpu.memref_slice %arg6[%arg0, %mul3A_2, %dma_start3A_121] : memref<2x10000x128xf32, #tpu.memory_space<hbm>> -> memref<1x520x128xf32, #tpu.memory_space<hbm>>
        %dma_start3A_123 = tpu.memref_squeeze %dma_start3A_122 : memref<1x520x128xf32, #tpu.memory_space<hbm>> -> memref<520x128xf32, #tpu.memory_space<hbm>>
        %dma_start3A_124 = arith.constant 0 : i32
        %dma_start3A_125 = tpu.memref_slice %arg10[%mul3A_2, %dma_start3A_124] : memref<10112x128xf32, #tpu.memory_space<vmem_shared>> -> memref<520x128xf32, #tpu.memory_space<vmem_shared>>
        tpu.enqueue_dma source(%dma_start3A_125 : memref<520x128xf32, #tpu.memory_space<vmem_shared>>) target(%dma_start3A_123 : memref<520x128xf32, #tpu.memory_space<hbm>>) target_semaphore(%run_scoped3A : memref<!tpu.dma_semaphore, #tpu.memory_space<semaphore_mem>>)
        %dma_wait3A_126 = arith.constant 0 : i32
        %dma_wait3A_127 = tpu.memref_slice %arg6[%arg0, %mul3A_2, %dma_wait3A_126] : memref<2x10000x128xf32, #tpu.memory_space<hbm>> -> memref<1x520x128xf32, #tpu.memory_space<hbm>>
        %dma_wait3A_128 = tpu.memref_squeeze %dma_wait3A_127 : memref<1x520x128xf32, #tpu.memory_space<hbm>> -> memref<520x128xf32, #tpu.memory_space<hbm>>
        %dma_wait3A_129 = arith.constant 0 : i32
        %dma_wait3A_130 = tpu.memref_slice %arg10[%mul3A_2, %dma_wait3A_129] : memref<10112x128xf32, #tpu.memory_space<vmem_shared>> -> memref<520x128xf32, #tpu.memory_space<vmem_shared>>
        tpu.wait_dma2 semaphore(%run_scoped3A : memref<!tpu.dma_semaphore, #tpu.memory_space<semaphore_mem>>) src(%dma_wait3A_130 : memref<520x128xf32, #tpu.memory_space<vmem_shared>>) dst(%dma_wait3A_128 : memref<520x128xf32, #tpu.memory_space<hbm>>)
        tpu.yield
      }) : () -> ()
    } else {
    }
    return
  }
}

#map = affine_map<(d0, d1) -> (0)>
#map1 = affine_map<(d0, d1) -> (0, 0)>
#map2 = affine_map<(d0, d1) -> (0, 0, 0)>
module attributes {stable_mosaic.version = 14 : i64} {
  func.func @k(%arg0: i32, %arg1: i32, %arg2: memref<160000xi32, #tpu.memory_space<hbm>>, %arg3: memref<160000xi32, #tpu.memory_space<hbm>>, %arg4: memref<10000x128xf32, #tpu.memory_space<hbm>>, %arg5: memref<632x128xf32, #tpu.memory_space<hbm>>, %arg6: memref<2x10000x128xf32, #tpu.memory_space<hbm>>, %arg7: memref<2x128xi32, #tpu.memory_space<vmem>>, %arg8: memref<2x128xi32, #tpu.memory_space<vmem>>, %arg9: memref<2x128x128xf32, #tpu.memory_space<vmem>>, %arg10: memref<10112x128xf32, #tpu.memory_space<vmem_shared>>, %arg11: memref<2x!tpu.dma_semaphore, #tpu.memory_space<semaphore_mem>>, %arg12: memref<2x!tpu.dma_semaphore, #tpu.memory_space<semaphore_mem>>) attributes {dimension_semantics = [#tpu.dimension_semantics<core_parallel>, #tpu.dimension_semantics<subcore_parallel>], iteration_bounds = array<i64: 2, 16>, scalar_prefetch = 0 : i64, scratch_operands = 6 : i64, tpu.core_type = #tpu.core_type<sc_vector_subcore>, window_params = [{transform_indices = #map}, {transform_indices = #map}, {transform_indices = #map1}, {transform_indices = #map1}, {transform_indices = #map2}]} {
    %mul3A = arith.constant 2 : i32
    %mul3A_0 = arith.muli %arg1, %mul3A : i32
    %add3A = arith.addi %mul3A_0, %arg0 : i32
    %mul3A_1 = arith.constant 632 : i32
    %mul3A_2 = arith.muli %arg1, %mul3A_1 : i32
    %lt3A = arith.constant 2 : i32
    %lt3A_3 = arith.cmpi slt, %add3A, %lt3A : i32
    %jit3A = arith.constant 40 : i32
    %jit3A_4 = arith.constant 39 : i32
    %select_n3A = arith.select %lt3A_3, %jit3A, %jit3A_4 : i32
    %add3A_5 = arith.constant 0 : i32
    %add3A_6 = arith.addi %add3A, %add3A_5 : i32
    %mul3A_7 = arith.constant 128 : i32
    %mul3A_8 = arith.muli %add3A_6, %mul3A_7 : i32
    %dma_start3A = arith.constant 0 : i32
    %dma_start3A_9 = arith.constant 0 : i32
    %dma_start3A_10 = arith.constant 0 : i32
    %dma_start3A_11 = tpu.memref_slice %arg7[%dma_start3A, %dma_start3A_10] : memref<2x128xi32, #tpu.memory_space<vmem>> -> memref<1x128xi32, #tpu.memory_space<vmem>>
    %dma_start3A_12 = tpu.memref_squeeze %dma_start3A_11 : memref<1x128xi32, #tpu.memory_space<vmem>> -> memref<128xi32, #tpu.memory_space<vmem>>
    %dma_start3A_13 = tpu.memref_slice %arg2[%mul3A_8] : memref<160000xi32, #tpu.memory_space<hbm>> -> memref<128xi32, #tpu.memory_space<hbm>>
    %dma_start3A_14 = tpu.memref_slice %arg11[%dma_start3A_9] : memref<2x!tpu.dma_semaphore, #tpu.memory_space<semaphore_mem>> -> memref<1x!tpu.dma_semaphore, #tpu.memory_space<semaphore_mem>>
    %dma_start3A_15 = tpu.memref_squeeze %dma_start3A_14 : memref<1x!tpu.dma_semaphore, #tpu.memory_space<semaphore_mem>> -> memref<!tpu.dma_semaphore, #tpu.memory_space<semaphore_mem>>
    %dma_start3A_16 = arith.constant 0 : i32
    %dma_start3A_17 = tpu.memref_slice %arg7[%dma_start3A, %dma_start3A_16] : memref<2x128xi32, #tpu.memory_space<vmem>> -> memref<1x128xi32, #tpu.memory_space<vmem>>
    %dma_start3A_18 = tpu.memref_squeeze %dma_start3A_17 : memref<1x128xi32, #tpu.memory_space<vmem>> -> memref<128xi32, #tpu.memory_space<vmem>>
    %dma_start3A_19 = tpu.memref_slice %arg2[%mul3A_8] : memref<160000xi32, #tpu.memory_space<hbm>> -> memref<128xi32, #tpu.memory_space<hbm>>
    tpu.enqueue_dma source(%dma_start3A_19 : memref<128xi32, #tpu.memory_space<hbm>>) target(%dma_start3A_18 : memref<128xi32, #tpu.memory_space<vmem>>) target_semaphore(%dma_start3A_15 : memref<!tpu.dma_semaphore, #tpu.memory_space<semaphore_mem>>)
    %dma_start3A_20 = arith.constant 0 : i32
    %dma_start3A_21 = arith.constant 0 : i32
    %dma_start3A_22 = arith.constant 0 : i32
    %dma_start3A_23 = tpu.memref_slice %arg8[%dma_start3A_20, %dma_start3A_22] : memref<2x128xi32, #tpu.memory_space<vmem>> -> memref<1x128xi32, #tpu.memory_space<vmem>>
    %dma_start3A_24 = tpu.memref_squeeze %dma_start3A_23 : memref<1x128xi32, #tpu.memory_space<vmem>> -> memref<128xi32, #tpu.memory_space<vmem>>
    %dma_start3A_25 = tpu.memref_slice %arg3[%mul3A_8] : memref<160000xi32, #tpu.memory_space<hbm>> -> memref<128xi32, #tpu.memory_space<hbm>>
    %dma_start3A_26 = tpu.memref_slice %arg11[%dma_start3A_21] : memref<2x!tpu.dma_semaphore, #tpu.memory_space<semaphore_mem>> -> memref<1x!tpu.dma_semaphore, #tpu.memory_space<semaphore_mem>>
    %dma_start3A_27 = tpu.memref_squeeze %dma_start3A_26 : memref<1x!tpu.dma_semaphore, #tpu.memory_space<semaphore_mem>> -> memref<!tpu.dma_semaphore, #tpu.memory_space<semaphore_mem>>
    %dma_start3A_28 = arith.constant 0 : i32
    %dma_start3A_29 = tpu.memref_slice %arg8[%dma_start3A_20, %dma_start3A_28] : memref<2x128xi32, #tpu.memory_space<vmem>> -> memref<1x128xi32, #tpu.memory_space<vmem>>
    %dma_start3A_30 = tpu.memref_squeeze %dma_start3A_29 : memref<1x128xi32, #tpu.memory_space<vmem>> -> memref<128xi32, #tpu.memory_space<vmem>>
    %dma_start3A_31 = tpu.memref_slice %arg3[%mul3A_8] : memref<160000xi32, #tpu.memory_space<hbm>> -> memref<128xi32, #tpu.memory_space<hbm>>
    tpu.enqueue_dma source(%dma_start3A_31 : memref<128xi32, #tpu.memory_space<hbm>>) target(%dma_start3A_30 : memref<128xi32, #tpu.memory_space<vmem>>) target_semaphore(%dma_start3A_27 : memref<!tpu.dma_semaphore, #tpu.memory_space<semaphore_mem>>)
    %add3A_32 = arith.constant 32 : i32
    %add3A_33 = arith.addi %add3A, %add3A_32 : i32
    %mul3A_34 = arith.constant 128 : i32
    %mul3A_35 = arith.muli %add3A_33, %mul3A_34 : i32
    %dma_start3A_36 = arith.constant 1 : i32
    %dma_start3A_37 = arith.constant 1 : i32
    %dma_start3A_38 = arith.constant 0 : i32
    %dma_start3A_39 = tpu.memref_slice %arg7[%dma_start3A_36, %dma_start3A_38] : memref<2x128xi32, #tpu.memory_space<vmem>> -> memref<1x128xi32, #tpu.memory_space<vmem>>
    %dma_start3A_40 = tpu.memref_squeeze %dma_start3A_39 : memref<1x128xi32, #tpu.memory_space<vmem>> -> memref<128xi32, #tpu.memory_space<vmem>>
    %dma_start3A_41 = tpu.memref_slice %arg2[%mul3A_35] : memref<160000xi32, #tpu.memory_space<hbm>> -> memref<128xi32, #tpu.memory_space<hbm>>
    %dma_start3A_42 = tpu.memref_slice %arg11[%dma_start3A_37] : memref<2x!tpu.dma_semaphore, #tpu.memory_space<semaphore_mem>> -> memref<1x!tpu.dma_semaphore, #tpu.memory_space<semaphore_mem>>
    %dma_start3A_43 = tpu.memref_squeeze %dma_start3A_42 : memref<1x!tpu.dma_semaphore, #tpu.memory_space<semaphore_mem>> -> memref<!tpu.dma_semaphore, #tpu.memory_space<semaphore_mem>>
    %dma_start3A_44 = arith.constant 0 : i32
    %dma_start3A_45 = tpu.memref_slice %arg7[%dma_start3A_36, %dma_start3A_44] : memref<2x128xi32, #tpu.memory_space<vmem>> -> memref<1x128xi32, #tpu.memory_space<vmem>>
    %dma_start3A_46 = tpu.memref_squeeze %dma_start3A_45 : memref<1x128xi32, #tpu.memory_space<vmem>> -> memref<128xi32, #tpu.memory_space<vmem>>
    %dma_start3A_47 = tpu.memref_slice %arg2[%mul3A_35] : memref<160000xi32, #tpu.memory_space<hbm>> -> memref<128xi32, #tpu.memory_space<hbm>>
    tpu.enqueue_dma source(%dma_start3A_47 : memref<128xi32, #tpu.memory_space<hbm>>) target(%dma_start3A_46 : memref<128xi32, #tpu.memory_space<vmem>>) target_semaphore(%dma_start3A_43 : memref<!tpu.dma_semaphore, #tpu.memory_space<semaphore_mem>>)
    %dma_start3A_48 = arith.constant 1 : i32
    %dma_start3A_49 = arith.constant 1 : i32
    %dma_start3A_50 = arith.constant 0 : i32
    %dma_start3A_51 = tpu.memref_slice %arg8[%dma_start3A_48, %dma_start3A_50] : memref<2x128xi32, #tpu.memory_space<vmem>> -> memref<1x128xi32, #tpu.memory_space<vmem>>
    %dma_start3A_52 = tpu.memref_squeeze %dma_start3A_51 : memref<1x128xi32, #tpu.memory_space<vmem>> -> memref<128xi32, #tpu.memory_space<vmem>>
    %dma_start3A_53 = tpu.memref_slice %arg3[%mul3A_35] : memref<160000xi32, #tpu.memory_space<hbm>> -> memref<128xi32, #tpu.memory_space<hbm>>
    %dma_start3A_54 = tpu.memref_slice %arg11[%dma_start3A_49] : memref<2x!tpu.dma_semaphore, #tpu.memory_space<semaphore_mem>> -> memref<1x!tpu.dma_semaphore, #tpu.memory_space<semaphore_mem>>
    %dma_start3A_55 = tpu.memref_squeeze %dma_start3A_54 : memref<1x!tpu.dma_semaphore, #tpu.memory_space<semaphore_mem>> -> memref<!tpu.dma_semaphore, #tpu.memory_space<semaphore_mem>>
    %dma_start3A_56 = arith.constant 0 : i32
    %dma_start3A_57 = tpu.memref_slice %arg8[%dma_start3A_48, %dma_start3A_56] : memref<2x128xi32, #tpu.memory_space<vmem>> -> memref<1x128xi32, #tpu.memory_space<vmem>>
    %dma_start3A_58 = tpu.memref_squeeze %dma_start3A_57 : memref<1x128xi32, #tpu.memory_space<vmem>> -> memref<128xi32, #tpu.memory_space<vmem>>
    %dma_start3A_59 = tpu.memref_slice %arg3[%mul3A_35] : memref<160000xi32, #tpu.memory_space<hbm>> -> memref<128xi32, #tpu.memory_space<hbm>>
    tpu.enqueue_dma source(%dma_start3A_59 : memref<128xi32, #tpu.memory_space<hbm>>) target(%dma_start3A_58 : memref<128xi32, #tpu.memory_space<vmem>>) target_semaphore(%dma_start3A_55 : memref<!tpu.dma_semaphore, #tpu.memory_space<semaphore_mem>>)
    "tpu.region"() ({
      %run_scoped3A = tpu.sem_alloc : memref<!tpu.dma_semaphore, #tpu.memory_space<semaphore_mem>>
      %dma_start3A_121 = arith.constant 0 : i32
      %dma_start3A_122 = tpu.memref_slice %arg10[%mul3A_2, %dma_start3A_121] : memref<10112x128xf32, #tpu.memory_space<vmem_shared>> -> memref<632x128xf32, #tpu.memory_space<vmem_shared>>
      tpu.enqueue_dma source(%arg5 : memref<632x128xf32, #tpu.memory_space<hbm>>) target(%dma_start3A_122 : memref<632x128xf32, #tpu.memory_space<vmem_shared>>) target_semaphore(%run_scoped3A : memref<!tpu.dma_semaphore, #tpu.memory_space<semaphore_mem>>)
      %dma_wait3A_123 = arith.constant 0 : i32
      %dma_wait3A_124 = tpu.memref_slice %arg10[%mul3A_2, %dma_wait3A_123] : memref<10112x128xf32, #tpu.memory_space<vmem_shared>> -> memref<632x128xf32, #tpu.memory_space<vmem_shared>>
      tpu.wait_dma2 semaphore(%run_scoped3A : memref<!tpu.dma_semaphore, #tpu.memory_space<semaphore_mem>>) src(%arg5 : memref<632x128xf32, #tpu.memory_space<hbm>>) dst(%dma_wait3A_124 : memref<632x128xf32, #tpu.memory_space<vmem_shared>>)
      tpu.yield
    }) : () -> ()
    %barrier3A = arith.constant 0 : index
    tpu.barrier barrier_id(%barrier3A)
    %dma_wait3A = arith.constant 0 : i32
    %dma_wait3A_60 = arith.constant 0 : i32
    %dma_wait3A_61 = arith.constant 0 : i32
    %dma_wait3A_62 = tpu.memref_slice %arg7[%dma_wait3A, %dma_wait3A_61] : memref<2x128xi32, #tpu.memory_space<vmem>> -> memref<1x128xi32, #tpu.memory_space<vmem>>
    %dma_wait3A_63 = tpu.memref_squeeze %dma_wait3A_62 : memref<1x128xi32, #tpu.memory_space<vmem>> -> memref<128xi32, #tpu.memory_space<vmem>>
    %dma_wait3A_64 = arith.constant 0 : i32
    %dma_wait3A_65 = tpu.memref_slice %arg2[%dma_wait3A_64] : memref<160000xi32, #tpu.memory_space<hbm>> -> memref<128xi32, #tpu.memory_space<hbm>>
    %dma_wait3A_66 = tpu.memref_slice %arg11[%dma_wait3A_60] : memref<2x!tpu.dma_semaphore, #tpu.memory_space<semaphore_mem>> -> memref<1x!tpu.dma_semaphore, #tpu.memory_space<semaphore_mem>>
    %dma_wait3A_67 = tpu.memref_squeeze %dma_wait3A_66 : memref<1x!tpu.dma_semaphore, #tpu.memory_space<semaphore_mem>> -> memref<!tpu.dma_semaphore, #tpu.memory_space<semaphore_mem>>
    %dma_wait3A_68 = arith.constant 0 : i32
    %dma_wait3A_69 = tpu.memref_slice %arg7[%dma_wait3A, %dma_wait3A_68] : memref<2x128xi32, #tpu.memory_space<vmem>> -> memref<1x128xi32, #tpu.memory_space<vmem>>
    %dma_wait3A_70 = tpu.memref_squeeze %dma_wait3A_69 : memref<1x128xi32, #tpu.memory_space<vmem>> -> memref<128xi32, #tpu.memory_space<vmem>>
    %dma_wait3A_71 = arith.constant 0 : i32
    %dma_wait3A_72 = tpu.memref_slice %arg2[%dma_wait3A_71] : memref<160000xi32, #tpu.memory_space<hbm>> -> memref<128xi32, #tpu.memory_space<hbm>>
    tpu.wait_dma2 semaphore(%dma_wait3A_67 : memref<!tpu.dma_semaphore, #tpu.memory_space<semaphore_mem>>) src(%dma_wait3A_72 : memref<128xi32, #tpu.memory_space<hbm>>) dst(%dma_wait3A_70 : memref<128xi32, #tpu.memory_space<vmem>>)
    %dma_wait3A_73 = arith.constant 0 : i32
    %dma_wait3A_74 = arith.constant 0 : i32
    %dma_wait3A_75 = arith.constant 0 : i32
    %dma_wait3A_76 = tpu.memref_slice %arg8[%dma_wait3A_73, %dma_wait3A_75] : memref<2x128xi32, #tpu.memory_space<vmem>> -> memref<1x128xi32, #tpu.memory_space<vmem>>
    %dma_wait3A_77 = tpu.memref_squeeze %dma_wait3A_76 : memref<1x128xi32, #tpu.memory_space<vmem>> -> memref<128xi32, #tpu.memory_space<vmem>>
    %dma_wait3A_78 = arith.constant 0 : i32
    %dma_wait3A_79 = tpu.memref_slice %arg3[%dma_wait3A_78] : memref<160000xi32, #tpu.memory_space<hbm>> -> memref<128xi32, #tpu.memory_space<hbm>>
    %dma_wait3A_80 = tpu.memref_slice %arg11[%dma_wait3A_74] : memref<2x!tpu.dma_semaphore, #tpu.memory_space<semaphore_mem>> -> memref<1x!tpu.dma_semaphore, #tpu.memory_space<semaphore_mem>>
    %dma_wait3A_81 = tpu.memref_squeeze %dma_wait3A_80 : memref<1x!tpu.dma_semaphore, #tpu.memory_space<semaphore_mem>> -> memref<!tpu.dma_semaphore, #tpu.memory_space<semaphore_mem>>
    %dma_wait3A_82 = arith.constant 0 : i32
    %dma_wait3A_83 = tpu.memref_slice %arg8[%dma_wait3A_73, %dma_wait3A_82] : memref<2x128xi32, #tpu.memory_space<vmem>> -> memref<1x128xi32, #tpu.memory_space<vmem>>
    %dma_wait3A_84 = tpu.memref_squeeze %dma_wait3A_83 : memref<1x128xi32, #tpu.memory_space<vmem>> -> memref<128xi32, #tpu.memory_space<vmem>>
    %dma_wait3A_85 = arith.constant 0 : i32
    %dma_wait3A_86 = tpu.memref_slice %arg3[%dma_wait3A_85] : memref<160000xi32, #tpu.memory_space<hbm>> -> memref<128xi32, #tpu.memory_space<hbm>>
    tpu.wait_dma2 semaphore(%dma_wait3A_81 : memref<!tpu.dma_semaphore, #tpu.memory_space<semaphore_mem>>) src(%dma_wait3A_86 : memref<128xi32, #tpu.memory_space<hbm>>) dst(%dma_wait3A_84 : memref<128xi32, #tpu.memory_space<vmem>>)
    %dma_start3A_87 = arith.constant 0 : i32
    %dma_start3A_88 = arith.constant 0 : i32
    %dma_start3A_89 = arith.constant 0 : i32
    %dma_start3A_90 = arith.constant 0 : i32
    %dma_start3A_91 = arith.constant 0 : i32
    %dma_start3A_92 = tpu.memref_slice %arg9[%dma_start3A_88, %dma_start3A_90, %dma_start3A_91] : memref<2x128x128xf32, #tpu.memory_space<vmem>> -> memref<1x128x128xf32, #tpu.memory_space<vmem>>
    %dma_start3A_93 = tpu.memref_squeeze %dma_start3A_92 : memref<1x128x128xf32, #tpu.memory_space<vmem>> -> memref<128x128xf32, #tpu.memory_space<vmem>>
    %dma_start3A_94 = arith.constant 0 : i32
    %dma_start3A_95 = tpu.memref_slice %arg7[%dma_start3A_87, %dma_start3A_94] : memref<2x128xi32, #tpu.memory_space<vmem>> -> memref<1x128xi32, #tpu.memory_space<vmem>>
    %dma_start3A_96 = tpu.memref_squeeze %dma_start3A_95 : memref<1x128xi32, #tpu.memory_space<vmem>> -> memref<128xi32, #tpu.memory_space<vmem>>
    %dma_start3A_97 = arith.constant 0 : i32
    %dma_start3A_98 = arith.constant 0 : i32
    %dma_start3A_99 = tpu.memref_slice %arg4[%dma_start3A_97, %dma_start3A_98] : memref<10000x128xf32, #tpu.memory_space<hbm>> -> memref<10000x128xf32, #tpu.memory_space<hbm>>
    %dma_start3A_100 = tpu.memref_slice %arg12[%dma_start3A_89] : memref<2x!tpu.dma_semaphore, #tpu.memory_space<semaphore_mem>> -> memref<1x!tpu.dma_semaphore, #tpu.memory_space<semaphore_mem>>
    %dma_start3A_101 = tpu.memref_squeeze %dma_start3A_100 : memref<1x!tpu.dma_semaphore, #tpu.memory_space<semaphore_mem>> -> memref<!tpu.dma_semaphore, #tpu.memory_space<semaphore_mem>>
    tpu.enqueue_indirect_dma source(%dma_start3A_99 : memref<10000x128xf32, #tpu.memory_space<hbm>>) target(%dma_start3A_93 : memref<128x128xf32, #tpu.memory_space<vmem>>) offsets(%dma_start3A_96 : memref<128xi32, #tpu.memory_space<vmem>>) semaphore(%dma_start3A_101 : memref<!tpu.dma_semaphore, #tpu.memory_space<semaphore_mem>>)
    %while3A = arith.constant 0 : i32
    %while3A_102 = arith.constant 0 : i32
    %while3A_103 = arith.subi %select_n3A, %while3A : i32
    %while3A_104 = arith.addi %while3A, %while3A_103 : i32
    %while3A_105 = arith.constant 1 : i32
    %while3A_106 = arith.divsi %while3A_103, %while3A_105 : i32
    %while3A_107 = arith.muli %while3A_106, %while3A_105 : i32
    %while3A_108 = arith.addi %while3A, %while3A_107 : i32
    %while3A_109 = arith.constant 1 : i32
    %while3A_110 = scf.for %while3A_121 = %while3A to %while3A_108 step %while3A_109 iter_args(%while3A_122 = %while3A_102) -> (i32)  : i32 {
      %rem3A = arith.constant 2 : i32
      %rem3A_123 = arith.remsi %while3A_121, %rem3A : i32
      %sub3A = arith.constant 1 : i32
      %sub3A_124 = arith.subi %sub3A, %rem3A_123 : i32
      %dma_wait3A_125 = arith.constant 0 : i32
      %dma_wait3A_126 = arith.constant 0 : i32
      %dma_wait3A_127 = tpu.memref_slice %arg9[%rem3A_123, %dma_wait3A_125, %dma_wait3A_126] : memref<2x128x128xf32, #tpu.memory_space<vmem>> -> memref<1x128x128xf32, #tpu.memory_space<vmem>>
      %dma_wait3A_128 = tpu.memref_squeeze %dma_wait3A_127 : memref<1x128x128xf32, #tpu.memory_space<vmem>> -> memref<128x128xf32, #tpu.memory_space<vmem>>
      %dma_wait3A_129 = arith.constant 0 : i32
      %dma_wait3A_130 = arith.constant 0 : i32
      %dma_wait3A_131 = tpu.memref_slice %arg4[%dma_wait3A_129, %dma_wait3A_130] : memref<10000x128xf32, #tpu.memory_space<hbm>> -> memref<128x128xf32, #tpu.memory_space<hbm>>
      %dma_wait3A_132 = tpu.memref_slice %arg12[%rem3A_123] : memref<2x!tpu.dma_semaphore, #tpu.memory_space<semaphore_mem>> -> memref<1x!tpu.dma_semaphore, #tpu.memory_space<semaphore_mem>>
      %dma_wait3A_133 = tpu.memref_squeeze %dma_wait3A_132 : memref<1x!tpu.dma_semaphore, #tpu.memory_space<semaphore_mem>> -> memref<!tpu.dma_semaphore, #tpu.memory_space<semaphore_mem>>
      %dma_wait3A_134 = arith.constant 0 : i32
      %dma_wait3A_135 = arith.constant 0 : i32
      %dma_wait3A_136 = tpu.memref_slice %arg9[%rem3A_123, %dma_wait3A_134, %dma_wait3A_135] : memref<2x128x128xf32, #tpu.memory_space<vmem>> -> memref<1x128x128xf32, #tpu.memory_space<vmem>>
      %dma_wait3A_137 = tpu.memref_squeeze %dma_wait3A_136 : memref<1x128x128xf32, #tpu.memory_space<vmem>> -> memref<128x128xf32, #tpu.memory_space<vmem>>
      %dma_wait3A_138 = arith.constant 0 : i32
      %dma_wait3A_139 = arith.constant 0 : i32
      %dma_wait3A_140 = tpu.memref_slice %arg4[%dma_wait3A_138, %dma_wait3A_139] : memref<10000x128xf32, #tpu.memory_space<hbm>> -> memref<128x128xf32, #tpu.memory_space<hbm>>
      tpu.wait_dma2 semaphore(%dma_wait3A_133 : memref<!tpu.dma_semaphore, #tpu.memory_space<semaphore_mem>>) src(%dma_wait3A_140 : memref<128x128xf32, #tpu.memory_space<hbm>>) dst(%dma_wait3A_137 : memref<128x128xf32, #tpu.memory_space<vmem>>)
      %add3A_141 = arith.constant 1 : i32
      %add3A_142 = arith.addi %while3A_121, %add3A_141 : i32
      %lt3A_143 = arith.cmpi slt, %add3A_142, %select_n3A : i32
      %convert_element_type3A_144 = arith.extui %lt3A_143 : i1 to i32
      %cond3A_145 = arith.constant 0 : i32
      %cond3A_146 = arith.cmpi ne, %convert_element_type3A_144, %cond3A_145 : i32
      scf.if %cond3A_146 {
        %dma_wait3A_154 = arith.constant 0 : i32
        %dma_wait3A_155 = tpu.memref_slice %arg7[%sub3A_124, %dma_wait3A_154] : memref<2x128xi32, #tpu.memory_space<vmem>> -> memref<1x128xi32, #tpu.memory_space<vmem>>
        %dma_wait3A_156 = tpu.memref_squeeze %dma_wait3A_155 : memref<1x128xi32, #tpu.memory_space<vmem>> -> memref<128xi32, #tpu.memory_space<vmem>>
        %dma_wait3A_157 = arith.constant 0 : i32
        %dma_wait3A_158 = tpu.memref_slice %arg2[%dma_wait3A_157] : memref<160000xi32, #tpu.memory_space<hbm>> -> memref<128xi32, #tpu.memory_space<hbm>>
        %dma_wait3A_159 = tpu.memref_slice %arg11[%sub3A_124] : memref<2x!tpu.dma_semaphore, #tpu.memory_space<semaphore_mem>> -> memref<1x!tpu.dma_semaphore, #tpu.memory_space<semaphore_mem>>
        %dma_wait3A_160 = tpu.memref_squeeze %dma_wait3A_159 : memref<1x!tpu.dma_semaphore, #tpu.memory_space<semaphore_mem>> -> memref<!tpu.dma_semaphore, #tpu.memory_space<semaphore_mem>>
        %dma_wait3A_161 = arith.constant 0 : i32
        %dma_wait3A_162 = tpu.memref_slice %arg7[%sub3A_124, %dma_wait3A_161] : memref<2x128xi32, #tpu.memory_space<vmem>> -> memref<1x128xi32, #tpu.memory_space<vmem>>
        %dma_wait3A_163 = tpu.memref_squeeze %dma_wait3A_162 : memref<1x128xi32, #tpu.memory_space<vmem>> -> memref<128xi32, #tpu.memory_space<vmem>>
        %dma_wait3A_164 = arith.constant 0 : i32
        %dma_wait3A_165 = tpu.memref_slice %arg2[%dma_wait3A_164] : memref<160000xi32, #tpu.memory_space<hbm>> -> memref<128xi32, #tpu.memory_space<hbm>>
        tpu.wait_dma2 semaphore(%dma_wait3A_160 : memref<!tpu.dma_semaphore, #tpu.memory_space<semaphore_mem>>) src(%dma_wait3A_165 : memref<128xi32, #tpu.memory_space<hbm>>) dst(%dma_wait3A_163 : memref<128xi32, #tpu.memory_space<vmem>>)
        %dma_wait3A_166 = arith.constant 0 : i32
        %dma_wait3A_167 = tpu.memref_slice %arg8[%sub3A_124, %dma_wait3A_166] : memref<2x128xi32, #tpu.memory_space<vmem>> -> memref<1x128xi32, #tpu.memory_space<vmem>>
        %dma_wait3A_168 = tpu.memref_squeeze %dma_wait3A_167 : memref<1x128xi32, #tpu.memory_space<vmem>> -> memref<128xi32, #tpu.memory_space<vmem>>
        %dma_wait3A_169 = arith.constant 0 : i32
        %dma_wait3A_170 = tpu.memref_slice %arg3[%dma_wait3A_169] : memref<160000xi32, #tpu.memory_space<hbm>> -> memref<128xi32, #tpu.memory_space<hbm>>
        %dma_wait3A_171 = tpu.memref_slice %arg11[%sub3A_124] : memref<2x!tpu.dma_semaphore, #tpu.memory_space<semaphore_mem>> -> memref<1x!tpu.dma_semaphore, #tpu.memory_space<semaphore_mem>>
        %dma_wait3A_172 = tpu.memref_squeeze %dma_wait3A_171 : memref<1x!tpu.dma_semaphore, #tpu.memory_space<semaphore_mem>> -> memref<!tpu.dma_semaphore, #tpu.memory_space<semaphore_mem>>
        %dma_wait3A_173 = arith.constant 0 : i32
        %dma_wait3A_174 = tpu.memref_slice %arg8[%sub3A_124, %dma_wait3A_173] : memref<2x128xi32, #tpu.memory_space<vmem>> -> memref<1x128xi32, #tpu.memory_space<vmem>>
        %dma_wait3A_175 = tpu.memref_squeeze %dma_wait3A_174 : memref<1x128xi32, #tpu.memory_space<vmem>> -> memref<128xi32, #tpu.memory_space<vmem>>
        %dma_wait3A_176 = arith.constant 0 : i32
        %dma_wait3A_177 = tpu.memref_slice %arg3[%dma_wait3A_176] : memref<160000xi32, #tpu.memory_space<hbm>> -> memref<128xi32, #tpu.memory_space<hbm>>
        tpu.wait_dma2 semaphore(%dma_wait3A_172 : memref<!tpu.dma_semaphore, #tpu.memory_space<semaphore_mem>>) src(%dma_wait3A_177 : memref<128xi32, #tpu.memory_space<hbm>>) dst(%dma_wait3A_175 : memref<128xi32, #tpu.memory_space<vmem>>)
        %add3A_178 = arith.constant 1 : i32
        %add3A_179 = arith.addi %while3A_121, %add3A_178 : i32
        %dma_start3A_180 = arith.constant 0 : i32
        %dma_start3A_181 = arith.constant 0 : i32
        %dma_start3A_182 = tpu.memref_slice %arg9[%sub3A_124, %dma_start3A_180, %dma_start3A_181] : memref<2x128x128xf32, #tpu.memory_space<vmem>> -> memref<1x128x128xf32, #tpu.memory_space<vmem>>
        %dma_start3A_183 = tpu.memref_squeeze %dma_start3A_182 : memref<1x128x128xf32, #tpu.memory_space<vmem>> -> memref<128x128xf32, #tpu.memory_space<vmem>>
        %dma_start3A_184 = arith.constant 0 : i32
        %dma_start3A_185 = tpu.memref_slice %arg7[%sub3A_124, %dma_start3A_184] : memref<2x128xi32, #tpu.memory_space<vmem>> -> memref<1x128xi32, #tpu.memory_space<vmem>>
        %dma_start3A_186 = tpu.memref_squeeze %dma_start3A_185 : memref<1x128xi32, #tpu.memory_space<vmem>> -> memref<128xi32, #tpu.memory_space<vmem>>
        %dma_start3A_187 = arith.constant 0 : i32
        %dma_start3A_188 = arith.constant 0 : i32
        %dma_start3A_189 = tpu.memref_slice %arg4[%dma_start3A_187, %dma_start3A_188] : memref<10000x128xf32, #tpu.memory_space<hbm>> -> memref<10000x128xf32, #tpu.memory_space<hbm>>
        %dma_start3A_190 = tpu.memref_slice %arg12[%sub3A_124] : memref<2x!tpu.dma_semaphore, #tpu.memory_space<semaphore_mem>> -> memref<1x!tpu.dma_semaphore, #tpu.memory_space<semaphore_mem>>
        %dma_start3A_191 = tpu.memref_squeeze %dma_start3A_190 : memref<1x!tpu.dma_semaphore, #tpu.memory_space<semaphore_mem>> -> memref<!tpu.dma_semaphore, #tpu.memory_space<semaphore_mem>>
        tpu.enqueue_indirect_dma source(%dma_start3A_189 : memref<10000x128xf32, #tpu.memory_space<hbm>>) target(%dma_start3A_183 : memref<128x128xf32, #tpu.memory_space<vmem>>) offsets(%dma_start3A_186 : memref<128xi32, #tpu.memory_space<vmem>>) semaphore(%dma_start3A_191 : memref<!tpu.dma_semaphore, #tpu.memory_space<semaphore_mem>>)
      } else {
      }
      "tpu.region"() ({
        %run_scoped3A = tpu.sem_alloc : memref<!tpu.dma_semaphore, #tpu.memory_space<semaphore_mem>>
        %dma_start3A_154 = arith.constant 0 : i32
        %dma_start3A_155 = arith.constant 0 : i32
        %dma_start3A_156 = tpu.memref_slice %arg9[%rem3A_123, %dma_start3A_154, %dma_start3A_155] : memref<2x128x128xf32, #tpu.memory_space<vmem>> -> memref<1x128x128xf32, #tpu.memory_space<vmem>>
        %dma_start3A_157 = tpu.memref_squeeze %dma_start3A_156 : memref<1x128x128xf32, #tpu.memory_space<vmem>> -> memref<128x128xf32, #tpu.memory_space<vmem>>
        %dma_start3A_158 = arith.constant 0 : i32
        %dma_start3A_159 = tpu.memref_slice %arg8[%rem3A_123, %dma_start3A_158] : memref<2x128xi32, #tpu.memory_space<vmem>> -> memref<1x128xi32, #tpu.memory_space<vmem>>
        %dma_start3A_160 = tpu.memref_squeeze %dma_start3A_159 : memref<1x128xi32, #tpu.memory_space<vmem>> -> memref<128xi32, #tpu.memory_space<vmem>>
        %dma_start3A_161 = arith.constant 0 : i32
        %dma_start3A_162 = arith.constant 0 : i32
        %dma_start3A_163 = tpu.memref_slice %arg10[%dma_start3A_161, %dma_start3A_162] : memref<10112x128xf32, #tpu.memory_space<vmem_shared>> -> memref<10112x128xf32, #tpu.memory_space<vmem_shared>>
        tpu.enqueue_indirect_dma source(%dma_start3A_157 : memref<128x128xf32, #tpu.memory_space<vmem>>) target(%dma_start3A_163 : memref<10112x128xf32, #tpu.memory_space<vmem_shared>>) offsets(%dma_start3A_160 : memref<128xi32, #tpu.memory_space<vmem>>) semaphore(%run_scoped3A : memref<!tpu.dma_semaphore, #tpu.memory_space<semaphore_mem>>) {add = true}
        %dma_wait3A_164 = arith.constant 0 : i32
        %dma_wait3A_165 = arith.constant 0 : i32
        %dma_wait3A_166 = tpu.memref_slice %arg9[%rem3A_123, %dma_wait3A_164, %dma_wait3A_165] : memref<2x128x128xf32, #tpu.memory_space<vmem>> -> memref<1x128x128xf32, #tpu.memory_space<vmem>>
        %dma_wait3A_167 = tpu.memref_squeeze %dma_wait3A_166 : memref<1x128x128xf32, #tpu.memory_space<vmem>> -> memref<128x128xf32, #tpu.memory_space<vmem>>
        %dma_wait3A_168 = arith.constant 0 : i32
        %dma_wait3A_169 = tpu.memref_slice %arg8[%rem3A_123, %dma_wait3A_168] : memref<2x128xi32, #tpu.memory_space<vmem>> -> memref<1x128xi32, #tpu.memory_space<vmem>>
        %dma_wait3A_170 = tpu.memref_squeeze %dma_wait3A_169 : memref<1x128xi32, #tpu.memory_space<vmem>> -> memref<128xi32, #tpu.memory_space<vmem>>
        %dma_wait3A_171 = arith.constant 0 : i32
        %dma_wait3A_172 = arith.constant 0 : i32
        %dma_wait3A_173 = tpu.memref_slice %arg10[%dma_wait3A_171, %dma_wait3A_172] : memref<10112x128xf32, #tpu.memory_space<vmem_shared>> -> memref<10112x128xf32, #tpu.memory_space<vmem_shared>>
        tpu.wait_indirect_dma semaphore(%run_scoped3A : memref<!tpu.dma_semaphore, #tpu.memory_space<semaphore_mem>>) src(%dma_wait3A_167 : memref<128x128xf32, #tpu.memory_space<vmem>>) dst(%dma_wait3A_173 : memref<10112x128xf32, #tpu.memory_space<vmem_shared>>)
        tpu.yield
      }) : () -> ()
      %add3A_147 = arith.constant 2 : i32
      %add3A_148 = arith.addi %while3A_121, %add3A_147 : i32
      %lt3A_149 = arith.cmpi slt, %add3A_148, %select_n3A : i32
      %convert_element_type3A_150 = arith.extui %lt3A_149 : i1 to i32
      %cond3A_151 = arith.constant 0 : i32
      %cond3A_152 = arith.cmpi ne, %convert_element_type3A_150, %cond3A_151 : i32
      scf.if %cond3A_152 {
        %add3A_154 = arith.constant 2 : i32
        %add3A_155 = arith.addi %while3A_121, %add3A_154 : i32
        %mul3A_156 = arith.constant 32 : i32
        %mul3A_157 = arith.muli %add3A_155, %mul3A_156 : i32
        %add3A_158 = arith.addi %add3A, %mul3A_157 : i32
        %mul3A_159 = arith.constant 128 : i32
        %mul3A_160 = arith.muli %add3A_158, %mul3A_159 : i32
        %dma_start3A_161 = arith.constant 0 : i32
        %dma_start3A_162 = tpu.memref_slice %arg7[%rem3A_123, %dma_start3A_161] : memref<2x128xi32, #tpu.memory_space<vmem>> -> memref<1x128xi32, #tpu.memory_space<vmem>>
        %dma_start3A_163 = tpu.memref_squeeze %dma_start3A_162 : memref<1x128xi32, #tpu.memory_space<vmem>> -> memref<128xi32, #tpu.memory_space<vmem>>
        %dma_start3A_164 = tpu.memref_slice %arg2[%mul3A_160] : memref<160000xi32, #tpu.memory_space<hbm>> -> memref<128xi32, #tpu.memory_space<hbm>>
        %dma_start3A_165 = tpu.memref_slice %arg11[%rem3A_123] : memref<2x!tpu.dma_semaphore, #tpu.memory_space<semaphore_mem>> -> memref<1x!tpu.dma_semaphore, #tpu.memory_space<semaphore_mem>>
        %dma_start3A_166 = tpu.memref_squeeze %dma_start3A_165 : memref<1x!tpu.dma_semaphore, #tpu.memory_space<semaphore_mem>> -> memref<!tpu.dma_semaphore, #tpu.memory_space<semaphore_mem>>
        %dma_start3A_167 = arith.constant 0 : i32
        %dma_start3A_168 = tpu.memref_slice %arg7[%rem3A_123, %dma_start3A_167] : memref<2x128xi32, #tpu.memory_space<vmem>> -> memref<1x128xi32, #tpu.memory_space<vmem>>
        %dma_start3A_169 = tpu.memref_squeeze %dma_start3A_168 : memref<1x128xi32, #tpu.memory_space<vmem>> -> memref<128xi32, #tpu.memory_space<vmem>>
        %dma_start3A_170 = tpu.memref_slice %arg2[%mul3A_160] : memref<160000xi32, #tpu.memory_space<hbm>> -> memref<128xi32, #tpu.memory_space<hbm>>
        tpu.enqueue_dma source(%dma_start3A_170 : memref<128xi32, #tpu.memory_space<hbm>>) target(%dma_start3A_169 : memref<128xi32, #tpu.memory_space<vmem>>) target_semaphore(%dma_start3A_166 : memref<!tpu.dma_semaphore, #tpu.memory_space<semaphore_mem>>)
        %dma_start3A_171 = arith.constant 0 : i32
        %dma_start3A_172 = tpu.memref_slice %arg8[%rem3A_123, %dma_start3A_171] : memref<2x128xi32, #tpu.memory_space<vmem>> -> memref<1x128xi32, #tpu.memory_space<vmem>>
        %dma_start3A_173 = tpu.memref_squeeze %dma_start3A_172 : memref<1x128xi32, #tpu.memory_space<vmem>> -> memref<128xi32, #tpu.memory_space<vmem>>
        %dma_start3A_174 = tpu.memref_slice %arg3[%mul3A_160] : memref<160000xi32, #tpu.memory_space<hbm>> -> memref<128xi32, #tpu.memory_space<hbm>>
        %dma_start3A_175 = tpu.memref_slice %arg11[%rem3A_123] : memref<2x!tpu.dma_semaphore, #tpu.memory_space<semaphore_mem>> -> memref<1x!tpu.dma_semaphore, #tpu.memory_space<semaphore_mem>>
        %dma_start3A_176 = tpu.memref_squeeze %dma_start3A_175 : memref<1x!tpu.dma_semaphore, #tpu.memory_space<semaphore_mem>> -> memref<!tpu.dma_semaphore, #tpu.memory_space<semaphore_mem>>
        %dma_start3A_177 = arith.constant 0 : i32
        %dma_start3A_178 = tpu.memref_slice %arg8[%rem3A_123, %dma_start3A_177] : memref<2x128xi32, #tpu.memory_space<vmem>> -> memref<1x128xi32, #tpu.memory_space<vmem>>
        %dma_start3A_179 = tpu.memref_squeeze %dma_start3A_178 : memref<1x128xi32, #tpu.memory_space<vmem>> -> memref<128xi32, #tpu.memory_space<vmem>>
        %dma_start3A_180 = tpu.memref_slice %arg3[%mul3A_160] : memref<160000xi32, #tpu.memory_space<hbm>> -> memref<128xi32, #tpu.memory_space<hbm>>
        tpu.enqueue_dma source(%dma_start3A_180 : memref<128xi32, #tpu.memory_space<hbm>>) target(%dma_start3A_179 : memref<128xi32, #tpu.memory_space<vmem>>) target_semaphore(%dma_start3A_176 : memref<!tpu.dma_semaphore, #tpu.memory_space<semaphore_mem>>)
      } else {
      }
      %while3A_153 = arith.constant 0 : i32
      scf.yield %while3A_153 : i32
    }
    %while3A_111 = arith.constant 1 : i32
    %while3A_112 = scf.for %while3A_121 = %while3A_108 to %while3A_104 step %while3A_111 iter_args(%while3A_122 = %while3A_110) -> (i32)  : i32 {
      %rem3A = arith.constant 2 : i32
      %rem3A_123 = arith.remsi %while3A_121, %rem3A : i32
      %sub3A = arith.constant 1 : i32
      %sub3A_124 = arith.subi %sub3A, %rem3A_123 : i32
      %dma_wait3A_125 = arith.constant 0 : i32
      %dma_wait3A_126 = arith.constant 0 : i32
      %dma_wait3A_127 = tpu.memref_slice %arg9[%rem3A_123, %dma_wait3A_125, %dma_wait3A_126] : memref<2x128x128xf32, #tpu.memory_space<vmem>> -> memref<1x128x128xf32, #tpu.memory_space<vmem>>
      %dma_wait3A_128 = tpu.memref_squeeze %dma_wait3A_127 : memref<1x128x128xf32, #tpu.memory_space<vmem>> -> memref<128x128xf32, #tpu.memory_space<vmem>>
      %dma_wait3A_129 = arith.constant 0 : i32
      %dma_wait3A_130 = arith.constant 0 : i32
      %dma_wait3A_131 = tpu.memref_slice %arg4[%dma_wait3A_129, %dma_wait3A_130] : memref<10000x128xf32, #tpu.memory_space<hbm>> -> memref<128x128xf32, #tpu.memory_space<hbm>>
      %dma_wait3A_132 = tpu.memref_slice %arg12[%rem3A_123] : memref<2x!tpu.dma_semaphore, #tpu.memory_space<semaphore_mem>> -> memref<1x!tpu.dma_semaphore, #tpu.memory_space<semaphore_mem>>
      %dma_wait3A_133 = tpu.memref_squeeze %dma_wait3A_132 : memref<1x!tpu.dma_semaphore, #tpu.memory_space<semaphore_mem>> -> memref<!tpu.dma_semaphore, #tpu.memory_space<semaphore_mem>>
      %dma_wait3A_134 = arith.constant 0 : i32
      %dma_wait3A_135 = arith.constant 0 : i32
      %dma_wait3A_136 = tpu.memref_slice %arg9[%rem3A_123, %dma_wait3A_134, %dma_wait3A_135] : memref<2x128x128xf32, #tpu.memory_space<vmem>> -> memref<1x128x128xf32, #tpu.memory_space<vmem>>
      %dma_wait3A_137 = tpu.memref_squeeze %dma_wait3A_136 : memref<1x128x128xf32, #tpu.memory_space<vmem>> -> memref<128x128xf32, #tpu.memory_space<vmem>>
      %dma_wait3A_138 = arith.constant 0 : i32
      %dma_wait3A_139 = arith.constant 0 : i32
      %dma_wait3A_140 = tpu.memref_slice %arg4[%dma_wait3A_138, %dma_wait3A_139] : memref<10000x128xf32, #tpu.memory_space<hbm>> -> memref<128x128xf32, #tpu.memory_space<hbm>>
      tpu.wait_dma2 semaphore(%dma_wait3A_133 : memref<!tpu.dma_semaphore, #tpu.memory_space<semaphore_mem>>) src(%dma_wait3A_140 : memref<128x128xf32, #tpu.memory_space<hbm>>) dst(%dma_wait3A_137 : memref<128x128xf32, #tpu.memory_space<vmem>>)
      %add3A_141 = arith.constant 1 : i32
      %add3A_142 = arith.addi %while3A_121, %add3A_141 : i32
      %lt3A_143 = arith.cmpi slt, %add3A_142, %select_n3A : i32
      %convert_element_type3A_144 = arith.extui %lt3A_143 : i1 to i32
      %cond3A_145 = arith.constant 0 : i32
      %cond3A_146 = arith.cmpi ne, %convert_element_type3A_144, %cond3A_145 : i32
      scf.if %cond3A_146 {
        %dma_wait3A_154 = arith.constant 0 : i32
        %dma_wait3A_155 = tpu.memref_slice %arg7[%sub3A_124, %dma_wait3A_154] : memref<2x128xi32, #tpu.memory_space<vmem>> -> memref<1x128xi32, #tpu.memory_space<vmem>>
        %dma_wait3A_156 = tpu.memref_squeeze %dma_wait3A_155 : memref<1x128xi32, #tpu.memory_space<vmem>> -> memref<128xi32, #tpu.memory_space<vmem>>
        %dma_wait3A_157 = arith.constant 0 : i32
        %dma_wait3A_158 = tpu.memref_slice %arg2[%dma_wait3A_157] : memref<160000xi32, #tpu.memory_space<hbm>> -> memref<128xi32, #tpu.memory_space<hbm>>
        %dma_wait3A_159 = tpu.memref_slice %arg11[%sub3A_124] : memref<2x!tpu.dma_semaphore, #tpu.memory_space<semaphore_mem>> -> memref<1x!tpu.dma_semaphore, #tpu.memory_space<semaphore_mem>>
        %dma_wait3A_160 = tpu.memref_squeeze %dma_wait3A_159 : memref<1x!tpu.dma_semaphore, #tpu.memory_space<semaphore_mem>> -> memref<!tpu.dma_semaphore, #tpu.memory_space<semaphore_mem>>
        %dma_wait3A_161 = arith.constant 0 : i32
        %dma_wait3A_162 = tpu.memref_slice %arg7[%sub3A_124, %dma_wait3A_161] : memref<2x128xi32, #tpu.memory_space<vmem>> -> memref<1x128xi32, #tpu.memory_space<vmem>>
        %dma_wait3A_163 = tpu.memref_squeeze %dma_wait3A_162 : memref<1x128xi32, #tpu.memory_space<vmem>> -> memref<128xi32, #tpu.memory_space<vmem>>
        %dma_wait3A_164 = arith.constant 0 : i32
        %dma_wait3A_165 = tpu.memref_slice %arg2[%dma_wait3A_164] : memref<160000xi32, #tpu.memory_space<hbm>> -> memref<128xi32, #tpu.memory_space<hbm>>
        tpu.wait_dma2 semaphore(%dma_wait3A_160 : memref<!tpu.dma_semaphore, #tpu.memory_space<semaphore_mem>>) src(%dma_wait3A_165 : memref<128xi32, #tpu.memory_space<hbm>>) dst(%dma_wait3A_163 : memref<128xi32, #tpu.memory_space<vmem>>)
        %dma_wait3A_166 = arith.constant 0 : i32
        %dma_wait3A_167 = tpu.memref_slice %arg8[%sub3A_124, %dma_wait3A_166] : memref<2x128xi32, #tpu.memory_space<vmem>> -> memref<1x128xi32, #tpu.memory_space<vmem>>
        %dma_wait3A_168 = tpu.memref_squeeze %dma_wait3A_167 : memref<1x128xi32, #tpu.memory_space<vmem>> -> memref<128xi32, #tpu.memory_space<vmem>>
        %dma_wait3A_169 = arith.constant 0 : i32
        %dma_wait3A_170 = tpu.memref_slice %arg3[%dma_wait3A_169] : memref<160000xi32, #tpu.memory_space<hbm>> -> memref<128xi32, #tpu.memory_space<hbm>>
        %dma_wait3A_171 = tpu.memref_slice %arg11[%sub3A_124] : memref<2x!tpu.dma_semaphore, #tpu.memory_space<semaphore_mem>> -> memref<1x!tpu.dma_semaphore, #tpu.memory_space<semaphore_mem>>
        %dma_wait3A_172 = tpu.memref_squeeze %dma_wait3A_171 : memref<1x!tpu.dma_semaphore, #tpu.memory_space<semaphore_mem>> -> memref<!tpu.dma_semaphore, #tpu.memory_space<semaphore_mem>>
        %dma_wait3A_173 = arith.constant 0 : i32
        %dma_wait3A_174 = tpu.memref_slice %arg8[%sub3A_124, %dma_wait3A_173] : memref<2x128xi32, #tpu.memory_space<vmem>> -> memref<1x128xi32, #tpu.memory_space<vmem>>
        %dma_wait3A_175 = tpu.memref_squeeze %dma_wait3A_174 : memref<1x128xi32, #tpu.memory_space<vmem>> -> memref<128xi32, #tpu.memory_space<vmem>>
        %dma_wait3A_176 = arith.constant 0 : i32
        %dma_wait3A_177 = tpu.memref_slice %arg3[%dma_wait3A_176] : memref<160000xi32, #tpu.memory_space<hbm>> -> memref<128xi32, #tpu.memory_space<hbm>>
        tpu.wait_dma2 semaphore(%dma_wait3A_172 : memref<!tpu.dma_semaphore, #tpu.memory_space<semaphore_mem>>) src(%dma_wait3A_177 : memref<128xi32, #tpu.memory_space<hbm>>) dst(%dma_wait3A_175 : memref<128xi32, #tpu.memory_space<vmem>>)
        %add3A_178 = arith.constant 1 : i32
        %add3A_179 = arith.addi %while3A_121, %add3A_178 : i32
        %dma_start3A_180 = arith.constant 0 : i32
        %dma_start3A_181 = arith.constant 0 : i32
        %dma_start3A_182 = tpu.memref_slice %arg9[%sub3A_124, %dma_start3A_180, %dma_start3A_181] : memref<2x128x128xf32, #tpu.memory_space<vmem>> -> memref<1x128x128xf32, #tpu.memory_space<vmem>>
        %dma_start3A_183 = tpu.memref_squeeze %dma_start3A_182 : memref<1x128x128xf32, #tpu.memory_space<vmem>> -> memref<128x128xf32, #tpu.memory_space<vmem>>
        %dma_start3A_184 = arith.constant 0 : i32
        %dma_start3A_185 = tpu.memref_slice %arg7[%sub3A_124, %dma_start3A_184] : memref<2x128xi32, #tpu.memory_space<vmem>> -> memref<1x128xi32, #tpu.memory_space<vmem>>
        %dma_start3A_186 = tpu.memref_squeeze %dma_start3A_185 : memref<1x128xi32, #tpu.memory_space<vmem>> -> memref<128xi32, #tpu.memory_space<vmem>>
        %dma_start3A_187 = arith.constant 0 : i32
        %dma_start3A_188 = arith.constant 0 : i32
        %dma_start3A_189 = tpu.memref_slice %arg4[%dma_start3A_187, %dma_start3A_188] : memref<10000x128xf32, #tpu.memory_space<hbm>> -> memref<10000x128xf32, #tpu.memory_space<hbm>>
        %dma_start3A_190 = tpu.memref_slice %arg12[%sub3A_124] : memref<2x!tpu.dma_semaphore, #tpu.memory_space<semaphore_mem>> -> memref<1x!tpu.dma_semaphore, #tpu.memory_space<semaphore_mem>>
        %dma_start3A_191 = tpu.memref_squeeze %dma_start3A_190 : memref<1x!tpu.dma_semaphore, #tpu.memory_space<semaphore_mem>> -> memref<!tpu.dma_semaphore, #tpu.memory_space<semaphore_mem>>
        tpu.enqueue_indirect_dma source(%dma_start3A_189 : memref<10000x128xf32, #tpu.memory_space<hbm>>) target(%dma_start3A_183 : memref<128x128xf32, #tpu.memory_space<vmem>>) offsets(%dma_start3A_186 : memref<128xi32, #tpu.memory_space<vmem>>) semaphore(%dma_start3A_191 : memref<!tpu.dma_semaphore, #tpu.memory_space<semaphore_mem>>)
      } else {
      }
      "tpu.region"() ({
        %run_scoped3A = tpu.sem_alloc : memref<!tpu.dma_semaphore, #tpu.memory_space<semaphore_mem>>
        %dma_start3A_154 = arith.constant 0 : i32
        %dma_start3A_155 = arith.constant 0 : i32
        %dma_start3A_156 = tpu.memref_slice %arg9[%rem3A_123, %dma_start3A_154, %dma_start3A_155] : memref<2x128x128xf32, #tpu.memory_space<vmem>> -> memref<1x128x128xf32, #tpu.memory_space<vmem>>
        %dma_start3A_157 = tpu.memref_squeeze %dma_start3A_156 : memref<1x128x128xf32, #tpu.memory_space<vmem>> -> memref<128x128xf32, #tpu.memory_space<vmem>>
        %dma_start3A_158 = arith.constant 0 : i32
        %dma_start3A_159 = tpu.memref_slice %arg8[%rem3A_123, %dma_start3A_158] : memref<2x128xi32, #tpu.memory_space<vmem>> -> memref<1x128xi32, #tpu.memory_space<vmem>>
        %dma_start3A_160 = tpu.memref_squeeze %dma_start3A_159 : memref<1x128xi32, #tpu.memory_space<vmem>> -> memref<128xi32, #tpu.memory_space<vmem>>
        %dma_start3A_161 = arith.constant 0 : i32
        %dma_start3A_162 = arith.constant 0 : i32
        %dma_start3A_163 = tpu.memref_slice %arg10[%dma_start3A_161, %dma_start3A_162] : memref<10112x128xf32, #tpu.memory_space<vmem_shared>> -> memref<10112x128xf32, #tpu.memory_space<vmem_shared>>
        tpu.enqueue_indirect_dma source(%dma_start3A_157 : memref<128x128xf32, #tpu.memory_space<vmem>>) target(%dma_start3A_163 : memref<10112x128xf32, #tpu.memory_space<vmem_shared>>) offsets(%dma_start3A_160 : memref<128xi32, #tpu.memory_space<vmem>>) semaphore(%run_scoped3A : memref<!tpu.dma_semaphore, #tpu.memory_space<semaphore_mem>>) {add = true}
        %dma_wait3A_164 = arith.constant 0 : i32
        %dma_wait3A_165 = arith.constant 0 : i32
        %dma_wait3A_166 = tpu.memref_slice %arg9[%rem3A_123, %dma_wait3A_164, %dma_wait3A_165] : memref<2x128x128xf32, #tpu.memory_space<vmem>> -> memref<1x128x128xf32, #tpu.memory_space<vmem>>
        %dma_wait3A_167 = tpu.memref_squeeze %dma_wait3A_166 : memref<1x128x128xf32, #tpu.memory_space<vmem>> -> memref<128x128xf32, #tpu.memory_space<vmem>>
        %dma_wait3A_168 = arith.constant 0 : i32
        %dma_wait3A_169 = tpu.memref_slice %arg8[%rem3A_123, %dma_wait3A_168] : memref<2x128xi32, #tpu.memory_space<vmem>> -> memref<1x128xi32, #tpu.memory_space<vmem>>
        %dma_wait3A_170 = tpu.memref_squeeze %dma_wait3A_169 : memref<1x128xi32, #tpu.memory_space<vmem>> -> memref<128xi32, #tpu.memory_space<vmem>>
        %dma_wait3A_171 = arith.constant 0 : i32
        %dma_wait3A_172 = arith.constant 0 : i32
        %dma_wait3A_173 = tpu.memref_slice %arg10[%dma_wait3A_171, %dma_wait3A_172] : memref<10112x128xf32, #tpu.memory_space<vmem_shared>> -> memref<10112x128xf32, #tpu.memory_space<vmem_shared>>
        tpu.wait_indirect_dma semaphore(%run_scoped3A : memref<!tpu.dma_semaphore, #tpu.memory_space<semaphore_mem>>) src(%dma_wait3A_167 : memref<128x128xf32, #tpu.memory_space<vmem>>) dst(%dma_wait3A_173 : memref<10112x128xf32, #tpu.memory_space<vmem_shared>>)
        tpu.yield
      }) : () -> ()
      %add3A_147 = arith.constant 2 : i32
      %add3A_148 = arith.addi %while3A_121, %add3A_147 : i32
      %lt3A_149 = arith.cmpi slt, %add3A_148, %select_n3A : i32
      %convert_element_type3A_150 = arith.extui %lt3A_149 : i1 to i32
      %cond3A_151 = arith.constant 0 : i32
      %cond3A_152 = arith.cmpi ne, %convert_element_type3A_150, %cond3A_151 : i32
      scf.if %cond3A_152 {
        %add3A_154 = arith.constant 2 : i32
        %add3A_155 = arith.addi %while3A_121, %add3A_154 : i32
        %mul3A_156 = arith.constant 32 : i32
        %mul3A_157 = arith.muli %add3A_155, %mul3A_156 : i32
        %add3A_158 = arith.addi %add3A, %mul3A_157 : i32
        %mul3A_159 = arith.constant 128 : i32
        %mul3A_160 = arith.muli %add3A_158, %mul3A_159 : i32
        %dma_start3A_161 = arith.constant 0 : i32
        %dma_start3A_162 = tpu.memref_slice %arg7[%rem3A_123, %dma_start3A_161] : memref<2x128xi32, #tpu.memory_space<vmem>> -> memref<1x128xi32, #tpu.memory_space<vmem>>
        %dma_start3A_163 = tpu.memref_squeeze %dma_start3A_162 : memref<1x128xi32, #tpu.memory_space<vmem>> -> memref<128xi32, #tpu.memory_space<vmem>>
        %dma_start3A_164 = tpu.memref_slice %arg2[%mul3A_160] : memref<160000xi32, #tpu.memory_space<hbm>> -> memref<128xi32, #tpu.memory_space<hbm>>
        %dma_start3A_165 = tpu.memref_slice %arg11[%rem3A_123] : memref<2x!tpu.dma_semaphore, #tpu.memory_space<semaphore_mem>> -> memref<1x!tpu.dma_semaphore, #tpu.memory_space<semaphore_mem>>
        %dma_start3A_166 = tpu.memref_squeeze %dma_start3A_165 : memref<1x!tpu.dma_semaphore, #tpu.memory_space<semaphore_mem>> -> memref<!tpu.dma_semaphore, #tpu.memory_space<semaphore_mem>>
        %dma_start3A_167 = arith.constant 0 : i32
        %dma_start3A_168 = tpu.memref_slice %arg7[%rem3A_123, %dma_start3A_167] : memref<2x128xi32, #tpu.memory_space<vmem>> -> memref<1x128xi32, #tpu.memory_space<vmem>>
        %dma_start3A_169 = tpu.memref_squeeze %dma_start3A_168 : memref<1x128xi32, #tpu.memory_space<vmem>> -> memref<128xi32, #tpu.memory_space<vmem>>
        %dma_start3A_170 = tpu.memref_slice %arg2[%mul3A_160] : memref<160000xi32, #tpu.memory_space<hbm>> -> memref<128xi32, #tpu.memory_space<hbm>>
        tpu.enqueue_dma source(%dma_start3A_170 : memref<128xi32, #tpu.memory_space<hbm>>) target(%dma_start3A_169 : memref<128xi32, #tpu.memory_space<vmem>>) target_semaphore(%dma_start3A_166 : memref<!tpu.dma_semaphore, #tpu.memory_space<semaphore_mem>>)
        %dma_start3A_171 = arith.constant 0 : i32
        %dma_start3A_172 = tpu.memref_slice %arg8[%rem3A_123, %dma_start3A_171] : memref<2x128xi32, #tpu.memory_space<vmem>> -> memref<1x128xi32, #tpu.memory_space<vmem>>
        %dma_start3A_173 = tpu.memref_squeeze %dma_start3A_172 : memref<1x128xi32, #tpu.memory_space<vmem>> -> memref<128xi32, #tpu.memory_space<vmem>>
        %dma_start3A_174 = tpu.memref_slice %arg3[%mul3A_160] : memref<160000xi32, #tpu.memory_space<hbm>> -> memref<128xi32, #tpu.memory_space<hbm>>
        %dma_start3A_175 = tpu.memref_slice %arg11[%rem3A_123] : memref<2x!tpu.dma_semaphore, #tpu.memory_space<semaphore_mem>> -> memref<1x!tpu.dma_semaphore, #tpu.memory_space<semaphore_mem>>
        %dma_start3A_176 = tpu.memref_squeeze %dma_start3A_175 : memref<1x!tpu.dma_semaphore, #tpu.memory_space<semaphore_mem>> -> memref<!tpu.dma_semaphore, #tpu.memory_space<semaphore_mem>>
        %dma_start3A_177 = arith.constant 0 : i32
        %dma_start3A_178 = tpu.memref_slice %arg8[%rem3A_123, %dma_start3A_177] : memref<2x128xi32, #tpu.memory_space<vmem>> -> memref<1x128xi32, #tpu.memory_space<vmem>>
        %dma_start3A_179 = tpu.memref_squeeze %dma_start3A_178 : memref<1x128xi32, #tpu.memory_space<vmem>> -> memref<128xi32, #tpu.memory_space<vmem>>
        %dma_start3A_180 = tpu.memref_slice %arg3[%mul3A_160] : memref<160000xi32, #tpu.memory_space<hbm>> -> memref<128xi32, #tpu.memory_space<hbm>>
        tpu.enqueue_dma source(%dma_start3A_180 : memref<128xi32, #tpu.memory_space<hbm>>) target(%dma_start3A_179 : memref<128xi32, #tpu.memory_space<vmem>>) target_semaphore(%dma_start3A_176 : memref<!tpu.dma_semaphore, #tpu.memory_space<semaphore_mem>>)
      } else {
      }
      %while3A_153 = arith.constant 0 : i32
      scf.yield %while3A_153 : i32
    }
    %barrier3A_113 = arith.constant 0 : index
    tpu.barrier barrier_id(%barrier3A_113)
    %lt3A_114 = arith.constant 15 : i32
    %lt3A_115 = arith.cmpi slt, %arg1, %lt3A_114 : i32
    %convert_element_type3A = arith.extui %lt3A_115 : i1 to i32
    %cond3A = arith.constant 0 : i32
    %cond3A_116 = arith.cmpi ne, %convert_element_type3A, %cond3A : i32
    scf.if %cond3A_116 {
      "tpu.region"() ({
        %run_scoped3A = tpu.sem_alloc : memref<!tpu.dma_semaphore, #tpu.memory_space<semaphore_mem>>
        %dma_start3A_121 = arith.constant 0 : i32
        %dma_start3A_122 = tpu.memref_slice %arg6[%arg0, %mul3A_2, %dma_start3A_121] : memref<2x10000x128xf32, #tpu.memory_space<hbm>> -> memref<1x632x128xf32, #tpu.memory_space<hbm>>
        %dma_start3A_123 = tpu.memref_squeeze %dma_start3A_122 : memref<1x632x128xf32, #tpu.memory_space<hbm>> -> memref<632x128xf32, #tpu.memory_space<hbm>>
        %dma_start3A_124 = arith.constant 0 : i32
        %dma_start3A_125 = tpu.memref_slice %arg10[%mul3A_2, %dma_start3A_124] : memref<10112x128xf32, #tpu.memory_space<vmem_shared>> -> memref<632x128xf32, #tpu.memory_space<vmem_shared>>
        tpu.enqueue_dma source(%dma_start3A_125 : memref<632x128xf32, #tpu.memory_space<vmem_shared>>) target(%dma_start3A_123 : memref<632x128xf32, #tpu.memory_space<hbm>>) target_semaphore(%run_scoped3A : memref<!tpu.dma_semaphore, #tpu.memory_space<semaphore_mem>>)
        %dma_wait3A_126 = arith.constant 0 : i32
        %dma_wait3A_127 = tpu.memref_slice %arg6[%arg0, %mul3A_2, %dma_wait3A_126] : memref<2x10000x128xf32, #tpu.memory_space<hbm>> -> memref<1x632x128xf32, #tpu.memory_space<hbm>>
        %dma_wait3A_128 = tpu.memref_squeeze %dma_wait3A_127 : memref<1x632x128xf32, #tpu.memory_space<hbm>> -> memref<632x128xf32, #tpu.memory_space<hbm>>
        %dma_wait3A_129 = arith.constant 0 : i32
        %dma_wait3A_130 = tpu.memref_slice %arg10[%mul3A_2, %dma_wait3A_129] : memref<10112x128xf32, #tpu.memory_space<vmem_shared>> -> memref<632x128xf32, #tpu.memory_space<vmem_shared>>
        tpu.wait_dma2 semaphore(%run_scoped3A : memref<!tpu.dma_semaphore, #tpu.memory_space<semaphore_mem>>) src(%dma_wait3A_130 : memref<632x128xf32, #tpu.memory_space<vmem_shared>>) dst(%dma_wait3A_128 : memref<632x128xf32, #tpu.memory_space<hbm>>)
        tpu.yield
      }) : () -> ()
    } else {
    }
    %eq3A = arith.constant 15 : i32
    %eq3A_117 = arith.cmpi eq, %arg1, %eq3A : i32
    %convert_element_type3A_118 = arith.extui %eq3A_117 : i1 to i32
    %cond3A_119 = arith.constant 0 : i32
    %cond3A_120 = arith.cmpi ne, %convert_element_type3A_118, %cond3A_119 : i32
    scf.if %cond3A_120 {
      "tpu.region"() ({
        %run_scoped3A = tpu.sem_alloc : memref<!tpu.dma_semaphore, #tpu.memory_space<semaphore_mem>>
        %dma_start3A_121 = arith.constant 0 : i32
        %dma_start3A_122 = tpu.memref_slice %arg6[%arg0, %mul3A_2, %dma_start3A_121] : memref<2x10000x128xf32, #tpu.memory_space<hbm>> -> memref<1x520x128xf32, #tpu.memory_space<hbm>>
        %dma_start3A_123 = tpu.memref_squeeze %dma_start3A_122 : memref<1x520x128xf32, #tpu.memory_space<hbm>> -> memref<520x128xf32, #tpu.memory_space<hbm>>
        %dma_start3A_124 = arith.constant 0 : i32
        %dma_start3A_125 = tpu.memref_slice %arg10[%mul3A_2, %dma_start3A_124] : memref<10112x128xf32, #tpu.memory_space<vmem_shared>> -> memref<520x128xf32, #tpu.memory_space<vmem_shared>>
        tpu.enqueue_dma source(%dma_start3A_125 : memref<520x128xf32, #tpu.memory_space<vmem_shared>>) target(%dma_start3A_123 : memref<520x128xf32, #tpu.memory_space<hbm>>) target_semaphore(%run_scoped3A : memref<!tpu.dma_semaphore, #tpu.memory_space<semaphore_mem>>)
        %dma_wait3A_126 = arith.constant 0 : i32
        %dma_wait3A_127 = tpu.memref_slice %arg6[%arg0, %mul3A_2, %dma_wait3A_126] : memref<2x10000x128xf32, #tpu.memory_space<hbm>> -> memref<1x520x128xf32, #tpu.memory_space<hbm>>
        %dma_wait3A_128 = tpu.memref_squeeze %dma_wait3A_127 : memref<1x520x128xf32, #tpu.memory_space<hbm>> -> memref<520x128xf32, #tpu.memory_space<hbm>>
        %dma_wait3A_129 = arith.constant 0 : i32
        %dma_wait3A_130 = tpu.memref_slice %arg10[%mul3A_2, %dma_wait3A_129] : memref<10112x128xf32, #tpu.memory_space<vmem_shared>> -> memref<520x128xf32, #tpu.memory_space<vmem_shared>>
        tpu.wait_dma2 semaphore(%run_scoped3A : memref<!tpu.dma_semaphore, #tpu.memory_space<semaphore_mem>>) src(%dma_wait3A_130 : memref<520x128xf32, #tpu.memory_space<vmem_shared>>) dst(%dma_wait3A_128 : memref<520x128xf32, #tpu.memory_space<hbm>>)
        tpu.yield
      }) : () -> ()
    } else {
    }
    return
  }
}

#map = affine_map<(d0, d1) -> (0)>
#map1 = affine_map<(d0, d1) -> (0, 0)>
module attributes {stable_mosaic.version = 14 : i64} {
  func.func @k(%arg0: i32, %arg1: i32, %arg2: memref<80000xi32, #tpu.memory_space<hbm>>, %arg3: memref<80000xi32, #tpu.memory_space<hbm>>, %arg4: memref<32x128xi32, #tpu.memory_space<hbm>>, %arg5: memref<10000x128xf32, #tpu.memory_space<hbm>>, %arg6: memref<10000x128xf32, #tpu.memory_space<hbm>>, %arg7: memref<80000x128xf32, #tpu.memory_space<hbm>>, %arg8: memref<2x128xi32, #tpu.memory_space<vmem>>, %arg9: memref<2x128xi32, #tpu.memory_space<vmem>>, %arg10: memref<2x128xi32, #tpu.memory_space<vmem>>, %arg11: memref<2x128x128xf32, #tpu.memory_space<vmem>>, %arg12: memref<2x128x128xf32, #tpu.memory_space<vmem>>, %arg13: memref<4096x128xf32, #tpu.memory_space<vmem_shared>>, %arg14: memref<2x!tpu.dma_semaphore, #tpu.memory_space<semaphore_mem>>, %arg15: memref<2x!tpu.dma_semaphore, #tpu.memory_space<semaphore_mem>>, %arg16: memref<2x!tpu.dma_semaphore, #tpu.memory_space<semaphore_mem>>, %arg17: memref<2x!tpu.dma_semaphore, #tpu.memory_space<semaphore_mem>>) attributes {dimension_semantics = [#tpu.dimension_semantics<core_parallel>, #tpu.dimension_semantics<subcore_parallel>], iteration_bounds = array<i64: 2, 16>, scalar_prefetch = 0 : i64, scratch_operands = 10 : i64, tpu.core_type = #tpu.core_type<sc_vector_subcore>, window_params = [{transform_indices = #map}, {transform_indices = #map}, {transform_indices = #map1}, {transform_indices = #map1}, {transform_indices = #map1}, {transform_indices = #map1}]} {
    %mul3A = arith.constant 2 : i32
    %mul3A_0 = arith.muli %arg1, %mul3A : i32
    %add3A = arith.addi %mul3A_0, %arg0 : i32
    %lt3A = arith.constant 17 : i32
    %lt3A_1 = arith.cmpi slt, %add3A, %lt3A : i32
    %jit3A = arith.constant 20 : i32
    %jit3A_2 = arith.constant 19 : i32
    %select_n3A = arith.select %lt3A_1, %jit3A, %jit3A_2 : i32
    %mul3A_3 = arith.constant 2 : i32
    %mul3A_4 = arith.muli %arg1, %mul3A_3 : i32
    "tpu.region"() ({
      %run_scoped3A = tpu.sem_alloc : memref<!tpu.dma_semaphore, #tpu.memory_space<semaphore_mem>>
      %dma_start3A_158 = arith.constant 0 : i32
      %dma_start3A_159 = tpu.memref_slice %arg4[%mul3A_4, %dma_start3A_158] : memref<32x128xi32, #tpu.memory_space<hbm>> -> memref<2x128xi32, #tpu.memory_space<hbm>>
      %dma_start3A_160 = arith.constant 0 : i32
      %dma_start3A_161 = tpu.memref_slice %arg4[%mul3A_4, %dma_start3A_160] : memref<32x128xi32, #tpu.memory_space<hbm>> -> memref<2x128xi32, #tpu.memory_space<hbm>>
      tpu.enqueue_dma source(%dma_start3A_161 : memref<2x128xi32, #tpu.memory_space<hbm>>) target(%arg10 : memref<2x128xi32, #tpu.memory_space<vmem>>) target_semaphore(%run_scoped3A : memref<!tpu.dma_semaphore, #tpu.memory_space<semaphore_mem>>)
      %dma_wait3A_162 = arith.constant 0 : i32
      %dma_wait3A_163 = tpu.memref_slice %arg4[%mul3A_4, %dma_wait3A_162] : memref<32x128xi32, #tpu.memory_space<hbm>> -> memref<2x128xi32, #tpu.memory_space<hbm>>
      %dma_wait3A_164 = arith.constant 0 : i32
      %dma_wait3A_165 = tpu.memref_slice %arg4[%mul3A_4, %dma_wait3A_164] : memref<32x128xi32, #tpu.memory_space<hbm>> -> memref<2x128xi32, #tpu.memory_space<hbm>>
      tpu.wait_dma2 semaphore(%run_scoped3A : memref<!tpu.dma_semaphore, #tpu.memory_space<semaphore_mem>>) src(%dma_wait3A_165 : memref<2x128xi32, #tpu.memory_space<hbm>>) dst(%arg10 : memref<2x128xi32, #tpu.memory_space<vmem>>)
      tpu.yield
    }) : () -> ()
    %add3A_5 = arith.constant 0 : i32
    %add3A_6 = arith.addi %add3A, %add3A_5 : i32
    %mul3A_7 = arith.constant 128 : i32
    %mul3A_8 = arith.muli %add3A_6, %mul3A_7 : i32
    %dma_start3A = arith.constant 0 : i32
    %dma_start3A_9 = arith.constant 0 : i32
    %dma_start3A_10 = arith.constant 0 : i32
    %dma_start3A_11 = tpu.memref_slice %arg8[%dma_start3A, %dma_start3A_10] : memref<2x128xi32, #tpu.memory_space<vmem>> -> memref<1x128xi32, #tpu.memory_space<vmem>>
    %dma_start3A_12 = tpu.memref_squeeze %dma_start3A_11 : memref<1x128xi32, #tpu.memory_space<vmem>> -> memref<128xi32, #tpu.memory_space<vmem>>
    %dma_start3A_13 = tpu.memref_slice %arg2[%mul3A_8] : memref<80000xi32, #tpu.memory_space<hbm>> -> memref<128xi32, #tpu.memory_space<hbm>>
    %dma_start3A_14 = tpu.memref_slice %arg14[%dma_start3A_9] : memref<2x!tpu.dma_semaphore, #tpu.memory_space<semaphore_mem>> -> memref<1x!tpu.dma_semaphore, #tpu.memory_space<semaphore_mem>>
    %dma_start3A_15 = tpu.memref_squeeze %dma_start3A_14 : memref<1x!tpu.dma_semaphore, #tpu.memory_space<semaphore_mem>> -> memref<!tpu.dma_semaphore, #tpu.memory_space<semaphore_mem>>
    %dma_start3A_16 = arith.constant 0 : i32
    %dma_start3A_17 = tpu.memref_slice %arg8[%dma_start3A, %dma_start3A_16] : memref<2x128xi32, #tpu.memory_space<vmem>> -> memref<1x128xi32, #tpu.memory_space<vmem>>
    %dma_start3A_18 = tpu.memref_squeeze %dma_start3A_17 : memref<1x128xi32, #tpu.memory_space<vmem>> -> memref<128xi32, #tpu.memory_space<vmem>>
    %dma_start3A_19 = tpu.memref_slice %arg2[%mul3A_8] : memref<80000xi32, #tpu.memory_space<hbm>> -> memref<128xi32, #tpu.memory_space<hbm>>
    tpu.enqueue_dma source(%dma_start3A_19 : memref<128xi32, #tpu.memory_space<hbm>>) target(%dma_start3A_18 : memref<128xi32, #tpu.memory_space<vmem>>) target_semaphore(%dma_start3A_15 : memref<!tpu.dma_semaphore, #tpu.memory_space<semaphore_mem>>)
    %dma_start3A_20 = arith.constant 0 : i32
    %dma_start3A_21 = arith.constant 0 : i32
    %dma_start3A_22 = arith.constant 0 : i32
    %dma_start3A_23 = tpu.memref_slice %arg9[%dma_start3A_20, %dma_start3A_22] : memref<2x128xi32, #tpu.memory_space<vmem>> -> memref<1x128xi32, #tpu.memory_space<vmem>>
    %dma_start3A_24 = tpu.memref_squeeze %dma_start3A_23 : memref<1x128xi32, #tpu.memory_space<vmem>> -> memref<128xi32, #tpu.memory_space<vmem>>
    %dma_start3A_25 = tpu.memref_slice %arg3[%mul3A_8] : memref<80000xi32, #tpu.memory_space<hbm>> -> memref<128xi32, #tpu.memory_space<hbm>>
    %dma_start3A_26 = tpu.memref_slice %arg14[%dma_start3A_21] : memref<2x!tpu.dma_semaphore, #tpu.memory_space<semaphore_mem>> -> memref<1x!tpu.dma_semaphore, #tpu.memory_space<semaphore_mem>>
    %dma_start3A_27 = tpu.memref_squeeze %dma_start3A_26 : memref<1x!tpu.dma_semaphore, #tpu.memory_space<semaphore_mem>> -> memref<!tpu.dma_semaphore, #tpu.memory_space<semaphore_mem>>
    %dma_start3A_28 = arith.constant 0 : i32
    %dma_start3A_29 = tpu.memref_slice %arg9[%dma_start3A_20, %dma_start3A_28] : memref<2x128xi32, #tpu.memory_space<vmem>> -> memref<1x128xi32, #tpu.memory_space<vmem>>
    %dma_start3A_30 = tpu.memref_squeeze %dma_start3A_29 : memref<1x128xi32, #tpu.memory_space<vmem>> -> memref<128xi32, #tpu.memory_space<vmem>>
    %dma_start3A_31 = tpu.memref_slice %arg3[%mul3A_8] : memref<80000xi32, #tpu.memory_space<hbm>> -> memref<128xi32, #tpu.memory_space<hbm>>
    tpu.enqueue_dma source(%dma_start3A_31 : memref<128xi32, #tpu.memory_space<hbm>>) target(%dma_start3A_30 : memref<128xi32, #tpu.memory_space<vmem>>) target_semaphore(%dma_start3A_27 : memref<!tpu.dma_semaphore, #tpu.memory_space<semaphore_mem>>)
    %add3A_32 = arith.constant 32 : i32
    %add3A_33 = arith.addi %add3A, %add3A_32 : i32
    %mul3A_34 = arith.constant 128 : i32
    %mul3A_35 = arith.muli %add3A_33, %mul3A_34 : i32
    %dma_start3A_36 = arith.constant 1 : i32
    %dma_start3A_37 = arith.constant 1 : i32
    %dma_start3A_38 = arith.constant 0 : i32
    %dma_start3A_39 = tpu.memref_slice %arg8[%dma_start3A_36, %dma_start3A_38] : memref<2x128xi32, #tpu.memory_space<vmem>> -> memref<1x128xi32, #tpu.memory_space<vmem>>
    %dma_start3A_40 = tpu.memref_squeeze %dma_start3A_39 : memref<1x128xi32, #tpu.memory_space<vmem>> -> memref<128xi32, #tpu.memory_space<vmem>>
    %dma_start3A_41 = tpu.memref_slice %arg2[%mul3A_35] : memref<80000xi32, #tpu.memory_space<hbm>> -> memref<128xi32, #tpu.memory_space<hbm>>
    %dma_start3A_42 = tpu.memref_slice %arg14[%dma_start3A_37] : memref<2x!tpu.dma_semaphore, #tpu.memory_space<semaphore_mem>> -> memref<1x!tpu.dma_semaphore, #tpu.memory_space<semaphore_mem>>
    %dma_start3A_43 = tpu.memref_squeeze %dma_start3A_42 : memref<1x!tpu.dma_semaphore, #tpu.memory_space<semaphore_mem>> -> memref<!tpu.dma_semaphore, #tpu.memory_space<semaphore_mem>>
    %dma_start3A_44 = arith.constant 0 : i32
    %dma_start3A_45 = tpu.memref_slice %arg8[%dma_start3A_36, %dma_start3A_44] : memref<2x128xi32, #tpu.memory_space<vmem>> -> memref<1x128xi32, #tpu.memory_space<vmem>>
    %dma_start3A_46 = tpu.memref_squeeze %dma_start3A_45 : memref<1x128xi32, #tpu.memory_space<vmem>> -> memref<128xi32, #tpu.memory_space<vmem>>
    %dma_start3A_47 = tpu.memref_slice %arg2[%mul3A_35] : memref<80000xi32, #tpu.memory_space<hbm>> -> memref<128xi32, #tpu.memory_space<hbm>>
    tpu.enqueue_dma source(%dma_start3A_47 : memref<128xi32, #tpu.memory_space<hbm>>) target(%dma_start3A_46 : memref<128xi32, #tpu.memory_space<vmem>>) target_semaphore(%dma_start3A_43 : memref<!tpu.dma_semaphore, #tpu.memory_space<semaphore_mem>>)
    %dma_start3A_48 = arith.constant 1 : i32
    %dma_start3A_49 = arith.constant 1 : i32
    %dma_start3A_50 = arith.constant 0 : i32
    %dma_start3A_51 = tpu.memref_slice %arg9[%dma_start3A_48, %dma_start3A_50] : memref<2x128xi32, #tpu.memory_space<vmem>> -> memref<1x128xi32, #tpu.memory_space<vmem>>
    %dma_start3A_52 = tpu.memref_squeeze %dma_start3A_51 : memref<1x128xi32, #tpu.memory_space<vmem>> -> memref<128xi32, #tpu.memory_space<vmem>>
    %dma_start3A_53 = tpu.memref_slice %arg3[%mul3A_35] : memref<80000xi32, #tpu.memory_space<hbm>> -> memref<128xi32, #tpu.memory_space<hbm>>
    %dma_start3A_54 = tpu.memref_slice %arg14[%dma_start3A_49] : memref<2x!tpu.dma_semaphore, #tpu.memory_space<semaphore_mem>> -> memref<1x!tpu.dma_semaphore, #tpu.memory_space<semaphore_mem>>
    %dma_start3A_55 = tpu.memref_squeeze %dma_start3A_54 : memref<1x!tpu.dma_semaphore, #tpu.memory_space<semaphore_mem>> -> memref<!tpu.dma_semaphore, #tpu.memory_space<semaphore_mem>>
    %dma_start3A_56 = arith.constant 0 : i32
    %dma_start3A_57 = tpu.memref_slice %arg9[%dma_start3A_48, %dma_start3A_56] : memref<2x128xi32, #tpu.memory_space<vmem>> -> memref<1x128xi32, #tpu.memory_space<vmem>>
    %dma_start3A_58 = tpu.memref_squeeze %dma_start3A_57 : memref<1x128xi32, #tpu.memory_space<vmem>> -> memref<128xi32, #tpu.memory_space<vmem>>
    %dma_start3A_59 = tpu.memref_slice %arg3[%mul3A_35] : memref<80000xi32, #tpu.memory_space<hbm>> -> memref<128xi32, #tpu.memory_space<hbm>>
    tpu.enqueue_dma source(%dma_start3A_59 : memref<128xi32, #tpu.memory_space<hbm>>) target(%dma_start3A_58 : memref<128xi32, #tpu.memory_space<vmem>>) target_semaphore(%dma_start3A_55 : memref<!tpu.dma_semaphore, #tpu.memory_space<semaphore_mem>>)
    %dma_wait3A = arith.constant 0 : i32
    %dma_wait3A_60 = arith.constant 0 : i32
    %dma_wait3A_61 = arith.constant 0 : i32
    %dma_wait3A_62 = tpu.memref_slice %arg8[%dma_wait3A, %dma_wait3A_61] : memref<2x128xi32, #tpu.memory_space<vmem>> -> memref<1x128xi32, #tpu.memory_space<vmem>>
    %dma_wait3A_63 = tpu.memref_squeeze %dma_wait3A_62 : memref<1x128xi32, #tpu.memory_space<vmem>> -> memref<128xi32, #tpu.memory_space<vmem>>
    %dma_wait3A_64 = arith.constant 0 : i32
    %dma_wait3A_65 = tpu.memref_slice %arg2[%dma_wait3A_64] : memref<80000xi32, #tpu.memory_space<hbm>> -> memref<128xi32, #tpu.memory_space<hbm>>
    %dma_wait3A_66 = tpu.memref_slice %arg14[%dma_wait3A_60] : memref<2x!tpu.dma_semaphore, #tpu.memory_space<semaphore_mem>> -> memref<1x!tpu.dma_semaphore, #tpu.memory_space<semaphore_mem>>
    %dma_wait3A_67 = tpu.memref_squeeze %dma_wait3A_66 : memref<1x!tpu.dma_semaphore, #tpu.memory_space<semaphore_mem>> -> memref<!tpu.dma_semaphore, #tpu.memory_space<semaphore_mem>>
    %dma_wait3A_68 = arith.constant 0 : i32
    %dma_wait3A_69 = tpu.memref_slice %arg8[%dma_wait3A, %dma_wait3A_68] : memref<2x128xi32, #tpu.memory_space<vmem>> -> memref<1x128xi32, #tpu.memory_space<vmem>>
    %dma_wait3A_70 = tpu.memref_squeeze %dma_wait3A_69 : memref<1x128xi32, #tpu.memory_space<vmem>> -> memref<128xi32, #tpu.memory_space<vmem>>
    %dma_wait3A_71 = arith.constant 0 : i32
    %dma_wait3A_72 = tpu.memref_slice %arg2[%dma_wait3A_71] : memref<80000xi32, #tpu.memory_space<hbm>> -> memref<128xi32, #tpu.memory_space<hbm>>
    tpu.wait_dma2 semaphore(%dma_wait3A_67 : memref<!tpu.dma_semaphore, #tpu.memory_space<semaphore_mem>>) src(%dma_wait3A_72 : memref<128xi32, #tpu.memory_space<hbm>>) dst(%dma_wait3A_70 : memref<128xi32, #tpu.memory_space<vmem>>)
    %dma_wait3A_73 = arith.constant 0 : i32
    %dma_wait3A_74 = arith.constant 0 : i32
    %dma_wait3A_75 = arith.constant 0 : i32
    %dma_wait3A_76 = tpu.memref_slice %arg9[%dma_wait3A_73, %dma_wait3A_75] : memref<2x128xi32, #tpu.memory_space<vmem>> -> memref<1x128xi32, #tpu.memory_space<vmem>>
    %dma_wait3A_77 = tpu.memref_squeeze %dma_wait3A_76 : memref<1x128xi32, #tpu.memory_space<vmem>> -> memref<128xi32, #tpu.memory_space<vmem>>
    %dma_wait3A_78 = arith.constant 0 : i32
    %dma_wait3A_79 = tpu.memref_slice %arg3[%dma_wait3A_78] : memref<80000xi32, #tpu.memory_space<hbm>> -> memref<128xi32, #tpu.memory_space<hbm>>
    %dma_wait3A_80 = tpu.memref_slice %arg14[%dma_wait3A_74] : memref<2x!tpu.dma_semaphore, #tpu.memory_space<semaphore_mem>> -> memref<1x!tpu.dma_semaphore, #tpu.memory_space<semaphore_mem>>
    %dma_wait3A_81 = tpu.memref_squeeze %dma_wait3A_80 : memref<1x!tpu.dma_semaphore, #tpu.memory_space<semaphore_mem>> -> memref<!tpu.dma_semaphore, #tpu.memory_space<semaphore_mem>>
    %dma_wait3A_82 = arith.constant 0 : i32
    %dma_wait3A_83 = tpu.memref_slice %arg9[%dma_wait3A_73, %dma_wait3A_82] : memref<2x128xi32, #tpu.memory_space<vmem>> -> memref<1x128xi32, #tpu.memory_space<vmem>>
    %dma_wait3A_84 = tpu.memref_squeeze %dma_wait3A_83 : memref<1x128xi32, #tpu.memory_space<vmem>> -> memref<128xi32, #tpu.memory_space<vmem>>
    %dma_wait3A_85 = arith.constant 0 : i32
    %dma_wait3A_86 = tpu.memref_slice %arg3[%dma_wait3A_85] : memref<80000xi32, #tpu.memory_space<hbm>> -> memref<128xi32, #tpu.memory_space<hbm>>
    tpu.wait_dma2 semaphore(%dma_wait3A_81 : memref<!tpu.dma_semaphore, #tpu.memory_space<semaphore_mem>>) src(%dma_wait3A_86 : memref<128xi32, #tpu.memory_space<hbm>>) dst(%dma_wait3A_84 : memref<128xi32, #tpu.memory_space<vmem>>)
    %dma_start3A_87 = arith.constant 0 : i32
    %dma_start3A_88 = arith.constant 0 : i32
    %dma_start3A_89 = arith.constant 0 : i32
    %dma_start3A_90 = arith.constant 0 : i32
    %dma_start3A_91 = arith.constant 0 : i32
    %dma_start3A_92 = tpu.memref_slice %arg11[%dma_start3A_88, %dma_start3A_90, %dma_start3A_91] : memref<2x128x128xf32, #tpu.memory_space<vmem>> -> memref<1x128x128xf32, #tpu.memory_space<vmem>>
    %dma_start3A_93 = tpu.memref_squeeze %dma_start3A_92 : memref<1x128x128xf32, #tpu.memory_space<vmem>> -> memref<128x128xf32, #tpu.memory_space<vmem>>
    %dma_start3A_94 = arith.constant 0 : i32
    %dma_start3A_95 = tpu.memref_slice %arg8[%dma_start3A_87, %dma_start3A_94] : memref<2x128xi32, #tpu.memory_space<vmem>> -> memref<1x128xi32, #tpu.memory_space<vmem>>
    %dma_start3A_96 = tpu.memref_squeeze %dma_start3A_95 : memref<1x128xi32, #tpu.memory_space<vmem>> -> memref<128xi32, #tpu.memory_space<vmem>>
    %dma_start3A_97 = arith.constant 0 : i32
    %dma_start3A_98 = arith.constant 0 : i32
    %dma_start3A_99 = tpu.memref_slice %arg5[%dma_start3A_97, %dma_start3A_98] : memref<10000x128xf32, #tpu.memory_space<hbm>> -> memref<10000x128xf32, #tpu.memory_space<hbm>>
    %dma_start3A_100 = tpu.memref_slice %arg15[%dma_start3A_89] : memref<2x!tpu.dma_semaphore, #tpu.memory_space<semaphore_mem>> -> memref<1x!tpu.dma_semaphore, #tpu.memory_space<semaphore_mem>>
    %dma_start3A_101 = tpu.memref_squeeze %dma_start3A_100 : memref<1x!tpu.dma_semaphore, #tpu.memory_space<semaphore_mem>> -> memref<!tpu.dma_semaphore, #tpu.memory_space<semaphore_mem>>
    tpu.enqueue_indirect_dma source(%dma_start3A_99 : memref<10000x128xf32, #tpu.memory_space<hbm>>) target(%dma_start3A_93 : memref<128x128xf32, #tpu.memory_space<vmem>>) offsets(%dma_start3A_96 : memref<128xi32, #tpu.memory_space<vmem>>) semaphore(%dma_start3A_101 : memref<!tpu.dma_semaphore, #tpu.memory_space<semaphore_mem>>)
    %dma_start3A_102 = arith.constant 0 : i32
    %dma_start3A_103 = arith.constant 0 : i32
    %dma_start3A_104 = arith.constant 0 : i32
    %dma_start3A_105 = arith.constant 0 : i32
    %dma_start3A_106 = arith.constant 0 : i32
    %dma_start3A_107 = tpu.memref_slice %arg12[%dma_start3A_103, %dma_start3A_105, %dma_start3A_106] : memref<2x128x128xf32, #tpu.memory_space<vmem>> -> memref<1x128x128xf32, #tpu.memory_space<vmem>>
    %dma_start3A_108 = tpu.memref_squeeze %dma_start3A_107 : memref<1x128x128xf32, #tpu.memory_space<vmem>> -> memref<128x128xf32, #tpu.memory_space<vmem>>
    %dma_start3A_109 = arith.constant 0 : i32
    %dma_start3A_110 = tpu.memref_slice %arg9[%dma_start3A_102, %dma_start3A_109] : memref<2x128xi32, #tpu.memory_space<vmem>> -> memref<1x128xi32, #tpu.memory_space<vmem>>
    %dma_start3A_111 = tpu.memref_squeeze %dma_start3A_110 : memref<1x128xi32, #tpu.memory_space<vmem>> -> memref<128xi32, #tpu.memory_space<vmem>>
    %dma_start3A_112 = arith.constant 0 : i32
    %dma_start3A_113 = arith.constant 0 : i32
    %dma_start3A_114 = tpu.memref_slice %arg6[%dma_start3A_112, %dma_start3A_113] : memref<10000x128xf32, #tpu.memory_space<hbm>> -> memref<10000x128xf32, #tpu.memory_space<hbm>>
    %dma_start3A_115 = tpu.memref_slice %arg16[%dma_start3A_104] : memref<2x!tpu.dma_semaphore, #tpu.memory_space<semaphore_mem>> -> memref<1x!tpu.dma_semaphore, #tpu.memory_space<semaphore_mem>>
    %dma_start3A_116 = tpu.memref_squeeze %dma_start3A_115 : memref<1x!tpu.dma_semaphore, #tpu.memory_space<semaphore_mem>> -> memref<!tpu.dma_semaphore, #tpu.memory_space<semaphore_mem>>
    tpu.enqueue_indirect_dma source(%dma_start3A_114 : memref<10000x128xf32, #tpu.memory_space<hbm>>) target(%dma_start3A_108 : memref<128x128xf32, #tpu.memory_space<vmem>>) offsets(%dma_start3A_111 : memref<128xi32, #tpu.memory_space<vmem>>) semaphore(%dma_start3A_116 : memref<!tpu.dma_semaphore, #tpu.memory_space<semaphore_mem>>)
    %while3A = arith.constant 0 : i32
    %while3A_117 = arith.constant 0 : i32
    %while3A_118 = arith.subi %select_n3A, %while3A : i32
    %while3A_119 = arith.addi %while3A, %while3A_118 : i32
    %while3A_120 = arith.constant 1 : i32
    %while3A_121 = arith.divsi %while3A_118, %while3A_120 : i32
    %while3A_122 = arith.muli %while3A_121, %while3A_120 : i32
    %while3A_123 = arith.addi %while3A, %while3A_122 : i32
    %while3A_124 = arith.constant 1 : i32
    %while3A_125 = scf.for %while3A_158 = %while3A to %while3A_123 step %while3A_124 iter_args(%while3A_159 = %while3A_117) -> (i32)  : i32 {
      %rem3A_160 = arith.constant 2 : i32
      %rem3A_161 = arith.remsi %while3A_158, %rem3A_160 : i32
      %sub3A_162 = arith.constant 1 : i32
      %sub3A_163 = arith.subi %sub3A_162, %rem3A_161 : i32
      %mul3A_164 = arith.constant 32 : i32
      %mul3A_165 = arith.muli %while3A_158, %mul3A_164 : i32
      %add3A_166 = arith.addi %add3A, %mul3A_165 : i32
      %mul3A_167 = arith.constant 128 : i32
      %mul3A_168 = arith.muli %add3A_166, %mul3A_167 : i32
      %dma_wait3A_169 = arith.constant 0 : i32
      %dma_wait3A_170 = arith.constant 0 : i32
      %dma_wait3A_171 = tpu.memref_slice %arg11[%rem3A_161, %dma_wait3A_169, %dma_wait3A_170] : memref<2x128x128xf32, #tpu.memory_space<vmem>> -> memref<1x128x128xf32, #tpu.memory_space<vmem>>
      %dma_wait3A_172 = tpu.memref_squeeze %dma_wait3A_171 : memref<1x128x128xf32, #tpu.memory_space<vmem>> -> memref<128x128xf32, #tpu.memory_space<vmem>>
      %dma_wait3A_173 = arith.constant 0 : i32
      %dma_wait3A_174 = arith.constant 0 : i32
      %dma_wait3A_175 = tpu.memref_slice %arg5[%dma_wait3A_173, %dma_wait3A_174] : memref<10000x128xf32, #tpu.memory_space<hbm>> -> memref<128x128xf32, #tpu.memory_space<hbm>>
      %dma_wait3A_176 = tpu.memref_slice %arg15[%rem3A_161] : memref<2x!tpu.dma_semaphore, #tpu.memory_space<semaphore_mem>> -> memref<1x!tpu.dma_semaphore, #tpu.memory_space<semaphore_mem>>
      %dma_wait3A_177 = tpu.memref_squeeze %dma_wait3A_176 : memref<1x!tpu.dma_semaphore, #tpu.memory_space<semaphore_mem>> -> memref<!tpu.dma_semaphore, #tpu.memory_space<semaphore_mem>>
      %dma_wait3A_178 = arith.constant 0 : i32
      %dma_wait3A_179 = arith.constant 0 : i32
      %dma_wait3A_180 = tpu.memref_slice %arg11[%rem3A_161, %dma_wait3A_178, %dma_wait3A_179] : memref<2x128x128xf32, #tpu.memory_space<vmem>> -> memref<1x128x128xf32, #tpu.memory_space<vmem>>
      %dma_wait3A_181 = tpu.memref_squeeze %dma_wait3A_180 : memref<1x128x128xf32, #tpu.memory_space<vmem>> -> memref<128x128xf32, #tpu.memory_space<vmem>>
      %dma_wait3A_182 = arith.constant 0 : i32
      %dma_wait3A_183 = arith.constant 0 : i32
      %dma_wait3A_184 = tpu.memref_slice %arg5[%dma_wait3A_182, %dma_wait3A_183] : memref<10000x128xf32, #tpu.memory_space<hbm>> -> memref<128x128xf32, #tpu.memory_space<hbm>>
      tpu.wait_dma2 semaphore(%dma_wait3A_177 : memref<!tpu.dma_semaphore, #tpu.memory_space<semaphore_mem>>) src(%dma_wait3A_184 : memref<128x128xf32, #tpu.memory_space<hbm>>) dst(%dma_wait3A_181 : memref<128x128xf32, #tpu.memory_space<vmem>>)
      %dma_wait3A_185 = arith.constant 0 : i32
      %dma_wait3A_186 = arith.constant 0 : i32
      %dma_wait3A_187 = tpu.memref_slice %arg12[%rem3A_161, %dma_wait3A_185, %dma_wait3A_186] : memref<2x128x128xf32, #tpu.memory_space<vmem>> -> memref<1x128x128xf32, #tpu.memory_space<vmem>>
      %dma_wait3A_188 = tpu.memref_squeeze %dma_wait3A_187 : memref<1x128x128xf32, #tpu.memory_space<vmem>> -> memref<128x128xf32, #tpu.memory_space<vmem>>
      %dma_wait3A_189 = arith.constant 0 : i32
      %dma_wait3A_190 = arith.constant 0 : i32
      %dma_wait3A_191 = tpu.memref_slice %arg6[%dma_wait3A_189, %dma_wait3A_190] : memref<10000x128xf32, #tpu.memory_space<hbm>> -> memref<128x128xf32, #tpu.memory_space<hbm>>
      %dma_wait3A_192 = tpu.memref_slice %arg16[%rem3A_161] : memref<2x!tpu.dma_semaphore, #tpu.memory_space<semaphore_mem>> -> memref<1x!tpu.dma_semaphore, #tpu.memory_space<semaphore_mem>>
      %dma_wait3A_193 = tpu.memref_squeeze %dma_wait3A_192 : memref<1x!tpu.dma_semaphore, #tpu.memory_space<semaphore_mem>> -> memref<!tpu.dma_semaphore, #tpu.memory_space<semaphore_mem>>
      %dma_wait3A_194 = arith.constant 0 : i32
      %dma_wait3A_195 = arith.constant 0 : i32
      %dma_wait3A_196 = tpu.memref_slice %arg12[%rem3A_161, %dma_wait3A_194, %dma_wait3A_195] : memref<2x128x128xf32, #tpu.memory_space<vmem>> -> memref<1x128x128xf32, #tpu.memory_space<vmem>>
      %dma_wait3A_197 = tpu.memref_squeeze %dma_wait3A_196 : memref<1x128x128xf32, #tpu.memory_space<vmem>> -> memref<128x128xf32, #tpu.memory_space<vmem>>
      %dma_wait3A_198 = arith.constant 0 : i32
      %dma_wait3A_199 = arith.constant 0 : i32
      %dma_wait3A_200 = tpu.memref_slice %arg6[%dma_wait3A_198, %dma_wait3A_199] : memref<10000x128xf32, #tpu.memory_space<hbm>> -> memref<128x128xf32, #tpu.memory_space<hbm>>
      tpu.wait_dma2 semaphore(%dma_wait3A_193 : memref<!tpu.dma_semaphore, #tpu.memory_space<semaphore_mem>>) src(%dma_wait3A_200 : memref<128x128xf32, #tpu.memory_space<hbm>>) dst(%dma_wait3A_197 : memref<128x128xf32, #tpu.memory_space<vmem>>)
      %add3A_201 = arith.constant 1 : i32
      %add3A_202 = arith.addi %while3A_158, %add3A_201 : i32
      %lt3A_203 = arith.cmpi slt, %add3A_202, %select_n3A : i32
      %convert_element_type3A = arith.extui %lt3A_203 : i1 to i32
      %cond3A = arith.constant 0 : i32
      %cond3A_204 = arith.cmpi ne, %convert_element_type3A, %cond3A : i32
      scf.if %cond3A_204 {
        %dma_wait3A_228 = arith.constant 0 : i32
        %dma_wait3A_229 = tpu.memref_slice %arg8[%sub3A_163, %dma_wait3A_228] : memref<2x128xi32, #tpu.memory_space<vmem>> -> memref<1x128xi32, #tpu.memory_space<vmem>>
        %dma_wait3A_230 = tpu.memref_squeeze %dma_wait3A_229 : memref<1x128xi32, #tpu.memory_space<vmem>> -> memref<128xi32, #tpu.memory_space<vmem>>
        %dma_wait3A_231 = arith.constant 0 : i32
        %dma_wait3A_232 = tpu.memref_slice %arg2[%dma_wait3A_231] : memref<80000xi32, #tpu.memory_space<hbm>> -> memref<128xi32, #tpu.memory_space<hbm>>
        %dma_wait3A_233 = tpu.memref_slice %arg14[%sub3A_163] : memref<2x!tpu.dma_semaphore, #tpu.memory_space<semaphore_mem>> -> memref<1x!tpu.dma_semaphore, #tpu.memory_space<semaphore_mem>>
        %dma_wait3A_234 = tpu.memref_squeeze %dma_wait3A_233 : memref<1x!tpu.dma_semaphore, #tpu.memory_space<semaphore_mem>> -> memref<!tpu.dma_semaphore, #tpu.memory_space<semaphore_mem>>
        %dma_wait3A_235 = arith.constant 0 : i32
        %dma_wait3A_236 = tpu.memref_slice %arg8[%sub3A_163, %dma_wait3A_235] : memref<2x128xi32, #tpu.memory_space<vmem>> -> memref<1x128xi32, #tpu.memory_space<vmem>>
        %dma_wait3A_237 = tpu.memref_squeeze %dma_wait3A_236 : memref<1x128xi32, #tpu.memory_space<vmem>> -> memref<128xi32, #tpu.memory_space<vmem>>
        %dma_wait3A_238 = arith.constant 0 : i32
        %dma_wait3A_239 = tpu.memref_slice %arg2[%dma_wait3A_238] : memref<80000xi32, #tpu.memory_space<hbm>> -> memref<128xi32, #tpu.memory_space<hbm>>
        tpu.wait_dma2 semaphore(%dma_wait3A_234 : memref<!tpu.dma_semaphore, #tpu.memory_space<semaphore_mem>>) src(%dma_wait3A_239 : memref<128xi32, #tpu.memory_space<hbm>>) dst(%dma_wait3A_237 : memref<128xi32, #tpu.memory_space<vmem>>)
        %dma_wait3A_240 = arith.constant 0 : i32
        %dma_wait3A_241 = tpu.memref_slice %arg9[%sub3A_163, %dma_wait3A_240] : memref<2x128xi32, #tpu.memory_space<vmem>> -> memref<1x128xi32, #tpu.memory_space<vmem>>
        %dma_wait3A_242 = tpu.memref_squeeze %dma_wait3A_241 : memref<1x128xi32, #tpu.memory_space<vmem>> -> memref<128xi32, #tpu.memory_space<vmem>>
        %dma_wait3A_243 = arith.constant 0 : i32
        %dma_wait3A_244 = tpu.memref_slice %arg3[%dma_wait3A_243] : memref<80000xi32, #tpu.memory_space<hbm>> -> memref<128xi32, #tpu.memory_space<hbm>>
        %dma_wait3A_245 = tpu.memref_slice %arg14[%sub3A_163] : memref<2x!tpu.dma_semaphore, #tpu.memory_space<semaphore_mem>> -> memref<1x!tpu.dma_semaphore, #tpu.memory_space<semaphore_mem>>
        %dma_wait3A_246 = tpu.memref_squeeze %dma_wait3A_245 : memref<1x!tpu.dma_semaphore, #tpu.memory_space<semaphore_mem>> -> memref<!tpu.dma_semaphore, #tpu.memory_space<semaphore_mem>>
        %dma_wait3A_247 = arith.constant 0 : i32
        %dma_wait3A_248 = tpu.memref_slice %arg9[%sub3A_163, %dma_wait3A_247] : memref<2x128xi32, #tpu.memory_space<vmem>> -> memref<1x128xi32, #tpu.memory_space<vmem>>
        %dma_wait3A_249 = tpu.memref_squeeze %dma_wait3A_248 : memref<1x128xi32, #tpu.memory_space<vmem>> -> memref<128xi32, #tpu.memory_space<vmem>>
        %dma_wait3A_250 = arith.constant 0 : i32
        %dma_wait3A_251 = tpu.memref_slice %arg3[%dma_wait3A_250] : memref<80000xi32, #tpu.memory_space<hbm>> -> memref<128xi32, #tpu.memory_space<hbm>>
        tpu.wait_dma2 semaphore(%dma_wait3A_246 : memref<!tpu.dma_semaphore, #tpu.memory_space<semaphore_mem>>) src(%dma_wait3A_251 : memref<128xi32, #tpu.memory_space<hbm>>) dst(%dma_wait3A_249 : memref<128xi32, #tpu.memory_space<vmem>>)
        %ge3A = arith.constant 1 : i32
        %ge3A_252 = arith.cmpi sge, %while3A_158, %ge3A : i32
        %convert_element_type3A_253 = arith.extui %ge3A_252 : i1 to i32
        %cond3A_254 = arith.constant 0 : i32
        %cond3A_255 = arith.cmpi ne, %convert_element_type3A_253, %cond3A_254 : i32
        scf.if %cond3A_255 {
          %mul3A_280 = arith.constant 2 : i32
          %mul3A_281 = arith.muli %arg1, %mul3A_280 : i32
          %add3A_282 = arith.constant 0 : i32
          %add3A_283 = arith.addi %mul3A_281, %add3A_282 : i32
          %mul3A_284 = arith.constant 128 : i32
          %mul3A_285 = arith.muli %add3A_283, %mul3A_284 : i32
          %dma_wait3A_286 = tpu.memref_slice %arg17[%sub3A_163] : memref<2x!tpu.dma_semaphore, #tpu.memory_space<semaphore_mem>> -> memref<1x!tpu.dma_semaphore, #tpu.memory_space<semaphore_mem>>
          %dma_wait3A_287 = tpu.memref_squeeze %dma_wait3A_286 : memref<1x!tpu.dma_semaphore, #tpu.memory_space<semaphore_mem>> -> memref<!tpu.dma_semaphore, #tpu.memory_space<semaphore_mem>>
          %dma_wait3A_288 = arith.constant 0 : i32
          %dma_wait3A_289 = arith.constant 0 : i32
          %dma_wait3A_290 = tpu.memref_slice %arg7[%dma_wait3A_288, %dma_wait3A_289] : memref<80000x128xf32, #tpu.memory_space<hbm>> -> memref<128x128xf32, #tpu.memory_space<hbm>>
          %dma_wait3A_291 = arith.constant 0 : i32
          %dma_wait3A_292 = tpu.memref_slice %arg13[%mul3A_285, %dma_wait3A_291] : memref<4096x128xf32, #tpu.memory_space<vmem_shared>> -> memref<128x128xf32, #tpu.memory_space<vmem_shared>>
          tpu.wait_dma2 semaphore(%dma_wait3A_287 : memref<!tpu.dma_semaphore, #tpu.memory_space<semaphore_mem>>) src(%dma_wait3A_292 : memref<128x128xf32, #tpu.memory_space<vmem_shared>>) dst(%dma_wait3A_290 : memref<128x128xf32, #tpu.memory_space<hbm>>)
        } else {
        }
        %dma_start3A_256 = arith.constant 0 : i32
        %dma_start3A_257 = arith.constant 0 : i32
        %dma_start3A_258 = tpu.memref_slice %arg11[%sub3A_163, %dma_start3A_256, %dma_start3A_257] : memref<2x128x128xf32, #tpu.memory_space<vmem>> -> memref<1x128x128xf32, #tpu.memory_space<vmem>>
        %dma_start3A_259 = tpu.memref_squeeze %dma_start3A_258 : memref<1x128x128xf32, #tpu.memory_space<vmem>> -> memref<128x128xf32, #tpu.memory_space<vmem>>
        %dma_start3A_260 = arith.constant 0 : i32
        %dma_start3A_261 = tpu.memref_slice %arg8[%sub3A_163, %dma_start3A_260] : memref<2x128xi32, #tpu.memory_space<vmem>> -> memref<1x128xi32, #tpu.memory_space<vmem>>
        %dma_start3A_262 = tpu.memref_squeeze %dma_start3A_261 : memref<1x128xi32, #tpu.memory_space<vmem>> -> memref<128xi32, #tpu.memory_space<vmem>>
        %dma_start3A_263 = arith.constant 0 : i32
        %dma_start3A_264 = arith.constant 0 : i32
        %dma_start3A_265 = tpu.memref_slice %arg5[%dma_start3A_263, %dma_start3A_264] : memref<10000x128xf32, #tpu.memory_space<hbm>> -> memref<10000x128xf32, #tpu.memory_space<hbm>>
        %dma_start3A_266 = tpu.memref_slice %arg15[%sub3A_163] : memref<2x!tpu.dma_semaphore, #tpu.memory_space<semaphore_mem>> -> memref<1x!tpu.dma_semaphore, #tpu.memory_space<semaphore_mem>>
        %dma_start3A_267 = tpu.memref_squeeze %dma_start3A_266 : memref<1x!tpu.dma_semaphore, #tpu.memory_space<semaphore_mem>> -> memref<!tpu.dma_semaphore, #tpu.memory_space<semaphore_mem>>
        tpu.enqueue_indirect_dma source(%dma_start3A_265 : memref<10000x128xf32, #tpu.memory_space<hbm>>) target(%dma_start3A_259 : memref<128x128xf32, #tpu.memory_space<vmem>>) offsets(%dma_start3A_262 : memref<128xi32, #tpu.memory_space<vmem>>) semaphore(%dma_start3A_267 : memref<!tpu.dma_semaphore, #tpu.memory_space<semaphore_mem>>)
        %dma_start3A_268 = arith.constant 0 : i32
        %dma_start3A_269 = arith.constant 0 : i32
        %dma_start3A_270 = tpu.memref_slice %arg12[%sub3A_163, %dma_start3A_268, %dma_start3A_269] : memref<2x128x128xf32, #tpu.memory_space<vmem>> -> memref<1x128x128xf32, #tpu.memory_space<vmem>>
        %dma_start3A_271 = tpu.memref_squeeze %dma_start3A_270 : memref<1x128x128xf32, #tpu.memory_space<vmem>> -> memref<128x128xf32, #tpu.memory_space<vmem>>
        %dma_start3A_272 = arith.constant 0 : i32
        %dma_start3A_273 = tpu.memref_slice %arg9[%sub3A_163, %dma_start3A_272] : memref<2x128xi32, #tpu.memory_space<vmem>> -> memref<1x128xi32, #tpu.memory_space<vmem>>
        %dma_start3A_274 = tpu.memref_squeeze %dma_start3A_273 : memref<1x128xi32, #tpu.memory_space<vmem>> -> memref<128xi32, #tpu.memory_space<vmem>>
        %dma_start3A_275 = arith.constant 0 : i32
        %dma_start3A_276 = arith.constant 0 : i32
        %dma_start3A_277 = tpu.memref_slice %arg6[%dma_start3A_275, %dma_start3A_276] : memref<10000x128xf32, #tpu.memory_space<hbm>> -> memref<10000x128xf32, #tpu.memory_space<hbm>>
        %dma_start3A_278 = tpu.memref_slice %arg16[%sub3A_163] : memref<2x!tpu.dma_semaphore, #tpu.memory_space<semaphore_mem>> -> memref<1x!tpu.dma_semaphore, #tpu.memory_space<semaphore_mem>>
        %dma_start3A_279 = tpu.memref_squeeze %dma_start3A_278 : memref<1x!tpu.dma_semaphore, #tpu.memory_space<semaphore_mem>> -> memref<!tpu.dma_semaphore, #tpu.memory_space<semaphore_mem>>
        tpu.enqueue_indirect_dma source(%dma_start3A_277 : memref<10000x128xf32, #tpu.memory_space<hbm>>) target(%dma_start3A_271 : memref<128x128xf32, #tpu.memory_space<vmem>>) offsets(%dma_start3A_274 : memref<128xi32, #tpu.memory_space<vmem>>) semaphore(%dma_start3A_279 : memref<!tpu.dma_semaphore, #tpu.memory_space<semaphore_mem>>)
      } else {
      }
      %mul3A_205 = arith.constant 2 : i32
      %mul3A_206 = arith.muli %arg1, %mul3A_205 : i32
      %add3A_207 = arith.addi %mul3A_206, %rem3A_161 : i32
      %mul3A_208 = arith.constant 128 : i32
      %mul3A_209 = arith.muli %add3A_207, %mul3A_208 : i32
      "tpu.region"() ({
        %run_scoped3A = tpu.sem_alloc : memref<!tpu.dma_semaphore, #tpu.memory_space<semaphore_mem>>
        %dma_start3A_228 = arith.constant 0 : i32
        %dma_start3A_229 = arith.constant 0 : i32
        %dma_start3A_230 = tpu.memref_slice %arg11[%rem3A_161, %dma_start3A_228, %dma_start3A_229] : memref<2x128x128xf32, #tpu.memory_space<vmem>> -> memref<1x128x128xf32, #tpu.memory_space<vmem>>
        %dma_start3A_231 = tpu.memref_squeeze %dma_start3A_230 : memref<1x128x128xf32, #tpu.memory_space<vmem>> -> memref<128x128xf32, #tpu.memory_space<vmem>>
        %dma_start3A_232 = arith.constant 0 : i32
        %dma_start3A_233 = tpu.memref_slice %arg13[%mul3A_209, %dma_start3A_232] : memref<4096x128xf32, #tpu.memory_space<vmem_shared>> -> memref<128x128xf32, #tpu.memory_space<vmem_shared>>
        %dma_start3A_234 = arith.constant 0 : i32
        %dma_start3A_235 = tpu.memref_slice %arg13[%mul3A_209, %dma_start3A_234] : memref<4096x128xf32, #tpu.memory_space<vmem_shared>> -> memref<128x128xf32, #tpu.memory_space<vmem_shared>>
        %dma_start3A_236 = arith.constant 0 : i32
        %dma_start3A_237 = arith.constant 0 : i32
        %dma_start3A_238 = tpu.memref_slice %arg11[%rem3A_161, %dma_start3A_236, %dma_start3A_237] : memref<2x128x128xf32, #tpu.memory_space<vmem>> -> memref<1x128x128xf32, #tpu.memory_space<vmem>>
        %dma_start3A_239 = tpu.memref_squeeze %dma_start3A_238 : memref<1x128x128xf32, #tpu.memory_space<vmem>> -> memref<128x128xf32, #tpu.memory_space<vmem>>
        tpu.enqueue_dma source(%dma_start3A_239 : memref<128x128xf32, #tpu.memory_space<vmem>>) target(%dma_start3A_235 : memref<128x128xf32, #tpu.memory_space<vmem_shared>>) target_semaphore(%run_scoped3A : memref<!tpu.dma_semaphore, #tpu.memory_space<semaphore_mem>>)
        %dma_wait3A_240 = arith.constant 0 : i32
        %dma_wait3A_241 = arith.constant 0 : i32
        %dma_wait3A_242 = tpu.memref_slice %arg11[%rem3A_161, %dma_wait3A_240, %dma_wait3A_241] : memref<2x128x128xf32, #tpu.memory_space<vmem>> -> memref<1x128x128xf32, #tpu.memory_space<vmem>>
        %dma_wait3A_243 = tpu.memref_squeeze %dma_wait3A_242 : memref<1x128x128xf32, #tpu.memory_space<vmem>> -> memref<128x128xf32, #tpu.memory_space<vmem>>
        %dma_wait3A_244 = arith.constant 0 : i32
        %dma_wait3A_245 = tpu.memref_slice %arg13[%mul3A_209, %dma_wait3A_244] : memref<4096x128xf32, #tpu.memory_space<vmem_shared>> -> memref<128x128xf32, #tpu.memory_space<vmem_shared>>
        %dma_wait3A_246 = arith.constant 0 : i32
        %dma_wait3A_247 = tpu.memref_slice %arg13[%mul3A_209, %dma_wait3A_246] : memref<4096x128xf32, #tpu.memory_space<vmem_shared>> -> memref<128x128xf32, #tpu.memory_space<vmem_shared>>
        %dma_wait3A_248 = arith.constant 0 : i32
        %dma_wait3A_249 = arith.constant 0 : i32
        %dma_wait3A_250 = tpu.memref_slice %arg11[%rem3A_161, %dma_wait3A_248, %dma_wait3A_249] : memref<2x128x128xf32, #tpu.memory_space<vmem>> -> memref<1x128x128xf32, #tpu.memory_space<vmem>>
        %dma_wait3A_251 = tpu.memref_squeeze %dma_wait3A_250 : memref<1x128x128xf32, #tpu.memory_space<vmem>> -> memref<128x128xf32, #tpu.memory_space<vmem>>
        tpu.wait_dma2 semaphore(%run_scoped3A : memref<!tpu.dma_semaphore, #tpu.memory_space<semaphore_mem>>) src(%dma_wait3A_251 : memref<128x128xf32, #tpu.memory_space<vmem>>) dst(%dma_wait3A_247 : memref<128x128xf32, #tpu.memory_space<vmem_shared>>)
        tpu.yield
      }) : () -> ()
      "tpu.region"() ({
        %run_scoped3A = tpu.sem_alloc : memref<!tpu.dma_semaphore, #tpu.memory_space<semaphore_mem>>
        %dma_start3A_228 = arith.constant 0 : i32
        %dma_start3A_229 = arith.constant 0 : i32
        %dma_start3A_230 = tpu.memref_slice %arg12[%rem3A_161, %dma_start3A_228, %dma_start3A_229] : memref<2x128x128xf32, #tpu.memory_space<vmem>> -> memref<1x128x128xf32, #tpu.memory_space<vmem>>
        %dma_start3A_231 = tpu.memref_squeeze %dma_start3A_230 : memref<1x128x128xf32, #tpu.memory_space<vmem>> -> memref<128x128xf32, #tpu.memory_space<vmem>>
        %dma_start3A_232 = arith.constant 0 : i32
        %dma_start3A_233 = tpu.memref_slice %arg10[%rem3A_161, %dma_start3A_232] : memref<2x128xi32, #tpu.memory_space<vmem>> -> memref<1x128xi32, #tpu.memory_space<vmem>>
        %dma_start3A_234 = tpu.memref_squeeze %dma_start3A_233 : memref<1x128xi32, #tpu.memory_space<vmem>> -> memref<128xi32, #tpu.memory_space<vmem>>
        %dma_start3A_235 = arith.constant 0 : i32
        %dma_start3A_236 = arith.constant 0 : i32
        %dma_start3A_237 = tpu.memref_slice %arg13[%dma_start3A_235, %dma_start3A_236] : memref<4096x128xf32, #tpu.memory_space<vmem_shared>> -> memref<4096x128xf32, #tpu.memory_space<vmem_shared>>
        tpu.enqueue_indirect_dma source(%dma_start3A_231 : memref<128x128xf32, #tpu.memory_space<vmem>>) target(%dma_start3A_237 : memref<4096x128xf32, #tpu.memory_space<vmem_shared>>) offsets(%dma_start3A_234 : memref<128xi32, #tpu.memory_space<vmem>>) semaphore(%run_scoped3A : memref<!tpu.dma_semaphore, #tpu.memory_space<semaphore_mem>>) {add = true}
        %dma_wait3A_238 = arith.constant 0 : i32
        %dma_wait3A_239 = arith.constant 0 : i32
        %dma_wait3A_240 = tpu.memref_slice %arg12[%rem3A_161, %dma_wait3A_238, %dma_wait3A_239] : memref<2x128x128xf32, #tpu.memory_space<vmem>> -> memref<1x128x128xf32, #tpu.memory_space<vmem>>
        %dma_wait3A_241 = tpu.memref_squeeze %dma_wait3A_240 : memref<1x128x128xf32, #tpu.memory_space<vmem>> -> memref<128x128xf32, #tpu.memory_space<vmem>>
        %dma_wait3A_242 = arith.constant 0 : i32
        %dma_wait3A_243 = tpu.memref_slice %arg10[%rem3A_161, %dma_wait3A_242] : memref<2x128xi32, #tpu.memory_space<vmem>> -> memref<1x128xi32, #tpu.memory_space<vmem>>
        %dma_wait3A_244 = tpu.memref_squeeze %dma_wait3A_243 : memref<1x128xi32, #tpu.memory_space<vmem>> -> memref<128xi32, #tpu.memory_space<vmem>>
        %dma_wait3A_245 = arith.constant 0 : i32
        %dma_wait3A_246 = arith.constant 0 : i32
        %dma_wait3A_247 = tpu.memref_slice %arg13[%dma_wait3A_245, %dma_wait3A_246] : memref<4096x128xf32, #tpu.memory_space<vmem_shared>> -> memref<4096x128xf32, #tpu.memory_space<vmem_shared>>
        tpu.wait_indirect_dma semaphore(%run_scoped3A : memref<!tpu.dma_semaphore, #tpu.memory_space<semaphore_mem>>) src(%dma_wait3A_241 : memref<128x128xf32, #tpu.memory_space<vmem>>) dst(%dma_wait3A_247 : memref<4096x128xf32, #tpu.memory_space<vmem_shared>>)
        tpu.yield
      }) : () -> ()
      %mul3A_210 = arith.constant 2 : i32
      %mul3A_211 = arith.muli %arg1, %mul3A_210 : i32
      %add3A_212 = arith.addi %mul3A_211, %rem3A_161 : i32
      %mul3A_213 = arith.constant 128 : i32
      %mul3A_214 = arith.muli %add3A_212, %mul3A_213 : i32
      %dma_start3A_215 = tpu.memref_slice %arg17[%rem3A_161] : memref<2x!tpu.dma_semaphore, #tpu.memory_space<semaphore_mem>> -> memref<1x!tpu.dma_semaphore, #tpu.memory_space<semaphore_mem>>
      %dma_start3A_216 = tpu.memref_squeeze %dma_start3A_215 : memref<1x!tpu.dma_semaphore, #tpu.memory_space<semaphore_mem>> -> memref<!tpu.dma_semaphore, #tpu.memory_space<semaphore_mem>>
      %dma_start3A_217 = arith.constant 0 : i32
      %dma_start3A_218 = tpu.memref_slice %arg7[%mul3A_168, %dma_start3A_217] : memref<80000x128xf32, #tpu.memory_space<hbm>> -> memref<128x128xf32, #tpu.memory_space<hbm>>
      %dma_start3A_219 = arith.constant 0 : i32
      %dma_start3A_220 = tpu.memref_slice %arg13[%mul3A_214, %dma_start3A_219] : memref<4096x128xf32, #tpu.memory_space<vmem_shared>> -> memref<128x128xf32, #tpu.memory_space<vmem_shared>>
      tpu.enqueue_dma source(%dma_start3A_220 : memref<128x128xf32, #tpu.memory_space<vmem_shared>>) target(%dma_start3A_218 : memref<128x128xf32, #tpu.memory_space<hbm>>) target_semaphore(%dma_start3A_216 : memref<!tpu.dma_semaphore, #tpu.memory_space<semaphore_mem>>)
      %add3A_221 = arith.constant 2 : i32
      %add3A_222 = arith.addi %while3A_158, %add3A_221 : i32
      %lt3A_223 = arith.cmpi slt, %add3A_222, %select_n3A : i32
      %convert_element_type3A_224 = arith.extui %lt3A_223 : i1 to i32
      %cond3A_225 = arith.constant 0 : i32
      %cond3A_226 = arith.cmpi ne, %convert_element_type3A_224, %cond3A_225 : i32
      scf.if %cond3A_226 {
        %add3A_228 = arith.constant 2 : i32
        %add3A_229 = arith.addi %while3A_158, %add3A_228 : i32
        %mul3A_230 = arith.constant 32 : i32
        %mul3A_231 = arith.muli %add3A_229, %mul3A_230 : i32
        %add3A_232 = arith.addi %add3A, %mul3A_231 : i32
        %mul3A_233 = arith.constant 128 : i32
        %mul3A_234 = arith.muli %add3A_232, %mul3A_233 : i32
        %dma_start3A_235 = arith.constant 0 : i32
        %dma_start3A_236 = tpu.memref_slice %arg8[%rem3A_161, %dma_start3A_235] : memref<2x128xi32, #tpu.memory_space<vmem>> -> memref<1x128xi32, #tpu.memory_space<vmem>>
        %dma_start3A_237 = tpu.memref_squeeze %dma_start3A_236 : memref<1x128xi32, #tpu.memory_space<vmem>> -> memref<128xi32, #tpu.memory_space<vmem>>
        %dma_start3A_238 = tpu.memref_slice %arg2[%mul3A_234] : memref<80000xi32, #tpu.memory_space<hbm>> -> memref<128xi32, #tpu.memory_space<hbm>>
        %dma_start3A_239 = tpu.memref_slice %arg14[%rem3A_161] : memref<2x!tpu.dma_semaphore, #tpu.memory_space<semaphore_mem>> -> memref<1x!tpu.dma_semaphore, #tpu.memory_space<semaphore_mem>>
        %dma_start3A_240 = tpu.memref_squeeze %dma_start3A_239 : memref<1x!tpu.dma_semaphore, #tpu.memory_space<semaphore_mem>> -> memref<!tpu.dma_semaphore, #tpu.memory_space<semaphore_mem>>
        %dma_start3A_241 = arith.constant 0 : i32
        %dma_start3A_242 = tpu.memref_slice %arg8[%rem3A_161, %dma_start3A_241] : memref<2x128xi32, #tpu.memory_space<vmem>> -> memref<1x128xi32, #tpu.memory_space<vmem>>
        %dma_start3A_243 = tpu.memref_squeeze %dma_start3A_242 : memref<1x128xi32, #tpu.memory_space<vmem>> -> memref<128xi32, #tpu.memory_space<vmem>>
        %dma_start3A_244 = tpu.memref_slice %arg2[%mul3A_234] : memref<80000xi32, #tpu.memory_space<hbm>> -> memref<128xi32, #tpu.memory_space<hbm>>
        tpu.enqueue_dma source(%dma_start3A_244 : memref<128xi32, #tpu.memory_space<hbm>>) target(%dma_start3A_243 : memref<128xi32, #tpu.memory_space<vmem>>) target_semaphore(%dma_start3A_240 : memref<!tpu.dma_semaphore, #tpu.memory_space<semaphore_mem>>)
        %dma_start3A_245 = arith.constant 0 : i32
        %dma_start3A_246 = tpu.memref_slice %arg9[%rem3A_161, %dma_start3A_245] : memref<2x128xi32, #tpu.memory_space<vmem>> -> memref<1x128xi32, #tpu.memory_space<vmem>>
        %dma_start3A_247 = tpu.memref_squeeze %dma_start3A_246 : memref<1x128xi32, #tpu.memory_space<vmem>> -> memref<128xi32, #tpu.memory_space<vmem>>
        %dma_start3A_248 = tpu.memref_slice %arg3[%mul3A_234] : memref<80000xi32, #tpu.memory_space<hbm>> -> memref<128xi32, #tpu.memory_space<hbm>>
        %dma_start3A_249 = tpu.memref_slice %arg14[%rem3A_161] : memref<2x!tpu.dma_semaphore, #tpu.memory_space<semaphore_mem>> -> memref<1x!tpu.dma_semaphore, #tpu.memory_space<semaphore_mem>>
        %dma_start3A_250 = tpu.memref_squeeze %dma_start3A_249 : memref<1x!tpu.dma_semaphore, #tpu.memory_space<semaphore_mem>> -> memref<!tpu.dma_semaphore, #tpu.memory_space<semaphore_mem>>
        %dma_start3A_251 = arith.constant 0 : i32
        %dma_start3A_252 = tpu.memref_slice %arg9[%rem3A_161, %dma_start3A_251] : memref<2x128xi32, #tpu.memory_space<vmem>> -> memref<1x128xi32, #tpu.memory_space<vmem>>
        %dma_start3A_253 = tpu.memref_squeeze %dma_start3A_252 : memref<1x128xi32, #tpu.memory_space<vmem>> -> memref<128xi32, #tpu.memory_space<vmem>>
        %dma_start3A_254 = tpu.memref_slice %arg3[%mul3A_234] : memref<80000xi32, #tpu.memory_space<hbm>> -> memref<128xi32, #tpu.memory_space<hbm>>
        tpu.enqueue_dma source(%dma_start3A_254 : memref<128xi32, #tpu.memory_space<hbm>>) target(%dma_start3A_253 : memref<128xi32, #tpu.memory_space<vmem>>) target_semaphore(%dma_start3A_250 : memref<!tpu.dma_semaphore, #tpu.memory_space<semaphore_mem>>)
      } else {
      }
      %while3A_227 = arith.constant 0 : i32
      scf.yield %while3A_227 : i32
    }
    %while3A_126 = arith.constant 1 : i32
    %while3A_127 = scf.for %while3A_158 = %while3A_123 to %while3A_119 step %while3A_126 iter_args(%while3A_159 = %while3A_125) -> (i32)  : i32 {
      %rem3A_160 = arith.constant 2 : i32
      %rem3A_161 = arith.remsi %while3A_158, %rem3A_160 : i32
      %sub3A_162 = arith.constant 1 : i32
      %sub3A_163 = arith.subi %sub3A_162, %rem3A_161 : i32
      %mul3A_164 = arith.constant 32 : i32
      %mul3A_165 = arith.muli %while3A_158, %mul3A_164 : i32
      %add3A_166 = arith.addi %add3A, %mul3A_165 : i32
      %mul3A_167 = arith.constant 128 : i32
      %mul3A_168 = arith.muli %add3A_166, %mul3A_167 : i32
      %dma_wait3A_169 = arith.constant 0 : i32
      %dma_wait3A_170 = arith.constant 0 : i32
      %dma_wait3A_171 = tpu.memref_slice %arg11[%rem3A_161, %dma_wait3A_169, %dma_wait3A_170] : memref<2x128x128xf32, #tpu.memory_space<vmem>> -> memref<1x128x128xf32, #tpu.memory_space<vmem>>
      %dma_wait3A_172 = tpu.memref_squeeze %dma_wait3A_171 : memref<1x128x128xf32, #tpu.memory_space<vmem>> -> memref<128x128xf32, #tpu.memory_space<vmem>>
      %dma_wait3A_173 = arith.constant 0 : i32
      %dma_wait3A_174 = arith.constant 0 : i32
      %dma_wait3A_175 = tpu.memref_slice %arg5[%dma_wait3A_173, %dma_wait3A_174] : memref<10000x128xf32, #tpu.memory_space<hbm>> -> memref<128x128xf32, #tpu.memory_space<hbm>>
      %dma_wait3A_176 = tpu.memref_slice %arg15[%rem3A_161] : memref<2x!tpu.dma_semaphore, #tpu.memory_space<semaphore_mem>> -> memref<1x!tpu.dma_semaphore, #tpu.memory_space<semaphore_mem>>
      %dma_wait3A_177 = tpu.memref_squeeze %dma_wait3A_176 : memref<1x!tpu.dma_semaphore, #tpu.memory_space<semaphore_mem>> -> memref<!tpu.dma_semaphore, #tpu.memory_space<semaphore_mem>>
      %dma_wait3A_178 = arith.constant 0 : i32
      %dma_wait3A_179 = arith.constant 0 : i32
      %dma_wait3A_180 = tpu.memref_slice %arg11[%rem3A_161, %dma_wait3A_178, %dma_wait3A_179] : memref<2x128x128xf32, #tpu.memory_space<vmem>> -> memref<1x128x128xf32, #tpu.memory_space<vmem>>
      %dma_wait3A_181 = tpu.memref_squeeze %dma_wait3A_180 : memref<1x128x128xf32, #tpu.memory_space<vmem>> -> memref<128x128xf32, #tpu.memory_space<vmem>>
      %dma_wait3A_182 = arith.constant 0 : i32
      %dma_wait3A_183 = arith.constant 0 : i32
      %dma_wait3A_184 = tpu.memref_slice %arg5[%dma_wait3A_182, %dma_wait3A_183] : memref<10000x128xf32, #tpu.memory_space<hbm>> -> memref<128x128xf32, #tpu.memory_space<hbm>>
      tpu.wait_dma2 semaphore(%dma_wait3A_177 : memref<!tpu.dma_semaphore, #tpu.memory_space<semaphore_mem>>) src(%dma_wait3A_184 : memref<128x128xf32, #tpu.memory_space<hbm>>) dst(%dma_wait3A_181 : memref<128x128xf32, #tpu.memory_space<vmem>>)
      %dma_wait3A_185 = arith.constant 0 : i32
      %dma_wait3A_186 = arith.constant 0 : i32
      %dma_wait3A_187 = tpu.memref_slice %arg12[%rem3A_161, %dma_wait3A_185, %dma_wait3A_186] : memref<2x128x128xf32, #tpu.memory_space<vmem>> -> memref<1x128x128xf32, #tpu.memory_space<vmem>>
      %dma_wait3A_188 = tpu.memref_squeeze %dma_wait3A_187 : memref<1x128x128xf32, #tpu.memory_space<vmem>> -> memref<128x128xf32, #tpu.memory_space<vmem>>
      %dma_wait3A_189 = arith.constant 0 : i32
      %dma_wait3A_190 = arith.constant 0 : i32
      %dma_wait3A_191 = tpu.memref_slice %arg6[%dma_wait3A_189, %dma_wait3A_190] : memref<10000x128xf32, #tpu.memory_space<hbm>> -> memref<128x128xf32, #tpu.memory_space<hbm>>
      %dma_wait3A_192 = tpu.memref_slice %arg16[%rem3A_161] : memref<2x!tpu.dma_semaphore, #tpu.memory_space<semaphore_mem>> -> memref<1x!tpu.dma_semaphore, #tpu.memory_space<semaphore_mem>>
      %dma_wait3A_193 = tpu.memref_squeeze %dma_wait3A_192 : memref<1x!tpu.dma_semaphore, #tpu.memory_space<semaphore_mem>> -> memref<!tpu.dma_semaphore, #tpu.memory_space<semaphore_mem>>
      %dma_wait3A_194 = arith.constant 0 : i32
      %dma_wait3A_195 = arith.constant 0 : i32
      %dma_wait3A_196 = tpu.memref_slice %arg12[%rem3A_161, %dma_wait3A_194, %dma_wait3A_195] : memref<2x128x128xf32, #tpu.memory_space<vmem>> -> memref<1x128x128xf32, #tpu.memory_space<vmem>>
      %dma_wait3A_197 = tpu.memref_squeeze %dma_wait3A_196 : memref<1x128x128xf32, #tpu.memory_space<vmem>> -> memref<128x128xf32, #tpu.memory_space<vmem>>
      %dma_wait3A_198 = arith.constant 0 : i32
      %dma_wait3A_199 = arith.constant 0 : i32
      %dma_wait3A_200 = tpu.memref_slice %arg6[%dma_wait3A_198, %dma_wait3A_199] : memref<10000x128xf32, #tpu.memory_space<hbm>> -> memref<128x128xf32, #tpu.memory_space<hbm>>
      tpu.wait_dma2 semaphore(%dma_wait3A_193 : memref<!tpu.dma_semaphore, #tpu.memory_space<semaphore_mem>>) src(%dma_wait3A_200 : memref<128x128xf32, #tpu.memory_space<hbm>>) dst(%dma_wait3A_197 : memref<128x128xf32, #tpu.memory_space<vmem>>)
      %add3A_201 = arith.constant 1 : i32
      %add3A_202 = arith.addi %while3A_158, %add3A_201 : i32
      %lt3A_203 = arith.cmpi slt, %add3A_202, %select_n3A : i32
      %convert_element_type3A = arith.extui %lt3A_203 : i1 to i32
      %cond3A = arith.constant 0 : i32
      %cond3A_204 = arith.cmpi ne, %convert_element_type3A, %cond3A : i32
      scf.if %cond3A_204 {
        %dma_wait3A_228 = arith.constant 0 : i32
        %dma_wait3A_229 = tpu.memref_slice %arg8[%sub3A_163, %dma_wait3A_228] : memref<2x128xi32, #tpu.memory_space<vmem>> -> memref<1x128xi32, #tpu.memory_space<vmem>>
        %dma_wait3A_230 = tpu.memref_squeeze %dma_wait3A_229 : memref<1x128xi32, #tpu.memory_space<vmem>> -> memref<128xi32, #tpu.memory_space<vmem>>
        %dma_wait3A_231 = arith.constant 0 : i32
        %dma_wait3A_232 = tpu.memref_slice %arg2[%dma_wait3A_231] : memref<80000xi32, #tpu.memory_space<hbm>> -> memref<128xi32, #tpu.memory_space<hbm>>
        %dma_wait3A_233 = tpu.memref_slice %arg14[%sub3A_163] : memref<2x!tpu.dma_semaphore, #tpu.memory_space<semaphore_mem>> -> memref<1x!tpu.dma_semaphore, #tpu.memory_space<semaphore_mem>>
        %dma_wait3A_234 = tpu.memref_squeeze %dma_wait3A_233 : memref<1x!tpu.dma_semaphore, #tpu.memory_space<semaphore_mem>> -> memref<!tpu.dma_semaphore, #tpu.memory_space<semaphore_mem>>
        %dma_wait3A_235 = arith.constant 0 : i32
        %dma_wait3A_236 = tpu.memref_slice %arg8[%sub3A_163, %dma_wait3A_235] : memref<2x128xi32, #tpu.memory_space<vmem>> -> memref<1x128xi32, #tpu.memory_space<vmem>>
        %dma_wait3A_237 = tpu.memref_squeeze %dma_wait3A_236 : memref<1x128xi32, #tpu.memory_space<vmem>> -> memref<128xi32, #tpu.memory_space<vmem>>
        %dma_wait3A_238 = arith.constant 0 : i32
        %dma_wait3A_239 = tpu.memref_slice %arg2[%dma_wait3A_238] : memref<80000xi32, #tpu.memory_space<hbm>> -> memref<128xi32, #tpu.memory_space<hbm>>
        tpu.wait_dma2 semaphore(%dma_wait3A_234 : memref<!tpu.dma_semaphore, #tpu.memory_space<semaphore_mem>>) src(%dma_wait3A_239 : memref<128xi32, #tpu.memory_space<hbm>>) dst(%dma_wait3A_237 : memref<128xi32, #tpu.memory_space<vmem>>)
        %dma_wait3A_240 = arith.constant 0 : i32
        %dma_wait3A_241 = tpu.memref_slice %arg9[%sub3A_163, %dma_wait3A_240] : memref<2x128xi32, #tpu.memory_space<vmem>> -> memref<1x128xi32, #tpu.memory_space<vmem>>
        %dma_wait3A_242 = tpu.memref_squeeze %dma_wait3A_241 : memref<1x128xi32, #tpu.memory_space<vmem>> -> memref<128xi32, #tpu.memory_space<vmem>>
        %dma_wait3A_243 = arith.constant 0 : i32
        %dma_wait3A_244 = tpu.memref_slice %arg3[%dma_wait3A_243] : memref<80000xi32, #tpu.memory_space<hbm>> -> memref<128xi32, #tpu.memory_space<hbm>>
        %dma_wait3A_245 = tpu.memref_slice %arg14[%sub3A_163] : memref<2x!tpu.dma_semaphore, #tpu.memory_space<semaphore_mem>> -> memref<1x!tpu.dma_semaphore, #tpu.memory_space<semaphore_mem>>
        %dma_wait3A_246 = tpu.memref_squeeze %dma_wait3A_245 : memref<1x!tpu.dma_semaphore, #tpu.memory_space<semaphore_mem>> -> memref<!tpu.dma_semaphore, #tpu.memory_space<semaphore_mem>>
        %dma_wait3A_247 = arith.constant 0 : i32
        %dma_wait3A_248 = tpu.memref_slice %arg9[%sub3A_163, %dma_wait3A_247] : memref<2x128xi32, #tpu.memory_space<vmem>> -> memref<1x128xi32, #tpu.memory_space<vmem>>
        %dma_wait3A_249 = tpu.memref_squeeze %dma_wait3A_248 : memref<1x128xi32, #tpu.memory_space<vmem>> -> memref<128xi32, #tpu.memory_space<vmem>>
        %dma_wait3A_250 = arith.constant 0 : i32
        %dma_wait3A_251 = tpu.memref_slice %arg3[%dma_wait3A_250] : memref<80000xi32, #tpu.memory_space<hbm>> -> memref<128xi32, #tpu.memory_space<hbm>>
        tpu.wait_dma2 semaphore(%dma_wait3A_246 : memref<!tpu.dma_semaphore, #tpu.memory_space<semaphore_mem>>) src(%dma_wait3A_251 : memref<128xi32, #tpu.memory_space<hbm>>) dst(%dma_wait3A_249 : memref<128xi32, #tpu.memory_space<vmem>>)
        %ge3A = arith.constant 1 : i32
        %ge3A_252 = arith.cmpi sge, %while3A_158, %ge3A : i32
        %convert_element_type3A_253 = arith.extui %ge3A_252 : i1 to i32
        %cond3A_254 = arith.constant 0 : i32
        %cond3A_255 = arith.cmpi ne, %convert_element_type3A_253, %cond3A_254 : i32
        scf.if %cond3A_255 {
          %mul3A_280 = arith.constant 2 : i32
          %mul3A_281 = arith.muli %arg1, %mul3A_280 : i32
          %add3A_282 = arith.constant 0 : i32
          %add3A_283 = arith.addi %mul3A_281, %add3A_282 : i32
          %mul3A_284 = arith.constant 128 : i32
          %mul3A_285 = arith.muli %add3A_283, %mul3A_284 : i32
          %dma_wait3A_286 = tpu.memref_slice %arg17[%sub3A_163] : memref<2x!tpu.dma_semaphore, #tpu.memory_space<semaphore_mem>> -> memref<1x!tpu.dma_semaphore, #tpu.memory_space<semaphore_mem>>
          %dma_wait3A_287 = tpu.memref_squeeze %dma_wait3A_286 : memref<1x!tpu.dma_semaphore, #tpu.memory_space<semaphore_mem>> -> memref<!tpu.dma_semaphore, #tpu.memory_space<semaphore_mem>>
          %dma_wait3A_288 = arith.constant 0 : i32
          %dma_wait3A_289 = arith.constant 0 : i32
          %dma_wait3A_290 = tpu.memref_slice %arg7[%dma_wait3A_288, %dma_wait3A_289] : memref<80000x128xf32, #tpu.memory_space<hbm>> -> memref<128x128xf32, #tpu.memory_space<hbm>>
          %dma_wait3A_291 = arith.constant 0 : i32
          %dma_wait3A_292 = tpu.memref_slice %arg13[%mul3A_285, %dma_wait3A_291] : memref<4096x128xf32, #tpu.memory_space<vmem_shared>> -> memref<128x128xf32, #tpu.memory_space<vmem_shared>>
          tpu.wait_dma2 semaphore(%dma_wait3A_287 : memref<!tpu.dma_semaphore, #tpu.memory_space<semaphore_mem>>) src(%dma_wait3A_292 : memref<128x128xf32, #tpu.memory_space<vmem_shared>>) dst(%dma_wait3A_290 : memref<128x128xf32, #tpu.memory_space<hbm>>)
        } else {
        }
        %dma_start3A_256 = arith.constant 0 : i32
        %dma_start3A_257 = arith.constant 0 : i32
        %dma_start3A_258 = tpu.memref_slice %arg11[%sub3A_163, %dma_start3A_256, %dma_start3A_257] : memref<2x128x128xf32, #tpu.memory_space<vmem>> -> memref<1x128x128xf32, #tpu.memory_space<vmem>>
        %dma_start3A_259 = tpu.memref_squeeze %dma_start3A_258 : memref<1x128x128xf32, #tpu.memory_space<vmem>> -> memref<128x128xf32, #tpu.memory_space<vmem>>
        %dma_start3A_260 = arith.constant 0 : i32
        %dma_start3A_261 = tpu.memref_slice %arg8[%sub3A_163, %dma_start3A_260] : memref<2x128xi32, #tpu.memory_space<vmem>> -> memref<1x128xi32, #tpu.memory_space<vmem>>
        %dma_start3A_262 = tpu.memref_squeeze %dma_start3A_261 : memref<1x128xi32, #tpu.memory_space<vmem>> -> memref<128xi32, #tpu.memory_space<vmem>>
        %dma_start3A_263 = arith.constant 0 : i32
        %dma_start3A_264 = arith.constant 0 : i32
        %dma_start3A_265 = tpu.memref_slice %arg5[%dma_start3A_263, %dma_start3A_264] : memref<10000x128xf32, #tpu.memory_space<hbm>> -> memref<10000x128xf32, #tpu.memory_space<hbm>>
        %dma_start3A_266 = tpu.memref_slice %arg15[%sub3A_163] : memref<2x!tpu.dma_semaphore, #tpu.memory_space<semaphore_mem>> -> memref<1x!tpu.dma_semaphore, #tpu.memory_space<semaphore_mem>>
        %dma_start3A_267 = tpu.memref_squeeze %dma_start3A_266 : memref<1x!tpu.dma_semaphore, #tpu.memory_space<semaphore_mem>> -> memref<!tpu.dma_semaphore, #tpu.memory_space<semaphore_mem>>
        tpu.enqueue_indirect_dma source(%dma_start3A_265 : memref<10000x128xf32, #tpu.memory_space<hbm>>) target(%dma_start3A_259 : memref<128x128xf32, #tpu.memory_space<vmem>>) offsets(%dma_start3A_262 : memref<128xi32, #tpu.memory_space<vmem>>) semaphore(%dma_start3A_267 : memref<!tpu.dma_semaphore, #tpu.memory_space<semaphore_mem>>)
        %dma_start3A_268 = arith.constant 0 : i32
        %dma_start3A_269 = arith.constant 0 : i32
        %dma_start3A_270 = tpu.memref_slice %arg12[%sub3A_163, %dma_start3A_268, %dma_start3A_269] : memref<2x128x128xf32, #tpu.memory_space<vmem>> -> memref<1x128x128xf32, #tpu.memory_space<vmem>>
        %dma_start3A_271 = tpu.memref_squeeze %dma_start3A_270 : memref<1x128x128xf32, #tpu.memory_space<vmem>> -> memref<128x128xf32, #tpu.memory_space<vmem>>
        %dma_start3A_272 = arith.constant 0 : i32
        %dma_start3A_273 = tpu.memref_slice %arg9[%sub3A_163, %dma_start3A_272] : memref<2x128xi32, #tpu.memory_space<vmem>> -> memref<1x128xi32, #tpu.memory_space<vmem>>
        %dma_start3A_274 = tpu.memref_squeeze %dma_start3A_273 : memref<1x128xi32, #tpu.memory_space<vmem>> -> memref<128xi32, #tpu.memory_space<vmem>>
        %dma_start3A_275 = arith.constant 0 : i32
        %dma_start3A_276 = arith.constant 0 : i32
        %dma_start3A_277 = tpu.memref_slice %arg6[%dma_start3A_275, %dma_start3A_276] : memref<10000x128xf32, #tpu.memory_space<hbm>> -> memref<10000x128xf32, #tpu.memory_space<hbm>>
        %dma_start3A_278 = tpu.memref_slice %arg16[%sub3A_163] : memref<2x!tpu.dma_semaphore, #tpu.memory_space<semaphore_mem>> -> memref<1x!tpu.dma_semaphore, #tpu.memory_space<semaphore_mem>>
        %dma_start3A_279 = tpu.memref_squeeze %dma_start3A_278 : memref<1x!tpu.dma_semaphore, #tpu.memory_space<semaphore_mem>> -> memref<!tpu.dma_semaphore, #tpu.memory_space<semaphore_mem>>
        tpu.enqueue_indirect_dma source(%dma_start3A_277 : memref<10000x128xf32, #tpu.memory_space<hbm>>) target(%dma_start3A_271 : memref<128x128xf32, #tpu.memory_space<vmem>>) offsets(%dma_start3A_274 : memref<128xi32, #tpu.memory_space<vmem>>) semaphore(%dma_start3A_279 : memref<!tpu.dma_semaphore, #tpu.memory_space<semaphore_mem>>)
      } else {
      }
      %mul3A_205 = arith.constant 2 : i32
      %mul3A_206 = arith.muli %arg1, %mul3A_205 : i32
      %add3A_207 = arith.addi %mul3A_206, %rem3A_161 : i32
      %mul3A_208 = arith.constant 128 : i32
      %mul3A_209 = arith.muli %add3A_207, %mul3A_208 : i32
      "tpu.region"() ({
        %run_scoped3A = tpu.sem_alloc : memref<!tpu.dma_semaphore, #tpu.memory_space<semaphore_mem>>
        %dma_start3A_228 = arith.constant 0 : i32
        %dma_start3A_229 = arith.constant 0 : i32
        %dma_start3A_230 = tpu.memref_slice %arg11[%rem3A_161, %dma_start3A_228, %dma_start3A_229] : memref<2x128x128xf32, #tpu.memory_space<vmem>> -> memref<1x128x128xf32, #tpu.memory_space<vmem>>
        %dma_start3A_231 = tpu.memref_squeeze %dma_start3A_230 : memref<1x128x128xf32, #tpu.memory_space<vmem>> -> memref<128x128xf32, #tpu.memory_space<vmem>>
        %dma_start3A_232 = arith.constant 0 : i32
        %dma_start3A_233 = tpu.memref_slice %arg13[%mul3A_209, %dma_start3A_232] : memref<4096x128xf32, #tpu.memory_space<vmem_shared>> -> memref<128x128xf32, #tpu.memory_space<vmem_shared>>
        %dma_start3A_234 = arith.constant 0 : i32
        %dma_start3A_235 = tpu.memref_slice %arg13[%mul3A_209, %dma_start3A_234] : memref<4096x128xf32, #tpu.memory_space<vmem_shared>> -> memref<128x128xf32, #tpu.memory_space<vmem_shared>>
        %dma_start3A_236 = arith.constant 0 : i32
        %dma_start3A_237 = arith.constant 0 : i32
        %dma_start3A_238 = tpu.memref_slice %arg11[%rem3A_161, %dma_start3A_236, %dma_start3A_237] : memref<2x128x128xf32, #tpu.memory_space<vmem>> -> memref<1x128x128xf32, #tpu.memory_space<vmem>>
        %dma_start3A_239 = tpu.memref_squeeze %dma_start3A_238 : memref<1x128x128xf32, #tpu.memory_space<vmem>> -> memref<128x128xf32, #tpu.memory_space<vmem>>
        tpu.enqueue_dma source(%dma_start3A_239 : memref<128x128xf32, #tpu.memory_space<vmem>>) target(%dma_start3A_235 : memref<128x128xf32, #tpu.memory_space<vmem_shared>>) target_semaphore(%run_scoped3A : memref<!tpu.dma_semaphore, #tpu.memory_space<semaphore_mem>>)
        %dma_wait3A_240 = arith.constant 0 : i32
        %dma_wait3A_241 = arith.constant 0 : i32
        %dma_wait3A_242 = tpu.memref_slice %arg11[%rem3A_161, %dma_wait3A_240, %dma_wait3A_241] : memref<2x128x128xf32, #tpu.memory_space<vmem>> -> memref<1x128x128xf32, #tpu.memory_space<vmem>>
        %dma_wait3A_243 = tpu.memref_squeeze %dma_wait3A_242 : memref<1x128x128xf32, #tpu.memory_space<vmem>> -> memref<128x128xf32, #tpu.memory_space<vmem>>
        %dma_wait3A_244 = arith.constant 0 : i32
        %dma_wait3A_245 = tpu.memref_slice %arg13[%mul3A_209, %dma_wait3A_244] : memref<4096x128xf32, #tpu.memory_space<vmem_shared>> -> memref<128x128xf32, #tpu.memory_space<vmem_shared>>
        %dma_wait3A_246 = arith.constant 0 : i32
        %dma_wait3A_247 = tpu.memref_slice %arg13[%mul3A_209, %dma_wait3A_246] : memref<4096x128xf32, #tpu.memory_space<vmem_shared>> -> memref<128x128xf32, #tpu.memory_space<vmem_shared>>
        %dma_wait3A_248 = arith.constant 0 : i32
        %dma_wait3A_249 = arith.constant 0 : i32
        %dma_wait3A_250 = tpu.memref_slice %arg11[%rem3A_161, %dma_wait3A_248, %dma_wait3A_249] : memref<2x128x128xf32, #tpu.memory_space<vmem>> -> memref<1x128x128xf32, #tpu.memory_space<vmem>>
        %dma_wait3A_251 = tpu.memref_squeeze %dma_wait3A_250 : memref<1x128x128xf32, #tpu.memory_space<vmem>> -> memref<128x128xf32, #tpu.memory_space<vmem>>
        tpu.wait_dma2 semaphore(%run_scoped3A : memref<!tpu.dma_semaphore, #tpu.memory_space<semaphore_mem>>) src(%dma_wait3A_251 : memref<128x128xf32, #tpu.memory_space<vmem>>) dst(%dma_wait3A_247 : memref<128x128xf32, #tpu.memory_space<vmem_shared>>)
        tpu.yield
      }) : () -> ()
      "tpu.region"() ({
        %run_scoped3A = tpu.sem_alloc : memref<!tpu.dma_semaphore, #tpu.memory_space<semaphore_mem>>
        %dma_start3A_228 = arith.constant 0 : i32
        %dma_start3A_229 = arith.constant 0 : i32
        %dma_start3A_230 = tpu.memref_slice %arg12[%rem3A_161, %dma_start3A_228, %dma_start3A_229] : memref<2x128x128xf32, #tpu.memory_space<vmem>> -> memref<1x128x128xf32, #tpu.memory_space<vmem>>
        %dma_start3A_231 = tpu.memref_squeeze %dma_start3A_230 : memref<1x128x128xf32, #tpu.memory_space<vmem>> -> memref<128x128xf32, #tpu.memory_space<vmem>>
        %dma_start3A_232 = arith.constant 0 : i32
        %dma_start3A_233 = tpu.memref_slice %arg10[%rem3A_161, %dma_start3A_232] : memref<2x128xi32, #tpu.memory_space<vmem>> -> memref<1x128xi32, #tpu.memory_space<vmem>>
        %dma_start3A_234 = tpu.memref_squeeze %dma_start3A_233 : memref<1x128xi32, #tpu.memory_space<vmem>> -> memref<128xi32, #tpu.memory_space<vmem>>
        %dma_start3A_235 = arith.constant 0 : i32
        %dma_start3A_236 = arith.constant 0 : i32
        %dma_start3A_237 = tpu.memref_slice %arg13[%dma_start3A_235, %dma_start3A_236] : memref<4096x128xf32, #tpu.memory_space<vmem_shared>> -> memref<4096x128xf32, #tpu.memory_space<vmem_shared>>
        tpu.enqueue_indirect_dma source(%dma_start3A_231 : memref<128x128xf32, #tpu.memory_space<vmem>>) target(%dma_start3A_237 : memref<4096x128xf32, #tpu.memory_space<vmem_shared>>) offsets(%dma_start3A_234 : memref<128xi32, #tpu.memory_space<vmem>>) semaphore(%run_scoped3A : memref<!tpu.dma_semaphore, #tpu.memory_space<semaphore_mem>>) {add = true}
        %dma_wait3A_238 = arith.constant 0 : i32
        %dma_wait3A_239 = arith.constant 0 : i32
        %dma_wait3A_240 = tpu.memref_slice %arg12[%rem3A_161, %dma_wait3A_238, %dma_wait3A_239] : memref<2x128x128xf32, #tpu.memory_space<vmem>> -> memref<1x128x128xf32, #tpu.memory_space<vmem>>
        %dma_wait3A_241 = tpu.memref_squeeze %dma_wait3A_240 : memref<1x128x128xf32, #tpu.memory_space<vmem>> -> memref<128x128xf32, #tpu.memory_space<vmem>>
        %dma_wait3A_242 = arith.constant 0 : i32
        %dma_wait3A_243 = tpu.memref_slice %arg10[%rem3A_161, %dma_wait3A_242] : memref<2x128xi32, #tpu.memory_space<vmem>> -> memref<1x128xi32, #tpu.memory_space<vmem>>
        %dma_wait3A_244 = tpu.memref_squeeze %dma_wait3A_243 : memref<1x128xi32, #tpu.memory_space<vmem>> -> memref<128xi32, #tpu.memory_space<vmem>>
        %dma_wait3A_245 = arith.constant 0 : i32
        %dma_wait3A_246 = arith.constant 0 : i32
        %dma_wait3A_247 = tpu.memref_slice %arg13[%dma_wait3A_245, %dma_wait3A_246] : memref<4096x128xf32, #tpu.memory_space<vmem_shared>> -> memref<4096x128xf32, #tpu.memory_space<vmem_shared>>
        tpu.wait_indirect_dma semaphore(%run_scoped3A : memref<!tpu.dma_semaphore, #tpu.memory_space<semaphore_mem>>) src(%dma_wait3A_241 : memref<128x128xf32, #tpu.memory_space<vmem>>) dst(%dma_wait3A_247 : memref<4096x128xf32, #tpu.memory_space<vmem_shared>>)
        tpu.yield
      }) : () -> ()
      %mul3A_210 = arith.constant 2 : i32
      %mul3A_211 = arith.muli %arg1, %mul3A_210 : i32
      %add3A_212 = arith.addi %mul3A_211, %rem3A_161 : i32
      %mul3A_213 = arith.constant 128 : i32
      %mul3A_214 = arith.muli %add3A_212, %mul3A_213 : i32
      %dma_start3A_215 = tpu.memref_slice %arg17[%rem3A_161] : memref<2x!tpu.dma_semaphore, #tpu.memory_space<semaphore_mem>> -> memref<1x!tpu.dma_semaphore, #tpu.memory_space<semaphore_mem>>
      %dma_start3A_216 = tpu.memref_squeeze %dma_start3A_215 : memref<1x!tpu.dma_semaphore, #tpu.memory_space<semaphore_mem>> -> memref<!tpu.dma_semaphore, #tpu.memory_space<semaphore_mem>>
      %dma_start3A_217 = arith.constant 0 : i32
      %dma_start3A_218 = tpu.memref_slice %arg7[%mul3A_168, %dma_start3A_217] : memref<80000x128xf32, #tpu.memory_space<hbm>> -> memref<128x128xf32, #tpu.memory_space<hbm>>
      %dma_start3A_219 = arith.constant 0 : i32
      %dma_start3A_220 = tpu.memref_slice %arg13[%mul3A_214, %dma_start3A_219] : memref<4096x128xf32, #tpu.memory_space<vmem_shared>> -> memref<128x128xf32, #tpu.memory_space<vmem_shared>>
      tpu.enqueue_dma source(%dma_start3A_220 : memref<128x128xf32, #tpu.memory_space<vmem_shared>>) target(%dma_start3A_218 : memref<128x128xf32, #tpu.memory_space<hbm>>) target_semaphore(%dma_start3A_216 : memref<!tpu.dma_semaphore, #tpu.memory_space<semaphore_mem>>)
      %add3A_221 = arith.constant 2 : i32
      %add3A_222 = arith.addi %while3A_158, %add3A_221 : i32
      %lt3A_223 = arith.cmpi slt, %add3A_222, %select_n3A : i32
      %convert_element_type3A_224 = arith.extui %lt3A_223 : i1 to i32
      %cond3A_225 = arith.constant 0 : i32
      %cond3A_226 = arith.cmpi ne, %convert_element_type3A_224, %cond3A_225 : i32
      scf.if %cond3A_226 {
        %add3A_228 = arith.constant 2 : i32
        %add3A_229 = arith.addi %while3A_158, %add3A_228 : i32
        %mul3A_230 = arith.constant 32 : i32
        %mul3A_231 = arith.muli %add3A_229, %mul3A_230 : i32
        %add3A_232 = arith.addi %add3A, %mul3A_231 : i32
        %mul3A_233 = arith.constant 128 : i32
        %mul3A_234 = arith.muli %add3A_232, %mul3A_233 : i32
        %dma_start3A_235 = arith.constant 0 : i32
        %dma_start3A_236 = tpu.memref_slice %arg8[%rem3A_161, %dma_start3A_235] : memref<2x128xi32, #tpu.memory_space<vmem>> -> memref<1x128xi32, #tpu.memory_space<vmem>>
        %dma_start3A_237 = tpu.memref_squeeze %dma_start3A_236 : memref<1x128xi32, #tpu.memory_space<vmem>> -> memref<128xi32, #tpu.memory_space<vmem>>
        %dma_start3A_238 = tpu.memref_slice %arg2[%mul3A_234] : memref<80000xi32, #tpu.memory_space<hbm>> -> memref<128xi32, #tpu.memory_space<hbm>>
        %dma_start3A_239 = tpu.memref_slice %arg14[%rem3A_161] : memref<2x!tpu.dma_semaphore, #tpu.memory_space<semaphore_mem>> -> memref<1x!tpu.dma_semaphore, #tpu.memory_space<semaphore_mem>>
        %dma_start3A_240 = tpu.memref_squeeze %dma_start3A_239 : memref<1x!tpu.dma_semaphore, #tpu.memory_space<semaphore_mem>> -> memref<!tpu.dma_semaphore, #tpu.memory_space<semaphore_mem>>
        %dma_start3A_241 = arith.constant 0 : i32
        %dma_start3A_242 = tpu.memref_slice %arg8[%rem3A_161, %dma_start3A_241] : memref<2x128xi32, #tpu.memory_space<vmem>> -> memref<1x128xi32, #tpu.memory_space<vmem>>
        %dma_start3A_243 = tpu.memref_squeeze %dma_start3A_242 : memref<1x128xi32, #tpu.memory_space<vmem>> -> memref<128xi32, #tpu.memory_space<vmem>>
        %dma_start3A_244 = tpu.memref_slice %arg2[%mul3A_234] : memref<80000xi32, #tpu.memory_space<hbm>> -> memref<128xi32, #tpu.memory_space<hbm>>
        tpu.enqueue_dma source(%dma_start3A_244 : memref<128xi32, #tpu.memory_space<hbm>>) target(%dma_start3A_243 : memref<128xi32, #tpu.memory_space<vmem>>) target_semaphore(%dma_start3A_240 : memref<!tpu.dma_semaphore, #tpu.memory_space<semaphore_mem>>)
        %dma_start3A_245 = arith.constant 0 : i32
        %dma_start3A_246 = tpu.memref_slice %arg9[%rem3A_161, %dma_start3A_245] : memref<2x128xi32, #tpu.memory_space<vmem>> -> memref<1x128xi32, #tpu.memory_space<vmem>>
        %dma_start3A_247 = tpu.memref_squeeze %dma_start3A_246 : memref<1x128xi32, #tpu.memory_space<vmem>> -> memref<128xi32, #tpu.memory_space<vmem>>
        %dma_start3A_248 = tpu.memref_slice %arg3[%mul3A_234] : memref<80000xi32, #tpu.memory_space<hbm>> -> memref<128xi32, #tpu.memory_space<hbm>>
        %dma_start3A_249 = tpu.memref_slice %arg14[%rem3A_161] : memref<2x!tpu.dma_semaphore, #tpu.memory_space<semaphore_mem>> -> memref<1x!tpu.dma_semaphore, #tpu.memory_space<semaphore_mem>>
        %dma_start3A_250 = tpu.memref_squeeze %dma_start3A_249 : memref<1x!tpu.dma_semaphore, #tpu.memory_space<semaphore_mem>> -> memref<!tpu.dma_semaphore, #tpu.memory_space<semaphore_mem>>
        %dma_start3A_251 = arith.constant 0 : i32
        %dma_start3A_252 = tpu.memref_slice %arg9[%rem3A_161, %dma_start3A_251] : memref<2x128xi32, #tpu.memory_space<vmem>> -> memref<1x128xi32, #tpu.memory_space<vmem>>
        %dma_start3A_253 = tpu.memref_squeeze %dma_start3A_252 : memref<1x128xi32, #tpu.memory_space<vmem>> -> memref<128xi32, #tpu.memory_space<vmem>>
        %dma_start3A_254 = tpu.memref_slice %arg3[%mul3A_234] : memref<80000xi32, #tpu.memory_space<hbm>> -> memref<128xi32, #tpu.memory_space<hbm>>
        tpu.enqueue_dma source(%dma_start3A_254 : memref<128xi32, #tpu.memory_space<hbm>>) target(%dma_start3A_253 : memref<128xi32, #tpu.memory_space<vmem>>) target_semaphore(%dma_start3A_250 : memref<!tpu.dma_semaphore, #tpu.memory_space<semaphore_mem>>)
      } else {
      }
      %while3A_227 = arith.constant 0 : i32
      scf.yield %while3A_227 : i32
    }
    %sub3A = arith.constant 1 : i32
    %sub3A_128 = arith.subi %select_n3A, %sub3A : i32
    %rem3A = arith.constant 2 : i32
    %rem3A_129 = arith.remsi %sub3A_128, %rem3A : i32
    %mul3A_130 = arith.constant 2 : i32
    %mul3A_131 = arith.muli %arg1, %mul3A_130 : i32
    %add3A_132 = arith.constant 0 : i32
    %add3A_133 = arith.addi %mul3A_131, %add3A_132 : i32
    %mul3A_134 = arith.constant 128 : i32
    %mul3A_135 = arith.muli %add3A_133, %mul3A_134 : i32
    %dma_wait3A_136 = tpu.memref_slice %arg17[%rem3A_129] : memref<2x!tpu.dma_semaphore, #tpu.memory_space<semaphore_mem>> -> memref<1x!tpu.dma_semaphore, #tpu.memory_space<semaphore_mem>>
    %dma_wait3A_137 = tpu.memref_squeeze %dma_wait3A_136 : memref<1x!tpu.dma_semaphore, #tpu.memory_space<semaphore_mem>> -> memref<!tpu.dma_semaphore, #tpu.memory_space<semaphore_mem>>
    %dma_wait3A_138 = arith.constant 0 : i32
    %dma_wait3A_139 = arith.constant 0 : i32
    %dma_wait3A_140 = tpu.memref_slice %arg7[%dma_wait3A_138, %dma_wait3A_139] : memref<80000x128xf32, #tpu.memory_space<hbm>> -> memref<128x128xf32, #tpu.memory_space<hbm>>
    %dma_wait3A_141 = arith.constant 0 : i32
    %dma_wait3A_142 = tpu.memref_slice %arg13[%mul3A_135, %dma_wait3A_141] : memref<4096x128xf32, #tpu.memory_space<vmem_shared>> -> memref<128x128xf32, #tpu.memory_space<vmem_shared>>
    tpu.wait_dma2 semaphore(%dma_wait3A_137 : memref<!tpu.dma_semaphore, #tpu.memory_space<semaphore_mem>>) src(%dma_wait3A_142 : memref<128x128xf32, #tpu.memory_space<vmem_shared>>) dst(%dma_wait3A_140 : memref<128x128xf32, #tpu.memory_space<hbm>>)
    %sub3A_143 = arith.constant 1 : i32
    %sub3A_144 = arith.subi %sub3A_143, %rem3A_129 : i32
    %mul3A_145 = arith.constant 2 : i32
    %mul3A_146 = arith.muli %arg1, %mul3A_145 : i32
    %add3A_147 = arith.constant 0 : i32
    %add3A_148 = arith.addi %mul3A_146, %add3A_147 : i32
    %mul3A_149 = arith.constant 128 : i32
    %mul3A_150 = arith.muli %add3A_148, %mul3A_149 : i32
    %dma_wait3A_151 = tpu.memref_slice %arg17[%sub3A_144] : memref<2x!tpu.dma_semaphore, #tpu.memory_space<semaphore_mem>> -> memref<1x!tpu.dma_semaphore, #tpu.memory_space<semaphore_mem>>
    %dma_wait3A_152 = tpu.memref_squeeze %dma_wait3A_151 : memref<1x!tpu.dma_semaphore, #tpu.memory_space<semaphore_mem>> -> memref<!tpu.dma_semaphore, #tpu.memory_space<semaphore_mem>>
    %dma_wait3A_153 = arith.constant 0 : i32
    %dma_wait3A_154 = arith.constant 0 : i32
    %dma_wait3A_155 = tpu.memref_slice %arg7[%dma_wait3A_153, %dma_wait3A_154] : memref<80000x128xf32, #tpu.memory_space<hbm>> -> memref<128x128xf32, #tpu.memory_space<hbm>>
    %dma_wait3A_156 = arith.constant 0 : i32
    %dma_wait3A_157 = tpu.memref_slice %arg13[%mul3A_150, %dma_wait3A_156] : memref<4096x128xf32, #tpu.memory_space<vmem_shared>> -> memref<128x128xf32, #tpu.memory_space<vmem_shared>>
    tpu.wait_dma2 semaphore(%dma_wait3A_152 : memref<!tpu.dma_semaphore, #tpu.memory_space<semaphore_mem>>) src(%dma_wait3A_157 : memref<128x128xf32, #tpu.memory_space<vmem_shared>>) dst(%dma_wait3A_155 : memref<128x128xf32, #tpu.memory_space<hbm>>)
    return
  }
}

module attributes {stable_mosaic.version = 14 : i64} {
  func.func @body(%arg0: i32, %arg1: memref<2x1000x128xf32, #tpu.memory_space<vmem>>, %arg2: memref<1000x256xf32, #tpu.memory_space<vmem>>, %arg3: memref<256x128xf32, #tpu.memory_space<vmem>>, %arg4: memref<1000x128xf32, #tpu.memory_space<vmem>>) attributes {dimension_semantics = [#tpu.dimension_semantics<arbitrary>], iteration_bounds = array<i64: 10>, scalar_prefetch = 0 : i64, scratch_operands = 0 : i64, tpu.core_type = #tpu.core_type<tc>, window_params = [{transform_indices = @transform_0, window_bounds = array<i64: 2, 1000, 128>}, {transform_indices = @transform_1, window_bounds = array<i64: 1000, 256>}, {pipeline_mode = #tpu.pipeline_mode<synchronous>, transform_indices = @transform_2, window_bounds = array<i64: 256, 128>}, {transform_indices = @transform_3, window_bounds = array<i64: 1000, 128>}]} {
    %get3A = arith.constant 0 : index
    %get3A_0 = arith.constant 0 : index
    %get3A_1 = vector.load %arg2[%get3A, %get3A_0] : memref<1000x256xf32, #tpu.memory_space<vmem>>, vector<1000x256xf32>
    %get3A_2 = arith.constant 0 : index
    %get3A_3 = arith.constant 0 : index
    %get3A_4 = vector.load %arg3[%get3A_2, %get3A_3] : memref<256x128xf32, #tpu.memory_space<vmem>>, vector<256x128xf32>
    %dot_general3A = arith.constant dense<0.000000e+00> : vector<1000x128xf32>
    %dot_general3A_5 = tpu.matmul %get3A_1, %get3A_4, %dot_general3A {dimension_numbers = #tpu.dot_dimension_numbers<[1], [0], [0], [1], [0, 0, 1, 1], [], []>, transpose_lhs_hint = false} : vector<1000x256xf32>, vector<256x128xf32>, vector<1000x128xf32> -> vector<1000x128xf32>
    %get3A_6 = arith.constant 0 : index
    %get3A_7 = arith.constant 0 : index
    %get3A_8 = arith.constant 0 : index
    %get3A_9 = vector.load %arg1[%get3A_6, %get3A_7, %get3A_8] : memref<2x1000x128xf32, #tpu.memory_space<vmem>>, vector<1x1000x1xf32>
    %get3A_10 = vector.shape_cast %get3A_9 : vector<1x1000x1xf32> to vector<1000x1xf32>
    %get3A_11 = arith.constant 1 : index
    %get3A_12 = arith.constant 0 : index
    %get3A_13 = arith.constant 0 : index
    %get3A_14 = vector.load %arg1[%get3A_11, %get3A_12, %get3A_13] : memref<2x1000x128xf32, #tpu.memory_space<vmem>>, vector<1x1000x1xf32>
    %get3A_15 = vector.shape_cast %get3A_14 : vector<1x1000x1xf32> to vector<1000x1xf32>
    %add3A = arith.addf %get3A_10, %get3A_15 : vector<1000x1xf32>
    %add3A_16 = arith.constant 1.000000e+00 : f32
    %add3A_17 = vector.broadcast %add3A_16 : f32 to vector<1000x1xf32>
    %add3A_18 = arith.addf %add3A, %add3A_17 : vector<1000x1xf32>
    %rsqrt3A = math.rsqrt %add3A_18 : vector<1000x1xf32>
    %mul3A = vector.broadcast %rsqrt3A : vector<1000x1xf32> to vector<1000x128xf32>
    %mul3A_19 = arith.mulf %dot_general3A_5, %mul3A : vector<1000x128xf32>
    %swap3A = arith.constant 0 : index
    %swap3A_20 = arith.constant 0 : index
    %swap3A_21 = vector.load %arg4[%swap3A, %swap3A_20] : memref<1000x128xf32, #tpu.memory_space<vmem>>, vector<1000x128xf32>
    tpu.vector_store %arg4[%swap3A, %swap3A_20], %mul3A_19 {strides = array<i32>} : memref<1000x128xf32, #tpu.memory_space<vmem>>, vector<1000x128xf32>,
    return
  }
  func.func @transform_0(%arg0: i32) -> (i32, i32, i32) {
    %c0_i32 = arith.constant 0 : i32
    %c0_i32_0 = arith.constant 0 : i32
    %c0_i32_1 = arith.constant 0 : i32
    return %c0_i32, %arg0, %c0_i32_0 : i32, i32, i32
  }
  func.func @transform_1(%arg0: i32) -> (i32, i32) {
    %c0_i32 = arith.constant 0 : i32
    %c0_i32_0 = arith.constant 0 : i32
    return %arg0, %c0_i32 : i32, i32
  }
  func.func @transform_2(%arg0: i32) -> (i32, i32) {
    %c0_i32 = arith.constant 0 : i32
    %c0_i32_0 = arith.constant 0 : i32
    %c0_i32_1 = arith.constant 0 : i32
    return %c0_i32, %c0_i32_0 : i32, i32
  }
  func.func @transform_3(%arg0: i32) -> (i32, i32) {
    %c0_i32 = arith.constant 0 : i32
    %c0_i32_0 = arith.constant 0 : i32
    return %arg0, %c0_i32 : i32, i32
  }
}

module attributes {stable_mosaic.version = 14 : i64} {
  func.func @body(%arg0: i32, %arg1: memref<2x1000x128xf32, #tpu.memory_space<vmem>>, %arg2: memref<2x1000x128xf32, #tpu.memory_space<vmem>>, %arg3: memref<1000x128xf32, #tpu.memory_space<vmem>>, %arg4: memref<1x128xf32, #tpu.memory_space<vmem>>, %arg5: memref<128x128xf32, #tpu.memory_space<vmem>>, %arg6: memref<1000x128xf32, #tpu.memory_space<vmem>>) attributes {dimension_semantics = [#tpu.dimension_semantics<arbitrary>], iteration_bounds = array<i64: 10>, scalar_prefetch = 0 : i64, scratch_operands = 0 : i64, tpu.core_type = #tpu.core_type<tc>, window_params = [{transform_indices = @transform_0, window_bounds = array<i64: 2, 1000, 128>}, {transform_indices = @transform_1, window_bounds = array<i64: 2, 1000, 128>}, {transform_indices = @transform_2, window_bounds = array<i64: 1000, 128>}, {pipeline_mode = #tpu.pipeline_mode<synchronous>, transform_indices = @transform_3, window_bounds = array<i64: 1, 128>}, {pipeline_mode = #tpu.pipeline_mode<synchronous>, transform_indices = @transform_4, window_bounds = array<i64: 128, 128>}, {transform_indices = @transform_5, window_bounds = array<i64: 1000, 128>}]} {
    %get3A = arith.constant 0 : index
    %get3A_0 = arith.constant 0 : index
    %get3A_1 = arith.constant 0 : index
    %get3A_2 = vector.load %arg1[%get3A, %get3A_0, %get3A_1] : memref<2x1000x128xf32, #tpu.memory_space<vmem>>, vector<1x1000x1xf32>
    %get3A_3 = vector.shape_cast %get3A_2 : vector<1x1000x1xf32> to vector<1000x1xf32>
    %get3A_4 = arith.constant 1 : index
    %get3A_5 = arith.constant 0 : index
    %get3A_6 = arith.constant 0 : index
    %get3A_7 = vector.load %arg1[%get3A_4, %get3A_5, %get3A_6] : memref<2x1000x128xf32, #tpu.memory_space<vmem>>, vector<1x1000x1xf32>
    %get3A_8 = vector.shape_cast %get3A_7 : vector<1x1000x1xf32> to vector<1000x1xf32>
    %add3A = arith.addf %get3A_3, %get3A_8 : vector<1000x1xf32>
    %add3A_9 = arith.constant 1.000000e+00 : f32
    %add3A_10 = vector.broadcast %add3A_9 : f32 to vector<1000x1xf32>
    %add3A_11 = arith.addf %add3A, %add3A_10 : vector<1000x1xf32>
    %rsqrt3A = math.rsqrt %add3A_11 : vector<1000x1xf32>
    %get3A_12 = arith.constant 0 : index
    %get3A_13 = arith.constant 0 : index
    %get3A_14 = arith.constant 0 : index
    %get3A_15 = vector.load %arg2[%get3A_12, %get3A_13, %get3A_14] : memref<2x1000x128xf32, #tpu.memory_space<vmem>>, vector<1x1000x128xf32>
    %get3A_16 = vector.shape_cast %get3A_15 : vector<1x1000x128xf32> to vector<1000x128xf32>
    %get3A_17 = arith.constant 1 : index
    %get3A_18 = arith.constant 0 : index
    %get3A_19 = arith.constant 0 : index
    %get3A_20 = vector.load %arg2[%get3A_17, %get3A_18, %get3A_19] : memref<2x1000x128xf32, #tpu.memory_space<vmem>>, vector<1x1000x128xf32>
    %get3A_21 = vector.shape_cast %get3A_20 : vector<1x1000x128xf32> to vector<1000x128xf32>
    %add3A_22 = arith.addf %get3A_16, %get3A_21 : vector<1000x128xf32>
    %get3A_23 = arith.constant 0 : index
    %get3A_24 = arith.constant 0 : index
    %get3A_25 = vector.load %arg3[%get3A_23, %get3A_24] : memref<1000x128xf32, #tpu.memory_space<vmem>>, vector<1000x128xf32>
    %add3A_26 = arith.addf %add3A_22, %get3A_25 : vector<1000x128xf32>
    %mul3A = vector.broadcast %rsqrt3A : vector<1000x1xf32> to vector<1000x128xf32>
    %mul3A_27 = arith.mulf %mul3A, %add3A_26 : vector<1000x128xf32>
    %get3A_28 = arith.constant 0 : index
    %get3A_29 = arith.constant 0 : index
    %get3A_30 = vector.load %arg4[%get3A_28, %get3A_29] : memref<1x128xf32, #tpu.memory_space<vmem>>, vector<1x128xf32>
    %add3A_31 = vector.broadcast %get3A_30 : vector<1x128xf32> to vector<1000x128xf32>
    %add3A_32 = arith.addf %mul3A_27, %add3A_31 : vector<1000x128xf32>
    %max3A = arith.constant 0.000000e+00 : f32
    %max3A_33 = vector.broadcast %max3A : f32 to vector<1000x128xf32>
    %max3A_34 = arith.maximumf %add3A_32, %max3A_33 : vector<1000x128xf32>
    %get3A_35 = arith.constant 0 : index
    %get3A_36 = arith.constant 0 : index
    %get3A_37 = vector.load %arg5[%get3A_35, %get3A_36] : memref<128x128xf32, #tpu.memory_space<vmem>>, vector<128x128xf32>
    %dot_general3A = arith.constant dense<0.000000e+00> : vector<1000x128xf32>
    %dot_general3A_38 = tpu.matmul %max3A_34, %get3A_37, %dot_general3A {dimension_numbers = #tpu.dot_dimension_numbers<[1], [0], [0], [1], [0, 0, 1, 1], [], []>, transpose_lhs_hint = false} : vector<1000x128xf32>, vector<128x128xf32>, vector<1000x128xf32> -> vector<1000x128xf32>
    %mul3A_39 = vector.broadcast %rsqrt3A : vector<1000x1xf32> to vector<1000x128xf32>
    %mul3A_40 = arith.mulf %dot_general3A_38, %mul3A_39 : vector<1000x128xf32>
    %swap3A = arith.constant 0 : index
    %swap3A_41 = arith.constant 0 : index
    %swap3A_42 = vector.load %arg6[%swap3A, %swap3A_41] : memref<1000x128xf32, #tpu.memory_space<vmem>>, vector<1000x128xf32>
    tpu.vector_store %arg6[%swap3A, %swap3A_41], %mul3A_40 {strides = array<i32>} : memref<1000x128xf32, #tpu.memory_space<vmem>>, vector<1000x128xf32>,
    return
  }
  func.func @transform_0(%arg0: i32) -> (i32, i32, i32) {
    %c0_i32 = arith.constant 0 : i32
    %c0_i32_0 = arith.constant 0 : i32
    %c0_i32_1 = arith.constant 0 : i32
    return %c0_i32, %arg0, %c0_i32_0 : i32, i32, i32
  }
  func.func @transform_1(%arg0: i32) -> (i32, i32, i32) {
    %c0_i32 = arith.constant 0 : i32
    %c0_i32_0 = arith.constant 0 : i32
    %c0_i32_1 = arith.constant 0 : i32
    return %c0_i32, %arg0, %c0_i32_0 : i32, i32, i32
  }
  func.func @transform_2(%arg0: i32) -> (i32, i32) {
    %c0_i32 = arith.constant 0 : i32
    %c0_i32_0 = arith.constant 0 : i32
    return %arg0, %c0_i32 : i32, i32
  }
  func.func @transform_3(%arg0: i32) -> (i32, i32) {
    %c0_i32 = arith.constant 0 : i32
    %c0_i32_0 = arith.constant 0 : i32
    %c0_i32_1 = arith.constant 0 : i32
    return %c0_i32, %c0_i32_0 : i32, i32
  }
  func.func @transform_4(%arg0: i32) -> (i32, i32) {
    %c0_i32 = arith.constant 0 : i32
    %c0_i32_0 = arith.constant 0 : i32
    %c0_i32_1 = arith.constant 0 : i32
    return %c0_i32, %c0_i32_0 : i32, i32
  }
  func.func @transform_5(%arg0: i32) -> (i32, i32) {
    %c0_i32 = arith.constant 0 : i32
    %c0_i32_0 = arith.constant 0 : i32
    return %arg0, %c0_i32 : i32, i32
  }
}

module attributes {stable_mosaic.version = 14 : i64} {
  func.func @body(%arg0: i32, %arg1: memref<2x1000x128xf32, #tpu.memory_space<vmem>>, %arg2: memref<2x1000x128xf32, #tpu.memory_space<vmem>>, %arg3: memref<1000x128xf32, #tpu.memory_space<vmem>>, %arg4: memref<1x128xf32, #tpu.memory_space<vmem>>, %arg5: memref<128x128xf32, #tpu.memory_space<vmem>>, %arg6: memref<128x128xf32, #tpu.memory_space<vmem>>, %arg7: memref<1000x128xf32, #tpu.memory_space<vmem>>, %arg8: memref<1000x128xf32, #tpu.memory_space<vmem>>) attributes {dimension_semantics = [#tpu.dimension_semantics<arbitrary>], iteration_bounds = array<i64: 10>, scalar_prefetch = 0 : i64, scratch_operands = 0 : i64, tpu.core_type = #tpu.core_type<tc>, window_params = [{transform_indices = @transform_0, window_bounds = array<i64: 2, 1000, 128>}, {transform_indices = @transform_1, window_bounds = array<i64: 2, 1000, 128>}, {transform_indices = @transform_2, window_bounds = array<i64: 1000, 128>}, {pipeline_mode = #tpu.pipeline_mode<synchronous>, transform_indices = @transform_3, window_bounds = array<i64: 1, 128>}, {pipeline_mode = #tpu.pipeline_mode<synchronous>, transform_indices = @transform_4, window_bounds = array<i64: 128, 128>}, {pipeline_mode = #tpu.pipeline_mode<synchronous>, transform_indices = @transform_5, window_bounds = array<i64: 128, 128>}, {transform_indices = @transform_6, window_bounds = array<i64: 1000, 128>}, {transform_indices = @transform_7, window_bounds = array<i64: 1000, 128>}]} {
    %get3A = arith.constant 0 : index
    %get3A_0 = arith.constant 0 : index
    %get3A_1 = arith.constant 0 : index
    %get3A_2 = vector.load %arg1[%get3A, %get3A_0, %get3A_1] : memref<2x1000x128xf32, #tpu.memory_space<vmem>>, vector<1x1000x1xf32>
    %get3A_3 = vector.shape_cast %get3A_2 : vector<1x1000x1xf32> to vector<1000x1xf32>
    %get3A_4 = arith.constant 1 : index
    %get3A_5 = arith.constant 0 : index
    %get3A_6 = arith.constant 0 : index
    %get3A_7 = vector.load %arg1[%get3A_4, %get3A_5, %get3A_6] : memref<2x1000x128xf32, #tpu.memory_space<vmem>>, vector<1x1000x1xf32>
    %get3A_8 = vector.shape_cast %get3A_7 : vector<1x1000x1xf32> to vector<1000x1xf32>
    %add3A = arith.addf %get3A_3, %get3A_8 : vector<1000x1xf32>
    %add3A_9 = arith.constant 1.000000e+00 : f32
    %add3A_10 = vector.broadcast %add3A_9 : f32 to vector<1000x1xf32>
    %add3A_11 = arith.addf %add3A, %add3A_10 : vector<1000x1xf32>
    %rsqrt3A = math.rsqrt %add3A_11 : vector<1000x1xf32>
    %get3A_12 = arith.constant 0 : index
    %get3A_13 = arith.constant 0 : index
    %get3A_14 = arith.constant 0 : index
    %get3A_15 = vector.load %arg2[%get3A_12, %get3A_13, %get3A_14] : memref<2x1000x128xf32, #tpu.memory_space<vmem>>, vector<1x1000x128xf32>
    %get3A_16 = vector.shape_cast %get3A_15 : vector<1x1000x128xf32> to vector<1000x128xf32>
    %get3A_17 = arith.constant 1 : index
    %get3A_18 = arith.constant 0 : index
    %get3A_19 = arith.constant 0 : index
    %get3A_20 = vector.load %arg2[%get3A_17, %get3A_18, %get3A_19] : memref<2x1000x128xf32, #tpu.memory_space<vmem>>, vector<1x1000x128xf32>
    %get3A_21 = vector.shape_cast %get3A_20 : vector<1x1000x128xf32> to vector<1000x128xf32>
    %add3A_22 = arith.addf %get3A_16, %get3A_21 : vector<1000x128xf32>
    %get3A_23 = arith.constant 0 : index
    %get3A_24 = arith.constant 0 : index
    %get3A_25 = vector.load %arg3[%get3A_23, %get3A_24] : memref<1000x128xf32, #tpu.memory_space<vmem>>, vector<1000x128xf32>
    %add3A_26 = arith.addf %add3A_22, %get3A_25 : vector<1000x128xf32>
    %mul3A = vector.broadcast %rsqrt3A : vector<1000x1xf32> to vector<1000x128xf32>
    %mul3A_27 = arith.mulf %mul3A, %add3A_26 : vector<1000x128xf32>
    %get3A_28 = arith.constant 0 : index
    %get3A_29 = arith.constant 0 : index
    %get3A_30 = vector.load %arg4[%get3A_28, %get3A_29] : memref<1x128xf32, #tpu.memory_space<vmem>>, vector<1x128xf32>
    %add3A_31 = vector.broadcast %get3A_30 : vector<1x128xf32> to vector<1000x128xf32>
    %add3A_32 = arith.addf %mul3A_27, %add3A_31 : vector<1000x128xf32>
    %max3A = arith.constant 0.000000e+00 : f32
    %max3A_33 = vector.broadcast %max3A : f32 to vector<1000x128xf32>
    %max3A_34 = arith.maximumf %add3A_32, %max3A_33 : vector<1000x128xf32>
    %get3A_35 = arith.constant 0 : index
    %get3A_36 = arith.constant 0 : index
    %get3A_37 = vector.load %arg5[%get3A_35, %get3A_36] : memref<128x128xf32, #tpu.memory_space<vmem>>, vector<128x128xf32>
    %dot_general3A = arith.constant dense<0.000000e+00> : vector<1000x128xf32>
    %dot_general3A_38 = tpu.matmul %max3A_34, %get3A_37, %dot_general3A {dimension_numbers = #tpu.dot_dimension_numbers<[1], [0], [0], [1], [0, 0, 1, 1], [], []>, transpose_lhs_hint = false} : vector<1000x128xf32>, vector<128x128xf32>, vector<1000x128xf32> -> vector<1000x128xf32>
    %swap3A = arith.constant 0 : index
    %swap3A_39 = arith.constant 0 : index
    %swap3A_40 = vector.load %arg7[%swap3A, %swap3A_39] : memref<1000x128xf32, #tpu.memory_space<vmem>>, vector<1000x128xf32>
    tpu.vector_store %arg7[%swap3A, %swap3A_39], %dot_general3A_38 {strides = array<i32>} : memref<1000x128xf32, #tpu.memory_space<vmem>>, vector<1000x128xf32>,
    %get3A_41 = arith.constant 0 : index
    %get3A_42 = arith.constant 0 : index
    %get3A_43 = vector.load %arg6[%get3A_41, %get3A_42] : memref<128x128xf32, #tpu.memory_space<vmem>>, vector<128x128xf32>
    %dot_general3A_44 = arith.constant dense<0.000000e+00> : vector<1000x128xf32>
    %dot_general3A_45 = tpu.matmul %max3A_34, %get3A_43, %dot_general3A_44 {dimension_numbers = #tpu.dot_dimension_numbers<[1], [0], [0], [1], [0, 0, 1, 1], [], []>, transpose_lhs_hint = false} : vector<1000x128xf32>, vector<128x128xf32>, vector<1000x128xf32> -> vector<1000x128xf32>
    %swap3A_46 = arith.constant 0 : index
    %swap3A_47 = arith.constant 0 : index
    %swap3A_48 = vector.load %arg8[%swap3A_46, %swap3A_47] : memref<1000x128xf32, #tpu.memory_space<vmem>>, vector<1000x128xf32>
    tpu.vector_store %arg8[%swap3A_46, %swap3A_47], %dot_general3A_45 {strides = array<i32>} : memref<1000x128xf32, #tpu.memory_space<vmem>>, vector<1000x128xf32>,
    return
  }
  func.func @transform_0(%arg0: i32) -> (i32, i32, i32) {
    %c0_i32 = arith.constant 0 : i32
    %c0_i32_0 = arith.constant 0 : i32
    %c0_i32_1 = arith.constant 0 : i32
    return %c0_i32, %arg0, %c0_i32_0 : i32, i32, i32
  }
  func.func @transform_1(%arg0: i32) -> (i32, i32, i32) {
    %c0_i32 = arith.constant 0 : i32
    %c0_i32_0 = arith.constant 0 : i32
    %c0_i32_1 = arith.constant 0 : i32
    return %c0_i32, %arg0, %c0_i32_0 : i32, i32, i32
  }
  func.func @transform_2(%arg0: i32) -> (i32, i32) {
    %c0_i32 = arith.constant 0 : i32
    %c0_i32_0 = arith.constant 0 : i32
    return %arg0, %c0_i32 : i32, i32
  }
  func.func @transform_3(%arg0: i32) -> (i32, i32) {
    %c0_i32 = arith.constant 0 : i32
    %c0_i32_0 = arith.constant 0 : i32
    %c0_i32_1 = arith.constant 0 : i32
    return %c0_i32, %c0_i32_0 : i32, i32
  }
  func.func @transform_4(%arg0: i32) -> (i32, i32) {
    %c0_i32 = arith.constant 0 : i32
    %c0_i32_0 = arith.constant 0 : i32
    %c0_i32_1 = arith.constant 0 : i32
    return %c0_i32, %c0_i32_0 : i32, i32
  }
  func.func @transform_5(%arg0: i32) -> (i32, i32) {
    %c0_i32 = arith.constant 0 : i32
    %c0_i32_0 = arith.constant 0 : i32
    %c0_i32_1 = arith.constant 0 : i32
    return %c0_i32, %c0_i32_0 : i32, i32
  }
  func.func @transform_6(%arg0: i32) -> (i32, i32) {
    %c0_i32 = arith.constant 0 : i32
    %c0_i32_0 = arith.constant 0 : i32
    return %arg0, %c0_i32 : i32, i32
  }
  func.func @transform_7(%arg0: i32) -> (i32, i32) {
    %c0_i32 = arith.constant 0 : i32
    %c0_i32_0 = arith.constant 0 : i32
    return %arg0, %c0_i32 : i32, i32
  }
}

module attributes {stable_mosaic.version = 14 : i64} {
  func.func @body(%arg0: i32, %arg1: memref<2000x128xf32, #tpu.memory_space<vmem>>, %arg2: memref<1x128xf32, #tpu.memory_space<vmem>>, %arg3: memref<128x1xf32, #tpu.memory_space<vmem>>, %arg4: memref<1x1xf32, #tpu.memory_space<vmem>>, %arg5: memref<2000x1xf32, #tpu.memory_space<vmem>>) attributes {dimension_semantics = [#tpu.dimension_semantics<arbitrary>], iteration_bounds = array<i64: 40>, scalar_prefetch = 0 : i64, scratch_operands = 0 : i64, tpu.core_type = #tpu.core_type<tc>, window_params = [{transform_indices = @transform_0, window_bounds = array<i64: 2000, 128>}, {pipeline_mode = #tpu.pipeline_mode<synchronous>, transform_indices = @transform_1, window_bounds = array<i64: 1, 128>}, {pipeline_mode = #tpu.pipeline_mode<synchronous>, transform_indices = @transform_2, window_bounds = array<i64: 128, 1>}, {pipeline_mode = #tpu.pipeline_mode<synchronous>, transform_indices = @transform_3, window_bounds = array<i64: 1, 1>}, {transform_indices = @transform_4, window_bounds = array<i64: 2000, 1>}]} {
    %get3A = arith.constant 0 : index
    %get3A_0 = arith.constant 0 : index
    %get3A_1 = vector.load %arg1[%get3A, %get3A_0] : memref<2000x128xf32, #tpu.memory_space<vmem>>, vector<2000x128xf32>
    %get3A_2 = arith.constant 0 : index
    %get3A_3 = arith.constant 0 : index
    %get3A_4 = vector.load %arg2[%get3A_2, %get3A_3] : memref<1x128xf32, #tpu.memory_space<vmem>>, vector<1x128xf32>
    %add3A = vector.broadcast %get3A_4 : vector<1x128xf32> to vector<2000x128xf32>
    %add3A_5 = arith.addf %get3A_1, %add3A : vector<2000x128xf32>
    %max3A = arith.constant 0.000000e+00 : f32
    %max3A_6 = vector.broadcast %max3A : f32 to vector<2000x128xf32>
    %max3A_7 = arith.maximumf %add3A_5, %max3A_6 : vector<2000x128xf32>
    %get3A_8 = arith.constant 0 : index
    %get3A_9 = arith.constant 0 : index
    %get3A_10 = vector.load %arg3[%get3A_8, %get3A_9] : memref<128x1xf32, #tpu.memory_space<vmem>>, vector<128x1xf32>
    %dot_general3A = arith.constant dense<0.000000e+00> : vector<2000x1xf32>
    %dot_general3A_11 = tpu.matmul %max3A_7, %get3A_10, %dot_general3A {dimension_numbers = #tpu.dot_dimension_numbers<[1], [0], [0], [1], [0, 0, 1, 1], [], []>, transpose_lhs_hint = false} : vector<2000x128xf32>, vector<128x1xf32>, vector<2000x1xf32> -> vector<2000x1xf32>
    %get3A_12 = arith.constant 0 : index
    %get3A_13 = arith.constant 0 : index
    %get3A_14 = vector.load %arg4[%get3A_12, %get3A_13] : memref<1x1xf32, #tpu.memory_space<vmem>>, vector<1x1xf32>
    %add3A_15 = vector.broadcast %get3A_14 : vector<1x1xf32> to vector<2000x1xf32>
    %add3A_16 = arith.addf %dot_general3A_11, %add3A_15 : vector<2000x1xf32>
    %logistic3A = arith.negf %add3A_16 : vector<2000x1xf32>
    %logistic3A_17 = math.exp %logistic3A : vector<2000x1xf32>
    %logistic3A_18 = arith.constant 1.000000e+00 : f32
    %logistic3A_19 = vector.broadcast %logistic3A_18 : f32 to vector<2000x1xf32>
    %logistic3A_20 = arith.addf %logistic3A_19, %logistic3A_17 : vector<2000x1xf32>
    %logistic3A_21 = arith.divf %logistic3A_19, %logistic3A_20 : vector<2000x1xf32>
    %swap3A = arith.constant 0 : index
    %swap3A_22 = arith.constant 0 : index
    %swap3A_23 = vector.load %arg5[%swap3A, %swap3A_22] : memref<2000x1xf32, #tpu.memory_space<vmem>>, vector<2000x1xf32>
    tpu.vector_store %arg5[%swap3A, %swap3A_22], %logistic3A_21 {strides = array<i32>} : memref<2000x1xf32, #tpu.memory_space<vmem>>, vector<2000x1xf32>,
    return
  }
  func.func @transform_0(%arg0: i32) -> (i32, i32) {
    %c0_i32 = arith.constant 0 : i32
    %c0_i32_0 = arith.constant 0 : i32
    return %arg0, %c0_i32 : i32, i32
  }
  func.func @transform_1(%arg0: i32) -> (i32, i32) {
    %c0_i32 = arith.constant 0 : i32
    %c0_i32_0 = arith.constant 0 : i32
    %c0_i32_1 = arith.constant 0 : i32
    return %c0_i32, %c0_i32_0 : i32, i32
  }
  func.func @transform_2(%arg0: i32) -> (i32, i32) {
    %c0_i32 = arith.constant 0 : i32
    %c0_i32_0 = arith.constant 0 : i32
    %c0_i32_1 = arith.constant 0 : i32
    return %c0_i32, %c0_i32_0 : i32, i32
  }
  func.func @transform_3(%arg0: i32) -> (i32, i32) {
    %c0_i32 = arith.constant 0 : i32
    %c0_i32_0 = arith.constant 0 : i32
    %c0_i32_1 = arith.constant 0 : i32
    return %c0_i32, %c0_i32_0 : i32, i32
  }
  func.func @transform_4(%arg0: i32) -> (i32, i32) {
    %c0_i32 = arith.constant 0 : i32
    %c0_i32_0 = arith.constant 0 : i32
    return %arg0, %c0_i32 : i32, i32
  }
}

</mosaic_0001>

<sc_bundles>
// kernel: kernel.12.cloned.1.call-start
scs
__scs_entry_jumppad:
0x0: {  	(pc) =	sbr.rel $0x88, $3  }
0x1: {  	(tag) =	ssettag $0x0;
	lr =	simm.s32 $0x1  }
0x2: {  	[smem:$0x3F96] =	sst lr;
	_ =	strace $0xD0000000  }
0x3: {  	_ = 	snop  }
0x4: {  	_ = 	snop  }
0x5: {  	_ = 	snop  }
0x6: {  	_ = 	snop  }
0x7: {  	_ = 	snop  }
__scs_overlays_trampoline_lowered:
0x8: {  	[smem:$0x3FA5] =	sst s0  }
0x9: {  	[smem:$0x3FA6] =	sst s1  }
0xa: {  	[smem:$0x3FA7] =	sst s2  }
0xb: {  	[smem:$0x3FA8] =	sst s3  }
0xc: {  	[smem:$0x3FA9] =	sst s4  }
0xd: {  	[smem:$0x3FAA] =	sst s5  }
0xe: {  	[smem:$0x3FAB] =	sst s6  }
0xf: {  	[smem:$0x3FAC] =	sst s7  }
0x10: {  	[smem:$0x3FAD] =	sst s8  }
0x11: {  	[smem:$0x3FAE] =	sst s9;
	s0 =	simm.s32 @!p0 $0x0  }
0x12: {  	s1 =	sld [smem:$0x3F94];
	s0 =	simm.s32 @p0 $0x1  }
0x13: {  	[smem:$0x3FAF] =	sst s0;
	s0 =	simm.s32 @!p1 $0x0  }
0x14: {  	s2 =	sld [smem:$0x3F93];
	s0 =	simm.s32 @p1 $0x1  }
0x15: {  	[smem:$0x3FB0] =	sst s0;
	s0 =	simm.s32 @!p2 $0x0  }
0x16: {  	s3 =	sld [smem:$0x3FDB];
	s0 =	simm.s32 @p2 $0x1  }
0x17: {  	s4 =	simm.s32 $0x1BF5;
	[smem:$0x3FB2] =	sst s0  }
0x18: {  	s0 =	sld [smem:$0x3F95];
	_ =	swait.ge [sflag:s4], $0x0  }
0x19: {  	s7 =	sld [smem:$0x3F96]  }
0x1a: {  	s8 =	sadd.s32 $0xFFFFE003, lr  }
0x1b: {  	s9 =	sadd.s32 $0xFFFFFEF7, lr;
	s5 =	simm.s32 $0xFFFFFFFF;
	p2 =	slt.u32 s8, $0xFFFFF086  }
0x1c: {  	p1 =	slt.u32 s9, $0xF7A;
	s5 =	simm.s32 @!p2 $0x0  }
0x1d: {  	s5 =	simm.s32 @p1 $0x1;
	p0 =	seq.s32 s7, s2  }
0x1e: {  	s7 =	smul.u32 @!p0 $0xF7A, s2;
	p2 =	seq.s32 @!p0 s5, $0x0  }
0x1f: {  	s9 =	smul.u32 $0xF7A, s1;
	s8 =	simm.s32 @!p0 $0x1BF5;
	p2 =	por !p2, p0  }
0x20: {  	[sflag:s8] =	ssyncset.s32 @!p0 $0xFFFFF086;
	s6 =	sadd.s32 @!p0 s3, s7;
	s7 =	simm.s32 @!p0 $0x108  }
0x21: {  	s3 =	sadd.s32 s3, s9;
	s6 =	sadd.s32 @!p0 $0x88, s6;
	s7 =	simm.s32 @p2 $0x1082  }
0x22: {  	[simem:s7], [sflag:s8] =	dma.local @!p0 [hbm:s6], $0xF7A  }
0x23: {  	s9 =	sor.u32 $0xD0000000, s2;
	s6 =	simm.s32 $0x108;
	_ =	swait.ge @!p0 [sflag:s8], $0x0  }
0x24: {  	s3 =	sadd.s32 $0x88, s3;
	s6 =	simm.s32 @!p1 $0x1082;
	[sflag:s4] =	ssyncset.s32 $0xFFFFF086  }
0x25: {  	[simem:s6], [sflag:s4] =	dma.local [hbm:s3], $0xF7A  }
0x26: {  	[smem:$0x3F96] =	sst s1;
	(tag) =	ssettag s2;
	_ =	strace s9  }
0x27: {  	s1 =	sld [smem:$0x3FA6]  }
0x28: {  	s2 =	sld [smem:$0x3FA7]  }
0x29: {  	s4 =	sld [smem:$0x3FA9]  }
0x2a: {  	p0 =	seq.s32 s5, $0x0;
	s5 =	sld [smem:$0x3FAA]  }
0x2b: {  	s6 =	sld [smem:$0x3FAB]  }
0x2c: {  	s7 =	sld [smem:$0x3FAC]  }
0x2d: {  	s3 =	simm.s32 $0x108;
	s8 =	sld [smem:$0x3FAD]  }
0x2e: {  	s3 =	simm.s32 @!p0 $0x1082;
	s9 =	sld [smem:$0x3FAE]  }
0x2f: {  	lr =	sadd.s32 s0, s3;
	s0 =	sld [smem:$0x3FA5]  }
0x30: {  	s3 =	sld [smem:$0x3FA8]  }
0x31: {  	[smem:$0x3FB1] =	sst s10  }
0x32: {  	s10 =	sld [smem:$0x3FAF];
	_ =	sdelay $0x3  }
0x33: {  	p0 =	seq.s32 s10, $0x1;
	s10 =	sld [smem:$0x3FB1];
	_ =	sdelay $0x3  }
0x34: {  	[smem:$0x3FB1] =	sst s10  }
0x35: {  	s10 =	sld [smem:$0x3FB0];
	_ =	sdelay $0x3  }
0x36: {  	p1 =	seq.s32 s10, $0x1;
	s10 =	sld [smem:$0x3FB1];
	_ =	sdelay $0x3  }
0x37: {  	[smem:$0x3FB1] =	sst s10  }
0x38: {  	s10 =	sld [smem:$0x3FB2]  }
0x39: {  	_ = 	snop;
	(pc) =	sbr.ind lr, $3  }
0x3a: {  	_ = 	snop  }
0x3b: {  	_ = 	snop  }
0x3c: {  	p2 =	seq.s32 s10, $0x1;
	s10 =	sld [smem:$0x3FB1]  }
0x3d: {  	_ =	shalt  }
0x3e: {  	_ =	shalt  }
0x3f: {  	_ =	shalt  }
0x40: {  	_ =	shalt  }
0x41: {  	_ =	shalt  }
0x42: {  	_ =	shalt  }
0x43: {  	_ =	shalt  }
0x44: {  	_ =	shalt  }
0x45: {  	_ =	shalt  }
0x46: {  	_ =	shalt  }
0x47: {  	_ =	shalt  }
0x48: {  	_ =	shalt  }
0x49: {  	_ =	shalt  }
0x4a: {  	_ =	shalt  }
0x4b: {  	_ =	shalt  }
0x4c: {  	_ =	shalt  }
0x4d: {  	_ =	shalt  }
0x4e: {  	_ =	shalt  }
0x4f: {  	_ =	shalt  }
0x50: {  	_ =	shalt  }
0x51: {  	_ =	shalt  }
0x52: {  	_ =	shalt  }
0x53: {  	_ =	shalt  }
0x54: {  	_ =	shalt  }
0x55: {  	_ =	shalt  }
0x56: {  	_ =	shalt  }
0x57: {  	_ =	shalt  }
0x58: {  	_ =	shalt  }
0x59: {  	_ =	shalt  }
0x5a: {  	_ =	shalt  }
0x5b: {  	_ =	shalt  }
0x5c: {  	_ =	shalt  }
0x5d: {  	_ =	shalt  }
0x5e: {  	_ =	shalt  }
0x5f: {  	_ =	shalt  }
0x60: {  	_ =	shalt  }
0x61: {  	_ =	shalt  }
0x62: {  	_ =	shalt  }
0x63: {  	_ =	shalt  }
0x64: {  	_ =	shalt  }
0x65: {  	_ =	shalt  }
0x66: {  	_ =	shalt  }
0x67: {  	_ =	shalt  }
0x68: {  	_ =	shalt  }
0x69: {  	_ =	shalt  }
0x6a: {  	_ =	shalt  }
0x6b: {  	_ =	shalt  }
0x6c: {  	_ =	shalt  }
0x6d: {  	_ =	shalt  }
0x6e: {  	_ =	shalt  }
0x6f: {  	_ =	shalt  }
0x70: {  	_ =	shalt  }
0x71: {  	_ =	shalt  }
0x72: {  	_ =	shalt  }
0x73: {  	_ =	shalt  }
0x74: {  	_ =	shalt  }
0x75: {  	_ =	shalt  }
0x76: {  	_ =	shalt  }
0x77: {  	_ =	shalt  }
0x78: {  	_ =	shalt  }
0x79: {  	_ =	shalt  }
0x7a: {  	_ =	shalt  }
0x7b: {  	_ =	shalt  }
0x7c: {  	_ =	shalt  }
0x7d: {  	_ =	shalt  }
0x7e: {  	_ =	shalt  }
0x7f: {  	_ =	shalt  }
0x80: {  	_ =	shalt  }
0x81: {  	_ =	shalt  }
0x82: {  	_ =	shalt  }
0x83: {  	_ =	shalt  }
0x84: {  	_ =	shalt  }
0x85: {  	_ =	shalt  }
0x86: {  	_ =	shalt  }
0x87: {  	_ =	shalt  }
.Lfunc_end0:
.L_simem_size_0:
called_computation_lowered:
.L_overlay_start_0:
0x88: {  	s2 =	sld [smem:$0x3FD9]  }
0x89: {  	s3 =	sld [smem:$0x3FFE];
	_ =	sdelay $0x1  }
0x8a: {  	s1 =	srdreg.scid  }
0x8b: {  	s0 =	sand.u32 $0x1, s1  }
0x8c: {  	s17 =	sshll.u32 s0, $0xA;
	s2 =	sadd.s32 s3, s2  }
0x8d: {  	s2 =	sadd.s32 s2, s17  }
0x8e: {  	[smem:$0x3FBD] =	sst s2  }
0x8f: {  	_ = 	snop  }
0x90: {  	s2 =	sld [smem:$0x3FD0];
	(tm) =	ssettm $0x1  }
0x91: {  	s18 =	sld [smem:$0x3FFB];
	_ =	sdelay $0x3  }
0x92: {  	_ =	strace s18  }
0x93: {  	s3 =	sld [smem:$0x3FFC];
	_ =	sdelay $0x3  }
0x94: {  	_ =	strace s3  }
0x95: {  	s3 =	sld [smem:$0x3FFD];
	_ =	sdelay $0x3  }
0x96: {  	_ =	strace s3  }
0x97: {  	_ =	strace $0x8FFFFFFF  }
0x98: {  	s19 =	sld [smem:$0x3FDB];
	_ =	sdelay $0x1  }
0x99: {  	s4 =	simm.s32 $_scs_section_size  }
0x9a: {  	s5 =	simm.s32 $_size__tile_overlayer_lowered;
	s6 =	simm.s32 $_tile_overlayer_lowered  }
0x9b: {  	s22 =	simm.s32 $0x1BFF;
	s21 =	sshll.u32 s6, $0x1;
	s3 =	sadd.s32 s4, s19  }
0x9c: {  	s7 =	simm.s32 $0x0;
	s20 =	sshll.u32 s5, $0x1;
	s5 =	sadd.s32 s21, s3  }
0x9d: {  	[timem:s7], [sflag:s22] =	dma.local [hbm:s5], s20  }
0x9e: {  	_ =	swait.ge [sflag:s22], s20  }
0x9f: {  	s4 =	ssub.s32 $0x0, s20;
	[sflag:s22] =	ssyncset.done $0x0  }
0xa0: {  	[sflag:s22] =	ssyncadd.s32 s4;
	_ =	sdelay $0x1  }
0xa1: {  	s23 =	simm.s32 $0x1B8B  }
0xa2: {  	_ =	swait.ge [sflag:s23], $0x1  }
0xa3: {  	[sflag:s23] =	ssyncset.done $0x0  }
0xa4: {  	s25 =	simm.s32 $0x1B8E;
	s24 =	sld [smem:$0x3FFE];
	[sflag:s23] =	ssyncadd.s32 $0xFFFFFFFF  }
0xa5: {  	s26 =	simm.s32 $execute0_lowered;
	[smem:$0x3FD2] =	sst s25  }
0xa6: {  	s5 =	sshll.u32 s26, $0x1;
	_ =	strace $0x80000046;
	[dreg:$0x1] =	wrdreg $0xFFFFFFFF  }
0xa7: {  	s28 =	simm.s32 $_size_execute0_lowered;
	s3 =	sadd.s32 s3, s5;
	[dreg:$0x0] =	wrdreg $0x0  }
0xa8: {  	s5 =	sshll.u32 s28, $0x1;
	[dreg:$0x2] =	wrdreg s3  }
0xa9: {  	[dreg:$0x3] =	wrdreg s5  }
0xaa: {  	[dreg:$0x4] =	wrdreg $0xC0  }
0xab: {  	_ =	task [dreg:s7], $0x5FFFF  }
0xac: {  	[dreg:$0x1] =	wrdreg $0xFFFFFFFF  }
0xad: {  	[dreg:$0x0] =	wrdreg $0x60  }
0xae: {  	[dreg:$0x2] =	wrdreg s24  }
0xaf: {  	[dreg:$0x3] =	wrdreg s2  }
0xb0: {  	[dreg:$0x4] =	wrdreg $0x41000  }
0xb1: {  	[dreg:$0x5] =	wrdreg $0x9  }
0xb2: {  	_ =	task.clear_ibuf [dreg:s7], $0x6FFFF;
	_ =	strace $0x90000046  }
0xb3: {  	s29 =	simm.s32 $0x9;
	_ =	strace $0x80000048  }
0xb4: {  	_ =	swait.ge [sflag:s29], $0x1  }
0xb5: {  	[sflag:s29] =	ssyncadd.s32 $0xFFFFFFFF  }
0xb6: {  	_ =	strace $0x90000048  }
0xb7: {  	_ =	sfence  }
0xb8: {  	s30 =	sld [smem:$0x0];
	_ =	sdelay $0x2  }
0xb9: {  	s31 =	sshll.u32 s1, $0xD;
	s1 =	sshrl.u32 s1, $0x2  }
0xba: {  	s3 =	sand.u32 $0x4000, s31;
	s1 =	sadd.s32 s1, s30  }
0xbb: {  	s0 =	sor.u32 s3, s0;
	s1 =	sshll.u32 s1, $0x11  }
0xbc: {  	s0 =	sor.u32 s1, s0  }
0xbd: {  	s0 =	sadd.s32 $0x8F2B, s0  }
0xbe: {  	[sflag:s0] =	ssyncadd.remote.s32 $0x1  }
0xbf: {  	_ =	sfence.sel $0xFFFF  }
0xc0: {  	[dreg:$0x0] =	wrdreg $0xFFFFFFFF;
	(pc) =	sbr.abs _section_cstart, $3  }
0xc1: {  	[dreg:$0x1] =	wrdreg $0xFFFFFFFF  }
0xc2: {  	_ =	task.clear_ibuf [dreg:s7], $0x2FFFF;
	_ =	strace $0x9FFFFFFF  }
0xc3: {  	(tm) =	ssettm $0x7FFFFFFF  }
tec
execute0_lowered:
.L_overlay_start_1:
0x0: {  	(tag) =	ssettag $0x1  }
0x1: {  	s4 =	rddreg [dreg:$0x0]  }
0x2: {  	s1 =	rddreg [dreg:$0x1]  }
0x3: {  	s2 =	rddreg [dreg:$0x2]  }
0x4: {  	s0 =	rddreg [dreg:$0x3]  }
0x5: {  	s3 =	simm.s32 $0x0;
	s5 =	srdreg.scid;
	s17 =	simm.s32 $0x100  }
0x6: {  	s20 =	simm.s32 $0x0;
	[smem:$0x7FF] =	sst s3;
	s10 =	sand.u32 $0x1, s5  }
0x7: {  	s13 =	sadd.s32 $0x6A00, s4;
	s5 =	sadd.s32 $0xBA00, s4;
	s11 =	sadd.s32 $0xC200, s4  }
0x8: {  	s4 =	stileid.u32;
	_ =	strace $0x80000047;
	s6 =	ssub.s32 $0x2, s10  }
0x9: {  	p0 =	seq.s32 s4, $0x0;
	s26 =	sshll.u32 s4, $0x5;
	s28 =	smul.u32 $0x4F000, s4  }
0xa: {  	s8 =	sshll.u32 s10, $0x4;
	s14 =	smul.u32 $0x138800, s10;
	s15 =	sshll.u32 s4, $0x6  }
0xb: {  	s16 =	smul.u32 $0x13C00, s4;
	s30 =	sshll.u32 s4, $0x8;
	s7 =	sshrl.u32 s6, $0x1  }
0xc: {  	s10 =	sshll.u32 s10, $0x7;
	s12 =	ssub.s32 s6, s7;
	s6 =	simm.s32 $0x28  }
0xd: {  	s7 =	sor.u32 s8, s26;
	s9 =	sshrl.u32 s28, $0x2;
	s29 =	sadd.s32 s16, s14  }
0xe: {  	s14 =	sshrl.u32 s14, $0x3;
	s16 =	sor.u32 s10, s30;
	s6 =	simm.s32 @!p0 $0x27  }
0xf: {  	s7 =	sadd.s32 s13, s7;
	s19 =	sadd.s32 s9, s2;
	s9 =	sor.u32 $0x1C03, s15  }
0x10: {  	s15 =	sshrl.u32 s29, $0x3;
	s31 =	sor.u32 $0x2000, s16;
	s12 =	smax.u32 s12, $0x1  }
0x11: {  	s16 =	simm.s32 $0x3;
	p0 =	seq.s32 s4, $0xF;
	s8 =	sadd.s32 $0x200, s7  }
0x12: {  	s10 =	sadd.s32 s11, s15;
	s11 =	sadd.s32 s11, s14;
	s14 =	sshrl.u32 s31, $0x3  }
0x13: {  	s15 =	sshrl.u32 s19, $0x3;
	s18 =	sshrl.u32 @p0 s19, $0x3;
	s19 =	sshrl.u32 @!p0 s19, $0x3  }
0x14: {  	s11 =	sadd.s32 $0x25080, s11;
	s13 =	sadd.s32 s14, s13;
	s14 =	simm.s32 $0x80  }
.LBB2_1:
0x15: {  	[tilespmem:s3], [sflag:$0x1] =	stream.linear.gather [hbm4b:s7+s3], $0x80, $0x38;
	[tilespmem:$0x17D00] =	vst v63  }
0x16: {  	_ = 	snop  }
0x17: {  	[tilespmem:s14], [sflag:$0x2] =	stream.linear.gather [hbm4b:s8+s3], $0x80, $0x38;
	[tilespmem:$0x17D00] =	vst v63  }
0x18: {  	[spmem:s15], [sflag:s9] =	dma.local [hbm:s1], $0x2780  }
0x19: {  	_ =	swait.ge [sflag:s16], $0x2780  }
0x1a: {  	[sflag:s16] =	ssyncset.done $0x0  }
0x1b: {  	p2 =	sne.s32 s6, $0x1;
	[sflag:s16] =	ssyncadd.s32 $0xFFFFD880  }
0x1c: {  	[tilespmem:s17], [sflag:$0x3] =	stream.linear.gather [hbm4b:s5+s3], $0x4000, $0x38;
	[tilespmem:$0x17D00] =	vst v63  }
.Ltmp0:
0x1d: {  	_ =	swait.ge [sflag:s16], $0x4000;
	(pc) =	sbr.rel @!p2 .LBB2_2-.Ltmp0, $4  }
0x1e: {  	[sflag:s16] =	ssyncset.done $0x0  }
0x1f: {  	[sflag:s16] =	ssyncadd.s32 $0xFFFFC000  }
0x20: {  	[bflag:$0x0] =	sbarrier.arrive $0xFFFF  }
0x21: {  	s21 =	simm.s32 $0x1;
	s24 =	sand.u32 $0x1, s3;
	p1 =	por $0x0, $0x0  }
0x22: {  	s23 =	sadd.s32 $0x1, s24  }
0x23: {  	s25 =	sshll.u32 s24, $0x7;
	p3 =	sne.s32 s6, $0x2;
	_ =	swait.ge [sflag:s23], $0x80  }
.Ltmp1:
0x24: {  	s26 =	simm.s32 $0x2;
	[sflag:s23] =	ssyncset.done $0x0;
	(pc) =	sbr.rel @!p3 .LBB2_4-.Ltmp1, $4  }
0x25: {  	p2 =	sle.u32 s6, $0x2;
	s22 =	sadd.s32 $0x200, s13;
	[sflag:s23] =	ssyncadd.s32 $0xFFFFFF80  }
0x26: {  	[spmem:s2] =	stream.indirect.scatter.add.f32 [tilespmem:s17], [sflag:$0x3], $0x80, s25, s14, $0xb8;
	[tilespmem:$0x17D00] =	vst v63  }
0x27: {  	s24 =	sand.u32 $0x1, s21;
	p1 =	por $0x1, $0x1;
	_ =	swait.ge [sflag:s16], $0x4000  }
0x28: {  	s28 =	smov.u32 s13;
	s29 =	simm.s32 @!p2 $0x0;
	[sflag:s16] =	ssyncset.done $0x0  }
.LBB2_5:
0x29: {  	s30 =	sadd.s32 $0x1, s24;
	[sflag:s16] =	ssyncadd.s32 $0xFFFFC000  }
0x2a: {  	s31 =	smov.u32 s21;
	s21 =	smov.u32 s26;
	s26 =	sadd.s32 $0x1, s26  }
0x2b: {  	[tilespmem:s25], [sflag:s23] =	stream.linear.gather @!p2 [hbm4b:s28+s29], $0x80, $0x38;
	[tilespmem:$0x17D00] =	vst v63  }
0x2c: {  	p3 =	sne.s32 s6, s26;
	s23 =	smov.u32 s30;
	_ =	swait.ge [sflag:s30], $0x80  }
.Ltmp2:
0x2d: {  	s28 =	smov.u32 s22;
	[sflag:s23] =	ssyncset.done $0x0;
	(pc) =	sbr.rel @p3 .LBB2_5-.Ltmp2, $4  }
0x2e: {  	s25 =	sshll.u32 s24, $0x7;
	s24 =	sadd.s32 $0x2, s31;
	[sflag:s23] =	ssyncadd.s32 $0xFFFFFF80  }
0x2f: {  	[spmem:s2] =	stream.indirect.scatter.add.f32 [tilespmem:s17], [sflag:$0x3], $0x80, s25, s14, $0xb8;
	[tilespmem:$0x17D00] =	vst v63  }
0x30: {  	s22 =	sadd.s32 $0x200, s22;
	p2 =	sge.u32 s24, s6;
	_ =	swait.ge [sflag:s16], $0x4000  }
0x31: {  	s24 =	sand.u32 $0x1, s21;
	s29 =	simm.s32 @!p2 $0x0;
	[sflag:s16] =	ssyncset.done $0x0  }
.LBB2_6:
0x32: {  	s26 =	sadd.s32 $0x1, s24;
	[sflag:s16] =	ssyncadd.s32 @p1 $0xFFFFC000;
	p1 =	por p2, !p1  }
0x33: {  	[tilespmem:s25], [sflag:s23] =	stream.linear.gather @!p1 [hbm4b:s28+s29], $0x80, $0x38;
	[tilespmem:$0x17D00] =	vst v63  }
0x34: {  	_ =	swait.ge [sflag:s26], $0x80  }
0x35: {  	[sflag:s26] =	ssyncset.done $0x0  }
0x36: {  	s23 =	sshll.u32 s24, $0x7;
	[sflag:s26] =	ssyncadd.s32 $0xFFFFFF80  }
0x37: {  	[spmem:s2] =	stream.indirect.scatter.add.f32 [tilespmem:s17], [sflag:$0x3], $0x80, s23, s14, $0xb8;
	[tilespmem:$0x17D00] =	vst v63  }
0x38: {  	s21 =	sadd.s32 $0x2, s21;
	_ =	swait.ge [sflag:s16], $0x4000  }
0x39: {  	p1 =	sge.u32 s21, s6;
	[sflag:s16] =	ssyncset.done $0x0  }
0x3a: {  	s21 =	simm.s32 @!p1 $0x0;
	[sflag:s16] =	ssyncadd.s32 $0xFFFFC000  }
0x3b: {  	[tilespmem:s23], [sflag:s26] =	stream.linear.gather @!p1 [hbm4b:s22+s21], $0x80, $0x38;
	[tilespmem:$0x17D00] =	vst v63  }
0x3c: {  	s21 =	simm.s32 @p0 $0x3;
	[bflag:$0x0] =	sbarrier.arrive $0xFFFF  }
0x3d: {  	[hbm:s11], [sflag:s9] =	dma.local @p0 [spmem:s18], $0x2080  }
0x3e: {  	_ =	swait.ge @p0 [sflag:s21], $0x2080  }
0x3f: {  	s20 =	sadd.s32 $0x1, s20;
	[sflag:s21] =	ssyncset.done @p0 $0x0  }
0x40: {  	p1 =	sne.s32 s20, s12;
	[sflag:s21] =	ssyncadd.s32 @p0 $0xFFFFDF80  }
0x41: {  	[hbm:s10], [sflag:s9] =	dma.local @!p0 [spmem:s19], $0x2780  }
.Ltmp3:
0x42: {  	_ = 	snop;
	(pc) =	sbr.rel @p1 .LBB2_1-.Ltmp3, $4  }
.Ltmp4:
0x43: {  	s21 =	simm.s32 @!p0 $0x3;
	(pc) =	sbr.rel @!p1 .LBB2_7-.Ltmp4, $4  }
0x44: {  	_ =	swait.ge @!p0 [sflag:s21], $0x2780  }
0x45: {  	[sflag:s21] =	ssyncset.done @!p0 $0x0  }
0x46: {  	[sflag:s21] =	ssyncadd.s32 @!p0 $0xFFFFD880  }
0x47: {  	_ = 	snop  }
.LBB2_2:
.Ltmp5:
0x48: {  	(pc) =	sbr.rel .LBB2_6-.Ltmp5, $2  }
0x49: {  	_ =	sdelay $0x2  }
0x4a: {  	s21 =	simm.s32 $0x0;
	s22 =	smov.u32 s13  }
.LBB2_4:
.Ltmp6:
0x4b: {  	(pc) =	sbr.rel .LBB2_6-.Ltmp6, $2  }
0x4c: {  	_ =	sdelay $0x2  }
0x4d: {  	s28 =	smov.u32 s13  }
.LBB2_7:
0x4e: {  	_ =	sfence.sel $0x180000  }
0x4f: {  	[bflag:$0x0] =	sbarrier.arrive $0xFFFF  }
0x50: {  	p0 =	sne.s32 s4, $0x0;
	_ =	strace $0x90000047  }
0x51: {  	s0 =	sadd.s32 @!p0 $0x100000, s0;
	[bflag:$0x2] =	sbarrier.arrive $0xFFFF  }
0x52: {  	[sflag:s0] =	ssyncadd.tile.s32 @!p0 $0x1;
	_ =	shalt  }
.Lfunc_end2:
_tile_overlayer_lowered:
.L_overlay_start_2:
0x53: {  	(tag) =	ssettag $0x2  }
0x54: {  	s0 =	rddreg [dreg:$0x0];
	s2 =	stileid.u32  }
0x55: {  	s1 =	rddreg [dreg:$0x1];
	p0 =	sne.s32 s2, $0x0  }
0x56: {  	s3 =	rddreg [dreg:$0x2];
	[bflag:$0x3] =	sbarrier.arrive $0xFFFF;
	s2 =	simm.s32 @!p0 $0x1C03  }
0x57: {  	[timem:s3], [sflag:s2] =	dma.local @!p0 [hbm:s0], s1  }
0x58: {  	s0 =	simm.s32 @!p0 $0x3  }
0x59: {  	_ =	swait.ge @!p0 [sflag:s0], s1  }
0x5a: {  	s1 =	ssub.s32 @!p0 $0x0, s1;
	[sflag:s0] =	ssyncset.done @!p0 $0x0  }
0x5b: {  	[sflag:s0] =	ssyncadd.s32 @!p0 s1  }
0x5c: {  	[bflag:$0x3] =	sbarrier.arrive $0xFFFF  }
0x5d: {  	_ =	shalt  }

// kernel: kernel.15.cloned.1.call-start
scs
__scs_entry_jumppad:
0x0: {  	(pc) =	sbr.rel $0x88, $3  }
0x1: {  	(tag) =	ssettag $0x0;
	lr =	simm.s32 $0x1  }
0x2: {  	[smem:$0x3F96] =	sst lr;
	_ =	strace $0xD0000000  }
0x3: {  	_ = 	snop  }
0x4: {  	_ = 	snop  }
0x5: {  	_ = 	snop  }
0x6: {  	_ = 	snop  }
0x7: {  	_ = 	snop  }
__scs_overlays_trampoline_lowered:
0x8: {  	[smem:$0x3FA5] =	sst s0  }
0x9: {  	[smem:$0x3FA6] =	sst s1  }
0xa: {  	[smem:$0x3FA7] =	sst s2  }
0xb: {  	[smem:$0x3FA8] =	sst s3  }
0xc: {  	[smem:$0x3FA9] =	sst s4  }
0xd: {  	[smem:$0x3FAA] =	sst s5  }
0xe: {  	[smem:$0x3FAB] =	sst s6  }
0xf: {  	[smem:$0x3FAC] =	sst s7  }
0x10: {  	[smem:$0x3FAD] =	sst s8  }
0x11: {  	[smem:$0x3FAE] =	sst s9;
	s0 =	simm.s32 @!p0 $0x0  }
0x12: {  	s1 =	sld [smem:$0x3F94];
	s0 =	simm.s32 @p0 $0x1  }
0x13: {  	[smem:$0x3FAF] =	sst s0;
	s0 =	simm.s32 @!p1 $0x0  }
0x14: {  	s2 =	sld [smem:$0x3F93];
	s0 =	simm.s32 @p1 $0x1  }
0x15: {  	[smem:$0x3FB0] =	sst s0;
	s0 =	simm.s32 @!p2 $0x0  }
0x16: {  	s3 =	sld [smem:$0x3FDB];
	s0 =	simm.s32 @p2 $0x1  }
0x17: {  	s4 =	simm.s32 $0x1BF5;
	[smem:$0x3FB2] =	sst s0  }
0x18: {  	s0 =	sld [smem:$0x3F95];
	_ =	swait.ge [sflag:s4], $0x0  }
0x19: {  	s7 =	sld [smem:$0x3F96]  }
0x1a: {  	s8 =	sadd.s32 $0xFFFFE003, lr  }
0x1b: {  	s9 =	sadd.s32 $0xFFFFFEF7, lr;
	s5 =	simm.s32 $0xFFFFFFFF;
	p2 =	slt.u32 s8, $0xFFFFF086  }
0x1c: {  	p1 =	slt.u32 s9, $0xF7A;
	s5 =	simm.s32 @!p2 $0x0  }
0x1d: {  	s5 =	simm.s32 @p1 $0x1;
	p0 =	seq.s32 s7, s2  }
0x1e: {  	s7 =	smul.u32 @!p0 $0xF7A, s2;
	p2 =	seq.s32 @!p0 s5, $0x0  }
0x1f: {  	s9 =	smul.u32 $0xF7A, s1;
	s8 =	simm.s32 @!p0 $0x1BF5;
	p2 =	por !p2, p0  }
0x20: {  	[sflag:s8] =	ssyncset.s32 @!p0 $0xFFFFF086;
	s6 =	sadd.s32 @!p0 s3, s7;
	s7 =	simm.s32 @!p0 $0x108  }
0x21: {  	s3 =	sadd.s32 s3, s9;
	s6 =	sadd.s32 @!p0 $0x88, s6;
	s7 =	simm.s32 @p2 $0x1082  }
0x22: {  	[simem:s7], [sflag:s8] =	dma.local @!p0 [hbm:s6], $0xF7A  }
0x23: {  	s9 =	sor.u32 $0xD0000000, s2;
	s6 =	simm.s32 $0x108;
	_ =	swait.ge @!p0 [sflag:s8], $0x0  }
0x24: {  	s3 =	sadd.s32 $0x88, s3;
	s6 =	simm.s32 @!p1 $0x1082;
	[sflag:s4] =	ssyncset.s32 $0xFFFFF086  }
0x25: {  	[simem:s6], [sflag:s4] =	dma.local [hbm:s3], $0xF7A  }
0x26: {  	[smem:$0x3F96] =	sst s1;
	(tag) =	ssettag s2;
	_ =	strace s9  }
0x27: {  	s1 =	sld [smem:$0x3FA6]  }
0x28: {  	s2 =	sld [smem:$0x3FA7]  }
0x29: {  	s4 =	sld [smem:$0x3FA9]  }
0x2a: {  	p0 =	seq.s32 s5, $0x0;
	s5 =	sld [smem:$0x3FAA]  }
0x2b: {  	s6 =	sld [smem:$0x3FAB]  }
0x2c: {  	s7 =	sld [smem:$0x3FAC]  }
0x2d: {  	s3 =	simm.s32 $0x108;
	s8 =	sld [smem:$0x3FAD]  }
0x2e: {  	s3 =	simm.s32 @!p0 $0x1082;
	s9 =	sld [smem:$0x3FAE]  }
0x2f: {  	lr =	sadd.s32 s0, s3;
	s0 =	sld [smem:$0x3FA5]  }
0x30: {  	s3 =	sld [smem:$0x3FA8]  }
0x31: {  	[smem:$0x3FB1] =	sst s10  }
0x32: {  	s10 =	sld [smem:$0x3FAF];
	_ =	sdelay $0x3  }
0x33: {  	p0 =	seq.s32 s10, $0x1;
	s10 =	sld [smem:$0x3FB1];
	_ =	sdelay $0x3  }
0x34: {  	[smem:$0x3FB1] =	sst s10  }
0x35: {  	s10 =	sld [smem:$0x3FB0];
	_ =	sdelay $0x3  }
0x36: {  	p1 =	seq.s32 s10, $0x1;
	s10 =	sld [smem:$0x3FB1];
	_ =	sdelay $0x3  }
0x37: {  	[smem:$0x3FB1] =	sst s10  }
0x38: {  	s10 =	sld [smem:$0x3FB2]  }
0x39: {  	_ = 	snop;
	(pc) =	sbr.ind lr, $3  }
0x3a: {  	_ = 	snop  }
0x3b: {  	_ = 	snop  }
0x3c: {  	p2 =	seq.s32 s10, $0x1;
	s10 =	sld [smem:$0x3FB1]  }
0x3d: {  	_ =	shalt  }
0x3e: {  	_ =	shalt  }
0x3f: {  	_ =	shalt  }
0x40: {  	_ =	shalt  }
0x41: {  	_ =	shalt  }
0x42: {  	_ =	shalt  }
0x43: {  	_ =	shalt  }
0x44: {  	_ =	shalt  }
0x45: {  	_ =	shalt  }
0x46: {  	_ =	shalt  }
0x47: {  	_ =	shalt  }
0x48: {  	_ =	shalt  }
0x49: {  	_ =	shalt  }
0x4a: {  	_ =	shalt  }
0x4b: {  	_ =	shalt  }
0x4c: {  	_ =	shalt  }
0x4d: {  	_ =	shalt  }
0x4e: {  	_ =	shalt  }
0x4f: {  	_ =	shalt  }
0x50: {  	_ =	shalt  }
0x51: {  	_ =	shalt  }
0x52: {  	_ =	shalt  }
0x53: {  	_ =	shalt  }
0x54: {  	_ =	shalt  }
0x55: {  	_ =	shalt  }
0x56: {  	_ =	shalt  }
0x57: {  	_ =	shalt  }
0x58: {  	_ =	shalt  }
0x59: {  	_ =	shalt  }
0x5a: {  	_ =	shalt  }
0x5b: {  	_ =	shalt  }
0x5c: {  	_ =	shalt  }
0x5d: {  	_ =	shalt  }
0x5e: {  	_ =	shalt  }
0x5f: {  	_ =	shalt  }
0x60: {  	_ =	shalt  }
0x61: {  	_ =	shalt  }
0x62: {  	_ =	shalt  }
0x63: {  	_ =	shalt  }
0x64: {  	_ =	shalt  }
0x65: {  	_ =	shalt  }
0x66: {  	_ =	shalt  }
0x67: {  	_ =	shalt  }
0x68: {  	_ =	shalt  }
0x69: {  	_ =	shalt  }
0x6a: {  	_ =	shalt  }
0x6b: {  	_ =	shalt  }
0x6c: {  	_ =	shalt  }
0x6d: {  	_ =	shalt  }
0x6e: {  	_ =	shalt  }
0x6f: {  	_ =	shalt  }
0x70: {  	_ =	shalt  }
0x71: {  	_ =	shalt  }
0x72: {  	_ =	shalt  }
0x73: {  	_ =	shalt  }
0x74: {  	_ =	shalt  }
0x75: {  	_ =	shalt  }
0x76: {  	_ =	shalt  }
0x77: {  	_ =	shalt  }
0x78: {  	_ =	shalt  }
0x79: {  	_ =	shalt  }
0x7a: {  	_ =	shalt  }
0x7b: {  	_ =	shalt  }
0x7c: {  	_ =	shalt  }
0x7d: {  	_ =	shalt  }
0x7e: {  	_ =	shalt  }
0x7f: {  	_ =	shalt  }
0x80: {  	_ =	shalt  }
0x81: {  	_ =	shalt  }
0x82: {  	_ =	shalt  }
0x83: {  	_ =	shalt  }
0x84: {  	_ =	shalt  }
0x85: {  	_ =	shalt  }
0x86: {  	_ =	shalt  }
0x87: {  	_ =	shalt  }
.Lfunc_end0:
.L_simem_size_0:
called_computation.1_lowered:
.L_overlay_start_0:
0x88: {  	s2 =	sld [smem:$0x3FD9]  }
0x89: {  	s3 =	sld [smem:$0x3FFE];
	_ =	sdelay $0x1  }
0x8a: {  	s1 =	srdreg.scid  }
0x8b: {  	s0 =	sand.u32 $0x1, s1  }
0x8c: {  	s17 =	sshll.u32 s0, $0xA;
	s2 =	sadd.s32 s3, s2  }
0x8d: {  	s2 =	sadd.s32 s2, s17  }
0x8e: {  	[smem:$0x3FBD] =	sst s2  }
0x8f: {  	_ = 	snop  }
0x90: {  	s2 =	sld [smem:$0x3FD0];
	(tm) =	ssettm $0x1  }
0x91: {  	s18 =	sld [smem:$0x3FFB];
	_ =	sdelay $0x3  }
0x92: {  	_ =	strace s18  }
0x93: {  	s3 =	sld [smem:$0x3FFC];
	_ =	sdelay $0x3  }
0x94: {  	_ =	strace s3  }
0x95: {  	s3 =	sld [smem:$0x3FFD];
	_ =	sdelay $0x3  }
0x96: {  	_ =	strace s3  }
0x97: {  	_ =	strace $0x8FFFFFFF  }
0x98: {  	s19 =	sld [smem:$0x3FDB];
	_ =	sdelay $0x1  }
0x99: {  	s4 =	simm.s32 $_scs_section_size  }
0x9a: {  	s5 =	simm.s32 $_size__tile_overlayer_lowered;
	s6 =	simm.s32 $_tile_overlayer_lowered  }
0x9b: {  	s22 =	simm.s32 $0x1BFF;
	s21 =	sshll.u32 s6, $0x1;
	s3 =	sadd.s32 s4, s19  }
0x9c: {  	s7 =	simm.s32 $0x0;
	s20 =	sshll.u32 s5, $0x1;
	s5 =	sadd.s32 s21, s3  }
0x9d: {  	[timem:s7], [sflag:s22] =	dma.local [hbm:s5], s20  }
0x9e: {  	_ =	swait.ge [sflag:s22], s20  }
0x9f: {  	s4 =	ssub.s32 $0x0, s20;
	[sflag:s22] =	ssyncset.done $0x0  }
0xa0: {  	[sflag:s22] =	ssyncadd.s32 s4;
	_ =	sdelay $0x1  }
0xa1: {  	s23 =	simm.s32 $0x1B8B  }
0xa2: {  	_ =	swait.ge [sflag:s23], $0x1  }
0xa3: {  	[sflag:s23] =	ssyncset.done $0x0  }
0xa4: {  	s25 =	simm.s32 $0x1B8E;
	s24 =	sld [smem:$0x3FFE];
	[sflag:s23] =	ssyncadd.s32 $0xFFFFFFFF  }
0xa5: {  	s26 =	simm.s32 $execute0_lowered;
	[smem:$0x3FD2] =	sst s25  }
0xa6: {  	s5 =	sshll.u32 s26, $0x1;
	_ =	strace $0x80000049;
	[dreg:$0x1] =	wrdreg $0xFFFFFFFF  }
0xa7: {  	s28 =	simm.s32 $_size_execute0_lowered;
	s3 =	sadd.s32 s3, s5;
	[dreg:$0x0] =	wrdreg $0x0  }
0xa8: {  	s5 =	sshll.u32 s28, $0x1;
	[dreg:$0x2] =	wrdreg s3  }
0xa9: {  	[dreg:$0x3] =	wrdreg s5  }
0xaa: {  	[dreg:$0x4] =	wrdreg $0xC0  }
0xab: {  	_ =	task [dreg:s7], $0x5FFFF  }
0xac: {  	[dreg:$0x1] =	wrdreg $0xFFFFFFFF  }
0xad: {  	[dreg:$0x0] =	wrdreg $0x60  }
0xae: {  	[dreg:$0x2] =	wrdreg s24  }
0xaf: {  	[dreg:$0x3] =	wrdreg s2  }
0xb0: {  	[dreg:$0x4] =	wrdreg $0x82000  }
0xb1: {  	[dreg:$0x5] =	wrdreg $0x9  }
0xb2: {  	_ =	task.clear_ibuf [dreg:s7], $0x6FFFF;
	_ =	strace $0x90000049  }
0xb3: {  	s29 =	simm.s32 $0x9;
	_ =	strace $0x8000004B  }
0xb4: {  	_ =	swait.ge [sflag:s29], $0x1  }
0xb5: {  	[sflag:s29] =	ssyncadd.s32 $0xFFFFFFFF  }
0xb6: {  	_ =	strace $0x9000004B  }
0xb7: {  	_ =	sfence  }
0xb8: {  	s30 =	sld [smem:$0x0];
	_ =	sdelay $0x2  }
0xb9: {  	s31 =	sshll.u32 s1, $0xD;
	s1 =	sshrl.u32 s1, $0x2  }
0xba: {  	s3 =	sand.u32 $0x4000, s31;
	s1 =	sadd.s32 s1, s30  }
0xbb: {  	s0 =	sor.u32 s3, s0;
	s1 =	sshll.u32 s1, $0x11  }
0xbc: {  	s0 =	sor.u32 s1, s0  }
0xbd: {  	s0 =	sadd.s32 $0x8F2B, s0  }
0xbe: {  	[sflag:s0] =	ssyncadd.remote.s32 $0x1  }
0xbf: {  	_ =	sfence.sel $0xFFFF  }
0xc0: {  	[dreg:$0x0] =	wrdreg $0xFFFFFFFF;
	(pc) =	sbr.abs _section_cstart, $3  }
0xc1: {  	[dreg:$0x1] =	wrdreg $0xFFFFFFFF  }
0xc2: {  	_ =	task.clear_ibuf [dreg:s7], $0x2FFFF;
	_ =	strace $0x9FFFFFFF  }
0xc3: {  	(tm) =	ssettm $0x7FFFFFFF  }
tec
execute0_lowered:
.L_overlay_start_1:
0x0: {  	(tag) =	ssettag $0x1  }
0x1: {  	s0 =	rddreg [dreg:$0x0]  }
0x2: {  	s2 =	rddreg [dreg:$0x2];
	s3 =	simm.s32 $0x0;
	s1 =	srdreg.scid  }
0x3: {  	s22 =	stileid.u32;
	s29 =	simm.s32 $0x0;
	[smem:$0x7FF] =	sst s3  }
0x4: {  	s1 =	sand.u32 $0x1, s1;
	s4 =	sadd.s32 $0x1A00, s0;
	s7 =	sadd.s32 $0x6A00, s0  }
0x5: {  	s5 =	sadd.s32 $0x5A400, s0;
	s0 =	sadd.s32 $0x81600, s0;
	s11 =	smul.u32 $0x4F000, s22  }
0x6: {  	p0 =	seq.s32 s22, $0x0;
	s21 =	sshll.u32 s22, $0x5;
	s14 =	smul.u32 $0x13C00, s22  }
0x7: {  	s12 =	sshll.u32 s22, $0x6;
	s16 =	sshll.u32 s22, $0x8;
	_ =	strace $0x8000004A  }
0x8: {  	s6 =	ssub.s32 $0x2, s1;
	s9 =	sshll.u32 s1, $0x4;
	s13 =	smul.u32 $0x138800, s1  }
0x9: {  	s12 =	sor.u32 $0x1C05, s12;
	s1 =	sshll.u32 s1, $0x7;
	s8 =	sshrl.u32 s6, $0x1  }
0xa: {  	s11 =	sshrl.u32 s11, $0x2;
	s1 =	sor.u32 s1, s16;
	s15 =	ssub.s32 s6, s8  }
0xb: {  	s6 =	simm.s32 $0x28;
	s8 =	sor.u32 s9, s21;
	s11 =	sadd.s32 s11, s2  }
0xc: {  	s14 =	sadd.s32 s14, s13;
	s13 =	sshrl.u32 s13, $0x3;
	s26 =	sor.u32 $0x3000, s1  }
0xd: {  	s1 =	sor.u32 $0x2000, s1;
	s6 =	simm.s32 @!p0 $0x27;
	s9 =	sadd.s32 s4, s8  }
0xe: {  	s10 =	sor.u32 $0x200, s8;
	s8 =	sadd.s32 s7, s8;
	s14 =	sshrl.u32 s14, $0x3  }
0xf: {  	s17 =	sadd.s32 s0, s13;
	s15 =	smax.u32 s15, $0x1;
	[dreg:$0x4] =	wrdreg s9  }
0x10: {  	s30 =	sshrl.u32 s1, $0x3;
	[dreg:$0x5] =	wrdreg s8;
	s23 =	sadd.s32 s4, s10  }
0x11: {  	p0 =	seq.s32 s22, $0xF;
	s24 =	sadd.s32 s7, s10;
	[dreg:$0x6] =	wrdreg s23  }
0x12: {  	s0 =	sadd.s32 s0, s14;
	s25 =	sadd.s32 $0x25080, s17;
	[dreg:$0x7] =	wrdreg s24  }
0x13: {  	s16 =	sadd.s32 $0xFFFFFFFE, s6;
	s19 =	sadd.s32 s30, s7;
	[dreg:$0x8] =	wrdreg s0  }
0x14: {  	s20 =	sadd.s32 s30, s4;
	s31 =	sshll.u32 s6, $0x9;
	[dreg:$0x9] =	wrdreg s25  }
0x15: {  	s0 =	sshrl.u32 s26, $0x3;
	s21 =	sadd.s32 $0xFFFFFC00, s31;
	s23 =	simm.s32 $0x80  }
0x16: {  	s25 =	simm.s32 $0x5;
	s28 =	sadd.s32 s0, s7;
	s0 =	sadd.s32 s0, s4  }
0x17: {  	s26 =	simm.s32 $0x1;
	s17 =	sadd.s32 $0xFFFFFE00, s28;
	s18 =	sadd.s32 $0xFFFFFE00, s0  }
.LBB2_1:
0x18: {  	s0 =	rddreg [dreg:$0x4]  }
0x19: {  	s13 =	rddreg [dreg:$0x5]  }
0x1a: {  	[tilespmem:s3], [sflag:$0x1] =	stream.linear.gather [hbm4b:s0+s3], $0x80, $0x38;
	[tilespmem:$0x1BE00] =	vst v63  }
0x1b: {  	s1 =	simm.s32 $0x100;
	s14 =	rddreg [dreg:$0x6]  }
0x1c: {  	[tilespmem:s1], [sflag:$0x1] =	stream.linear.gather [hbm4b:s13+s3], $0x80, $0x38;
	[tilespmem:$0x1BE00] =	vst v63  }
0x1d: {  	s22 =	rddreg [dreg:$0x7]  }
0x1e: {  	[tilespmem:s23], [sflag:$0x2] =	stream.linear.gather [hbm4b:s14+s3], $0x80, $0x38;
	[tilespmem:$0x1BE00] =	vst v63  }
0x1f: {  	s24 =	simm.s32 $0x180;
	s28 =	sshrl.u32 s11, $0x3;
	s30 =	rddreg [dreg:$0x1]  }
0x20: {  	[tilespmem:s24], [sflag:$0x2] =	stream.linear.gather [hbm4b:s22+s3], $0x80, $0x38;
	[tilespmem:$0x1BE00] =	vst v63  }
0x21: {  	[spmem:s28], [sflag:s12] =	dma.local [hbm:s30], $0x2780  }
0x22: {  	_ =	swait.ge [sflag:s25], $0x2780  }
0x23: {  	[sflag:s25] =	ssyncset.done $0x0  }
0x24: {  	[sflag:s25] =	ssyncadd.s32 $0xFFFFD880  }
0x25: {  	[bflag:$0x0] =	sbarrier.arrive $0xFFFF  }
0x26: {  	_ =	swait.ge [sflag:s26], $0x80  }
0x27: {  	p2 =	sne.s32 s21, $0x200;
	[sflag:s26] =	ssyncset.done $0x0  }
.Ltmp0:
0x28: {  	[sflag:s26] =	ssyncadd.s32 $0xFFFFFF80;
	(pc) =	sbr.rel @!p2 .LBB2_2-.Ltmp0, $4  }
0x29: {  	s31 =	simm.s32 $0x200;
	s4 =	simm.s32 $0x2;
	_ =	swait.ge [sflag:s26], $0x80  }
0x2a: {  	p1 =	por $0x0, $0x0;
	s0 =	simm.s32 $0x200;
	[sflag:s26] =	ssyncset.done $0x0  }
0x2b: {  	s1 =	sadd.s32 $0x0, s19;
	s22 =	simm.s32 $0x0;
	[sflag:s26] =	ssyncadd.s32 $0xFFFFFF80  }
0x2c: {  	[tilespmem:s31], [sflag:$0x3] =	stream.indirect.gather [hbm4b:s5+s23], $0x80, s3, s23, $0xb8;
	[tilespmem:$0x1BE00] =	vst v63  }
0x2d: {  	s4 =	sand.u32 $0x1, s22  }
0x2e: {  	s7 =	sadd.s32 $0x3, s4  }
0x2f: {  	_ =	swait.ge [sflag:s7], $0x4000  }
0x30: {  	s22 =	sxor.u32 $0x1, s4;
	[sflag:s7] =	ssyncset.done $0x0  }
0x31: {  	s10 =	sadd.s32 $0x1, s22;
	[sflag:s7] =	ssyncadd.s32 $0xFFFFC000  }
0x32: {  	_ =	swait.ge [sflag:s10], $0x80  }
0x33: {  	[sflag:s10] =	ssyncset.done $0x0  }
0x34: {  	[sflag:s10] =	ssyncadd.s32 $0xFFFFFF80  }
0x35: {  	s24 =	sshll.u32 s4, $0xE;
	s31 =	sshll.u32 s4, $0x7;
	_ =	swait.ge [sflag:s10], $0x80  }
0x36: {  	s28 =	sshll.u32 s22, $0xE;
	s30 =	sadd.s32 $0x3, s22;
	[sflag:s10] =	ssyncset.done $0x0  }
0x37: {  	s22 =	sshll.u32 s22, $0x7;
	s13 =	sor.u32 $0x200, s28;
	[sflag:s10] =	ssyncadd.s32 $0xFFFFFF80  }
0x38: {  	[tilespmem:s13], [sflag:s30] =	stream.indirect.gather [hbm4b:s5+s23], $0x80, s22, s23, $0xb8;
	[tilespmem:$0x1BE00] =	vst v63  }
0x39: {  	p2 =	sne.s32 s21, $0x400;
	s14 =	sor.u32 $0x200, s24;
	s24 =	sor.u32 $0x100, s31  }
0x3a: {  	[spmem:s2] =	stream.indirect.scatter.add.f32 [tilespmem:s14], [sflag:$0x5], $0x80, s24, s23, $0xb8;
	[tilespmem:$0x1BE00] =	vst v63  }
.Ltmp1:
0x3b: {  	_ =	swait.ge [sflag:s25], $0x4000;
	(pc) =	sbr.rel @!p2 .LBB2_4-.Ltmp1, $4  }
0x3c: {  	p1 =	por $0x1, $0x1;
	s28 =	sadd.s32 $0x1, s4;
	[sflag:s25] =	ssyncset.done $0x0  }
0x3d: {  	s4 =	simm.s32 $0x3;
	s22 =	sadd.s32 $0x0, s20;
	[sflag:s25] =	ssyncadd.s32 $0xFFFFC000  }
0x3e: {  	[tilespmem:s31], [sflag:s28] =	stream.linear.gather [hbm4b:s22+s3], $0x80, $0x38;
	[tilespmem:$0x1BE00] =	vst v63  }
0x3f: {  	s30 =	simm.s32 $0x400;
	s31 =	sadd.s32 $0x200, s19;
	s22 =	simm.s32 $0x1  }
.LBB2_5:
0x40: {  	s7 =	sadd.s32 s30, s19;
	s8 =	sand.u32 $0x1, s22  }
0x41: {  	s22 =	smov.u32 s0;
	s0 =	smov.u32 s30;
	s30 =	sadd.s32 $0x200, s30  }
0x42: {  	s9 =	sadd.s32 $0x3, s8;
	s10 =	sshll.u32 s8, $0xE;
	s13 =	sxor.u32 $0x1, s8  }
0x43: {  	[tilespmem:s24], [sflag:s28] =	stream.linear.gather [hbm4b:s1+s3], $0x80, $0x38;
	[tilespmem:$0x1BE00] =	vst v63  }
0x44: {  	p2 =	sne.s32 s21, s30;
	s24 =	sshll.u32 s13, $0xE;
	_ =	swait.ge [sflag:s9], $0x4000  }
0x45: {  	s1 =	smov.u32 s31;
	s31 =	smov.u32 s7;
	[sflag:s9] =	ssyncset.done $0x0  }
0x46: {  	s7 =	sadd.s32 $0x1, s13;
	[sflag:s9] =	ssyncadd.s32 $0xFFFFC000  }
0x47: {  	_ =	swait.ge [sflag:s7], $0x80  }
0x48: {  	[sflag:s7] =	ssyncset.done $0x0  }
0x49: {  	[sflag:s7] =	ssyncadd.s32 $0xFFFFFF80  }
0x4a: {  	_ =	swait.ge [sflag:s7], $0x80  }
0x4b: {  	s14 =	sshll.u32 s8, $0x7;
	s9 =	sadd.s32 $0x3, s13;
	[sflag:s7] =	ssyncset.done $0x0  }
0x4c: {  	s13 =	sshll.u32 s13, $0x7;
	[sflag:s7] =	ssyncadd.s32 $0xFFFFFF80;
	s7 =	sor.u32 $0x200, s24  }
0x4d: {  	[tilespmem:s7], [sflag:s9] =	stream.indirect.gather [hbm4b:s5+s23], $0x80, s13, s23, $0xb8;
	[tilespmem:$0x1BE00] =	vst v63  }
0x4e: {  	s24 =	sor.u32 $0x100, s14;
	s7 =	sor.u32 $0x200, s10  }
0x4f: {  	[spmem:s2] =	stream.indirect.scatter.add.f32 [tilespmem:s7], [sflag:$0x5], $0x80, s24, s23, $0xb8;
	[tilespmem:$0x1BE00] =	vst v63  }
.Ltmp2:
0x50: {  	_ = 	snop;
	(pc) =	sbr.rel @p2 .LBB2_5-.Ltmp2, $4  }
0x51: {  	_ =	swait.ge [sflag:s25], $0x4000  }
0x52: {  	s4 =	sadd.s32 $0x1, s4;
	s7 =	sadd.s32 s22, s20;
	[sflag:s25] =	ssyncset.done $0x0  }
0x53: {  	s28 =	sadd.s32 $0x1, s8;
	s22 =	sadd.s32 $0xFFFFFFFE, s4;
	[sflag:s25] =	ssyncadd.s32 $0xFFFFC000  }
0x54: {  	[tilespmem:s14], [sflag:s28] =	stream.linear.gather [hbm4b:s7+s3], $0x80, $0x38;
	[tilespmem:$0x1BE00] =	vst v63  }
0x55: {  	s7 =	smov.u32 s1;
	s1 =	smov.u32 s31  }
.LBB2_7:
0x56: {  	s8 =	sand.u32 $0x1, s22  }
0x57: {  	[tilespmem:s24], [sflag:s28] =	stream.linear.gather @p1 [hbm4b:s7+s3], $0x80, $0x38;
	[tilespmem:$0x1BE00] =	vst v63  }
0x58: {  	s22 =	sadd.s32 $0x3, s8  }
0x59: {  	_ =	swait.ge [sflag:s22], $0x4000  }
0x5a: {  	s24 =	sxor.u32 $0x1, s8;
	[sflag:s22] =	ssyncset.done $0x0  }
0x5b: {  	s31 =	sadd.s32 $0x1, s24;
	[sflag:s22] =	ssyncadd.s32 $0xFFFFC000  }
0x5c: {  	_ =	swait.ge [sflag:s31], $0x80  }
0x5d: {  	[sflag:s31] =	ssyncset.done $0x0  }
0x5e: {  	[sflag:s31] =	ssyncadd.s32 $0xFFFFFF80  }
0x5f: {  	s9 =	sshll.u32 s8, $0xE;
	s14 =	sshll.u32 s8, $0x7;
	_ =	swait.ge [sflag:s31], $0x80  }
0x60: {  	s10 =	sshll.u32 s24, $0xE;
	s13 =	sadd.s32 $0x3, s24;
	[sflag:s31] =	ssyncset.done $0x0  }
0x61: {  	s7 =	sshll.u32 s24, $0x7;
	s10 =	sor.u32 $0x200, s10;
	[sflag:s31] =	ssyncadd.s32 $0xFFFFFF80  }
0x62: {  	[tilespmem:s10], [sflag:s13] =	stream.indirect.gather [hbm4b:s5+s23], $0x80, s7, s23, $0xb8;
	[tilespmem:$0x1BE00] =	vst v63  }
0x63: {  	s9 =	sor.u32 $0x200, s9;
	s24 =	sor.u32 $0x100, s14  }
0x64: {  	[spmem:s2] =	stream.indirect.scatter.add.f32 [tilespmem:s9], [sflag:$0x5], $0x80, s24, s23, $0xb8;
	[tilespmem:$0x1BE00] =	vst v63  }
0x65: {  	_ =	swait.ge [sflag:s25], $0x4000  }
0x66: {  	[sflag:s25] =	ssyncset.done $0x0  }
0x67: {  	s0 =	sadd.s32 s0, s20;
	s8 =	sadd.s32 $0x1, s8;
	[sflag:s25] =	ssyncadd.s32 $0xFFFFC000  }
0x68: {  	[tilespmem:s14], [sflag:s8] =	stream.linear.gather [hbm4b:s0+s3], $0x80, $0x38;
	[tilespmem:$0x1BE00] =	vst v63  }
0x69: {  	s0 =	sadd.s32 $0x1, s4  }
0x6a: {  	[tilespmem:s24], [sflag:s8] =	stream.linear.gather [hbm4b:s1+s3], $0x80, $0x38;
	[tilespmem:$0x1BE00] =	vst v63  }
0x6b: {  	s1 =	sadd.s32 $0xFFFFFFFE, s0  }
0x6c: {  	s4 =	sand.u32 $0x1, s1  }
0x6d: {  	s28 =	sadd.s32 $0x3, s4  }
0x6e: {  	_ =	swait.ge [sflag:s28], $0x4000  }
0x6f: {  	s14 =	sxor.u32 $0x1, s4;
	[sflag:s28] =	ssyncset.done $0x0  }
0x70: {  	[sflag:s28] =	ssyncadd.s32 $0xFFFFC000;
	s28 =	sadd.s32 $0x1, s14  }
0x71: {  	_ =	swait.ge [sflag:s28], $0x80  }
0x72: {  	[sflag:s28] =	ssyncset.done $0x0  }
0x73: {  	[sflag:s28] =	ssyncadd.s32 $0xFFFFFF80  }
0x74: {  	s8 =	sshll.u32 s14, $0xE;
	_ =	swait.ge [sflag:s28], $0x80  }
0x75: {  	s8 =	sor.u32 $0x200, s8;
	[sflag:s28] =	ssyncset.done $0x0  }
0x76: {  	[sflag:s28] =	ssyncadd.s32 $0xFFFFFF80;
	s28 =	sshll.u32 s14, $0x7;
	s14 =	sadd.s32 $0x3, s14  }
0x77: {  	[tilespmem:s8], [sflag:s14] =	stream.indirect.gather [hbm4b:s5+s23], $0x80, s28, s23, $0xb8;
	[tilespmem:$0x1BE00] =	vst v63  }
0x78: {  	s28 =	sshll.u32 s4, $0xE;
	s14 =	sshll.u32 s4, $0x7  }
0x79: {  	s8 =	sor.u32 $0x200, s28;
	s28 =	sor.u32 $0x100, s14  }
0x7a: {  	[spmem:s2] =	stream.indirect.scatter.add.f32 [tilespmem:s8], [sflag:$0x5], $0x80, s28, s23, $0xb8;
	[tilespmem:$0x1BE00] =	vst v63  }
0x7b: {  	p1 =	sge.u32 s0, s6;
	_ =	swait.ge [sflag:s25], $0x4000  }
0x7c: {  	s0 =	sadd.s32 @!p1 $0x1, s4;
	[sflag:s25] =	ssyncset.done $0x0  }
0x7d: {  	s4 =	sadd.s32 @!p1 s30, s18;
	s8 =	simm.s32 @!p1 $0x0;
	[sflag:s25] =	ssyncadd.s32 $0xFFFFC000  }
0x7e: {  	[tilespmem:s14], [sflag:s0] =	stream.linear.gather @!p1 [hbm4b:s4+s8], $0x80, $0x38;
	[tilespmem:$0x1BE00] =	vst v63  }
0x7f: {  	s4 =	sadd.s32 @!p1 s30, s17  }
0x80: {  	[tilespmem:s28], [sflag:s0] =	stream.linear.gather @!p1 [hbm4b:s4+s8], $0x80, $0x38;
	[tilespmem:$0x1BE00] =	vst v63  }
0x81: {  	_ =	swait.ge [sflag:s22], $0x4000  }
0x82: {  	[sflag:s22] =	ssyncset.done $0x0  }
0x83: {  	p1 =	sge.u32 s1, s16;
	[sflag:s22] =	ssyncadd.s32 $0xFFFFC000  }
0x84: {  	_ =	swait.ge @!p1 [sflag:s31], $0x80  }
0x85: {  	[sflag:s31] =	ssyncset.done @!p1 $0x0  }
0x86: {  	[sflag:s31] =	ssyncadd.s32 @!p1 $0xFFFFFF80  }
0x87: {  	_ =	swait.ge @!p1 [sflag:s31], $0x80  }
0x88: {  	[sflag:s31] =	ssyncset.done @!p1 $0x0  }
0x89: {  	s0 =	simm.s32 @!p1 $0x80;
	[sflag:s31] =	ssyncadd.s32 @!p1 $0xFFFFFF80  }
0x8a: {  	[tilespmem:s10], [sflag:s13] =	stream.indirect.gather @!p1 [hbm4b:s5+s0], $0x80, s7, s0, $0xb8;
	[tilespmem:$0x1BE00] =	vst v63  }
0x8b: {  	_ = 	snop  }
0x8c: {  	[spmem:s2] =	stream.indirect.scatter.add.f32 [tilespmem:s9], [sflag:$0x5], $0x80, s24, s23, $0xb8;
	[tilespmem:$0x1BE00] =	vst v63  }
0x8d: {  	_ =	swait.ge [sflag:s25], $0x4000  }
0x8e: {  	[sflag:s25] =	ssyncset.done $0x0  }
0x8f: {  	[sflag:s25] =	ssyncadd.s32 $0xFFFFC000  }
0x90: {  	[bflag:$0x0] =	sbarrier.arrive $0xFFFF  }
0x91: {  	s0 =	sshrl.u32 @p0 s11, $0x3;
	s1 =	rddreg [dreg:$0x9]  }
0x92: {  	[hbm:s1], [sflag:s12] =	dma.local @p0 [spmem:s0], $0x2080  }
0x93: {  	s0 =	simm.s32 @p0 $0x5  }
0x94: {  	s29 =	sadd.s32 $0x1, s29;
	_ =	swait.ge @p0 [sflag:s0], $0x2080  }
0x95: {  	p1 =	sne.s32 s29, s15;
	[sflag:s0] =	ssyncset.done @p0 $0x0  }
0x96: {  	s1 =	rddreg [dreg:$0x8];
	[sflag:s0] =	ssyncadd.s32 @p0 $0xFFFFDF80;
	s0 =	sshrl.u32 @!p0 s11, $0x3  }
0x97: {  	[hbm:s1], [sflag:s12] =	dma.local @!p0 [spmem:s0], $0x2780  }
.Ltmp3:
0x98: {  	_ = 	snop;
	(pc) =	sbr.rel @p1 .LBB2_1-.Ltmp3, $4  }
.Ltmp4:
0x99: {  	s0 =	simm.s32 @!p0 $0x5;
	(pc) =	sbr.rel @!p1 .LBB2_8-.Ltmp4, $4  }
0x9a: {  	_ =	swait.ge @!p0 [sflag:s0], $0x2780  }
0x9b: {  	[sflag:s0] =	ssyncset.done @!p0 $0x0  }
0x9c: {  	[sflag:s0] =	ssyncadd.s32 @!p0 $0xFFFFD880  }
0x9d: {  	_ = 	snop  }
.LBB2_2:
.Ltmp5:
0x9e: {  	(pc) =	sbr.rel .LBB2_7-.Ltmp5, $2  }
0x9f: {  	_ =	sdelay $0x2  }
0xa0: {  	s30 =	simm.s32 $0x200;
	s0 =	simm.s32 $0x0  }
.LBB2_4:
.Ltmp6:
0xa1: {  	(pc) =	sbr.rel .LBB2_7-.Ltmp6, $2  }
0xa2: {  	_ =	sdelay $0x2  }
0xa3: {  	s7 =	smov.u32 s1;
	s1 =	smov.u32 s31  }
.LBB2_8:
0xa4: {  	_ =	sfence.sel $0x180000  }
0xa5: {  	[bflag:$0x0] =	sbarrier.arrive $0xFFFF  }
0xa6: {  	_ =	strace $0x9000004A  }
0xa7: {  	s0 =	stileid.u32;
	[bflag:$0x2] =	sbarrier.arrive $0xFFFF  }
0xa8: {  	p0 =	sne.s32 s0, $0x0;
	s0 =	rddreg [dreg:$0x3]  }
0xa9: {  	s0 =	sadd.s32 @!p0 $0x100000, s0  }
0xaa: {  	[sflag:s0] =	ssyncadd.tile.s32 @!p0 $0x1;
	_ =	shalt  }
.Lfunc_end2:
_tile_overlayer_lowered:
.L_overlay_start_2:
0xab: {  	(tag) =	ssettag $0x2  }
0xac: {  	s0 =	rddreg [dreg:$0x0];
	s2 =	stileid.u32  }
0xad: {  	s1 =	rddreg [dreg:$0x1];
	p0 =	sne.s32 s2, $0x0  }
0xae: {  	s3 =	rddreg [dreg:$0x2];
	[bflag:$0x3] =	sbarrier.arrive $0xFFFF;
	s2 =	simm.s32 @!p0 $0x1C05  }
0xaf: {  	[timem:s3], [sflag:s2] =	dma.local @!p0 [hbm:s0], s1  }
0xb0: {  	s0 =	simm.s32 @!p0 $0x5  }
0xb1: {  	_ =	swait.ge @!p0 [sflag:s0], s1  }
0xb2: {  	s1 =	ssub.s32 @!p0 $0x0, s1;
	[sflag:s0] =	ssyncset.done @!p0 $0x0  }
0xb3: {  	[sflag:s0] =	ssyncadd.s32 @!p0 s1  }
0xb4: {  	[bflag:$0x3] =	sbarrier.arrive $0xFFFF  }
0xb5: {  	_ =	shalt  }

// kernel: kernel.18.cloned.1.call-start
scs
__scs_entry_jumppad:
0x0: {  	(pc) =	sbr.rel $0x88, $3  }
0x1: {  	(tag) =	ssettag $0x0;
	lr =	simm.s32 $0x1  }
0x2: {  	[smem:$0x3F96] =	sst lr;
	_ =	strace $0xD0000000  }
0x3: {  	_ = 	snop  }
0x4: {  	_ = 	snop  }
0x5: {  	_ = 	snop  }
0x6: {  	_ = 	snop  }
0x7: {  	_ = 	snop  }
__scs_overlays_trampoline_lowered:
0x8: {  	[smem:$0x3FA5] =	sst s0  }
0x9: {  	[smem:$0x3FA6] =	sst s1  }
0xa: {  	[smem:$0x3FA7] =	sst s2  }
0xb: {  	[smem:$0x3FA8] =	sst s3  }
0xc: {  	[smem:$0x3FA9] =	sst s4  }
0xd: {  	[smem:$0x3FAA] =	sst s5  }
0xe: {  	[smem:$0x3FAB] =	sst s6  }
0xf: {  	[smem:$0x3FAC] =	sst s7  }
0x10: {  	[smem:$0x3FAD] =	sst s8  }
0x11: {  	[smem:$0x3FAE] =	sst s9;
	s0 =	simm.s32 @!p0 $0x0  }
0x12: {  	s1 =	sld [smem:$0x3F94];
	s0 =	simm.s32 @p0 $0x1  }
0x13: {  	[smem:$0x3FAF] =	sst s0;
	s0 =	simm.s32 @!p1 $0x0  }
0x14: {  	s2 =	sld [smem:$0x3F93];
	s0 =	simm.s32 @p1 $0x1  }
0x15: {  	[smem:$0x3FB0] =	sst s0;
	s0 =	simm.s32 @!p2 $0x0  }
0x16: {  	s3 =	sld [smem:$0x3FDB];
	s0 =	simm.s32 @p2 $0x1  }
0x17: {  	s4 =	simm.s32 $0x1BF5;
	[smem:$0x3FB2] =	sst s0  }
0x18: {  	s0 =	sld [smem:$0x3F95];
	_ =	swait.ge [sflag:s4], $0x0  }
0x19: {  	s7 =	sld [smem:$0x3F96]  }
0x1a: {  	s8 =	sadd.s32 $0xFFFFE003, lr  }
0x1b: {  	s9 =	sadd.s32 $0xFFFFFEF7, lr;
	s5 =	simm.s32 $0xFFFFFFFF;
	p2 =	slt.u32 s8, $0xFFFFF086  }
0x1c: {  	p1 =	slt.u32 s9, $0xF7A;
	s5 =	simm.s32 @!p2 $0x0  }
0x1d: {  	s5 =	simm.s32 @p1 $0x1;
	p0 =	seq.s32 s7, s2  }
0x1e: {  	s7 =	smul.u32 @!p0 $0xF7A, s2;
	p2 =	seq.s32 @!p0 s5, $0x0  }
0x1f: {  	s9 =	smul.u32 $0xF7A, s1;
	s8 =	simm.s32 @!p0 $0x1BF5;
	p2 =	por !p2, p0  }
0x20: {  	[sflag:s8] =	ssyncset.s32 @!p0 $0xFFFFF086;
	s6 =	sadd.s32 @!p0 s3, s7;
	s7 =	simm.s32 @!p0 $0x108  }
0x21: {  	s3 =	sadd.s32 s3, s9;
	s6 =	sadd.s32 @!p0 $0x88, s6;
	s7 =	simm.s32 @p2 $0x1082  }
0x22: {  	[simem:s7], [sflag:s8] =	dma.local @!p0 [hbm:s6], $0xF7A  }
0x23: {  	s9 =	sor.u32 $0xD0000000, s2;
	s6 =	simm.s32 $0x108;
	_ =	swait.ge @!p0 [sflag:s8], $0x0  }
0x24: {  	s3 =	sadd.s32 $0x88, s3;
	s6 =	simm.s32 @!p1 $0x1082;
	[sflag:s4] =	ssyncset.s32 $0xFFFFF086  }
0x25: {  	[simem:s6], [sflag:s4] =	dma.local [hbm:s3], $0xF7A  }
0x26: {  	[smem:$0x3F96] =	sst s1;
	(tag) =	ssettag s2;
	_ =	strace s9  }
0x27: {  	s1 =	sld [smem:$0x3FA6]  }
0x28: {  	s2 =	sld [smem:$0x3FA7]  }
0x29: {  	s4 =	sld [smem:$0x3FA9]  }
0x2a: {  	p0 =	seq.s32 s5, $0x0;
	s5 =	sld [smem:$0x3FAA]  }
0x2b: {  	s6 =	sld [smem:$0x3FAB]  }
0x2c: {  	s7 =	sld [smem:$0x3FAC]  }
0x2d: {  	s3 =	simm.s32 $0x108;
	s8 =	sld [smem:$0x3FAD]  }
0x2e: {  	s3 =	simm.s32 @!p0 $0x1082;
	s9 =	sld [smem:$0x3FAE]  }
0x2f: {  	lr =	sadd.s32 s0, s3;
	s0 =	sld [smem:$0x3FA5]  }
0x30: {  	s3 =	sld [smem:$0x3FA8]  }
0x31: {  	[smem:$0x3FB1] =	sst s10  }
0x32: {  	s10 =	sld [smem:$0x3FAF];
	_ =	sdelay $0x3  }
0x33: {  	p0 =	seq.s32 s10, $0x1;
	s10 =	sld [smem:$0x3FB1];
	_ =	sdelay $0x3  }
0x34: {  	[smem:$0x3FB1] =	sst s10  }
0x35: {  	s10 =	sld [smem:$0x3FB0];
	_ =	sdelay $0x3  }
0x36: {  	p1 =	seq.s32 s10, $0x1;
	s10 =	sld [smem:$0x3FB1];
	_ =	sdelay $0x3  }
0x37: {  	[smem:$0x3FB1] =	sst s10  }
0x38: {  	s10 =	sld [smem:$0x3FB2]  }
0x39: {  	_ = 	snop;
	(pc) =	sbr.ind lr, $3  }
0x3a: {  	_ = 	snop  }
0x3b: {  	_ = 	snop  }
0x3c: {  	p2 =	seq.s32 s10, $0x1;
	s10 =	sld [smem:$0x3FB1]  }
0x3d: {  	_ =	shalt  }
0x3e: {  	_ =	shalt  }
0x3f: {  	_ =	shalt  }
0x40: {  	_ =	shalt  }
0x41: {  	_ =	shalt  }
0x42: {  	_ =	shalt  }
0x43: {  	_ =	shalt  }
0x44: {  	_ =	shalt  }
0x45: {  	_ =	shalt  }
0x46: {  	_ =	shalt  }
0x47: {  	_ =	shalt  }
0x48: {  	_ =	shalt  }
0x49: {  	_ =	shalt  }
0x4a: {  	_ =	shalt  }
0x4b: {  	_ =	shalt  }
0x4c: {  	_ =	shalt  }
0x4d: {  	_ =	shalt  }
0x4e: {  	_ =	shalt  }
0x4f: {  	_ =	shalt  }
0x50: {  	_ =	shalt  }
0x51: {  	_ =	shalt  }
0x52: {  	_ =	shalt  }
0x53: {  	_ =	shalt  }
0x54: {  	_ =	shalt  }
0x55: {  	_ =	shalt  }
0x56: {  	_ =	shalt  }
0x57: {  	_ =	shalt  }
0x58: {  	_ =	shalt  }
0x59: {  	_ =	shalt  }
0x5a: {  	_ =	shalt  }
0x5b: {  	_ =	shalt  }
0x5c: {  	_ =	shalt  }
0x5d: {  	_ =	shalt  }
0x5e: {  	_ =	shalt  }
0x5f: {  	_ =	shalt  }
0x60: {  	_ =	shalt  }
0x61: {  	_ =	shalt  }
0x62: {  	_ =	shalt  }
0x63: {  	_ =	shalt  }
0x64: {  	_ =	shalt  }
0x65: {  	_ =	shalt  }
0x66: {  	_ =	shalt  }
0x67: {  	_ =	shalt  }
0x68: {  	_ =	shalt  }
0x69: {  	_ =	shalt  }
0x6a: {  	_ =	shalt  }
0x6b: {  	_ =	shalt  }
0x6c: {  	_ =	shalt  }
0x6d: {  	_ =	shalt  }
0x6e: {  	_ =	shalt  }
0x6f: {  	_ =	shalt  }
0x70: {  	_ =	shalt  }
0x71: {  	_ =	shalt  }
0x72: {  	_ =	shalt  }
0x73: {  	_ =	shalt  }
0x74: {  	_ =	shalt  }
0x75: {  	_ =	shalt  }
0x76: {  	_ =	shalt  }
0x77: {  	_ =	shalt  }
0x78: {  	_ =	shalt  }
0x79: {  	_ =	shalt  }
0x7a: {  	_ =	shalt  }
0x7b: {  	_ =	shalt  }
0x7c: {  	_ =	shalt  }
0x7d: {  	_ =	shalt  }
0x7e: {  	_ =	shalt  }
0x7f: {  	_ =	shalt  }
0x80: {  	_ =	shalt  }
0x81: {  	_ =	shalt  }
0x82: {  	_ =	shalt  }
0x83: {  	_ =	shalt  }
0x84: {  	_ =	shalt  }
0x85: {  	_ =	shalt  }
0x86: {  	_ =	shalt  }
0x87: {  	_ =	shalt  }
.Lfunc_end0:
.L_simem_size_0:
called_computation.2_lowered:
.L_overlay_start_0:
0x88: {  	s2 =	sld [smem:$0x3FD9]  }
0x89: {  	s3 =	sld [smem:$0x3FFE];
	_ =	sdelay $0x1  }
0x8a: {  	s1 =	srdreg.scid  }
0x8b: {  	s0 =	sand.u32 $0x1, s1  }
0x8c: {  	s17 =	sshll.u32 s0, $0xA;
	s2 =	sadd.s32 s3, s2  }
0x8d: {  	s2 =	sadd.s32 s2, s17  }
0x8e: {  	[smem:$0x3FBD] =	sst s2  }
0x8f: {  	_ = 	snop  }
0x90: {  	s2 =	sld [smem:$0x3FD0];
	(tm) =	ssettm $0x1  }
0x91: {  	s18 =	sld [smem:$0x3FFB];
	_ =	sdelay $0x3  }
0x92: {  	_ =	strace s18  }
0x93: {  	s3 =	sld [smem:$0x3FFC];
	_ =	sdelay $0x3  }
0x94: {  	_ =	strace s3  }
0x95: {  	s3 =	sld [smem:$0x3FFD];
	_ =	sdelay $0x3  }
0x96: {  	_ =	strace s3  }
0x97: {  	_ =	strace $0x8FFFFFFF  }
0x98: {  	s19 =	sld [smem:$0x3FDB];
	_ =	sdelay $0x1  }
0x99: {  	s4 =	simm.s32 $_scs_section_size  }
0x9a: {  	s5 =	simm.s32 $_size__tile_overlayer_lowered;
	s6 =	simm.s32 $_tile_overlayer_lowered  }
0x9b: {  	s22 =	simm.s32 $0x1BFF;
	s21 =	sshll.u32 s6, $0x1;
	s3 =	sadd.s32 s4, s19  }
0x9c: {  	s7 =	simm.s32 $0x0;
	s20 =	sshll.u32 s5, $0x1;
	s5 =	sadd.s32 s21, s3  }
0x9d: {  	[timem:s7], [sflag:s22] =	dma.local [hbm:s5], s20  }
0x9e: {  	_ =	swait.ge [sflag:s22], s20  }
0x9f: {  	s4 =	ssub.s32 $0x0, s20;
	[sflag:s22] =	ssyncset.done $0x0  }
0xa0: {  	[sflag:s22] =	ssyncadd.s32 s4;
	_ =	sdelay $0x1  }
0xa1: {  	s23 =	simm.s32 $0x1B8B  }
0xa2: {  	_ =	swait.ge [sflag:s23], $0x1  }
0xa3: {  	[sflag:s23] =	ssyncset.done $0x0  }
0xa4: {  	s25 =	simm.s32 $0x1B8E;
	s24 =	sld [smem:$0x3FFE];
	[sflag:s23] =	ssyncadd.s32 $0xFFFFFFFF  }
0xa5: {  	s26 =	simm.s32 $execute0_lowered;
	[smem:$0x3FD2] =	sst s25  }
0xa6: {  	s5 =	sshll.u32 s26, $0x1;
	_ =	strace $0x8000004C;
	[dreg:$0x1] =	wrdreg $0xFFFFFFFF  }
0xa7: {  	s28 =	simm.s32 $_size_execute0_lowered;
	s3 =	sadd.s32 s3, s5;
	[dreg:$0x0] =	wrdreg $0x0  }
0xa8: {  	s5 =	sshll.u32 s28, $0x1;
	[dreg:$0x2] =	wrdreg s3  }
0xa9: {  	[dreg:$0x3] =	wrdreg s5  }
0xaa: {  	[dreg:$0x4] =	wrdreg $0xC0  }
0xab: {  	_ =	task [dreg:s7], $0x5FFFF  }
0xac: {  	[dreg:$0x1] =	wrdreg $0xFFFFFFFF  }
0xad: {  	[dreg:$0x0] =	wrdreg $0x60  }
0xae: {  	[dreg:$0x2] =	wrdreg s24  }
0xaf: {  	[dreg:$0x3] =	wrdreg s2  }
0xb0: {  	[dreg:$0x4] =	wrdreg $0x82000  }
0xb1: {  	[dreg:$0x5] =	wrdreg $0x9  }
0xb2: {  	_ =	task.clear_ibuf [dreg:s7], $0x6FFFF;
	_ =	strace $0x9000004C  }
0xb3: {  	s29 =	simm.s32 $0x9;
	_ =	strace $0x8000004E  }
0xb4: {  	_ =	swait.ge [sflag:s29], $0x1  }
0xb5: {  	[sflag:s29] =	ssyncadd.s32 $0xFFFFFFFF  }
0xb6: {  	_ =	strace $0x9000004E  }
0xb7: {  	_ =	sfence  }
0xb8: {  	s30 =	sld [smem:$0x0];
	_ =	sdelay $0x2  }
0xb9: {  	s31 =	sshll.u32 s1, $0xD;
	s1 =	sshrl.u32 s1, $0x2  }
0xba: {  	s3 =	sand.u32 $0x4000, s31;
	s1 =	sadd.s32 s1, s30  }
0xbb: {  	s0 =	sor.u32 s3, s0;
	s1 =	sshll.u32 s1, $0x11  }
0xbc: {  	s0 =	sor.u32 s1, s0  }
0xbd: {  	s0 =	sadd.s32 $0x8F2B, s0  }
0xbe: {  	[sflag:s0] =	ssyncadd.remote.s32 $0x1  }
0xbf: {  	_ =	sfence.sel $0xFFFF  }
0xc0: {  	[dreg:$0x0] =	wrdreg $0xFFFFFFFF;
	(pc) =	sbr.abs _section_cstart, $3  }
0xc1: {  	[dreg:$0x1] =	wrdreg $0xFFFFFFFF  }
0xc2: {  	_ =	task.clear_ibuf [dreg:s7], $0x2FFFF;
	_ =	strace $0x9FFFFFFF  }
0xc3: {  	(tm) =	ssettm $0x7FFFFFFF  }
tec
execute0_lowered:
.L_overlay_start_1:
0x0: {  	(tag) =	ssettag $0x1  }
0x1: {  	s0 =	rddreg [dreg:$0x0]  }
0x2: {  	s2 =	rddreg [dreg:$0x2];
	s3 =	simm.s32 $0x0;
	s1 =	srdreg.scid  }
0x3: {  	s22 =	stileid.u32;
	s29 =	simm.s32 $0x0;
	[smem:$0x7FF] =	sst s3  }
0x4: {  	s1 =	sand.u32 $0x1, s1;
	s4 =	sadd.s32 $0x1A00, s0;
	s7 =	sadd.s32 $0x6A00, s0  }
0x5: {  	s5 =	sadd.s32 $0x5A400, s0;
	s0 =	sadd.s32 $0x81600, s0;
	s11 =	smul.u32 $0x4F000, s22  }
0x6: {  	p0 =	seq.s32 s22, $0x0;
	s21 =	sshll.u32 s22, $0x5;
	s14 =	smul.u32 $0x13C00, s22  }
0x7: {  	s12 =	sshll.u32 s22, $0x6;
	s16 =	sshll.u32 s22, $0x8;
	_ =	strace $0x8000004D  }
0x8: {  	s6 =	ssub.s32 $0x2, s1;
	s9 =	sshll.u32 s1, $0x4;
	s13 =	smul.u32 $0x138800, s1  }
0x9: {  	s12 =	sor.u32 $0x1C05, s12;
	s1 =	sshll.u32 s1, $0x7;
	s8 =	sshrl.u32 s6, $0x1  }
0xa: {  	s11 =	sshrl.u32 s11, $0x2;
	s1 =	sor.u32 s1, s16;
	s15 =	ssub.s32 s6, s8  }
0xb: {  	s6 =	simm.s32 $0x28;
	s8 =	sor.u32 s9, s21;
	s11 =	sadd.s32 s11, s2  }
0xc: {  	s14 =	sadd.s32 s14, s13;
	s13 =	sshrl.u32 s13, $0x3;
	s26 =	sor.u32 $0x3000, s1  }
0xd: {  	s1 =	sor.u32 $0x2000, s1;
	s6 =	simm.s32 @!p0 $0x27;
	s9 =	sadd.s32 s4, s8  }
0xe: {  	s10 =	sor.u32 $0x200, s8;
	s8 =	sadd.s32 s7, s8;
	s14 =	sshrl.u32 s14, $0x3  }
0xf: {  	s17 =	sadd.s32 s0, s13;
	s15 =	smax.u32 s15, $0x1;
	[dreg:$0x4] =	wrdreg s9  }
0x10: {  	s30 =	sshrl.u32 s1, $0x3;
	[dreg:$0x5] =	wrdreg s8;
	s23 =	sadd.s32 s4, s10  }
0x11: {  	p0 =	seq.s32 s22, $0xF;
	s24 =	sadd.s32 s7, s10;
	[dreg:$0x6] =	wrdreg s23  }
0x12: {  	s0 =	sadd.s32 s0, s14;
	s25 =	sadd.s32 $0x25080, s17;
	[dreg:$0x7] =	wrdreg s24  }
0x13: {  	s16 =	sadd.s32 $0xFFFFFFFE, s6;
	s19 =	sadd.s32 s30, s7;
	[dreg:$0x8] =	wrdreg s0  }
0x14: {  	s20 =	sadd.s32 s30, s4;
	s31 =	sshll.u32 s6, $0x9;
	[dreg:$0x9] =	wrdreg s25  }
0x15: {  	s0 =	sshrl.u32 s26, $0x3;
	s21 =	sadd.s32 $0xFFFFFC00, s31;
	s23 =	simm.s32 $0x80  }
0x16: {  	s25 =	simm.s32 $0x5;
	s28 =	sadd.s32 s0, s7;
	s0 =	sadd.s32 s0, s4  }
0x17: {  	s26 =	simm.s32 $0x1;
	s17 =	sadd.s32 $0xFFFFFE00, s28;
	s18 =	sadd.s32 $0xFFFFFE00, s0  }
.LBB2_1:
0x18: {  	s0 =	rddreg [dreg:$0x4]  }
0x19: {  	s13 =	rddreg [dreg:$0x5]  }
0x1a: {  	[tilespmem:s3], [sflag:$0x1] =	stream.linear.gather [hbm4b:s0+s3], $0x80, $0x38;
	[tilespmem:$0x1BE00] =	vst v63  }
0x1b: {  	s1 =	simm.s32 $0x100;
	s14 =	rddreg [dreg:$0x6]  }
0x1c: {  	[tilespmem:s1], [sflag:$0x1] =	stream.linear.gather [hbm4b:s13+s3], $0x80, $0x38;
	[tilespmem:$0x1BE00] =	vst v63  }
0x1d: {  	s22 =	rddreg [dreg:$0x7]  }
0x1e: {  	[tilespmem:s23], [sflag:$0x2] =	stream.linear.gather [hbm4b:s14+s3], $0x80, $0x38;
	[tilespmem:$0x1BE00] =	vst v63  }
0x1f: {  	s24 =	simm.s32 $0x180;
	s28 =	sshrl.u32 s11, $0x3;
	s30 =	rddreg [dreg:$0x1]  }
0x20: {  	[tilespmem:s24], [sflag:$0x2] =	stream.linear.gather [hbm4b:s22+s3], $0x80, $0x38;
	[tilespmem:$0x1BE00] =	vst v63  }
0x21: {  	[spmem:s28], [sflag:s12] =	dma.local [hbm:s30], $0x2780  }
0x22: {  	_ =	swait.ge [sflag:s25], $0x2780  }
0x23: {  	[sflag:s25] =	ssyncset.done $0x0  }
0x24: {  	[sflag:s25] =	ssyncadd.s32 $0xFFFFD880  }
0x25: {  	[bflag:$0x0] =	sbarrier.arrive $0xFFFF  }
0x26: {  	_ =	swait.ge [sflag:s26], $0x80  }
0x27: {  	p2 =	sne.s32 s21, $0x200;
	[sflag:s26] =	ssyncset.done $0x0  }
.Ltmp0:
0x28: {  	[sflag:s26] =	ssyncadd.s32 $0xFFFFFF80;
	(pc) =	sbr.rel @!p2 .LBB2_2-.Ltmp0, $4  }
0x29: {  	s31 =	simm.s32 $0x200;
	s4 =	simm.s32 $0x2;
	_ =	swait.ge [sflag:s26], $0x80  }
0x2a: {  	p1 =	por $0x0, $0x0;
	s0 =	simm.s32 $0x200;
	[sflag:s26] =	ssyncset.done $0x0  }
0x2b: {  	s1 =	sadd.s32 $0x0, s19;
	s22 =	simm.s32 $0x0;
	[sflag:s26] =	ssyncadd.s32 $0xFFFFFF80  }
0x2c: {  	[tilespmem:s31], [sflag:$0x3] =	stream.indirect.gather [hbm4b:s5+s23], $0x80, s3, s23, $0xb8;
	[tilespmem:$0x1BE00] =	vst v63  }
0x2d: {  	s4 =	sand.u32 $0x1, s22  }
0x2e: {  	s7 =	sadd.s32 $0x3, s4  }
0x2f: {  	_ =	swait.ge [sflag:s7], $0x4000  }
0x30: {  	s22 =	sxor.u32 $0x1, s4;
	[sflag:s7] =	ssyncset.done $0x0  }
0x31: {  	s10 =	sadd.s32 $0x1, s22;
	[sflag:s7] =	ssyncadd.s32 $0xFFFFC000  }
0x32: {  	_ =	swait.ge [sflag:s10], $0x80  }
0x33: {  	[sflag:s10] =	ssyncset.done $0x0  }
0x34: {  	[sflag:s10] =	ssyncadd.s32 $0xFFFFFF80  }
0x35: {  	s24 =	sshll.u32 s4, $0xE;
	s31 =	sshll.u32 s4, $0x7;
	_ =	swait.ge [sflag:s10], $0x80  }
0x36: {  	s28 =	sshll.u32 s22, $0xE;
	s30 =	sadd.s32 $0x3, s22;
	[sflag:s10] =	ssyncset.done $0x0  }
0x37: {  	s22 =	sshll.u32 s22, $0x7;
	s13 =	sor.u32 $0x200, s28;
	[sflag:s10] =	ssyncadd.s32 $0xFFFFFF80  }
0x38: {  	[tilespmem:s13], [sflag:s30] =	stream.indirect.gather [hbm4b:s5+s23], $0x80, s22, s23, $0xb8;
	[tilespmem:$0x1BE00] =	vst v63  }
0x39: {  	p2 =	sne.s32 s21, $0x400;
	s14 =	sor.u32 $0x200, s24;
	s24 =	sor.u32 $0x100, s31  }
0x3a: {  	[spmem:s2] =	stream.indirect.scatter.add.f32 [tilespmem:s14], [sflag:$0x5], $0x80, s24, s23, $0xb8;
	[tilespmem:$0x1BE00] =	vst v63  }
.Ltmp1:
0x3b: {  	_ =	swait.ge [sflag:s25], $0x4000;
	(pc) =	sbr.rel @!p2 .LBB2_4-.Ltmp1, $4  }
0x3c: {  	p1 =	por $0x1, $0x1;
	s28 =	sadd.s32 $0x1, s4;
	[sflag:s25] =	ssyncset.done $0x0  }
0x3d: {  	s4 =	simm.s32 $0x3;
	s22 =	sadd.s32 $0x0, s20;
	[sflag:s25] =	ssyncadd.s32 $0xFFFFC000  }
0x3e: {  	[tilespmem:s31], [sflag:s28] =	stream.linear.gather [hbm4b:s22+s3], $0x80, $0x38;
	[tilespmem:$0x1BE00] =	vst v63  }
0x3f: {  	s30 =	simm.s32 $0x400;
	s31 =	sadd.s32 $0x200, s19;
	s22 =	simm.s32 $0x1  }
.LBB2_5:
0x40: {  	s7 =	sadd.s32 s30, s19;
	s8 =	sand.u32 $0x1, s22  }
0x41: {  	s22 =	smov.u32 s0;
	s0 =	smov.u32 s30;
	s30 =	sadd.s32 $0x200, s30  }
0x42: {  	s9 =	sadd.s32 $0x3, s8;
	s10 =	sshll.u32 s8, $0xE;
	s13 =	sxor.u32 $0x1, s8  }
0x43: {  	[tilespmem:s24], [sflag:s28] =	stream.linear.gather [hbm4b:s1+s3], $0x80, $0x38;
	[tilespmem:$0x1BE00] =	vst v63  }
0x44: {  	p2 =	sne.s32 s21, s30;
	s24 =	sshll.u32 s13, $0xE;
	_ =	swait.ge [sflag:s9], $0x4000  }
0x45: {  	s1 =	smov.u32 s31;
	s31 =	smov.u32 s7;
	[sflag:s9] =	ssyncset.done $0x0  }
0x46: {  	s7 =	sadd.s32 $0x1, s13;
	[sflag:s9] =	ssyncadd.s32 $0xFFFFC000  }
0x47: {  	_ =	swait.ge [sflag:s7], $0x80  }
0x48: {  	[sflag:s7] =	ssyncset.done $0x0  }
0x49: {  	[sflag:s7] =	ssyncadd.s32 $0xFFFFFF80  }
0x4a: {  	_ =	swait.ge [sflag:s7], $0x80  }
0x4b: {  	s14 =	sshll.u32 s8, $0x7;
	s9 =	sadd.s32 $0x3, s13;
	[sflag:s7] =	ssyncset.done $0x0  }
0x4c: {  	s13 =	sshll.u32 s13, $0x7;
	[sflag:s7] =	ssyncadd.s32 $0xFFFFFF80;
	s7 =	sor.u32 $0x200, s24  }
0x4d: {  	[tilespmem:s7], [sflag:s9] =	stream.indirect.gather [hbm4b:s5+s23], $0x80, s13, s23, $0xb8;
	[tilespmem:$0x1BE00] =	vst v63  }
0x4e: {  	s24 =	sor.u32 $0x100, s14;
	s7 =	sor.u32 $0x200, s10  }
0x4f: {  	[spmem:s2] =	stream.indirect.scatter.add.f32 [tilespmem:s7], [sflag:$0x5], $0x80, s24, s23, $0xb8;
	[tilespmem:$0x1BE00] =	vst v63  }
.Ltmp2:
0x50: {  	_ = 	snop;
	(pc) =	sbr.rel @p2 .LBB2_5-.Ltmp2, $4  }
0x51: {  	_ =	swait.ge [sflag:s25], $0x4000  }
0x52: {  	s4 =	sadd.s32 $0x1, s4;
	s7 =	sadd.s32 s22, s20;
	[sflag:s25] =	ssyncset.done $0x0  }
0x53: {  	s28 =	sadd.s32 $0x1, s8;
	s22 =	sadd.s32 $0xFFFFFFFE, s4;
	[sflag:s25] =	ssyncadd.s32 $0xFFFFC000  }
0x54: {  	[tilespmem:s14], [sflag:s28] =	stream.linear.gather [hbm4b:s7+s3], $0x80, $0x38;
	[tilespmem:$0x1BE00] =	vst v63  }
0x55: {  	s7 =	smov.u32 s1;
	s1 =	smov.u32 s31  }
.LBB2_7:
0x56: {  	s8 =	sand.u32 $0x1, s22  }
0x57: {  	[tilespmem:s24], [sflag:s28] =	stream.linear.gather @p1 [hbm4b:s7+s3], $0x80, $0x38;
	[tilespmem:$0x1BE00] =	vst v63  }
0x58: {  	s22 =	sadd.s32 $0x3, s8  }
0x59: {  	_ =	swait.ge [sflag:s22], $0x4000  }
0x5a: {  	s24 =	sxor.u32 $0x1, s8;
	[sflag:s22] =	ssyncset.done $0x0  }
0x5b: {  	s31 =	sadd.s32 $0x1, s24;
	[sflag:s22] =	ssyncadd.s32 $0xFFFFC000  }
0x5c: {  	_ =	swait.ge [sflag:s31], $0x80  }
0x5d: {  	[sflag:s31] =	ssyncset.done $0x0  }
0x5e: {  	[sflag:s31] =	ssyncadd.s32 $0xFFFFFF80  }
0x5f: {  	s9 =	sshll.u32 s8, $0xE;
	s14 =	sshll.u32 s8, $0x7;
	_ =	swait.ge [sflag:s31], $0x80  }
0x60: {  	s10 =	sshll.u32 s24, $0xE;
	s13 =	sadd.s32 $0x3, s24;
	[sflag:s31] =	ssyncset.done $0x0  }
0x61: {  	s7 =	sshll.u32 s24, $0x7;
	s10 =	sor.u32 $0x200, s10;
	[sflag:s31] =	ssyncadd.s32 $0xFFFFFF80  }
0x62: {  	[tilespmem:s10], [sflag:s13] =	stream.indirect.gather [hbm4b:s5+s23], $0x80, s7, s23, $0xb8;
	[tilespmem:$0x1BE00] =	vst v63  }
0x63: {  	s9 =	sor.u32 $0x200, s9;
	s24 =	sor.u32 $0x100, s14  }
0x64: {  	[spmem:s2] =	stream.indirect.scatter.add.f32 [tilespmem:s9], [sflag:$0x5], $0x80, s24, s23, $0xb8;
	[tilespmem:$0x1BE00] =	vst v63  }
0x65: {  	_ =	swait.ge [sflag:s25], $0x4000  }
0x66: {  	[sflag:s25] =	ssyncset.done $0x0  }
0x67: {  	s0 =	sadd.s32 s0, s20;
	s8 =	sadd.s32 $0x1, s8;
	[sflag:s25] =	ssyncadd.s32 $0xFFFFC000  }
0x68: {  	[tilespmem:s14], [sflag:s8] =	stream.linear.gather [hbm4b:s0+s3], $0x80, $0x38;
	[tilespmem:$0x1BE00] =	vst v63  }
0x69: {  	s0 =	sadd.s32 $0x1, s4  }
0x6a: {  	[tilespmem:s24], [sflag:s8] =	stream.linear.gather [hbm4b:s1+s3], $0x80, $0x38;
	[tilespmem:$0x1BE00] =	vst v63  }
0x6b: {  	s1 =	sadd.s32 $0xFFFFFFFE, s0  }
0x6c: {  	s4 =	sand.u32 $0x1, s1  }
0x6d: {  	s28 =	sadd.s32 $0x3, s4  }
0x6e: {  	_ =	swait.ge [sflag:s28], $0x4000  }
0x6f: {  	s14 =	sxor.u32 $0x1, s4;
	[sflag:s28] =	ssyncset.done $0x0  }
0x70: {  	[sflag:s28] =	ssyncadd.s32 $0xFFFFC000;
	s28 =	sadd.s32 $0x1, s14  }
0x71: {  	_ =	swait.ge [sflag:s28], $0x80  }
0x72: {  	[sflag:s28] =	ssyncset.done $0x0  }
0x73: {  	[sflag:s28] =	ssyncadd.s32 $0xFFFFFF80  }
0x74: {  	s8 =	sshll.u32 s14, $0xE;
	_ =	swait.ge [sflag:s28], $0x80  }
0x75: {  	s8 =	sor.u32 $0x200, s8;
	[sflag:s28] =	ssyncset.done $0x0  }
0x76: {  	[sflag:s28] =	ssyncadd.s32 $0xFFFFFF80;
	s28 =	sshll.u32 s14, $0x7;
	s14 =	sadd.s32 $0x3, s14  }
0x77: {  	[tilespmem:s8], [sflag:s14] =	stream.indirect.gather [hbm4b:s5+s23], $0x80, s28, s23, $0xb8;
	[tilespmem:$0x1BE00] =	vst v63  }
0x78: {  	s28 =	sshll.u32 s4, $0xE;
	s14 =	sshll.u32 s4, $0x7  }
0x79: {  	s8 =	sor.u32 $0x200, s28;
	s28 =	sor.u32 $0x100, s14  }
0x7a: {  	[spmem:s2] =	stream.indirect.scatter.add.f32 [tilespmem:s8], [sflag:$0x5], $0x80, s28, s23, $0xb8;
	[tilespmem:$0x1BE00] =	vst v63  }
0x7b: {  	p1 =	sge.u32 s0, s6;
	_ =	swait.ge [sflag:s25], $0x4000  }
0x7c: {  	s0 =	sadd.s32 @!p1 $0x1, s4;
	[sflag:s25] =	ssyncset.done $0x0  }
0x7d: {  	s4 =	sadd.s32 @!p1 s30, s18;
	s8 =	simm.s32 @!p1 $0x0;
	[sflag:s25] =	ssyncadd.s32 $0xFFFFC000  }
0x7e: {  	[tilespmem:s14], [sflag:s0] =	stream.linear.gather @!p1 [hbm4b:s4+s8], $0x80, $0x38;
	[tilespmem:$0x1BE00] =	vst v63  }
0x7f: {  	s4 =	sadd.s32 @!p1 s30, s17  }
0x80: {  	[tilespmem:s28], [sflag:s0] =	stream.linear.gather @!p1 [hbm4b:s4+s8], $0x80, $0x38;
	[tilespmem:$0x1BE00] =	vst v63  }
0x81: {  	_ =	swait.ge [sflag:s22], $0x4000  }
0x82: {  	[sflag:s22] =	ssyncset.done $0x0  }
0x83: {  	p1 =	sge.u32 s1, s16;
	[sflag:s22] =	ssyncadd.s32 $0xFFFFC000  }
0x84: {  	_ =	swait.ge @!p1 [sflag:s31], $0x80  }
0x85: {  	[sflag:s31] =	ssyncset.done @!p1 $0x0  }
0x86: {  	[sflag:s31] =	ssyncadd.s32 @!p1 $0xFFFFFF80  }
0x87: {  	_ =	swait.ge @!p1 [sflag:s31], $0x80  }
0x88: {  	[sflag:s31] =	ssyncset.done @!p1 $0x0  }
0x89: {  	s0 =	simm.s32 @!p1 $0x80;
	[sflag:s31] =	ssyncadd.s32 @!p1 $0xFFFFFF80  }
0x8a: {  	[tilespmem:s10], [sflag:s13] =	stream.indirect.gather @!p1 [hbm4b:s5+s0], $0x80, s7, s0, $0xb8;
	[tilespmem:$0x1BE00] =	vst v63  }
0x8b: {  	_ = 	snop  }
0x8c: {  	[spmem:s2] =	stream.indirect.scatter.add.f32 [tilespmem:s9], [sflag:$0x5], $0x80, s24, s23, $0xb8;
	[tilespmem:$0x1BE00] =	vst v63  }
0x8d: {  	_ =	swait.ge [sflag:s25], $0x4000  }
0x8e: {  	[sflag:s25] =	ssyncset.done $0x0  }
0x8f: {  	[sflag:s25] =	ssyncadd.s32 $0xFFFFC000  }
0x90: {  	[bflag:$0x0] =	sbarrier.arrive $0xFFFF  }
0x91: {  	s0 =	sshrl.u32 @p0 s11, $0x3;
	s1 =	rddreg [dreg:$0x9]  }
0x92: {  	[hbm:s1], [sflag:s12] =	dma.local @p0 [spmem:s0], $0x2080  }
0x93: {  	s0 =	simm.s32 @p0 $0x5  }
0x94: {  	s29 =	sadd.s32 $0x1, s29;
	_ =	swait.ge @p0 [sflag:s0], $0x2080  }
0x95: {  	p1 =	sne.s32 s29, s15;
	[sflag:s0] =	ssyncset.done @p0 $0x0  }
0x96: {  	s1 =	rddreg [dreg:$0x8];
	[sflag:s0] =	ssyncadd.s32 @p0 $0xFFFFDF80;
	s0 =	sshrl.u32 @!p0 s11, $0x3  }
0x97: {  	[hbm:s1], [sflag:s12] =	dma.local @!p0 [spmem:s0], $0x2780  }
.Ltmp3:
0x98: {  	_ = 	snop;
	(pc) =	sbr.rel @p1 .LBB2_1-.Ltmp3, $4  }
.Ltmp4:
0x99: {  	s0 =	simm.s32 @!p0 $0x5;
	(pc) =	sbr.rel @!p1 .LBB2_8-.Ltmp4, $4  }
0x9a: {  	_ =	swait.ge @!p0 [sflag:s0], $0x2780  }
0x9b: {  	[sflag:s0] =	ssyncset.done @!p0 $0x0  }
0x9c: {  	[sflag:s0] =	ssyncadd.s32 @!p0 $0xFFFFD880  }
0x9d: {  	_ = 	snop  }
.LBB2_2:
.Ltmp5:
0x9e: {  	(pc) =	sbr.rel .LBB2_7-.Ltmp5, $2  }
0x9f: {  	_ =	sdelay $0x2  }
0xa0: {  	s30 =	simm.s32 $0x200;
	s0 =	simm.s32 $0x0  }
.LBB2_4:
.Ltmp6:
0xa1: {  	(pc) =	sbr.rel .LBB2_7-.Ltmp6, $2  }
0xa2: {  	_ =	sdelay $0x2  }
0xa3: {  	s7 =	smov.u32 s1;
	s1 =	smov.u32 s31  }
.LBB2_8:
0xa4: {  	_ =	sfence.sel $0x180000  }
0xa5: {  	[bflag:$0x0] =	sbarrier.arrive $0xFFFF  }
0xa6: {  	_ =	strace $0x9000004D  }
0xa7: {  	s0 =	stileid.u32;
	[bflag:$0x2] =	sbarrier.arrive $0xFFFF  }
0xa8: {  	p0 =	sne.s32 s0, $0x0;
	s0 =	rddreg [dreg:$0x3]  }
0xa9: {  	s0 =	sadd.s32 @!p0 $0x100000, s0  }
0xaa: {  	[sflag:s0] =	ssyncadd.tile.s32 @!p0 $0x1;
	_ =	shalt  }
.Lfunc_end2:
_tile_overlayer_lowered:
.L_overlay_start_2:
0xab: {  	(tag) =	ssettag $0x2  }
0xac: {  	s0 =	rddreg [dreg:$0x0];
	s2 =	stileid.u32  }
0xad: {  	s1 =	rddreg [dreg:$0x1];
	p0 =	sne.s32 s2, $0x0  }
0xae: {  	s3 =	rddreg [dreg:$0x2];
	[bflag:$0x3] =	sbarrier.arrive $0xFFFF;
	s2 =	simm.s32 @!p0 $0x1C05  }
0xaf: {  	[timem:s3], [sflag:s2] =	dma.local @!p0 [hbm:s0], s1  }
0xb0: {  	s0 =	simm.s32 @!p0 $0x5  }
0xb1: {  	_ =	swait.ge @!p0 [sflag:s0], s1  }
0xb2: {  	s1 =	ssub.s32 @!p0 $0x0, s1;
	[sflag:s0] =	ssyncset.done @!p0 $0x0  }
0xb3: {  	[sflag:s0] =	ssyncadd.s32 @!p0 s1  }
0xb4: {  	[bflag:$0x3] =	sbarrier.arrive $0xFFFF  }
0xb5: {  	_ =	shalt  }

// kernel: kernel.21.cloned.1.call-start
scs
__scs_entry_jumppad:
0x0: {  	(pc) =	sbr.rel $0x88, $3  }
0x1: {  	(tag) =	ssettag $0x0;
	lr =	simm.s32 $0x1  }
0x2: {  	[smem:$0x3F96] =	sst lr;
	_ =	strace $0xD0000000  }
0x3: {  	_ = 	snop  }
0x4: {  	_ = 	snop  }
0x5: {  	_ = 	snop  }
0x6: {  	_ = 	snop  }
0x7: {  	_ = 	snop  }
__scs_overlays_trampoline_lowered:
0x8: {  	[smem:$0x3FA5] =	sst s0  }
0x9: {  	[smem:$0x3FA6] =	sst s1  }
0xa: {  	[smem:$0x3FA7] =	sst s2  }
0xb: {  	[smem:$0x3FA8] =	sst s3  }
0xc: {  	[smem:$0x3FA9] =	sst s4  }
0xd: {  	[smem:$0x3FAA] =	sst s5  }
0xe: {  	[smem:$0x3FAB] =	sst s6  }
0xf: {  	[smem:$0x3FAC] =	sst s7  }
0x10: {  	[smem:$0x3FAD] =	sst s8  }
0x11: {  	[smem:$0x3FAE] =	sst s9;
	s0 =	simm.s32 @!p0 $0x0  }
0x12: {  	s1 =	sld [smem:$0x3F94];
	s0 =	simm.s32 @p0 $0x1  }
0x13: {  	[smem:$0x3FAF] =	sst s0;
	s0 =	simm.s32 @!p1 $0x0  }
0x14: {  	s2 =	sld [smem:$0x3F93];
	s0 =	simm.s32 @p1 $0x1  }
0x15: {  	[smem:$0x3FB0] =	sst s0;
	s0 =	simm.s32 @!p2 $0x0  }
0x16: {  	s3 =	sld [smem:$0x3FDB];
	s0 =	simm.s32 @p2 $0x1  }
0x17: {  	s4 =	simm.s32 $0x1BF5;
	[smem:$0x3FB2] =	sst s0  }
0x18: {  	s0 =	sld [smem:$0x3F95];
	_ =	swait.ge [sflag:s4], $0x0  }
0x19: {  	s7 =	sld [smem:$0x3F96]  }
0x1a: {  	s8 =	sadd.s32 $0xFFFFE003, lr  }
0x1b: {  	s9 =	sadd.s32 $0xFFFFFEF7, lr;
	s5 =	simm.s32 $0xFFFFFFFF;
	p2 =	slt.u32 s8, $0xFFFFF086  }
0x1c: {  	p1 =	slt.u32 s9, $0xF7A;
	s5 =	simm.s32 @!p2 $0x0  }
0x1d: {  	s5 =	simm.s32 @p1 $0x1;
	p0 =	seq.s32 s7, s2  }
0x1e: {  	s7 =	smul.u32 @!p0 $0xF7A, s2;
	p2 =	seq.s32 @!p0 s5, $0x0  }
0x1f: {  	s9 =	smul.u32 $0xF7A, s1;
	s8 =	simm.s32 @!p0 $0x1BF5;
	p2 =	por !p2, p0  }
0x20: {  	[sflag:s8] =	ssyncset.s32 @!p0 $0xFFFFF086;
	s6 =	sadd.s32 @!p0 s3, s7;
	s7 =	simm.s32 @!p0 $0x108  }
0x21: {  	s3 =	sadd.s32 s3, s9;
	s6 =	sadd.s32 @!p0 $0x88, s6;
	s7 =	simm.s32 @p2 $0x1082  }
0x22: {  	[simem:s7], [sflag:s8] =	dma.local @!p0 [hbm:s6], $0xF7A  }
0x23: {  	s9 =	sor.u32 $0xD0000000, s2;
	s6 =	simm.s32 $0x108;
	_ =	swait.ge @!p0 [sflag:s8], $0x0  }
0x24: {  	s3 =	sadd.s32 $0x88, s3;
	s6 =	simm.s32 @!p1 $0x1082;
	[sflag:s4] =	ssyncset.s32 $0xFFFFF086  }
0x25: {  	[simem:s6], [sflag:s4] =	dma.local [hbm:s3], $0xF7A  }
0x26: {  	[smem:$0x3F96] =	sst s1;
	(tag) =	ssettag s2;
	_ =	strace s9  }
0x27: {  	s1 =	sld [smem:$0x3FA6]  }
0x28: {  	s2 =	sld [smem:$0x3FA7]  }
0x29: {  	s4 =	sld [smem:$0x3FA9]  }
0x2a: {  	p0 =	seq.s32 s5, $0x0;
	s5 =	sld [smem:$0x3FAA]  }
0x2b: {  	s6 =	sld [smem:$0x3FAB]  }
0x2c: {  	s7 =	sld [smem:$0x3FAC]  }
0x2d: {  	s3 =	simm.s32 $0x108;
	s8 =	sld [smem:$0x3FAD]  }
0x2e: {  	s3 =	simm.s32 @!p0 $0x1082;
	s9 =	sld [smem:$0x3FAE]  }
0x2f: {  	lr =	sadd.s32 s0, s3;
	s0 =	sld [smem:$0x3FA5]  }
0x30: {  	s3 =	sld [smem:$0x3FA8]  }
0x31: {  	[smem:$0x3FB1] =	sst s10  }
0x32: {  	s10 =	sld [smem:$0x3FAF];
	_ =	sdelay $0x3  }
0x33: {  	p0 =	seq.s32 s10, $0x1;
	s10 =	sld [smem:$0x3FB1];
	_ =	sdelay $0x3  }
0x34: {  	[smem:$0x3FB1] =	sst s10  }
0x35: {  	s10 =	sld [smem:$0x3FB0];
	_ =	sdelay $0x3  }
0x36: {  	p1 =	seq.s32 s10, $0x1;
	s10 =	sld [smem:$0x3FB1];
	_ =	sdelay $0x3  }
0x37: {  	[smem:$0x3FB1] =	sst s10  }
0x38: {  	s10 =	sld [smem:$0x3FB2]  }
0x39: {  	_ = 	snop;
	(pc) =	sbr.ind lr, $3  }
0x3a: {  	_ = 	snop  }
0x3b: {  	_ = 	snop  }
0x3c: {  	p2 =	seq.s32 s10, $0x1;
	s10 =	sld [smem:$0x3FB1]  }
0x3d: {  	_ =	shalt  }
0x3e: {  	_ =	shalt  }
0x3f: {  	_ =	shalt  }
0x40: {  	_ =	shalt  }
0x41: {  	_ =	shalt  }
0x42: {  	_ =	shalt  }
0x43: {  	_ =	shalt  }
0x44: {  	_ =	shalt  }
0x45: {  	_ =	shalt  }
0x46: {  	_ =	shalt  }
0x47: {  	_ =	shalt  }
0x48: {  	_ =	shalt  }
0x49: {  	_ =	shalt  }
0x4a: {  	_ =	shalt  }
0x4b: {  	_ =	shalt  }
0x4c: {  	_ =	shalt  }
0x4d: {  	_ =	shalt  }
0x4e: {  	_ =	shalt  }
0x4f: {  	_ =	shalt  }
0x50: {  	_ =	shalt  }
0x51: {  	_ =	shalt  }
0x52: {  	_ =	shalt  }
0x53: {  	_ =	shalt  }
0x54: {  	_ =	shalt  }
0x55: {  	_ =	shalt  }
0x56: {  	_ =	shalt  }
0x57: {  	_ =	shalt  }
0x58: {  	_ =	shalt  }
0x59: {  	_ =	shalt  }
0x5a: {  	_ =	shalt  }
0x5b: {  	_ =	shalt  }
0x5c: {  	_ =	shalt  }
0x5d: {  	_ =	shalt  }
0x5e: {  	_ =	shalt  }
0x5f: {  	_ =	shalt  }
0x60: {  	_ =	shalt  }
0x61: {  	_ =	shalt  }
0x62: {  	_ =	shalt  }
0x63: {  	_ =	shalt  }
0x64: {  	_ =	shalt  }
0x65: {  	_ =	shalt  }
0x66: {  	_ =	shalt  }
0x67: {  	_ =	shalt  }
0x68: {  	_ =	shalt  }
0x69: {  	_ =	shalt  }
0x6a: {  	_ =	shalt  }
0x6b: {  	_ =	shalt  }
0x6c: {  	_ =	shalt  }
0x6d: {  	_ =	shalt  }
0x6e: {  	_ =	shalt  }
0x6f: {  	_ =	shalt  }
0x70: {  	_ =	shalt  }
0x71: {  	_ =	shalt  }
0x72: {  	_ =	shalt  }
0x73: {  	_ =	shalt  }
0x74: {  	_ =	shalt  }
0x75: {  	_ =	shalt  }
0x76: {  	_ =	shalt  }
0x77: {  	_ =	shalt  }
0x78: {  	_ =	shalt  }
0x79: {  	_ =	shalt  }
0x7a: {  	_ =	shalt  }
0x7b: {  	_ =	shalt  }
0x7c: {  	_ =	shalt  }
0x7d: {  	_ =	shalt  }
0x7e: {  	_ =	shalt  }
0x7f: {  	_ =	shalt  }
0x80: {  	_ =	shalt  }
0x81: {  	_ =	shalt  }
0x82: {  	_ =	shalt  }
0x83: {  	_ =	shalt  }
0x84: {  	_ =	shalt  }
0x85: {  	_ =	shalt  }
0x86: {  	_ =	shalt  }
0x87: {  	_ =	shalt  }
.Lfunc_end0:
.L_simem_size_0:
called_computation.3_lowered:
.L_overlay_start_0:
0x88: {  	s2 =	sld [smem:$0x3FD9]  }
0x89: {  	s3 =	sld [smem:$0x3FFE];
	_ =	sdelay $0x1  }
0x8a: {  	s1 =	srdreg.scid  }
0x8b: {  	s0 =	sand.u32 $0x1, s1  }
0x8c: {  	s16 =	sshll.u32 s0, $0xA;
	s2 =	sadd.s32 s3, s2  }
0x8d: {  	s2 =	sadd.s32 s2, s16  }
0x8e: {  	[smem:$0x3FBD] =	sst s2  }
0x8f: {  	_ = 	snop  }
0x90: {  	(tm) =	ssettm $0x1  }
0x91: {  	s17 =	sld [smem:$0x3FFB];
	_ =	sdelay $0x3  }
0x92: {  	_ =	strace s17  }
0x93: {  	s2 =	sld [smem:$0x3FFC];
	_ =	sdelay $0x3  }
0x94: {  	_ =	strace s2  }
0x95: {  	s2 =	sld [smem:$0x3FFD];
	_ =	sdelay $0x3  }
0x96: {  	_ =	strace s2  }
0x97: {  	_ =	strace $0x8FFFFFFF  }
0x98: {  	s18 =	sld [smem:$0x3FDB];
	_ =	sdelay $0x1  }
0x99: {  	s19 =	simm.s32 $_scs_section_size  }
0x9a: {  	s4 =	simm.s32 $_size__tile_overlayer_lowered;
	s5 =	simm.s32 $_tile_overlayer_lowered  }
0x9b: {  	s22 =	simm.s32 $0x1BFF;
	s21 =	sshll.u32 s5, $0x1;
	s2 =	sadd.s32 s19, s18  }
0x9c: {  	s6 =	simm.s32 $0x0;
	s20 =	sshll.u32 s4, $0x1;
	s4 =	sadd.s32 s21, s2  }
0x9d: {  	[timem:s6], [sflag:s22] =	dma.local [hbm:s4], s20  }
0x9e: {  	_ =	swait.ge [sflag:s22], s20  }
0x9f: {  	s3 =	ssub.s32 $0x0, s20;
	[sflag:s22] =	ssyncset.done $0x0  }
0xa0: {  	[sflag:s22] =	ssyncadd.s32 s3;
	_ =	sdelay $0x1  }
0xa1: {  	s23 =	simm.s32 $0x1B8B  }
0xa2: {  	_ =	swait.ge [sflag:s23], $0x1  }
0xa3: {  	[sflag:s23] =	ssyncset.done $0x0  }
0xa4: {  	s25 =	simm.s32 $0x1B8E;
	s24 =	sld [smem:$0x3FFE];
	[sflag:s23] =	ssyncadd.s32 $0xFFFFFFFF  }
0xa5: {  	s26 =	simm.s32 $execute0_lowered;
	[smem:$0x3FD2] =	sst s25  }
0xa6: {  	s4 =	sshll.u32 s26, $0x1;
	_ =	strace $0x8000004F;
	[dreg:$0x1] =	wrdreg $0xFFFFFFFF  }
0xa7: {  	s28 =	simm.s32 $_size_execute0_lowered;
	s2 =	sadd.s32 s2, s4;
	[dreg:$0x0] =	wrdreg $0x0  }
0xa8: {  	s4 =	sshll.u32 s28, $0x1;
	[dreg:$0x2] =	wrdreg s2  }
0xa9: {  	[dreg:$0x3] =	wrdreg s4  }
0xaa: {  	[dreg:$0x4] =	wrdreg $0xC0  }
0xab: {  	_ =	task [dreg:s6], $0x5FFFF  }
0xac: {  	[dreg:$0x1] =	wrdreg $0xFFFFFFFF  }
0xad: {  	[dreg:$0x0] =	wrdreg $0x60  }
0xae: {  	[dreg:$0x2] =	wrdreg s24  }
0xaf: {  	[dreg:$0x3] =	wrdreg $0x103000  }
0xb0: {  	[dreg:$0x4] =	wrdreg $0x9  }
0xb1: {  	_ =	task.clear_ibuf [dreg:s6], $0x5FFFF;
	_ =	strace $0x9000004F  }
0xb2: {  	s29 =	simm.s32 $0x9;
	_ =	strace $0x80000051  }
0xb3: {  	_ =	swait.ge [sflag:s29], $0x1  }
0xb4: {  	[sflag:s29] =	ssyncadd.s32 $0xFFFFFFFF  }
0xb5: {  	_ =	strace $0x90000051  }
0xb6: {  	_ =	sfence  }
0xb7: {  	s30 =	sld [smem:$0x0];
	_ =	sdelay $0x2  }
0xb8: {  	s31 =	sshll.u32 s1, $0xD;
	s1 =	sshrl.u32 s1, $0x2  }
0xb9: {  	s3 =	sand.u32 $0x4000, s31;
	s1 =	sadd.s32 s1, s30  }
0xba: {  	s0 =	sor.u32 s3, s0;
	s1 =	sshll.u32 s1, $0x11  }
0xbb: {  	s0 =	sor.u32 s1, s0  }
0xbc: {  	s0 =	sadd.s32 $0x8F2B, s0  }
0xbd: {  	[sflag:s0] =	ssyncadd.remote.s32 $0x1  }
0xbe: {  	_ =	sfence.sel $0xFFFF  }
0xbf: {  	[dreg:$0x0] =	wrdreg $0xFFFFFFFF;
	(pc) =	sbr.abs _section_cstart, $3  }
0xc0: {  	[dreg:$0x1] =	wrdreg $0xFFFFFFFF  }
0xc1: {  	_ =	task.clear_ibuf [dreg:s6], $0x2FFFF;
	_ =	strace $0x9FFFFFFF  }
0xc2: {  	(tm) =	ssettm $0x7FFFFFFF  }
0xc3: {  	_ =	shalt  }
tec
execute0_lowered:
.L_overlay_start_1:
0x0: {  	(tag) =	ssettag $0x1  }
0x1: {  	s0 =	rddreg [dreg:$0x0]  }
0x2: {  	s1 =	rddreg [dreg:$0x1];
	s2 =	simm.s32 $0x0  }
0x3: {  	s4 =	srdreg.scid;
	s3 =	stileid.u32;
	s21 =	simm.s32 $0x100  }
0x4: {  	s22 =	simm.s32 $0x80;
	s24 =	simm.s32 $0x1;
	s28 =	simm.s32 $0x0  }
0x5: {  	[smem:$0x7FF] =	sst s2;
	s16 =	sadd.s32 $0xD2000, s0;
	s17 =	sadd.s32 $0xCF800, s0  }
0x6: {  	s11 =	sand.u32 $0x1, s4;
	s25 =	sshll.u32 s3, $0x5;
	s5 =	sshll.u32 s3, $0xF  }
0x7: {  	s4 =	sadd.s32 $0xBC00, s0;
	s13 =	sshll.u32 s3, $0x8;
	_ =	strace $0x80000050  }
0x8: {  	s6 =	sshll.u32 s11, $0xE;
	s8 =	sadd.s32 s25, s0;
	s26 =	ssub.s32 $0x2, s11  }
0x9: {  	s14 =	sshll.u32 s11, $0x7;
	s6 =	sor.u32 s6, s5;
	s5 =	sadd.s32 $0x32E00, s0  }
0xa: {  	s10 =	sshrl.u32 s26, $0x1;
	s8 =	sadd.s32 $0xBA00, s8;
	s13 =	sor.u32 s14, s13  }
0xb: {  	s7 =	sshrl.u32 s6, $0x3;
	s6 =	sshll.u32 s3, $0x1;
	[dreg:$0x4] =	wrdreg s8  }
0xc: {  	s19 =	sor.u32 $0x2000, s13;
	s18 =	sadd.s32 s7, s0;
	s9 =	sor.u32 s11, s6  }
0xd: {  	s7 =	simm.s32 $0x14;
	s0 =	ssub.s32 s26, s10;
	s12 =	sshll.u32 s9, $0x4  }
0xe: {  	s19 =	sshrl.u32 s19, $0x3;
	p0 =	slt.u32 s9, $0x11;
	s29 =	sadd.s32 s16, s12  }
0xf: {  	s18 =	sadd.s32 $0xD4800, s18;
	s30 =	sadd.s32 s17, s12;
	[dreg:$0x5] =	wrdreg s29  }
0x10: {  	s7 =	simm.s32 @!p0 $0x13;
	s12 =	sor.u32 $0x200, s12;
	[dreg:$0x6] =	wrdreg s30  }
0x11: {  	s11 =	sadd.s32 s16, s12;
	s15 =	sand.u32 $0x1, s7;
	s12 =	sadd.s32 s17, s12  }
0x12: {  	s20 =	ssub.s32 $0x0, s7;
	s31 =	sxor.u32 $0x1, s15;
	s14 =	sadd.s32 $0x7, s15  }
0x13: {  	s15 =	smax.u32 s0, $0x1;
	s0 =	sadd.s32 s19, s17;
	s17 =	sadd.s32 s19, s16  }
0x14: {  	[dreg:$0x3] =	wrdreg s20;
	s20 =	simm.s32 $0x9;
	s13 =	sadd.s32 $0x7, s31  }
.LBB2_1:
0x15: {  	s8 =	rddreg [dreg:$0x4];
	s9 =	simm.s32 $0x200  }
0x16: {  	[tilespmem:s9], [sflag:$0x9] =	stream.linear.gather [hbm4b:s8+s2], $0x100, $0x38;
	[tilespmem:$0x18300] =	vst v63  }
0x17: {  	_ =	swait.ge [sflag:s20], $0x100  }
0x18: {  	[sflag:s20] =	ssyncset.done $0x0  }
0x19: {  	s16 =	rddreg [dreg:$0x5];
	[sflag:s20] =	ssyncadd.s32 $0xFFFFFF00  }
0x1a: {  	[tilespmem:s2], [sflag:$0x1] =	stream.linear.gather [hbm4b:s16+s2], $0x80, $0x38;
	[tilespmem:$0x18300] =	vst v63  }
0x1b: {  	s19 =	rddreg [dreg:$0x6]  }
0x1c: {  	[tilespmem:s21], [sflag:$0x1] =	stream.linear.gather [hbm4b:s19+s2], $0x80, $0x38;
	[tilespmem:$0x18300] =	vst v63  }
0x1d: {  	_ = 	snop  }
0x1e: {  	[tilespmem:s22], [sflag:$0x2] =	stream.linear.gather [hbm4b:s11+s2], $0x80, $0x38;
	[tilespmem:$0x18300] =	vst v63  }
0x1f: {  	s23 =	simm.s32 $0x180  }
0x20: {  	[tilespmem:s23], [sflag:$0x2] =	stream.linear.gather [hbm4b:s12+s2], $0x80, $0x38;
	[tilespmem:$0x18300] =	vst v63  }
0x21: {  	_ =	swait.ge [sflag:s24], $0x80  }
0x22: {  	[sflag:s24] =	ssyncset.done $0x0  }
0x23: {  	[sflag:s24] =	ssyncadd.s32 $0xFFFFFF80  }
0x24: {  	_ =	swait.ge [sflag:s24], $0x80  }
0x25: {  	s25 =	simm.s32 $0x300;
	[sflag:s24] =	ssyncset.done $0x0  }
0x26: {  	s26 =	simm.s32 $0x8300;
	s29 =	simm.s32 $0x2;
	[sflag:s24] =	ssyncadd.s32 $0xFFFFFF80  }
0x27: {  	[tilespmem:s25], [sflag:$0x3] =	stream.indirect.gather [hbm4b:s4+s22], $0x80, s2, s22, $0xb8;
	[tilespmem:$0x18300] =	vst v63  }
0x28: {  	s30 =	smov.u32 s18;
	s31 =	smov.u32 s17;
	s16 =	smov.u32 s0  }
0x29: {  	[tilespmem:s26], [sflag:$0x5] =	stream.indirect.gather [hbm4b:s5+s22], $0x80, s21, s22, $0xb8;
	[tilespmem:$0x18300] =	vst v63  }
.LBB2_2:
0x2a: {  	s19 =	sadd.s32 $0xFFFFFFFE, s29  }
0x2b: {  	s19 =	sand.u32 $0x1, s19  }
0x2c: {  	s23 =	sadd.s32 $0x3, s19  }
0x2d: {  	_ =	swait.ge [sflag:s23], $0x4000  }
0x2e: {  	[sflag:s23] =	ssyncset.done $0x0  }
0x2f: {  	s9 =	sadd.s32 $0x5, s19;
	[sflag:s23] =	ssyncadd.s32 $0xFFFFC000  }
0x30: {  	s25 =	sadd.s32 $0xFFFFFFFF, s29;
	_ =	swait.ge [sflag:s9], $0x4000  }
0x31: {  	p0 =	sge.u32 s25, s7;
	s26 =	sxor.u32 $0x1, s19;
	[sflag:s9] =	ssyncset.done $0x0  }
0x32: {  	s23 =	sadd.s32 @!p0 $0x1, s26;
	[sflag:s9] =	ssyncadd.s32 $0xFFFFC000  }
0x33: {  	_ =	swait.ge @!p0 [sflag:s23], $0x80  }
0x34: {  	[sflag:s23] =	ssyncset.done @!p0 $0x0  }
0x35: {  	[sflag:s23] =	ssyncadd.s32 @!p0 $0xFFFFFF80  }
0x36: {  	p1 =	seq.s32 @!p0 s29, $0x2;
	_ =	swait.ge @!p0 [sflag:s23], $0x80  }
0x37: {  	p1 =	por p1, p0;
	[sflag:s23] =	ssyncset.done @!p0 $0x0  }
0x38: {  	[sflag:s23] =	ssyncadd.s32 @!p0 $0xFFFFFF80;
	s23 =	sadd.s32 @!p1 $0x7, s26  }
0x39: {  	_ =	swait.ge @!p1 [sflag:s23], $0x800  }
0x3a: {  	[sflag:s23] =	ssyncset.done @!p1 $0x0  }
0x3b: {  	s10 =	simm.s32 @!p0 $0x80;
	[sflag:s23] =	ssyncadd.s32 @!p1 $0xFFFFF800;
	s23 =	sshll.u32 @!p0 s26, $0xE  }
0x3c: {  	s25 =	sshll.u32 @!p0 s26, $0x7;
	s9 =	sadd.s32 @!p0 $0x3, s26;
	s8 =	sor.u32 @!p0 $0x300, s23  }
0x3d: {  	[tilespmem:s8], [sflag:s9] =	stream.indirect.gather @!p0 [hbm4b:s4+s10], $0x80, s25, s10, $0xb8;
	[tilespmem:$0x18300] =	vst v63  }
0x3e: {  	s8 =	sor.u32 @!p0 $0x100, s25;
	s9 =	sor.u32 @!p0 $0x8300, s23;
	s23 =	sadd.s32 @!p0 $0x5, s26  }
0x3f: {  	[tilespmem:s9], [sflag:s23] =	stream.indirect.gather @!p0 [hbm4b:s5+s10], $0x80, s8, s10, $0xb8;
	[tilespmem:$0x18300] =	vst v63  }
0x40: {  	s10 =	sor.u32 s6, s19  }
0x41: {  	s23 =	sshll.u32 s19, $0xE;
	s8 =	sshll.u32 s10, $0xE  }
0x42: {  	s25 =	sor.u32 $0x300, s23;
	s8 =	sadd.s32 s8, s1  }
0x43: {  	[spmem:s8] =	stream.linear.scatter [tilespmem:s25], [sflag:$0x9], $0x4000, $0x38;
	[tilespmem:$0x18300] =	vst v63  }
0x44: {  	_ =	swait.ge [sflag:s20], $0x4000  }
0x45: {  	s10 =	sshll.u32 s19, $0x7;
	[sflag:s20] =	ssyncset.done $0x0  }
0x46: {  	s9 =	sor.u32 $0x8300, s23;
	s26 =	sor.u32 $0x200, s10;
	[sflag:s20] =	ssyncadd.s32 $0xFFFFC000  }
0x47: {  	[spmem:s1] =	stream.indirect.scatter.add.f32 [tilespmem:s9], [sflag:$0x9], $0x80, s26, s22, $0xb8;
	[tilespmem:$0x18300] =	vst v63  }
0x48: {  	s23 =	sshll.u32 s3, $0x6;
	_ =	swait.ge [sflag:s20], $0x4000  }
0x49: {  	p0 =	sge.u32 s29, s7;
	s9 =	sor.u32 s23, s19;
	[sflag:s20] =	ssyncset.done $0x0  }
0x4a: {  	s8 =	sshrl.u32 s8, $0x3;
	s9 =	sadd.s32 $0x1C07, s9;
	[sflag:s20] =	ssyncadd.s32 $0xFFFFC000  }
0x4b: {  	[hbm:s30], [sflag:s9] =	dma.local [spmem:s8], $0x800  }
0x4c: {  	s8 =	sadd.s32 @!p0 $0x1, s19;
	s9 =	simm.s32 @!p0 $0x0  }
0x4d: {  	[tilespmem:s10], [sflag:s8] =	stream.linear.gather @!p0 [hbm4b:s31+s9], $0x80, $0x38;
	[tilespmem:$0x18300] =	vst v63  }
0x4e: {  	s29 =	sadd.s32 $0x1, s29;
	s25 =	rddreg [dreg:$0x3]  }
0x4f: {  	s10 =	sor.u32 @!p0 $0x100, s10;
	s26 =	sadd.s32 s29, s25  }
0x50: {  	[tilespmem:s10], [sflag:s8] =	stream.linear.gather @!p0 [hbm4b:s16+s9], $0x80, $0x38;
	[tilespmem:$0x18300] =	vst v63  }
0x51: {  	p0 =	sne.s32 s26, $0x2  }
.Ltmp0:
0x52: {  	_ = 	snop;
	(pc) =	sbr.rel @p0 .LBB2_2-.Ltmp0, $2  }
0x53: {  	_ =	sdelay $0x2  }
0x54: {  	s30 =	sadd.s32 $0x10000, s30;
	s31 =	sadd.s32 $0x200, s31;
	s16 =	sadd.s32 $0x200, s16  }
0x55: {  	s28 =	sadd.s32 $0x1, s28  }
0x56: {  	_ =	swait.ge [sflag:s13], $0x800;
	p0 =	sne.s32 s28, s15  }
.Ltmp1:
0x57: {  	[sflag:s13] =	ssyncset.done $0x0;
	(pc) =	sbr.rel @p0 .LBB2_1-.Ltmp1, $4  }
0x58: {  	[sflag:s13] =	ssyncadd.s32 $0xFFFFF800  }
0x59: {  	_ =	swait.ge [sflag:s14], $0x800  }
0x5a: {  	[sflag:s14] =	ssyncset.done $0x0  }
0x5b: {  	[sflag:s14] =	ssyncadd.s32 $0xFFFFF800  }
0x5c: {  	_ =	sfence.sel $0x180000  }
0x5d: {  	[bflag:$0x0] =	sbarrier.arrive $0xFFFF  }
0x5e: {  	_ =	strace $0x90000050  }
0x5f: {  	[bflag:$0x2] =	sbarrier.arrive $0xFFFF  }
0x60: {  	p0 =	sne.s32 s3, $0x0;
	s0 =	rddreg [dreg:$0x2]  }
0x61: {  	s0 =	sadd.s32 @!p0 $0x100000, s0  }
0x62: {  	[sflag:s0] =	ssyncadd.tile.s32 @!p0 $0x1;
	_ =	shalt  }
.Lfunc_end2:
_tile_overlayer_lowered:
.L_overlay_start_2:
0x63: {  	(tag) =	ssettag $0x2  }
0x64: {  	s0 =	rddreg [dreg:$0x0];
	s2 =	stileid.u32  }
0x65: {  	s1 =	rddreg [dreg:$0x1];
	p0 =	sne.s32 s2, $0x0  }
0x66: {  	s3 =	rddreg [dreg:$0x2];
	[bflag:$0x3] =	sbarrier.arrive $0xFFFF;
	s2 =	simm.s32 @!p0 $0x1C09  }
0x67: {  	[timem:s3], [sflag:s2] =	dma.local @!p0 [hbm:s0], s1  }
0x68: {  	s0 =	simm.s32 @!p0 $0x9  }
0x69: {  	_ =	swait.ge @!p0 [sflag:s0], s1  }
0x6a: {  	s1 =	ssub.s32 @!p0 $0x0, s1;
	[sflag:s0] =	ssyncset.done @!p0 $0x0  }
0x6b: {  	[sflag:s0] =	ssyncadd.s32 @!p0 s1  }
0x6c: {  	[bflag:$0x3] =	sbarrier.arrive $0xFFFF  }
0x6d: {  	_ =	shalt  }

// kernel: kernel.24.cloned.1.call-start
scs
__scs_entry_jumppad:
0x0: {  	(pc) =	sbr.rel $0x88, $3  }
0x1: {  	(tag) =	ssettag $0x0;
	lr =	simm.s32 $0x1  }
0x2: {  	[smem:$0x3F96] =	sst lr;
	_ =	strace $0xD0000000  }
0x3: {  	_ = 	snop  }
0x4: {  	_ = 	snop  }
0x5: {  	_ = 	snop  }
0x6: {  	_ = 	snop  }
0x7: {  	_ = 	snop  }
__scs_overlays_trampoline_lowered:
0x8: {  	[smem:$0x3FA5] =	sst s0  }
0x9: {  	[smem:$0x3FA6] =	sst s1  }
0xa: {  	[smem:$0x3FA7] =	sst s2  }
0xb: {  	[smem:$0x3FA8] =	sst s3  }
0xc: {  	[smem:$0x3FA9] =	sst s4  }
0xd: {  	[smem:$0x3FAA] =	sst s5  }
0xe: {  	[smem:$0x3FAB] =	sst s6  }
0xf: {  	[smem:$0x3FAC] =	sst s7  }
0x10: {  	[smem:$0x3FAD] =	sst s8  }
0x11: {  	[smem:$0x3FAE] =	sst s9;
	s0 =	simm.s32 @!p0 $0x0  }
0x12: {  	s1 =	sld [smem:$0x3F94];
	s0 =	simm.s32 @p0 $0x1  }
0x13: {  	[smem:$0x3FAF] =	sst s0;
	s0 =	simm.s32 @!p1 $0x0  }
0x14: {  	s2 =	sld [smem:$0x3F93];
	s0 =	simm.s32 @p1 $0x1  }
0x15: {  	[smem:$0x3FB0] =	sst s0;
	s0 =	simm.s32 @!p2 $0x0  }
0x16: {  	s3 =	sld [smem:$0x3FDB];
	s0 =	simm.s32 @p2 $0x1  }
0x17: {  	s4 =	simm.s32 $0x1BF5;
	[smem:$0x3FB2] =	sst s0  }
0x18: {  	s0 =	sld [smem:$0x3F95];
	_ =	swait.ge [sflag:s4], $0x0  }
0x19: {  	s7 =	sld [smem:$0x3F96]  }
0x1a: {  	s8 =	sadd.s32 $0xFFFFE003, lr  }
0x1b: {  	s9 =	sadd.s32 $0xFFFFFEF7, lr;
	s5 =	simm.s32 $0xFFFFFFFF;
	p2 =	slt.u32 s8, $0xFFFFF086  }
0x1c: {  	p1 =	slt.u32 s9, $0xF7A;
	s5 =	simm.s32 @!p2 $0x0  }
0x1d: {  	s5 =	simm.s32 @p1 $0x1;
	p0 =	seq.s32 s7, s2  }
0x1e: {  	s7 =	smul.u32 @!p0 $0xF7A, s2;
	p2 =	seq.s32 @!p0 s5, $0x0  }
0x1f: {  	s9 =	smul.u32 $0xF7A, s1;
	s8 =	simm.s32 @!p0 $0x1BF5;
	p2 =	por !p2, p0  }
0x20: {  	[sflag:s8] =	ssyncset.s32 @!p0 $0xFFFFF086;
	s6 =	sadd.s32 @!p0 s3, s7;
	s7 =	simm.s32 @!p0 $0x108  }
0x21: {  	s3 =	sadd.s32 s3, s9;
	s6 =	sadd.s32 @!p0 $0x88, s6;
	s7 =	simm.s32 @p2 $0x1082  }
0x22: {  	[simem:s7], [sflag:s8] =	dma.local @!p0 [hbm:s6], $0xF7A  }
0x23: {  	s9 =	sor.u32 $0xD0000000, s2;
	s6 =	simm.s32 $0x108;
	_ =	swait.ge @!p0 [sflag:s8], $0x0  }
0x24: {  	s3 =	sadd.s32 $0x88, s3;
	s6 =	simm.s32 @!p1 $0x1082;
	[sflag:s4] =	ssyncset.s32 $0xFFFFF086  }
0x25: {  	[simem:s6], [sflag:s4] =	dma.local [hbm:s3], $0xF7A  }
0x26: {  	[smem:$0x3F96] =	sst s1;
	(tag) =	ssettag s2;
	_ =	strace s9  }
0x27: {  	s1 =	sld [smem:$0x3FA6]  }
0x28: {  	s2 =	sld [smem:$0x3FA7]  }
0x29: {  	s4 =	sld [smem:$0x3FA9]  }
0x2a: {  	p0 =	seq.s32 s5, $0x0;
	s5 =	sld [smem:$0x3FAA]  }
0x2b: {  	s6 =	sld [smem:$0x3FAB]  }
0x2c: {  	s7 =	sld [smem:$0x3FAC]  }
0x2d: {  	s3 =	simm.s32 $0x108;
	s8 =	sld [smem:$0x3FAD]  }
0x2e: {  	s3 =	simm.s32 @!p0 $0x1082;
	s9 =	sld [smem:$0x3FAE]  }
0x2f: {  	lr =	sadd.s32 s0, s3;
	s0 =	sld [smem:$0x3FA5]  }
0x30: {  	s3 =	sld [smem:$0x3FA8]  }
0x31: {  	[smem:$0x3FB1] =	sst s10  }
0x32: {  	s10 =	sld [smem:$0x3FAF];
	_ =	sdelay $0x3  }
0x33: {  	p0 =	seq.s32 s10, $0x1;
	s10 =	sld [smem:$0x3FB1];
	_ =	sdelay $0x3  }
0x34: {  	[smem:$0x3FB1] =	sst s10  }
0x35: {  	s10 =	sld [smem:$0x3FB0];
	_ =	sdelay $0x3  }
0x36: {  	p1 =	seq.s32 s10, $0x1;
	s10 =	sld [smem:$0x3FB1];
	_ =	sdelay $0x3  }
0x37: {  	[smem:$0x3FB1] =	sst s10  }
0x38: {  	s10 =	sld [smem:$0x3FB2]  }
0x39: {  	_ = 	snop;
	(pc) =	sbr.ind lr, $3  }
0x3a: {  	_ = 	snop  }
0x3b: {  	_ = 	snop  }
0x3c: {  	p2 =	seq.s32 s10, $0x1;
	s10 =	sld [smem:$0x3FB1]  }
0x3d: {  	_ =	shalt  }
0x3e: {  	_ =	shalt  }
0x3f: {  	_ =	shalt  }
0x40: {  	_ =	shalt  }
0x41: {  	_ =	shalt  }
0x42: {  	_ =	shalt  }
0x43: {  	_ =	shalt  }
0x44: {  	_ =	shalt  }
0x45: {  	_ =	shalt  }
0x46: {  	_ =	shalt  }
0x47: {  	_ =	shalt  }
0x48: {  	_ =	shalt  }
0x49: {  	_ =	shalt  }
0x4a: {  	_ =	shalt  }
0x4b: {  	_ =	shalt  }
0x4c: {  	_ =	shalt  }
0x4d: {  	_ =	shalt  }
0x4e: {  	_ =	shalt  }
0x4f: {  	_ =	shalt  }
0x50: {  	_ =	shalt  }
0x51: {  	_ =	shalt  }
0x52: {  	_ =	shalt  }
0x53: {  	_ =	shalt  }
0x54: {  	_ =	shalt  }
0x55: {  	_ =	shalt  }
0x56: {  	_ =	shalt  }
0x57: {  	_ =	shalt  }
0x58: {  	_ =	shalt  }
0x59: {  	_ =	shalt  }
0x5a: {  	_ =	shalt  }
0x5b: {  	_ =	shalt  }
0x5c: {  	_ =	shalt  }
0x5d: {  	_ =	shalt  }
0x5e: {  	_ =	shalt  }
0x5f: {  	_ =	shalt  }
0x60: {  	_ =	shalt  }
0x61: {  	_ =	shalt  }
0x62: {  	_ =	shalt  }
0x63: {  	_ =	shalt  }
0x64: {  	_ =	shalt  }
0x65: {  	_ =	shalt  }
0x66: {  	_ =	shalt  }
0x67: {  	_ =	shalt  }
0x68: {  	_ =	shalt  }
0x69: {  	_ =	shalt  }
0x6a: {  	_ =	shalt  }
0x6b: {  	_ =	shalt  }
0x6c: {  	_ =	shalt  }
0x6d: {  	_ =	shalt  }
0x6e: {  	_ =	shalt  }
0x6f: {  	_ =	shalt  }
0x70: {  	_ =	shalt  }
0x71: {  	_ =	shalt  }
0x72: {  	_ =	shalt  }
0x73: {  	_ =	shalt  }
0x74: {  	_ =	shalt  }
0x75: {  	_ =	shalt  }
0x76: {  	_ =	shalt  }
0x77: {  	_ =	shalt  }
0x78: {  	_ =	shalt  }
0x79: {  	_ =	shalt  }
0x7a: {  	_ =	shalt  }
0x7b: {  	_ =	shalt  }
0x7c: {  	_ =	shalt  }
0x7d: {  	_ =	shalt  }
0x7e: {  	_ =	shalt  }
0x7f: {  	_ =	shalt  }
0x80: {  	_ =	shalt  }
0x81: {  	_ =	shalt  }
0x82: {  	_ =	shalt  }
0x83: {  	_ =	shalt  }
0x84: {  	_ =	shalt  }
0x85: {  	_ =	shalt  }
0x86: {  	_ =	shalt  }
0x87: {  	_ =	shalt  }
.Lfunc_end0:
.L_simem_size_0:
called_computation.4_lowered:
.L_overlay_start_0:
0x88: {  	s2 =	sld [smem:$0x3FD9]  }
0x89: {  	s3 =	sld [smem:$0x3FFE];
	_ =	sdelay $0x1  }
0x8a: {  	s1 =	srdreg.scid  }
0x8b: {  	s0 =	sand.u32 $0x1, s1  }
0x8c: {  	s17 =	sshll.u32 s0, $0xA;
	s2 =	sadd.s32 s3, s2  }
0x8d: {  	s2 =	sadd.s32 s2, s17  }
0x8e: {  	[smem:$0x3FBD] =	sst s2  }
0x8f: {  	_ = 	snop  }
0x90: {  	s18 =	sld [smem:$0x3FD0];
	(tm) =	ssettm $0x1  }
0x91: {  	s19 =	sld [smem:$0x3FFB];
	_ =	sdelay $0x3  }
0x92: {  	_ =	strace s19  }
0x93: {  	s2 =	sld [smem:$0x3FFC];
	_ =	sdelay $0x3  }
0x94: {  	_ =	strace s2  }
0x95: {  	s2 =	sld [smem:$0x3FFD];
	_ =	sdelay $0x3  }
0x96: {  	_ =	strace s2  }
0x97: {  	_ =	strace $0x8FFFFFFF  }
0x98: {  	s20 =	sld [smem:$0x3FDB];
	_ =	sdelay $0x1  }
0x99: {  	s4 =	simm.s32 $_scs_section_size  }
0x9a: {  	s5 =	simm.s32 $_size__tile_overlayer_lowered;
	s6 =	simm.s32 $_tile_overlayer_lowered  }
0x9b: {  	s7 =	simm.s32 $0x1BFF;
	s21 =	sshll.u32 s6, $0x1;
	s4 =	sadd.s32 s4, s20  }
0x9c: {  	s22 =	simm.s32 $0x0;
	s5 =	sshll.u32 s5, $0x1;
	s6 =	sadd.s32 s21, s4  }
0x9d: {  	[timem:s22], [sflag:s7] =	dma.local [hbm:s6], s5  }
0x9e: {  	_ =	swait.ge [sflag:s7], s5  }
0x9f: {  	s5 =	ssub.s32 $0x0, s5;
	[sflag:s7] =	ssyncset.done $0x0  }
0xa0: {  	[sflag:s7] =	ssyncadd.s32 s5;
	_ =	sdelay $0x1  }
0xa1: {  	s23 =	simm.s32 $0x1B8B  }
0xa2: {  	_ =	swait.ge [sflag:s23], $0x1  }
0xa3: {  	[sflag:s23] =	ssyncset.done $0x0  }
0xa4: {  	[sflag:s23] =	ssyncadd.s32 $0xFFFFFFFF  }
0xa5: {  	s5 =	sld [smem:$0x0]  }
0xa6: {  	s6 =	sand.u32 $0xFFFFFFFE, s1  }
0xa7: {  	p0 =	sne.s32 s1, s6  }
0xa8: {  	s6 =	sshll.u32 @p0 s6, $0xE  }
0xa9: {  	s6 =	sadd.s32 @p0 $0x11B8D, s6;
	s7 =	sshll.u32 @p0 s5, $0x11  }
0xaa: {  	s6 =	sor.u32 @p0 s7, s6  }
0xab: {  	[sflag:s6] =	ssyncadd.remote.s32 @p0 $0x1;
	_ =	sdelay $0x1  }
0xac: {  	s6 =	simm.s32 @p0 $0x1B8D  }
0xad: {  	_ =	swait.eq @p0 [sflag:s6], $0x1  }
0xae: {  	[sflag:s6] =	ssyncadd.s32 @p0 $0xFFFFFFFF  }
0xaf: {  	s7 =	sshll.u32 @!p0 s1, $0xE  }
0xb0: {  	s7 =	sor.u32 @!p0 $0x4000, s7;
	s6 =	simm.s32 @!p0 $0x1B8D  }
0xb1: {  	s5 =	sshll.u32 @!p0 s5, $0x11;
	s7 =	sadd.s32 @!p0 $0x11B8D, s7;
	_ =	swait.eq @!p0 [sflag:s6], $0x1  }
0xb2: {  	s5 =	sor.u32 @!p0 s5, s7;
	[sflag:s6] =	ssyncadd.s32 @!p0 $0xFFFFFFFF  }
0xb3: {  	s25 =	simm.s32 $0x1B8E;
	s24 =	sld [smem:$0x3FFE];
	[sflag:s5] =	ssyncadd.remote.s32 @!p0 $0x1  }
0xb4: {  	s26 =	simm.s32 $execute0_lowered;
	[smem:$0x3FD2] =	sst s25  }
0xb5: {  	s6 =	sshll.u32 s26, $0x1;
	_ =	strace $0x80000052;
	[dreg:$0x1] =	wrdreg $0xFFFFFFFF  }
0xb6: {  	s28 =	simm.s32 $_size_execute0_lowered;
	s4 =	sadd.s32 s4, s6;
	[dreg:$0x0] =	wrdreg $0x0  }
0xb7: {  	s6 =	sshll.u32 s28, $0x1;
	[dreg:$0x2] =	wrdreg s4  }
0xb8: {  	[dreg:$0x3] =	wrdreg s6  }
0xb9: {  	[dreg:$0x4] =	wrdreg $0xC0  }
0xba: {  	_ =	task [dreg:s22], $0x5FFFF  }
0xbb: {  	[dreg:$0x1] =	wrdreg $0xFFFFFFFF  }
0xbc: {  	[dreg:$0x0] =	wrdreg $0x60  }
0xbd: {  	[dreg:$0x2] =	wrdreg s18  }
0xbe: {  	[dreg:$0x3] =	wrdreg s24  }
0xbf: {  	[dreg:$0x4] =	wrdreg $0x103000  }
0xc0: {  	[dreg:$0x5] =	wrdreg $0xA  }
0xc1: {  	_ =	task.clear_ibuf [dreg:s22], $0x6FFFF;
	_ =	strace $0x90000052  }
0xc2: {  	s29 =	simm.s32 $0xA;
	_ =	strace $0x80000054  }
0xc3: {  	_ =	swait.ge [sflag:s29], $0x1  }
0xc4: {  	[sflag:s29] =	ssyncadd.s32 $0xFFFFFFFF  }
0xc5: {  	_ =	strace $0x90000054  }
0xc6: {  	_ =	sfence  }
0xc7: {  	s30 =	sld [smem:$0x0];
	_ =	sdelay $0x2  }
0xc8: {  	s31 =	sshll.u32 s1, $0xD;
	s1 =	sshrl.u32 s1, $0x2  }
0xc9: {  	s4 =	sand.u32 $0x4000, s31;
	s1 =	sadd.s32 s1, s30  }
0xca: {  	s0 =	sor.u32 s4, s0;
	s1 =	sshll.u32 s1, $0x11  }
0xcb: {  	s0 =	sor.u32 s1, s0  }
0xcc: {  	s0 =	sadd.s32 $0x8F2B, s0  }
0xcd: {  	[sflag:s0] =	ssyncadd.remote.s32 $0x1  }
0xce: {  	_ =	sfence.sel $0xFFFF  }
0xcf: {  	[dreg:$0x0] =	wrdreg $0xFFFFFFFF;
	(pc) =	sbr.abs _section_cstart, $3  }
0xd0: {  	[dreg:$0x1] =	wrdreg $0xFFFFFFFF  }
0xd1: {  	_ =	task.clear_ibuf [dreg:s22], $0x2FFFF;
	_ =	strace $0x9FFFFFFF  }
0xd2: {  	(tm) =	ssettm $0x7FFFFFFF  }
0xd3: {  	_ =	shalt  }
tec
execute0_lowered:
.L_overlay_start_1:
0x0: {  	(tag) =	ssettag $0x1  }
0x1: {  	s16 =	rddreg [dreg:$0x0]  }
0x2: {  	s0 =	rddreg [dreg:$0x1]  }
0x3: {  	s1 =	rddreg [dreg:$0x2]  }
0x4: {  	s2 =	simm.s32 $0x0;
	s4 =	srdreg.scid;
	s3 =	stileid.u32  }
0x5: {  	s21 =	simm.s32 $0x100;
	s22 =	simm.s32 $0x80;
	s24 =	simm.s32 $0x1  }
0x6: {  	s28 =	simm.s32 $0x0;
	[smem:$0x7FF] =	sst s2;
	s17 =	sadd.s32 $0x1A00, s0  }
0x7: {  	s11 =	sand.u32 $0x1, s4;
	s25 =	sshll.u32 s3, $0x5;
	s5 =	sshll.u32 s3, $0xF  }
0x8: {  	s4 =	sadd.s32 $0xBC00, s0;
	s13 =	sshll.u32 s3, $0x8;
	_ =	strace $0x80000053  }
0x9: {  	s6 =	sshll.u32 s11, $0xE;
	s8 =	sadd.s32 s25, s0;
	s26 =	ssub.s32 $0x2, s11  }
0xa: {  	s14 =	sshll.u32 s11, $0x7;
	s6 =	sor.u32 s6, s5;
	s5 =	sadd.s32 $0x32E00, s0  }
0xb: {  	s10 =	sshrl.u32 s26, $0x1;
	s8 =	sadd.s32 $0xBA00, s8;
	s13 =	sor.u32 s14, s13  }
0xc: {  	s7 =	sshrl.u32 s6, $0x3;
	s6 =	sshll.u32 s3, $0x1;
	[dreg:$0x5] =	wrdreg s8  }
0xd: {  	s19 =	sor.u32 $0x2000, s13;
	s18 =	sadd.s32 s7, s0;
	s9 =	sor.u32 s11, s6  }
0xe: {  	s7 =	simm.s32 $0x14;
	s0 =	ssub.s32 s26, s10;
	s12 =	sshll.u32 s9, $0x4  }
0xf: {  	s19 =	sshrl.u32 s19, $0x3;
	p0 =	slt.u32 s9, $0x11;
	s29 =	sadd.s32 s16, s12  }
0x10: {  	s18 =	sadd.s32 $0x20D000, s18;
	s30 =	sadd.s32 s17, s12;
	[dreg:$0x6] =	wrdreg s29  }
0x11: {  	s7 =	simm.s32 @!p0 $0x13;
	s12 =	sor.u32 $0x200, s12;
	[dreg:$0x7] =	wrdreg s30  }
0x12: {  	s11 =	sadd.s32 s16, s12;
	s15 =	sand.u32 $0x1, s7;
	s12 =	sadd.s32 s17, s12  }
0x13: {  	s20 =	ssub.s32 $0x0, s7;
	s31 =	sxor.u32 $0x1, s15;
	s14 =	sadd.s32 $0x7, s15  }
0x14: {  	s15 =	smax.u32 s0, $0x1;
	s0 =	sadd.s32 s19, s17;
	s17 =	sadd.s32 s19, s16  }
0x15: {  	[dreg:$0x4] =	wrdreg s20;
	s20 =	simm.s32 $0x9;
	s13 =	sadd.s32 $0x7, s31  }
.LBB2_1:
0x16: {  	s8 =	rddreg [dreg:$0x5];
	s9 =	simm.s32 $0x200  }
0x17: {  	[tilespmem:s9], [sflag:$0x9] =	stream.linear.gather [hbm4b:s8+s2], $0x100, $0x38;
	[tilespmem:$0x18300] =	vst v63  }
0x18: {  	_ =	swait.ge [sflag:s20], $0x100  }
0x19: {  	[sflag:s20] =	ssyncset.done $0x0  }
0x1a: {  	s16 =	rddreg [dreg:$0x6];
	[sflag:s20] =	ssyncadd.s32 $0xFFFFFF00  }
0x1b: {  	[tilespmem:s2], [sflag:$0x1] =	stream.linear.gather [hbm4b:s16+s2], $0x80, $0x38;
	[tilespmem:$0x18300] =	vst v63  }
0x1c: {  	s19 =	rddreg [dreg:$0x7]  }
0x1d: {  	[tilespmem:s21], [sflag:$0x1] =	stream.linear.gather [hbm4b:s19+s2], $0x80, $0x38;
	[tilespmem:$0x18300] =	vst v63  }
0x1e: {  	_ = 	snop  }
0x1f: {  	[tilespmem:s22], [sflag:$0x2] =	stream.linear.gather [hbm4b:s11+s2], $0x80, $0x38;
	[tilespmem:$0x18300] =	vst v63  }
0x20: {  	s23 =	simm.s32 $0x180  }
0x21: {  	[tilespmem:s23], [sflag:$0x2] =	stream.linear.gather [hbm4b:s12+s2], $0x80, $0x38;
	[tilespmem:$0x18300] =	vst v63  }
0x22: {  	_ =	swait.ge [sflag:s24], $0x80  }
0x23: {  	[sflag:s24] =	ssyncset.done $0x0  }
0x24: {  	[sflag:s24] =	ssyncadd.s32 $0xFFFFFF80  }
0x25: {  	_ =	swait.ge [sflag:s24], $0x80  }
0x26: {  	s25 =	simm.s32 $0x300;
	[sflag:s24] =	ssyncset.done $0x0  }
0x27: {  	s26 =	simm.s32 $0x8300;
	s29 =	simm.s32 $0x2;
	[sflag:s24] =	ssyncadd.s32 $0xFFFFFF80  }
0x28: {  	[tilespmem:s25], [sflag:$0x3] =	stream.indirect.gather [hbm4b:s4+s22], $0x80, s2, s22, $0xb8;
	[tilespmem:$0x18300] =	vst v63  }
0x29: {  	s30 =	smov.u32 s18;
	s31 =	smov.u32 s17;
	s16 =	smov.u32 s0  }
0x2a: {  	[tilespmem:s26], [sflag:$0x5] =	stream.indirect.gather [hbm4b:s5+s22], $0x80, s21, s22, $0xb8;
	[tilespmem:$0x18300] =	vst v63  }
.LBB2_2:
0x2b: {  	s19 =	sadd.s32 $0xFFFFFFFE, s29  }
0x2c: {  	s19 =	sand.u32 $0x1, s19  }
0x2d: {  	s23 =	sadd.s32 $0x3, s19  }
0x2e: {  	_ =	swait.ge [sflag:s23], $0x4000  }
0x2f: {  	[sflag:s23] =	ssyncset.done $0x0  }
0x30: {  	s9 =	sadd.s32 $0x5, s19;
	[sflag:s23] =	ssyncadd.s32 $0xFFFFC000  }
0x31: {  	s25 =	sadd.s32 $0xFFFFFFFF, s29;
	_ =	swait.ge [sflag:s9], $0x4000  }
0x32: {  	p0 =	sge.u32 s25, s7;
	s26 =	sxor.u32 $0x1, s19;
	[sflag:s9] =	ssyncset.done $0x0  }
0x33: {  	s23 =	sadd.s32 @!p0 $0x1, s26;
	[sflag:s9] =	ssyncadd.s32 $0xFFFFC000  }
0x34: {  	_ =	swait.ge @!p0 [sflag:s23], $0x80  }
0x35: {  	[sflag:s23] =	ssyncset.done @!p0 $0x0  }
0x36: {  	[sflag:s23] =	ssyncadd.s32 @!p0 $0xFFFFFF80  }
0x37: {  	p1 =	seq.s32 @!p0 s29, $0x2;
	_ =	swait.ge @!p0 [sflag:s23], $0x80  }
0x38: {  	p1 =	por p1, p0;
	[sflag:s23] =	ssyncset.done @!p0 $0x0  }
0x39: {  	[sflag:s23] =	ssyncadd.s32 @!p0 $0xFFFFFF80;
	s23 =	sadd.s32 @!p1 $0x7, s26  }
0x3a: {  	_ =	swait.ge @!p1 [sflag:s23], $0x800  }
0x3b: {  	[sflag:s23] =	ssyncset.done @!p1 $0x0  }
0x3c: {  	s10 =	simm.s32 @!p0 $0x80;
	[sflag:s23] =	ssyncadd.s32 @!p1 $0xFFFFF800;
	s23 =	sshll.u32 @!p0 s26, $0xE  }
0x3d: {  	s25 =	sshll.u32 @!p0 s26, $0x7;
	s9 =	sadd.s32 @!p0 $0x3, s26;
	s8 =	sor.u32 @!p0 $0x300, s23  }
0x3e: {  	[tilespmem:s8], [sflag:s9] =	stream.indirect.gather @!p0 [hbm4b:s4+s10], $0x80, s25, s10, $0xb8;
	[tilespmem:$0x18300] =	vst v63  }
0x3f: {  	s8 =	sor.u32 @!p0 $0x100, s25;
	s9 =	sor.u32 @!p0 $0x8300, s23;
	s23 =	sadd.s32 @!p0 $0x5, s26  }
0x40: {  	[tilespmem:s9], [sflag:s23] =	stream.indirect.gather @!p0 [hbm4b:s5+s10], $0x80, s8, s10, $0xb8;
	[tilespmem:$0x18300] =	vst v63  }
0x41: {  	s10 =	sor.u32 s6, s19  }
0x42: {  	s23 =	sshll.u32 s19, $0xE;
	s8 =	sshll.u32 s10, $0xE  }
0x43: {  	s25 =	sor.u32 $0x300, s23;
	s8 =	sadd.s32 s8, s1  }
0x44: {  	[spmem:s8] =	stream.linear.scatter [tilespmem:s25], [sflag:$0x9], $0x4000, $0x38;
	[tilespmem:$0x18300] =	vst v63  }
0x45: {  	_ =	swait.ge [sflag:s20], $0x4000  }
0x46: {  	s10 =	sshll.u32 s19, $0x7;
	[sflag:s20] =	ssyncset.done $0x0  }
0x47: {  	s9 =	sor.u32 $0x8300, s23;
	s26 =	sor.u32 $0x200, s10;
	[sflag:s20] =	ssyncadd.s32 $0xFFFFC000  }
0x48: {  	[spmem:s1] =	stream.indirect.scatter.add.f32 [tilespmem:s9], [sflag:$0x9], $0x80, s26, s22, $0xb8;
	[tilespmem:$0x18300] =	vst v63  }
0x49: {  	s23 =	sshll.u32 s3, $0x6;
	_ =	swait.ge [sflag:s20], $0x4000  }
0x4a: {  	p0 =	sge.u32 s29, s7;
	s9 =	sor.u32 s23, s19;
	[sflag:s20] =	ssyncset.done $0x0  }
0x4b: {  	s8 =	sshrl.u32 s8, $0x3;
	s9 =	sadd.s32 $0x1C07, s9;
	[sflag:s20] =	ssyncadd.s32 $0xFFFFC000  }
0x4c: {  	[hbm:s30], [sflag:s9] =	dma.local [spmem:s8], $0x800  }
0x4d: {  	s8 =	sadd.s32 @!p0 $0x1, s19;
	s9 =	simm.s32 @!p0 $0x0  }
0x4e: {  	[tilespmem:s10], [sflag:s8] =	stream.linear.gather @!p0 [hbm4b:s31+s9], $0x80, $0x38;
	[tilespmem:$0x18300] =	vst v63  }
0x4f: {  	s29 =	sadd.s32 $0x1, s29;
	s25 =	rddreg [dreg:$0x4]  }
0x50: {  	s10 =	sor.u32 @!p0 $0x100, s10;
	s26 =	sadd.s32 s29, s25  }
0x51: {  	[tilespmem:s10], [sflag:s8] =	stream.linear.gather @!p0 [hbm4b:s16+s9], $0x80, $0x38;
	[tilespmem:$0x18300] =	vst v63  }
0x52: {  	p0 =	sne.s32 s26, $0x2  }
.Ltmp0:
0x53: {  	_ = 	snop;
	(pc) =	sbr.rel @p0 .LBB2_2-.Ltmp0, $2  }
0x54: {  	_ =	sdelay $0x2  }
0x55: {  	s30 =	sadd.s32 $0x10000, s30;
	s31 =	sadd.s32 $0x200, s31;
	s16 =	sadd.s32 $0x200, s16  }
0x56: {  	s28 =	sadd.s32 $0x1, s28  }
0x57: {  	_ =	swait.ge [sflag:s13], $0x800;
	p0 =	sne.s32 s28, s15  }
.Ltmp1:
0x58: {  	[sflag:s13] =	ssyncset.done $0x0;
	(pc) =	sbr.rel @p0 .LBB2_1-.Ltmp1, $4  }
0x59: {  	[sflag:s13] =	ssyncadd.s32 $0xFFFFF800  }
0x5a: {  	_ =	swait.ge [sflag:s14], $0x800  }
0x5b: {  	[sflag:s14] =	ssyncset.done $0x0  }
0x5c: {  	[sflag:s14] =	ssyncadd.s32 $0xFFFFF800  }
0x5d: {  	_ =	sfence.sel $0x180000  }
0x5e: {  	[bflag:$0x0] =	sbarrier.arrive $0xFFFF  }
0x5f: {  	_ =	strace $0x90000053  }
0x60: {  	[bflag:$0x2] =	sbarrier.arrive $0xFFFF  }
0x61: {  	p0 =	sne.s32 s3, $0x0;
	s0 =	rddreg [dreg:$0x3]  }
0x62: {  	s0 =	sadd.s32 @!p0 $0x100000, s0  }
0x63: {  	[sflag:s0] =	ssyncadd.tile.s32 @!p0 $0x1;
	_ =	shalt  }
.Lfunc_end2:
_tile_overlayer_lowered:
.L_overlay_start_2:
0x64: {  	(tag) =	ssettag $0x2  }
0x65: {  	s0 =	rddreg [dreg:$0x0];
	s2 =	stileid.u32  }
0x66: {  	s1 =	rddreg [dreg:$0x1];
	p0 =	sne.s32 s2, $0x0  }
0x67: {  	s3 =	rddreg [dreg:$0x2];
	[bflag:$0x3] =	sbarrier.arrive $0xFFFF;
	s2 =	simm.s32 @!p0 $0x1C09  }
0x68: {  	[timem:s3], [sflag:s2] =	dma.local @!p0 [hbm:s0], s1  }
0x69: {  	s0 =	simm.s32 @!p0 $0x9  }
0x6a: {  	_ =	swait.ge @!p0 [sflag:s0], s1  }
0x6b: {  	s1 =	ssub.s32 @!p0 $0x0, s1;
	[sflag:s0] =	ssyncset.done @!p0 $0x0  }
0x6c: {  	[sflag:s0] =	ssyncadd.s32 @!p0 s1  }
0x6d: {  	[bflag:$0x3] =	sbarrier.arrive $0xFFFF  }
0x6e: {  	_ =	shalt  }

</sc_bundles>
